<compile_context>
chip_gen: v7x
topology: tpu7x:2x2x1
jax: 0.10.2.dev20260603
libtpu: 0.0.44.dev20260713+nightly
codegen_flags: <defaults>
</compile_context>

<pallas_src>
import dataclasses
import functools

import jax
import jax.numpy as jnp
import numpy as np
from jax import lax
from jax.experimental import pallas as pl
from jax.experimental.pallas import tpu as pltpu
from jax.experimental.pallas import tpu_sc as plsc

N = 10000
D = 128
NUM_LAYERS = 3
ALPHA = 0.5

NC = 2
NS = 16
NT = NC * NS
L = 16

NP = 10240
NACC = 10112
CHUNK = 112
NCHUNK = 184
GB = 8
NBUF = 2
HC = CHUNK // 2
SLAB = NCHUNK * CHUNK
E_PAD = NS * SLAB

ROWS_PER_TILE = NACC // NS

_ISIG = np.empty((D,), np.int32)
for _k in range(D // 32):
    for _j in range(16):
        _ISIG[32 * _k + 2 * _j] = 32 * _k + _j
        _ISIG[32 * _k + 2 * _j + 1] = 32 * _k + 16 + _j

_mesh = plsc.VectorSubcoreMesh(
    core_axis_name="c", subcore_axis_name="s", num_cores=NC, num_subcores=NS
)

_sc_params = pltpu.CompilerParams()
if "needs_layout_passes" in pltpu.CompilerParams.__dataclass_fields__:
    _sc_params = dataclasses.replace(_sc_params, needs_layout_passes=False)
if "use_tc_tiling_on_sc" in pltpu.CompilerParams.__dataclass_fields__:
    _sc_params = dataclasses.replace(_sc_params, use_tc_tiling_on_sc=False)


@functools.partial(
    pl.kernel,
    out_type=jax.ShapeDtypeStruct((NT, 2, NP), jnp.float32),
    mesh=_mesh,
    scratch_types=[
        pltpu.VMEM((NCHUNK, CHUNK), jnp.int32),
        pltpu.VMEM((NCHUNK, CHUNK), jnp.int32),
        pltpu.VMEM((NCHUNK, CHUNK), jnp.float32),
        pltpu.VMEM((NP,), jnp.float32),
        pltpu.VMEM((NP,), jnp.float32),
    ],
    compiler_params=_sc_params,
)
def _deg_kernel(src_hbm, dst_hbm, ew_hbm, part_hbm, src_v, dst_v, ew_v,
                acco_v, acci_v):
    c = lax.axis_index("c")
    s = lax.axis_index("s")
    pltpu.sync_copy(src_hbm.at[s], src_v)
    pltpu.sync_copy(dst_hbm.at[s], dst_v)
    pltpu.sync_copy(ew_hbm.at[s], ew_v)

    zero = jnp.zeros((L,), jnp.float32)

    @pl.loop(0, NP // L)
    def _(i):
        acco_v.at[pl.ds(i * L, L)][...] = zero
        acci_v.at[pl.ds(i * L, L)][...] = zero

    half = NCHUNK // 2

    @pl.loop(0, half)
    def _(jj):
        j = c * half + jj

        @pl.loop(0, CHUNK // L)
        def _(g):
            sv = src_v.at[j, pl.ds(g * L, L)][...]
            dv = dst_v.at[j, pl.ds(g * L, L)][...]
            wv = ew_v.at[j, pl.ds(g * L, L)][...]
            plsc.addupdate_scatter(acco_v, [sv], wv)
            plsc.addupdate_scatter(acci_v, [dv], wv)

    w = c * NS + s
    pltpu.sync_copy(acco_v, part_hbm.at[w, 0])
    pltpu.sync_copy(acci_v, part_hbm.at[w, 1])


@functools.partial(
    pl.kernel,
    out_type=(
        jax.ShapeDtypeStruct((NP, D), jnp.float32),
        jax.ShapeDtypeStruct((NP, D), jnp.float32),
    ),
    mesh=_mesh,
    scratch_types=[
        pltpu.VMEM((2, GB, 2, HC), jnp.int32),
        pltpu.VMEM((2, GB, 2, HC), jnp.int32),
        pltpu.VMEM((2, GB, CHUNK), jnp.float32),
        pltpu.VMEM((CHUNK, D), jnp.bfloat16),
        pltpu.VMEM((CHUNK, D), jnp.bfloat16),
        pltpu.VMEM((CHUNK, D), jnp.float32),
        pltpu.VMEM((CHUNK, D), jnp.float32),
        pltpu.VMEM_SHARED((NACC, D), jnp.float32),
        pltpu.SemaphoreType.DMA,
        pltpu.SemaphoreType.DMA,
        pltpu.SemaphoreType.DMA,
        pltpu.SemaphoreType.DMA,
        pltpu.SemaphoreType.DMA,
        pltpu.SemaphoreType.DMA,
    ],
    compiler_params=_sc_params,
)
def _edge_kernel(u_hbm, v_hbm, src_hbm, dst_hbm, ew_hbm, seg1_hbm, seg2_hbm,
                 gidx_v, sidx_v, ew_v, in_a, in_b, out_a, out_b, acc_sh,
                 gsem_a, gsem_b, ssem_a, ssem_b, isem_a, isem_b):
    c = lax.axis_index("c")
    s = lax.axis_index("s")
    ins = (in_a, in_b)
    outs = (out_a, out_b)
    gsems = (gsem_a, gsem_b)
    ssems = (ssem_a, ssem_b)
    zero = jnp.zeros((L,), jnp.float32)
    hmask = jnp.int32(-65536)

    def start_gather(par, buf, j):
        for h in range(2):
            idx = gidx_v.at[par, j, h]
            dst = ins[buf].at[pl.ds(h * HC, HC)]

            @pl.when(c == 0)
            def _():
                pltpu.async_copy(u_hbm.at[idx], dst, gsems[buf])

            @pl.when(c != 0)
            def _():
                pltpu.async_copy(v_hbm.at[idx], dst, gsems[buf])

    def wait_gather(buf):
        for h in range(2):
            pltpu.make_async_copy(u_hbm.at[gidx_v.at[0, 0, 0]],
                                  ins[buf].at[pl.ds(h * HC, HC)],
                                  gsems[buf]).wait()

    def start_scatter(par, buf, j):
        for h in range(2):
            pltpu.async_copy(outs[buf].at[pl.ds(h * HC, HC)],
                             acc_sh.at[sidx_v.at[par, j, h]], ssems[buf],
                             add=True)

    def wait_scatter(buf):
        for h in range(2):
            pltpu.make_async_copy(outs[buf].at[pl.ds(h * HC, HC)],
                                  acc_sh.at[sidx_v.at[0, 0, 0]],
                                  ssems[buf]).wait()

    def start_stage(par, b):
        isem = (isem_a, isem_b)[par]
        blk = pl.ds(b * GB, GB)

        @pl.when(c == 0)
        def _():
            pltpu.async_copy(dst_hbm.at[s, blk], gidx_v.at[par], isem)
            pltpu.async_copy(src_hbm.at[s, blk], sidx_v.at[par], isem)

        @pl.when(c != 0)
        def _():
            pltpu.async_copy(src_hbm.at[s, blk], gidx_v.at[par], isem)
            pltpu.async_copy(dst_hbm.at[s, blk], sidx_v.at[par], isem)

        pltpu.async_copy(ew_hbm.at[s, blk], ew_v.at[par], isem)

    def wait_stage(par):
        isem = (isem_a, isem_b)[par]
        pltpu.make_async_copy(dst_hbm.at[s, pl.ds(0, GB)], gidx_v.at[par],
                              isem).wait()
        pltpu.make_async_copy(src_hbm.at[s, pl.ds(0, GB)], sidx_v.at[par],
                              isem).wait()
        pltpu.make_async_copy(ew_hbm.at[s, pl.ds(0, GB)], ew_v.at[par],
                              isem).wait()

    def scale(par, buf, j):
        rin = ins[buf]
        rout = outs[buf]

        @pl.loop(0, CHUNK // L)
        def _(g):
            wv = ew_v.at[par, j, pl.ds(g * L, L)][...]
            for i in range(L):
                w = lax.broadcast(wv[i], (L,))
                e = g * L + i
                for k in range(D // 32):
                    xb = rin.at[e, pl.ds(k * 32, 32)][...]
                    xi = plsc.bitcast(xb, jnp.int32)
                    lo = plsc.bitcast(xi << 16, jnp.float32)
                    hi = plsc.bitcast(xi & hmask, jnp.float32)
                    rout.at[e, pl.ds(32 * k, L)][...] = lo * w
                    rout.at[e, pl.ds(32 * k + L, L)][...] = hi * w

    @pl.loop(0, CHUNK)
    def _(e):
        for k in range(D // L):
            out_a.at[e, pl.ds(k * L, L)][...] = zero

    @pl.loop(0, ROWS_PER_TILE // CHUNK)
    def _(r):
        pltpu.sync_copy(
            out_a, acc_sh.at[pl.ds(s * ROWS_PER_TILE + r * CHUNK, CHUNK)])

    rem = ROWS_PER_TILE % CHUNK
    if rem:
        pltpu.sync_copy(
            out_a.at[pl.ds(0, rem)],
            acc_sh.at[pl.ds(s * ROWS_PER_TILE + ROWS_PER_TILE - rem, rem)])

    plsc.subcore_barrier()

    NB = NCHUNK // GB
    start_stage(0, 0)

    @pl.loop(0, NB)
    def _(b):
        par = b % 2
        first = b == 0

        @pl.when(par == 0)
        def _():
            wait_stage(0)

        @pl.when(par == 1)
        def _():
            wait_stage(1)

        @pl.when(b + 1 < NB)
        def _():
            @pl.when(par == 0)
            def _():
                start_stage(1, b + 1)

            @pl.when(par == 1)
            def _():
                start_stage(0, b + 1)

        for r in range(NBUF):
            @pl.when(jnp.logical_not(first))
            def _():
                wait_scatter(r)

            start_gather(par, r, r)

        @pl.loop(0, GB // NBUF)
        def _(t):
            for r in range(NBUF):
                j = NBUF * t + r
                wait_gather(r)

                @pl.when(t > 0)
                def _():
                    wait_scatter(r)

                scale(par, r, j)

                @pl.when(j + NBUF < GB)
                def _():
                    start_gather(par, r, j + NBUF)

                start_scatter(par, r, j)

    wait_scatter(0)
    wait_scatter(1)

    plsc.subcore_barrier()

    @pl.when(c == 0)
    def _():
        pltpu.sync_copy(acc_sh.at[pl.ds(s * ROWS_PER_TILE, ROWS_PER_TILE)],
                        seg1_hbm.at[pl.ds(s * ROWS_PER_TILE, ROWS_PER_TILE)])

    @pl.when(c != 0)
    def _():
        pltpu.sync_copy(acc_sh.at[pl.ds(s * ROWS_PER_TILE, ROWS_PER_TILE)],
                        seg2_hbm.at[pl.ds(s * ROWS_PER_TILE, ROWS_PER_TILE)])


_BL = 1280
_BR = 1024


def _degsum_body(part_ref, inv_ref):
    p = part_ref[...]
    deg = jnp.sum(p, axis=0)
    safe = jnp.where(deg > 0.0, deg, 1.0)
    inv_ref[...] = jnp.where(deg > 0.0, lax.rsqrt(safe), 0.0)


_degsum_call = pl.pallas_call(
    _degsum_body,
    grid=(NP // _BL,),
    in_specs=[pl.BlockSpec((NT, 2, _BL), lambda i: (0, 0, i))],
    out_specs=pl.BlockSpec((2, _BL), lambda i: (0, i)),
    out_shape=jax.ShapeDtypeStruct((2, NP), jnp.float32),
)


def _dot(a, b):
    return lax.dot_general(a, b, (((1,), (0,)), ((), ())),
                           precision=lax.Precision.HIGHEST,
                           preferred_element_type=jnp.float32)


def _uv_body(h_ref, w1_ref, w2_ref, cs_ref, u_ref, v_ref):
    h = h_ref[...]
    cs = cs_ref[...]
    u_ref[...] = (_dot(h, w1_ref[...]) * cs[:, 1:2]).astype(jnp.bfloat16)
    v_ref[...] = (_dot(h, w2_ref[...]) * cs[:, 0:1]).astype(jnp.bfloat16)


_uv_call = pl.pallas_call(
    _uv_body,
    grid=(NP // _BR,),
    in_specs=[
        pl.BlockSpec((_BR, D), lambda i: (i, 0)),
        pl.BlockSpec((D, D), lambda i: (0, 0)),
        pl.BlockSpec((D, D), lambda i: (0, 0)),
        pl.BlockSpec((_BR, 2), lambda i: (i, 0)),
    ],
    out_specs=[
        pl.BlockSpec((_BR, D), lambda i: (i, 0)),
        pl.BlockSpec((_BR, D), lambda i: (i, 0)),
    ],
    out_shape=[
        jax.ShapeDtypeStruct((NP, D), jnp.bfloat16),
        jax.ShapeDtypeStruct((NP, D), jnp.bfloat16),
    ],
)


def _layer_h(s1_ref, s2_ref, cs_ref, b1_ref, b2_ref):
    cs = cs_ref[...]
    t1 = cs[:, 0:1] * s1_ref[...] + b1_ref[...]
    t2 = cs[:, 1:2] * s2_ref[...] + b2_ref[...]
    return jnp.maximum(ALPHA * t1 + (1.0 - ALPHA) * t2, 0.0)


def _mid_body(s1_ref, s2_ref, cs_ref, b1_ref, b2_ref, jk_ref, w1_ref, w2_ref,
              jko_ref, u_ref, v_ref):
    h = _layer_h(s1_ref, s2_ref, cs_ref, b1_ref, b2_ref)
    cs = cs_ref[...]
    jko_ref[...] = jnp.maximum(jk_ref[...], h)
    u_ref[...] = (_dot(h, w1_ref[...]) * cs[:, 1:2]).astype(jnp.bfloat16)
    v_ref[...] = (_dot(h, w2_ref[...]) * cs[:, 0:1]).astype(jnp.bfloat16)


_mid_call = pl.pallas_call(
    _mid_body,
    grid=(NP // _BR,),
    in_specs=[
        pl.BlockSpec((_BR, D), lambda i: (i, 0)),
        pl.BlockSpec((_BR, D), lambda i: (i, 0)),
        pl.BlockSpec((_BR, 2), lambda i: (i, 0)),
        pl.BlockSpec((1, D), lambda i: (0, 0)),
        pl.BlockSpec((1, D), lambda i: (0, 0)),
        pl.BlockSpec((_BR, D), lambda i: (i, 0)),
        pl.BlockSpec((D, D), lambda i: (0, 0)),
        pl.BlockSpec((D, D), lambda i: (0, 0)),
    ],
    out_specs=[
        pl.BlockSpec((_BR, D), lambda i: (i, 0)),
        pl.BlockSpec((_BR, D), lambda i: (i, 0)),
        pl.BlockSpec((_BR, D), lambda i: (i, 0)),
    ],
    out_shape=[
        jax.ShapeDtypeStruct((NP, D), jnp.float32),
        jax.ShapeDtypeStruct((NP, D), jnp.bfloat16),
        jax.ShapeDtypeStruct((NP, D), jnp.bfloat16),
    ],
)


def _fin_body(jk_ref, wl_ref, bl_ref, out_ref):
    out_ref[...] = _dot(jk_ref[...], wl_ref[...]) + bl_ref[...]


_fin_call = pl.pallas_call(
    _fin_body,
    grid=(NP // _BR,),
    in_specs=[
        pl.BlockSpec((_BR, D), lambda i: (i, 0)),
        pl.BlockSpec((D, D), lambda i: (0, 0)),
        pl.BlockSpec((1, D), lambda i: (0, 0)),
    ],
    out_specs=pl.BlockSpec((_BR, D), lambda i: (i, 0)),
    out_shape=jax.ShapeDtypeStruct((NP, D), jnp.float32),
)


@jax.jit
def kernel(x, edge_index, edge_weight, W_s2d, b_s2d, W_d2s, b_d2s, W_lin,
           b_lin):
    E = edge_index.shape[1]
    pad = E_PAD - E

    src = jnp.concatenate([edge_index[0], jnp.zeros((pad,), jnp.int32)])
    dst = jnp.concatenate([edge_index[1], jnp.zeros((pad,), jnp.int32)])
    ew = jnp.concatenate([edge_weight, jnp.zeros((pad,), jnp.float32)])
    src3 = src.reshape(NS, NCHUNK, CHUNK)
    dst3 = dst.reshape(NS, NCHUNK, CHUNK)
    ew3 = ew.reshape(NS, NCHUNK, CHUNK)
    src4 = src.reshape(NS, NCHUNK, 2, HC)
    dst4 = dst.reshape(NS, NCHUNK, 2, HC)

    xp = jnp.zeros((NP, D), jnp.float32).at[:N].set(x)

    part = _deg_kernel(src3, dst3, ew3)
    inv = _degsum_call(part)
    colscale = inv.T

    b1 = b_s2d.reshape(NUM_LAYERS, 1, D)
    b2 = b_d2s.reshape(NUM_LAYERS, 1, D)

    isig = jnp.asarray(_ISIG)
    W1p = W_s2d[:, :, isig]
    W2p = W_d2s[:, :, isig]

    u, v = _uv_call(xp, W1p[0], W2p[0], colscale)
    jk = jnp.zeros((NP, D), jnp.float32)

    zw = jnp.zeros((1, D, D), jnp.float32)
    W1n = jnp.concatenate([W1p[1:], zw])
    W2n = jnp.concatenate([W2p[1:], zw])

    def body(carry, xs):
        u, v, jk = carry
        w1n, w2n, b1i, b2i = xs
        seg1, seg2 = _edge_kernel(u, v, src4, dst4, ew3)
        jk, u, v = _mid_call(seg1, seg2, colscale, b1i, b2i, jk, w1n, w2n)
        return (u, v, jk), None

    (u, v, jk), _ = lax.scan(body, (u, v, jk), (W1n, W2n, b1, b2))
    out = _fin_call(jk, W_lin, b_lin.reshape(1, D))
    return out[:N]

# --- scband reference (transcript-rebuilt; emitter-appended) ---
"""Pipeline reference for scband-dir-wgcn-57432302682558 (READ-ONLY COPY).

The authoritative reference and input builder live on the scoring server;
editing this copy changes nothing except your own understanding.
"""

import jax, jax.numpy as jnp
import numpy as np

N = 10000
E = 320000
D_IN = 128
D_HID = 128
D_OUT = 128
NUM_LAYERS = 3
ALPHA = 0.5


def _inv_sqrt(deg):
    safe = jnp.where(deg > 0, deg, 1.0)
    return jnp.where(deg > 0, 1.0 / jnp.sqrt(safe), 0.0)


def setup_inputs(seed: int = 0) -> dict:
    key = jax.random.key(seed)
    keys = jax.random.split(key, 16)
    inp = {}
    inp["x"] = jax.random.normal(keys[0], (N, D_IN), dtype=jnp.float32)
    # int32 used for indices (jax default integer width); values in [0, N)
    inp["edge_index"] = jax.random.randint(keys[1], (2, E), 0, N, dtype=jnp.int32)
    inp["edge_weight"] = jax.random.uniform(keys[2], (E,), dtype=jnp.float32)
    # Per-layer weights for lin_src_to_dst / lin_dst_to_src (all layers are 128->128)
    inp["W_s2d"] = jax.random.normal(keys[3], (NUM_LAYERS, D_IN, D_HID), dtype=jnp.float32) / np.sqrt(D_IN)
    inp["b_s2d"] = jnp.zeros((NUM_LAYERS, D_HID), dtype=jnp.float32)
    inp["W_d2s"] = jax.random.normal(keys[4], (NUM_LAYERS, D_IN, D_HID), dtype=jnp.float32) / np.sqrt(D_IN)
    inp["b_d2s"] = jnp.zeros((NUM_LAYERS, D_HID), dtype=jnp.float32)
    # Final JK head linear
    inp["W_lin"] = jax.random.normal(keys[5], (D_HID, D_OUT), dtype=jnp.float32) / np.sqrt(D_HID)
    inp["b_lin"] = jnp.zeros((D_OUT,), dtype=jnp.float32)
    return inp


def reference(x, edge_index, edge_weight, W_s2d, b_s2d, W_d2s, b_d2s, W_lin, b_lin):
    src = edge_index[0]
    dst = edge_index[1]
    num_nodes = x.shape[0]

    # Directed normalization: adj_norm = D_out^{-1/2} A D_in^{-1/2}
    deg_out = jax.ops.segment_sum(edge_weight, src, num_segments=num_nodes)
    deg_in = jax.ops.segment_sum(edge_weight, dst, num_segments=num_nodes)
    out_inv_sqrt = _inv_sqrt(deg_out)
    in_inv_sqrt = _inv_sqrt(deg_in)
    w_norm = edge_weight * out_inv_sqrt[src] * in_inv_sqrt[dst]

    def adj_mm(h):
        # (adj_norm @ h)[i] = sum over edges (i -> j): w_norm * h[j]
        return jax.ops.segment_sum(w_norm[:, None] * h[dst], src, num_segments=num_nodes)

    def adj_t_mm(h):
        # (adj_t_norm @ h)[j] = sum over edges (i -> j): w_norm * h[i]
        return jax.ops.segment_sum(w_norm[:, None] * h[src], dst, num_segments=num_nodes)

    h = x
    xs = []
    for i in range(NUM_LAYERS):
        h = ALPHA * (adj_mm(h) @ W_s2d[i] + b_s2d[i]) + (1.0 - ALPHA) * (adj_t_mm(h) @ W_d2s[i] + b_d2s[i])
        # jumping_knowledge is truthy -> activation applied after every layer (dropout p=0, normalize=False)
        h = jax.nn.relu(h)
        xs.append(h)

    # JumpingKnowledge mode='max': elementwise max over layer outputs
    jk = jnp.max(jnp.stack(xs, axis=0), axis=0)
    out = jk @ W_lin + b_lin
    return out

if __name__ == "__main__":
    import jax
    _d = setup_inputs()
    print(jax.jit(kernel)(*tuple(_d.values())))

</pallas_src>

<mosaic_0001>
#map = affine_map<(d0, d1) -> (0, 0)>
#map1 = affine_map<(d0, d1) -> (0, 0, 0, 0)>
#map2 = affine_map<(d0, d1) -> (0, 0, 0)>
module attributes {stable_mosaic.version = 14 : i64} {
  func.func @_edge_kernel(%arg0: i32, %arg1: i32, %arg2: memref<10240x128xbf16, #tpu.memory_space<hbm>>, %arg3: memref<10240x128xbf16, #tpu.memory_space<hbm>>, %arg4: memref<16x184x2x56xi32, #tpu.memory_space<hbm>>, %arg5: memref<16x184x2x56xi32, #tpu.memory_space<hbm>>, %arg6: memref<16x184x112xf32, #tpu.memory_space<hbm>>, %arg7: memref<10240x128xf32, #tpu.memory_space<hbm>>, %arg8: memref<10240x128xf32, #tpu.memory_space<hbm>>, %arg9: memref<2x8x2x56xi32, #tpu.memory_space<vmem>>, %arg10: memref<2x8x2x56xi32, #tpu.memory_space<vmem>>, %arg11: memref<2x8x112xf32, #tpu.memory_space<vmem>>, %arg12: memref<112x128xbf16, #tpu.memory_space<vmem>>, %arg13: memref<112x128xbf16, #tpu.memory_space<vmem>>, %arg14: memref<112x128xf32, #tpu.memory_space<vmem>>, %arg15: memref<112x128xf32, #tpu.memory_space<vmem>>, %arg16: memref<10112x128xf32, #tpu.memory_space<vmem_shared>>, %arg17: memref<!tpu.dma_semaphore, #tpu.memory_space<semaphore_mem>>, %arg18: memref<!tpu.dma_semaphore, #tpu.memory_space<semaphore_mem>>, %arg19: memref<!tpu.dma_semaphore, #tpu.memory_space<semaphore_mem>>, %arg20: memref<!tpu.dma_semaphore, #tpu.memory_space<semaphore_mem>>, %arg21: memref<!tpu.dma_semaphore, #tpu.memory_space<semaphore_mem>>, %arg22: memref<!tpu.dma_semaphore, #tpu.memory_space<semaphore_mem>>) attributes {dimension_semantics = [#tpu.dimension_semantics<core_parallel>, #tpu.dimension_semantics<subcore_parallel>], iteration_bounds = array<i64: 2, 16>, scalar_prefetch = 0 : i64, scratch_operands = 14 : i64, tpu.core_type = #tpu.core_type<sc_vector_subcore>, window_params = [{transform_indices = #map}, {transform_indices = #map}, {transform_indices = #map1}, {transform_indices = #map1}, {transform_indices = #map2}, {transform_indices = #map}, {transform_indices = #map}]} {
    %broadcast_in_dim3A = arith.constant 0.000000e+00 : f32
    %broadcast_in_dim3A_0 = vector.broadcast %broadcast_in_dim3A : f32 to vector<16xf32>
    %scan3A = arith.constant 0 : i32
    %scan3A_1 = arith.constant 112 : i32
    %scan3A_2 = arith.addi %scan3A, %scan3A_1 : i32
    %scan3A_3 = arith.constant 1 : i32
    scf.for %scan3A_99 = %scan3A to %scan3A_2 step %scan3A_3  : i32 {
      %mul3A_100 = arith.constant 1 : i32
      %mul3A_101 = arith.muli %scan3A_99, %mul3A_100 : i32
      %add3A_102 = arith.constant 0 : i32
      %add3A_103 = arith.addi %add3A_102, %mul3A_101 : i32
      %swap3A = arith.index_cast %add3A_103 : i32 to index
      %swap3A_104 = arith.constant 0 : index
      %swap3A_105 = tpu.vector_load %arg14[%swap3A, %swap3A_104] {strides = array<i32>} : memref<112x128xf32, #tpu.memory_space<vmem>>, vector<16xf32>,
      tpu.vector_store %arg14[%swap3A, %swap3A_104], %broadcast_in_dim3A_0 {strides = array<i32>} : memref<112x128xf32, #tpu.memory_space<vmem>>, vector<16xf32>,
      %swap3A_106 = arith.index_cast %add3A_103 : i32 to index
      %swap3A_107 = arith.constant 16 : index
      %swap3A_108 = tpu.vector_load %arg14[%swap3A_106, %swap3A_107] {strides = array<i32>} : memref<112x128xf32, #tpu.memory_space<vmem>>, vector<16xf32>,
      tpu.vector_store %arg14[%swap3A_106, %swap3A_107], %broadcast_in_dim3A_0 {strides = array<i32>} : memref<112x128xf32, #tpu.memory_space<vmem>>, vector<16xf32>,
      %swap3A_109 = arith.index_cast %add3A_103 : i32 to index
      %swap3A_110 = arith.constant 32 : index
      %swap3A_111 = tpu.vector_load %arg14[%swap3A_109, %swap3A_110] {strides = array<i32>} : memref<112x128xf32, #tpu.memory_space<vmem>>, vector<16xf32>,
      tpu.vector_store %arg14[%swap3A_109, %swap3A_110], %broadcast_in_dim3A_0 {strides = array<i32>} : memref<112x128xf32, #tpu.memory_space<vmem>>, vector<16xf32>,
      %swap3A_112 = arith.index_cast %add3A_103 : i32 to index
      %swap3A_113 = arith.constant 48 : index
      %swap3A_114 = tpu.vector_load %arg14[%swap3A_112, %swap3A_113] {strides = array<i32>} : memref<112x128xf32, #tpu.memory_space<vmem>>, vector<16xf32>,
      tpu.vector_store %arg14[%swap3A_112, %swap3A_113], %broadcast_in_dim3A_0 {strides = array<i32>} : memref<112x128xf32, #tpu.memory_space<vmem>>, vector<16xf32>,
      %swap3A_115 = arith.index_cast %add3A_103 : i32 to index
      %swap3A_116 = arith.constant 64 : index
      %swap3A_117 = tpu.vector_load %arg14[%swap3A_115, %swap3A_116] {strides = array<i32>} : memref<112x128xf32, #tpu.memory_space<vmem>>, vector<16xf32>,
      tpu.vector_store %arg14[%swap3A_115, %swap3A_116], %broadcast_in_dim3A_0 {strides = array<i32>} : memref<112x128xf32, #tpu.memory_space<vmem>>, vector<16xf32>,
      %swap3A_118 = arith.index_cast %add3A_103 : i32 to index
      %swap3A_119 = arith.constant 80 : index
      %swap3A_120 = tpu.vector_load %arg14[%swap3A_118, %swap3A_119] {strides = array<i32>} : memref<112x128xf32, #tpu.memory_space<vmem>>, vector<16xf32>,
      tpu.vector_store %arg14[%swap3A_118, %swap3A_119], %broadcast_in_dim3A_0 {strides = array<i32>} : memref<112x128xf32, #tpu.memory_space<vmem>>, vector<16xf32>,
      %swap3A_121 = arith.index_cast %add3A_103 : i32 to index
      %swap3A_122 = arith.constant 96 : index
      %swap3A_123 = tpu.vector_load %arg14[%swap3A_121, %swap3A_122] {strides = array<i32>} : memref<112x128xf32, #tpu.memory_space<vmem>>, vector<16xf32>,
      tpu.vector_store %arg14[%swap3A_121, %swap3A_122], %broadcast_in_dim3A_0 {strides = array<i32>} : memref<112x128xf32, #tpu.memory_space<vmem>>, vector<16xf32>,
      %swap3A_124 = arith.index_cast %add3A_103 : i32 to index
      %swap3A_125 = arith.constant 112 : index
      %swap3A_126 = tpu.vector_load %arg14[%swap3A_124, %swap3A_125] {strides = array<i32>} : memref<112x128xf32, #tpu.memory_space<vmem>>, vector<16xf32>,
      tpu.vector_store %arg14[%swap3A_124, %swap3A_125], %broadcast_in_dim3A_0 {strides = array<i32>} : memref<112x128xf32, #tpu.memory_space<vmem>>, vector<16xf32>,
    }
    %scan3A_4 = arith.constant 112 : i32
    %scan3A_5 = arith.constant 0 : i32
    %scan3A_6 = arith.constant 5 : i32
    %scan3A_7 = arith.addi %scan3A_5, %scan3A_6 : i32
    %scan3A_8 = arith.constant 1 : i32
    scf.for %scan3A_99 = %scan3A_5 to %scan3A_7 step %scan3A_8  : i32 {
      %mul3A_100 = arith.constant 1 : i32
      %mul3A_101 = arith.muli %scan3A_99, %mul3A_100 : i32
      %add3A_102 = arith.constant 0 : i32
      %add3A_103 = arith.addi %add3A_102, %mul3A_101 : i32
      %mul3A_104 = arith.constant 632 : i32
      %mul3A_105 = arith.muli %arg1, %mul3A_104 : i32
      %mul3A_106 = arith.constant 112 : i32
      %mul3A_107 = arith.muli %add3A_103, %mul3A_106 : i32
      %add3A_108 = arith.addi %mul3A_105, %mul3A_107 : i32
      "tpu.region"() ({
        %run_scoped3A = tpu.sem_alloc : memref<!tpu.dma_semaphore, #tpu.memory_space<semaphore_mem>>
        %dma_start3A_109 = arith.constant 0 : i32
        %dma_start3A_110 = tpu.memref_slice %arg16[%add3A_108, %dma_start3A_109] : memref<10112x128xf32, #tpu.memory_space<vmem_shared>> -> memref<112x128xf32, #tpu.memory_space<vmem_shared>>
        %dma_start3A_111 = arith.constant 0 : i32
        %dma_start3A_112 = tpu.memref_slice %arg16[%add3A_108, %dma_start3A_111] : memref<10112x128xf32, #tpu.memory_space<vmem_shared>> -> memref<112x128xf32, #tpu.memory_space<vmem_shared>>
        tpu.enqueue_dma source(%arg14 : memref<112x128xf32, #tpu.memory_space<vmem>>) target(%dma_start3A_112 : memref<112x128xf32, #tpu.memory_space<vmem_shared>>) target_semaphore(%run_scoped3A : memref<!tpu.dma_semaphore, #tpu.memory_space<semaphore_mem>>)
        %dma_wait3A_113 = arith.constant 0 : i32
        %dma_wait3A_114 = tpu.memref_slice %arg16[%add3A_108, %dma_wait3A_113] : memref<10112x128xf32, #tpu.memory_space<vmem_shared>> -> memref<112x128xf32, #tpu.memory_space<vmem_shared>>
        %dma_wait3A_115 = arith.constant 0 : i32
        %dma_wait3A_116 = tpu.memref_slice %arg16[%add3A_108, %dma_wait3A_115] : memref<10112x128xf32, #tpu.memory_space<vmem_shared>> -> memref<112x128xf32, #tpu.memory_space<vmem_shared>>
        tpu.wait_dma2 semaphore(%run_scoped3A : memref<!tpu.dma_semaphore, #tpu.memory_space<semaphore_mem>>) src(%arg14 : memref<112x128xf32, #tpu.memory_space<vmem>>) dst(%dma_wait3A_116 : memref<112x128xf32, #tpu.memory_space<vmem_shared>>)
        tpu.yield
      }) : () -> ()
    }
    %scan3A_9 = arith.constant 5 : i32
    %mul3A = arith.constant 632 : i32
    %mul3A_10 = arith.muli %arg1, %mul3A : i32
    %add3A = arith.constant 632 : i32
    %add3A_11 = arith.addi %mul3A_10, %add3A : i32
    %sub3A = arith.constant 72 : i32
    %sub3A_12 = arith.subi %add3A_11, %sub3A : i32
    "tpu.region"() ({
      %run_scoped3A = tpu.sem_alloc : memref<!tpu.dma_semaphore, #tpu.memory_space<semaphore_mem>>
      %dma_start3A_99 = arith.constant 0 : i32
      %dma_start3A_100 = arith.constant 0 : i32
      %dma_start3A_101 = tpu.memref_slice %arg14[%dma_start3A_99, %dma_start3A_100] : memref<112x128xf32, #tpu.memory_space<vmem>> -> memref<72x128xf32, #tpu.memory_space<vmem>>
      %dma_start3A_102 = arith.constant 0 : i32
      %dma_start3A_103 = tpu.memref_slice %arg16[%sub3A_12, %dma_start3A_102] : memref<10112x128xf32, #tpu.memory_space<vmem_shared>> -> memref<72x128xf32, #tpu.memory_space<vmem_shared>>
      %dma_start3A_104 = arith.constant 0 : i32
      %dma_start3A_105 = tpu.memref_slice %arg16[%sub3A_12, %dma_start3A_104] : memref<10112x128xf32, #tpu.memory_space<vmem_shared>> -> memref<72x128xf32, #tpu.memory_space<vmem_shared>>
      %dma_start3A_106 = arith.constant 0 : i32
      %dma_start3A_107 = arith.constant 0 : i32
      %dma_start3A_108 = tpu.memref_slice %arg14[%dma_start3A_106, %dma_start3A_107] : memref<112x128xf32, #tpu.memory_space<vmem>> -> memref<72x128xf32, #tpu.memory_space<vmem>>
      tpu.enqueue_dma source(%dma_start3A_108 : memref<72x128xf32, #tpu.memory_space<vmem>>) target(%dma_start3A_105 : memref<72x128xf32, #tpu.memory_space<vmem_shared>>) target_semaphore(%run_scoped3A : memref<!tpu.dma_semaphore, #tpu.memory_space<semaphore_mem>>)
      %dma_wait3A_109 = arith.constant 0 : i32
      %dma_wait3A_110 = arith.constant 0 : i32
      %dma_wait3A_111 = tpu.memref_slice %arg14[%dma_wait3A_109, %dma_wait3A_110] : memref<112x128xf32, #tpu.memory_space<vmem>> -> memref<72x128xf32, #tpu.memory_space<vmem>>
      %dma_wait3A_112 = arith.constant 0 : i32
      %dma_wait3A_113 = tpu.memref_slice %arg16[%sub3A_12, %dma_wait3A_112] : memref<10112x128xf32, #tpu.memory_space<vmem_shared>> -> memref<72x128xf32, #tpu.memory_space<vmem_shared>>
      %dma_wait3A_114 = arith.constant 0 : i32
      %dma_wait3A_115 = tpu.memref_slice %arg16[%sub3A_12, %dma_wait3A_114] : memref<10112x128xf32, #tpu.memory_space<vmem_shared>> -> memref<72x128xf32, #tpu.memory_space<vmem_shared>>
      %dma_wait3A_116 = arith.constant 0 : i32
      %dma_wait3A_117 = arith.constant 0 : i32
      %dma_wait3A_118 = tpu.memref_slice %arg14[%dma_wait3A_116, %dma_wait3A_117] : memref<112x128xf32, #tpu.memory_space<vmem>> -> memref<72x128xf32, #tpu.memory_space<vmem>>
      tpu.wait_dma2 semaphore(%run_scoped3A : memref<!tpu.dma_semaphore, #tpu.memory_space<semaphore_mem>>) src(%dma_wait3A_118 : memref<72x128xf32, #tpu.memory_space<vmem>>) dst(%dma_wait3A_115 : memref<72x128xf32, #tpu.memory_space<vmem_shared>>)
      tpu.yield
    }) : () -> ()
    %barrier3A = arith.constant 0 : index
    tpu.barrier barrier_id(%barrier3A)
    %eq3A = arith.constant 0 : i32
    %eq3A_13 = arith.cmpi eq, %arg0, %eq3A : i32
    %convert_element_type3A = arith.extui %eq3A_13 : i1 to i32
    %cond3A = arith.constant 0 : i32
    %cond3A_14 = arith.cmpi ne, %convert_element_type3A, %cond3A : i32
    scf.if %cond3A_14 {
      %dma_start3A_99 = arith.constant 0 : i32
      %dma_start3A_100 = arith.constant 0 : i32
      %dma_start3A_101 = arith.constant 0 : i32
      %dma_start3A_102 = arith.constant 0 : i32
      %dma_start3A_103 = tpu.memref_slice %arg9[%dma_start3A_99, %dma_start3A_100, %dma_start3A_101, %dma_start3A_102] : memref<2x8x2x56xi32, #tpu.memory_space<vmem>> -> memref<1x8x2x56xi32, #tpu.memory_space<vmem>>
      %dma_start3A_104 = tpu.memref_squeeze %dma_start3A_103 : memref<1x8x2x56xi32, #tpu.memory_space<vmem>> -> memref<8x2x56xi32, #tpu.memory_space<vmem>>
      %dma_start3A_105 = arith.constant 0 : i32
      %dma_start3A_106 = arith.constant 0 : i32
      %dma_start3A_107 = arith.constant 0 : i32
      %dma_start3A_108 = tpu.memref_slice %arg5[%arg1, %dma_start3A_105, %dma_start3A_106, %dma_start3A_107] : memref<16x184x2x56xi32, #tpu.memory_space<hbm>> -> memref<1x8x2x56xi32, #tpu.memory_space<hbm>>
      %dma_start3A_109 = tpu.memref_squeeze %dma_start3A_108 : memref<1x8x2x56xi32, #tpu.memory_space<hbm>> -> memref<8x2x56xi32, #tpu.memory_space<hbm>>
      %dma_start3A_110 = arith.constant 0 : i32
      %dma_start3A_111 = arith.constant 0 : i32
      %dma_start3A_112 = arith.constant 0 : i32
      %dma_start3A_113 = tpu.memref_slice %arg9[%dma_start3A_99, %dma_start3A_110, %dma_start3A_111, %dma_start3A_112] : memref<2x8x2x56xi32, #tpu.memory_space<vmem>> -> memref<1x8x2x56xi32, #tpu.memory_space<vmem>>
      %dma_start3A_114 = tpu.memref_squeeze %dma_start3A_113 : memref<1x8x2x56xi32, #tpu.memory_space<vmem>> -> memref<8x2x56xi32, #tpu.memory_space<vmem>>
      %dma_start3A_115 = arith.constant 0 : i32
      %dma_start3A_116 = arith.constant 0 : i32
      %dma_start3A_117 = arith.constant 0 : i32
      %dma_start3A_118 = tpu.memref_slice %arg5[%arg1, %dma_start3A_115, %dma_start3A_116, %dma_start3A_117] : memref<16x184x2x56xi32, #tpu.memory_space<hbm>> -> memref<1x8x2x56xi32, #tpu.memory_space<hbm>>
      %dma_start3A_119 = tpu.memref_squeeze %dma_start3A_118 : memref<1x8x2x56xi32, #tpu.memory_space<hbm>> -> memref<8x2x56xi32, #tpu.memory_space<hbm>>
      tpu.enqueue_dma source(%dma_start3A_119 : memref<8x2x56xi32, #tpu.memory_space<hbm>>) target(%dma_start3A_114 : memref<8x2x56xi32, #tpu.memory_space<vmem>>) target_semaphore(%arg21 : memref<!tpu.dma_semaphore, #tpu.memory_space<semaphore_mem>>)
      %dma_start3A_120 = arith.constant 0 : i32
      %dma_start3A_121 = arith.constant 0 : i32
      %dma_start3A_122 = arith.constant 0 : i32
      %dma_start3A_123 = arith.constant 0 : i32
      %dma_start3A_124 = tpu.memref_slice %arg10[%dma_start3A_120, %dma_start3A_121, %dma_start3A_122, %dma_start3A_123] : memref<2x8x2x56xi32, #tpu.memory_space<vmem>> -> memref<1x8x2x56xi32, #tpu.memory_space<vmem>>
      %dma_start3A_125 = tpu.memref_squeeze %dma_start3A_124 : memref<1x8x2x56xi32, #tpu.memory_space<vmem>> -> memref<8x2x56xi32, #tpu.memory_space<vmem>>
      %dma_start3A_126 = arith.constant 0 : i32
      %dma_start3A_127 = arith.constant 0 : i32
      %dma_start3A_128 = arith.constant 0 : i32
      %dma_start3A_129 = tpu.memref_slice %arg4[%arg1, %dma_start3A_126, %dma_start3A_127, %dma_start3A_128] : memref<16x184x2x56xi32, #tpu.memory_space<hbm>> -> memref<1x8x2x56xi32, #tpu.memory_space<hbm>>
      %dma_start3A_130 = tpu.memref_squeeze %dma_start3A_129 : memref<1x8x2x56xi32, #tpu.memory_space<hbm>> -> memref<8x2x56xi32, #tpu.memory_space<hbm>>
      %dma_start3A_131 = arith.constant 0 : i32
      %dma_start3A_132 = arith.constant 0 : i32
      %dma_start3A_133 = arith.constant 0 : i32
      %dma_start3A_134 = tpu.memref_slice %arg10[%dma_start3A_120, %dma_start3A_131, %dma_start3A_132, %dma_start3A_133] : memref<2x8x2x56xi32, #tpu.memory_space<vmem>> -> memref<1x8x2x56xi32, #tpu.memory_space<vmem>>
      %dma_start3A_135 = tpu.memref_squeeze %dma_start3A_134 : memref<1x8x2x56xi32, #tpu.memory_space<vmem>> -> memref<8x2x56xi32, #tpu.memory_space<vmem>>
      %dma_start3A_136 = arith.constant 0 : i32
      %dma_start3A_137 = arith.constant 0 : i32
      %dma_start3A_138 = arith.constant 0 : i32
      %dma_start3A_139 = tpu.memref_slice %arg4[%arg1, %dma_start3A_136, %dma_start3A_137, %dma_start3A_138] : memref<16x184x2x56xi32, #tpu.memory_space<hbm>> -> memref<1x8x2x56xi32, #tpu.memory_space<hbm>>
      %dma_start3A_140 = tpu.memref_squeeze %dma_start3A_139 : memref<1x8x2x56xi32, #tpu.memory_space<hbm>> -> memref<8x2x56xi32, #tpu.memory_space<hbm>>
      tpu.enqueue_dma source(%dma_start3A_140 : memref<8x2x56xi32, #tpu.memory_space<hbm>>) target(%dma_start3A_135 : memref<8x2x56xi32, #tpu.memory_space<vmem>>) target_semaphore(%arg21 : memref<!tpu.dma_semaphore, #tpu.memory_space<semaphore_mem>>)
    } else {
    }
    %ne3A = arith.constant 0 : i32
    %ne3A_15 = arith.cmpi ne, %arg0, %ne3A : i32
    %convert_element_type3A_16 = arith.extui %ne3A_15 : i1 to i32
    %cond3A_17 = arith.constant 0 : i32
    %cond3A_18 = arith.cmpi ne, %convert_element_type3A_16, %cond3A_17 : i32
    scf.if %cond3A_18 {
      %dma_start3A_99 = arith.constant 0 : i32
      %dma_start3A_100 = arith.constant 0 : i32
      %dma_start3A_101 = arith.constant 0 : i32
      %dma_start3A_102 = arith.constant 0 : i32
      %dma_start3A_103 = tpu.memref_slice %arg9[%dma_start3A_99, %dma_start3A_100, %dma_start3A_101, %dma_start3A_102] : memref<2x8x2x56xi32, #tpu.memory_space<vmem>> -> memref<1x8x2x56xi32, #tpu.memory_space<vmem>>
      %dma_start3A_104 = tpu.memref_squeeze %dma_start3A_103 : memref<1x8x2x56xi32, #tpu.memory_space<vmem>> -> memref<8x2x56xi32, #tpu.memory_space<vmem>>
      %dma_start3A_105 = arith.constant 0 : i32
      %dma_start3A_106 = arith.constant 0 : i32
      %dma_start3A_107 = arith.constant 0 : i32
      %dma_start3A_108 = tpu.memref_slice %arg4[%arg1, %dma_start3A_105, %dma_start3A_106, %dma_start3A_107] : memref<16x184x2x56xi32, #tpu.memory_space<hbm>> -> memref<1x8x2x56xi32, #tpu.memory_space<hbm>>
      %dma_start3A_109 = tpu.memref_squeeze %dma_start3A_108 : memref<1x8x2x56xi32, #tpu.memory_space<hbm>> -> memref<8x2x56xi32, #tpu.memory_space<hbm>>
      %dma_start3A_110 = arith.constant 0 : i32
      %dma_start3A_111 = arith.constant 0 : i32
      %dma_start3A_112 = arith.constant 0 : i32
      %dma_start3A_113 = tpu.memref_slice %arg9[%dma_start3A_99, %dma_start3A_110, %dma_start3A_111, %dma_start3A_112] : memref<2x8x2x56xi32, #tpu.memory_space<vmem>> -> memref<1x8x2x56xi32, #tpu.memory_space<vmem>>
      %dma_start3A_114 = tpu.memref_squeeze %dma_start3A_113 : memref<1x8x2x56xi32, #tpu.memory_space<vmem>> -> memref<8x2x56xi32, #tpu.memory_space<vmem>>
      %dma_start3A_115 = arith.constant 0 : i32
      %dma_start3A_116 = arith.constant 0 : i32
      %dma_start3A_117 = arith.constant 0 : i32
      %dma_start3A_118 = tpu.memref_slice %arg4[%arg1, %dma_start3A_115, %dma_start3A_116, %dma_start3A_117] : memref<16x184x2x56xi32, #tpu.memory_space<hbm>> -> memref<1x8x2x56xi32, #tpu.memory_space<hbm>>
      %dma_start3A_119 = tpu.memref_squeeze %dma_start3A_118 : memref<1x8x2x56xi32, #tpu.memory_space<hbm>> -> memref<8x2x56xi32, #tpu.memory_space<hbm>>
      tpu.enqueue_dma source(%dma_start3A_119 : memref<8x2x56xi32, #tpu.memory_space<hbm>>) target(%dma_start3A_114 : memref<8x2x56xi32, #tpu.memory_space<vmem>>) target_semaphore(%arg21 : memref<!tpu.dma_semaphore, #tpu.memory_space<semaphore_mem>>)
      %dma_start3A_120 = arith.constant 0 : i32
      %dma_start3A_121 = arith.constant 0 : i32
      %dma_start3A_122 = arith.constant 0 : i32
      %dma_start3A_123 = arith.constant 0 : i32
      %dma_start3A_124 = tpu.memref_slice %arg10[%dma_start3A_120, %dma_start3A_121, %dma_start3A_122, %dma_start3A_123] : memref<2x8x2x56xi32, #tpu.memory_space<vmem>> -> memref<1x8x2x56xi32, #tpu.memory_space<vmem>>
      %dma_start3A_125 = tpu.memref_squeeze %dma_start3A_124 : memref<1x8x2x56xi32, #tpu.memory_space<vmem>> -> memref<8x2x56xi32, #tpu.memory_space<vmem>>
      %dma_start3A_126 = arith.constant 0 : i32
      %dma_start3A_127 = arith.constant 0 : i32
      %dma_start3A_128 = arith.constant 0 : i32
      %dma_start3A_129 = tpu.memref_slice %arg5[%arg1, %dma_start3A_126, %dma_start3A_127, %dma_start3A_128] : memref<16x184x2x56xi32, #tpu.memory_space<hbm>> -> memref<1x8x2x56xi32, #tpu.memory_space<hbm>>
      %dma_start3A_130 = tpu.memref_squeeze %dma_start3A_129 : memref<1x8x2x56xi32, #tpu.memory_space<hbm>> -> memref<8x2x56xi32, #tpu.memory_space<hbm>>
      %dma_start3A_131 = arith.constant 0 : i32
      %dma_start3A_132 = arith.constant 0 : i32
      %dma_start3A_133 = arith.constant 0 : i32
      %dma_start3A_134 = tpu.memref_slice %arg10[%dma_start3A_120, %dma_start3A_131, %dma_start3A_132, %dma_start3A_133] : memref<2x8x2x56xi32, #tpu.memory_space<vmem>> -> memref<1x8x2x56xi32, #tpu.memory_space<vmem>>
      %dma_start3A_135 = tpu.memref_squeeze %dma_start3A_134 : memref<1x8x2x56xi32, #tpu.memory_space<vmem>> -> memref<8x2x56xi32, #tpu.memory_space<vmem>>
      %dma_start3A_136 = arith.constant 0 : i32
      %dma_start3A_137 = arith.constant 0 : i32
      %dma_start3A_138 = arith.constant 0 : i32
      %dma_start3A_139 = tpu.memref_slice %arg5[%arg1, %dma_start3A_136, %dma_start3A_137, %dma_start3A_138] : memref<16x184x2x56xi32, #tpu.memory_space<hbm>> -> memref<1x8x2x56xi32, #tpu.memory_space<hbm>>
      %dma_start3A_140 = tpu.memref_squeeze %dma_start3A_139 : memref<1x8x2x56xi32, #tpu.memory_space<hbm>> -> memref<8x2x56xi32, #tpu.memory_space<hbm>>
      tpu.enqueue_dma source(%dma_start3A_140 : memref<8x2x56xi32, #tpu.memory_space<hbm>>) target(%dma_start3A_135 : memref<8x2x56xi32, #tpu.memory_space<vmem>>) target_semaphore(%arg21 : memref<!tpu.dma_semaphore, #tpu.memory_space<semaphore_mem>>)
    } else {
    }
    %dma_start3A = arith.constant 0 : i32
    %dma_start3A_19 = arith.constant 0 : i32
    %dma_start3A_20 = arith.constant 0 : i32
    %dma_start3A_21 = tpu.memref_slice %arg11[%dma_start3A, %dma_start3A_19, %dma_start3A_20] : memref<2x8x112xf32, #tpu.memory_space<vmem>> -> memref<1x8x112xf32, #tpu.memory_space<vmem>>
    %dma_start3A_22 = tpu.memref_squeeze %dma_start3A_21 : memref<1x8x112xf32, #tpu.memory_space<vmem>> -> memref<8x112xf32, #tpu.memory_space<vmem>>
    %dma_start3A_23 = arith.constant 0 : i32
    %dma_start3A_24 = arith.constant 0 : i32
    %dma_start3A_25 = tpu.memref_slice %arg6[%arg1, %dma_start3A_23, %dma_start3A_24] : memref<16x184x112xf32, #tpu.memory_space<hbm>> -> memref<1x8x112xf32, #tpu.memory_space<hbm>>
    %dma_start3A_26 = tpu.memref_squeeze %dma_start3A_25 : memref<1x8x112xf32, #tpu.memory_space<hbm>> -> memref<8x112xf32, #tpu.memory_space<hbm>>
    %dma_start3A_27 = arith.constant 0 : i32
    %dma_start3A_28 = arith.constant 0 : i32
    %dma_start3A_29 = tpu.memref_slice %arg11[%dma_start3A, %dma_start3A_27, %dma_start3A_28] : memref<2x8x112xf32, #tpu.memory_space<vmem>> -> memref<1x8x112xf32, #tpu.memory_space<vmem>>
    %dma_start3A_30 = tpu.memref_squeeze %dma_start3A_29 : memref<1x8x112xf32, #tpu.memory_space<vmem>> -> memref<8x112xf32, #tpu.memory_space<vmem>>
    %dma_start3A_31 = arith.constant 0 : i32
    %dma_start3A_32 = arith.constant 0 : i32
    %dma_start3A_33 = tpu.memref_slice %arg6[%arg1, %dma_start3A_31, %dma_start3A_32] : memref<16x184x112xf32, #tpu.memory_space<hbm>> -> memref<1x8x112xf32, #tpu.memory_space<hbm>>
    %dma_start3A_34 = tpu.memref_squeeze %dma_start3A_33 : memref<1x8x112xf32, #tpu.memory_space<hbm>> -> memref<8x112xf32, #tpu.memory_space<hbm>>
    tpu.enqueue_dma source(%dma_start3A_34 : memref<8x112xf32, #tpu.memory_space<hbm>>) target(%dma_start3A_30 : memref<8x112xf32, #tpu.memory_space<vmem>>) target_semaphore(%arg21 : memref<!tpu.dma_semaphore, #tpu.memory_space<semaphore_mem>>)
    %scan3A_35 = arith.constant -65536 : i32
    %scan3A_36 = arith.constant 0 : i32
    %scan3A_37 = arith.constant 23 : i32
    %scan3A_38 = arith.addi %scan3A_36, %scan3A_37 : i32
    %scan3A_39 = arith.constant 1 : i32
    scf.for %scan3A_99 = %scan3A_36 to %scan3A_38 step %scan3A_39  : i32 {
      %mul3A_100 = arith.constant 1 : i32
      %mul3A_101 = arith.muli %scan3A_99, %mul3A_100 : i32
      %add3A_102 = arith.constant 0 : i32
      %add3A_103 = arith.addi %add3A_102, %mul3A_101 : i32
      %jit3A = arith.constant 2 : i32
      %eq3A_104 = arith.constant 0 : i32
      %eq3A_105 = arith.cmpi eq, %jit3A, %eq3A_104 : i32
      %jit3A_106 = arith.constant 1 : i32
      %select_n3A = arith.select %eq3A_105, %jit3A_106, %jit3A : i32
      %rem3A = arith.remsi %add3A_103, %select_n3A : i32
      %ne3A_107 = arith.constant 0 : i32
      %ne3A_108 = arith.cmpi ne, %rem3A, %ne3A_107 : i32
      %lt3A = arith.constant 0 : i32
      %lt3A_109 = arith.cmpi slt, %rem3A, %lt3A : i32
      %lt3A_110 = arith.constant 0 : i32
      %lt3A_111 = arith.cmpi slt, %select_n3A, %lt3A_110 : i32
      %ne3A_112 = arith.xori %lt3A_109, %lt3A_111 : i1
      %and3A = arith.andi %ne3A_112, %ne3A_108 : i1
      %add3A_113 = arith.addi %rem3A, %select_n3A : i32
      %select_n3A_114 = arith.select %and3A, %add3A_113, %rem3A : i32
      %eq3A_115 = arith.constant 0 : i32
      %eq3A_116 = arith.cmpi eq, %add3A_103, %eq3A_115 : i32
      %eq3A_117 = arith.constant 0 : i32
      %eq3A_118 = arith.cmpi eq, %select_n3A_114, %eq3A_117 : i32
      %convert_element_type3A_119 = arith.extui %eq3A_118 : i1 to i32
      %cond3A_120 = arith.constant 0 : i32
      %cond3A_121 = arith.cmpi ne, %convert_element_type3A_119, %cond3A_120 : i32
      scf.if %cond3A_121 {
        %dma_wait3A_204 = arith.constant 0 : i32
        %dma_wait3A_205 = arith.constant 0 : i32
        %dma_wait3A_206 = arith.constant 0 : i32
        %dma_wait3A_207 = arith.constant 0 : i32
        %dma_wait3A_208 = tpu.memref_slice %arg9[%dma_wait3A_204, %dma_wait3A_205, %dma_wait3A_206, %dma_wait3A_207] : memref<2x8x2x56xi32, #tpu.memory_space<vmem>> -> memref<1x8x2x56xi32, #tpu.memory_space<vmem>>
        %dma_wait3A_209 = tpu.memref_squeeze %dma_wait3A_208 : memref<1x8x2x56xi32, #tpu.memory_space<vmem>> -> memref<8x2x56xi32, #tpu.memory_space<vmem>>
        %dma_wait3A_210 = arith.constant 0 : i32
        %dma_wait3A_211 = arith.constant 0 : i32
        %dma_wait3A_212 = arith.constant 0 : i32
        %dma_wait3A_213 = tpu.memref_slice %arg5[%arg1, %dma_wait3A_210, %dma_wait3A_211, %dma_wait3A_212] : memref<16x184x2x56xi32, #tpu.memory_space<hbm>> -> memref<1x8x2x56xi32, #tpu.memory_space<hbm>>
        %dma_wait3A_214 = tpu.memref_squeeze %dma_wait3A_213 : memref<1x8x2x56xi32, #tpu.memory_space<hbm>> -> memref<8x2x56xi32, #tpu.memory_space<hbm>>
        %dma_wait3A_215 = arith.constant 0 : i32
        %dma_wait3A_216 = arith.constant 0 : i32
        %dma_wait3A_217 = arith.constant 0 : i32
        %dma_wait3A_218 = tpu.memref_slice %arg9[%dma_wait3A_204, %dma_wait3A_215, %dma_wait3A_216, %dma_wait3A_217] : memref<2x8x2x56xi32, #tpu.memory_space<vmem>> -> memref<1x8x2x56xi32, #tpu.memory_space<vmem>>
        %dma_wait3A_219 = tpu.memref_squeeze %dma_wait3A_218 : memref<1x8x2x56xi32, #tpu.memory_space<vmem>> -> memref<8x2x56xi32, #tpu.memory_space<vmem>>
        %dma_wait3A_220 = arith.constant 0 : i32
        %dma_wait3A_221 = arith.constant 0 : i32
        %dma_wait3A_222 = arith.constant 0 : i32
        %dma_wait3A_223 = tpu.memref_slice %arg5[%arg1, %dma_wait3A_220, %dma_wait3A_221, %dma_wait3A_222] : memref<16x184x2x56xi32, #tpu.memory_space<hbm>> -> memref<1x8x2x56xi32, #tpu.memory_space<hbm>>
        %dma_wait3A_224 = tpu.memref_squeeze %dma_wait3A_223 : memref<1x8x2x56xi32, #tpu.memory_space<hbm>> -> memref<8x2x56xi32, #tpu.memory_space<hbm>>
        tpu.wait_dma2 semaphore(%arg21 : memref<!tpu.dma_semaphore, #tpu.memory_space<semaphore_mem>>) src(%dma_wait3A_224 : memref<8x2x56xi32, #tpu.memory_space<hbm>>) dst(%dma_wait3A_219 : memref<8x2x56xi32, #tpu.memory_space<vmem>>)
        %dma_wait3A_225 = arith.constant 0 : i32
        %dma_wait3A_226 = arith.constant 0 : i32
        %dma_wait3A_227 = arith.constant 0 : i32
        %dma_wait3A_228 = arith.constant 0 : i32
        %dma_wait3A_229 = tpu.memref_slice %arg10[%dma_wait3A_225, %dma_wait3A_226, %dma_wait3A_227, %dma_wait3A_228] : memref<2x8x2x56xi32, #tpu.memory_space<vmem>> -> memref<1x8x2x56xi32, #tpu.memory_space<vmem>>
        %dma_wait3A_230 = tpu.memref_squeeze %dma_wait3A_229 : memref<1x8x2x56xi32, #tpu.memory_space<vmem>> -> memref<8x2x56xi32, #tpu.memory_space<vmem>>
        %dma_wait3A_231 = arith.constant 0 : i32
        %dma_wait3A_232 = arith.constant 0 : i32
        %dma_wait3A_233 = arith.constant 0 : i32
        %dma_wait3A_234 = tpu.memref_slice %arg4[%arg1, %dma_wait3A_231, %dma_wait3A_232, %dma_wait3A_233] : memref<16x184x2x56xi32, #tpu.memory_space<hbm>> -> memref<1x8x2x56xi32, #tpu.memory_space<hbm>>
        %dma_wait3A_235 = tpu.memref_squeeze %dma_wait3A_234 : memref<1x8x2x56xi32, #tpu.memory_space<hbm>> -> memref<8x2x56xi32, #tpu.memory_space<hbm>>
        %dma_wait3A_236 = arith.constant 0 : i32
        %dma_wait3A_237 = arith.constant 0 : i32
        %dma_wait3A_238 = arith.constant 0 : i32
        %dma_wait3A_239 = tpu.memref_slice %arg10[%dma_wait3A_225, %dma_wait3A_236, %dma_wait3A_237, %dma_wait3A_238] : memref<2x8x2x56xi32, #tpu.memory_space<vmem>> -> memref<1x8x2x56xi32, #tpu.memory_space<vmem>>
        %dma_wait3A_240 = tpu.memref_squeeze %dma_wait3A_239 : memref<1x8x2x56xi32, #tpu.memory_space<vmem>> -> memref<8x2x56xi32, #tpu.memory_space<vmem>>
        %dma_wait3A_241 = arith.constant 0 : i32
        %dma_wait3A_242 = arith.constant 0 : i32
        %dma_wait3A_243 = arith.constant 0 : i32
        %dma_wait3A_244 = tpu.memref_slice %arg4[%arg1, %dma_wait3A_241, %dma_wait3A_242, %dma_wait3A_243] : memref<16x184x2x56xi32, #tpu.memory_space<hbm>> -> memref<1x8x2x56xi32, #tpu.memory_space<hbm>>
        %dma_wait3A_245 = tpu.memref_squeeze %dma_wait3A_244 : memref<1x8x2x56xi32, #tpu.memory_space<hbm>> -> memref<8x2x56xi32, #tpu.memory_space<hbm>>
        tpu.wait_dma2 semaphore(%arg21 : memref<!tpu.dma_semaphore, #tpu.memory_space<semaphore_mem>>) src(%dma_wait3A_245 : memref<8x2x56xi32, #tpu.memory_space<hbm>>) dst(%dma_wait3A_240 : memref<8x2x56xi32, #tpu.memory_space<vmem>>)
        %dma_wait3A_246 = arith.constant 0 : i32
        %dma_wait3A_247 = arith.constant 0 : i32
        %dma_wait3A_248 = arith.constant 0 : i32
        %dma_wait3A_249 = tpu.memref_slice %arg11[%dma_wait3A_246, %dma_wait3A_247, %dma_wait3A_248] : memref<2x8x112xf32, #tpu.memory_space<vmem>> -> memref<1x8x112xf32, #tpu.memory_space<vmem>>
        %dma_wait3A_250 = tpu.memref_squeeze %dma_wait3A_249 : memref<1x8x112xf32, #tpu.memory_space<vmem>> -> memref<8x112xf32, #tpu.memory_space<vmem>>
        %dma_wait3A_251 = arith.constant 0 : i32
        %dma_wait3A_252 = arith.constant 0 : i32
        %dma_wait3A_253 = tpu.memref_slice %arg6[%arg1, %dma_wait3A_251, %dma_wait3A_252] : memref<16x184x112xf32, #tpu.memory_space<hbm>> -> memref<1x8x112xf32, #tpu.memory_space<hbm>>
        %dma_wait3A_254 = tpu.memref_squeeze %dma_wait3A_253 : memref<1x8x112xf32, #tpu.memory_space<hbm>> -> memref<8x112xf32, #tpu.memory_space<hbm>>
        %dma_wait3A_255 = arith.constant 0 : i32
        %dma_wait3A_256 = arith.constant 0 : i32
        %dma_wait3A_257 = tpu.memref_slice %arg11[%dma_wait3A_246, %dma_wait3A_255, %dma_wait3A_256] : memref<2x8x112xf32, #tpu.memory_space<vmem>> -> memref<1x8x112xf32, #tpu.memory_space<vmem>>
        %dma_wait3A_258 = tpu.memref_squeeze %dma_wait3A_257 : memref<1x8x112xf32, #tpu.memory_space<vmem>> -> memref<8x112xf32, #tpu.memory_space<vmem>>
        %dma_wait3A_259 = arith.constant 0 : i32
        %dma_wait3A_260 = arith.constant 0 : i32
        %dma_wait3A_261 = tpu.memref_slice %arg6[%arg1, %dma_wait3A_259, %dma_wait3A_260] : memref<16x184x112xf32, #tpu.memory_space<hbm>> -> memref<1x8x112xf32, #tpu.memory_space<hbm>>
        %dma_wait3A_262 = tpu.memref_squeeze %dma_wait3A_261 : memref<1x8x112xf32, #tpu.memory_space<hbm>> -> memref<8x112xf32, #tpu.memory_space<hbm>>
        tpu.wait_dma2 semaphore(%arg21 : memref<!tpu.dma_semaphore, #tpu.memory_space<semaphore_mem>>) src(%dma_wait3A_262 : memref<8x112xf32, #tpu.memory_space<hbm>>) dst(%dma_wait3A_258 : memref<8x112xf32, #tpu.memory_space<vmem>>)
      } else {
      }
      %eq3A_122 = arith.constant 1 : i32
      %eq3A_123 = arith.cmpi eq, %select_n3A_114, %eq3A_122 : i32
      %convert_element_type3A_124 = arith.extui %eq3A_123 : i1 to i32
      %cond3A_125 = arith.constant 0 : i32
      %cond3A_126 = arith.cmpi ne, %convert_element_type3A_124, %cond3A_125 : i32
      scf.if %cond3A_126 {
        %dma_wait3A_204 = arith.constant 1 : i32
        %dma_wait3A_205 = arith.constant 0 : i32
        %dma_wait3A_206 = arith.constant 0 : i32
        %dma_wait3A_207 = arith.constant 0 : i32
        %dma_wait3A_208 = tpu.memref_slice %arg9[%dma_wait3A_204, %dma_wait3A_205, %dma_wait3A_206, %dma_wait3A_207] : memref<2x8x2x56xi32, #tpu.memory_space<vmem>> -> memref<1x8x2x56xi32, #tpu.memory_space<vmem>>
        %dma_wait3A_209 = tpu.memref_squeeze %dma_wait3A_208 : memref<1x8x2x56xi32, #tpu.memory_space<vmem>> -> memref<8x2x56xi32, #tpu.memory_space<vmem>>
        %dma_wait3A_210 = arith.constant 0 : i32
        %dma_wait3A_211 = arith.constant 0 : i32
        %dma_wait3A_212 = arith.constant 0 : i32
        %dma_wait3A_213 = tpu.memref_slice %arg5[%arg1, %dma_wait3A_210, %dma_wait3A_211, %dma_wait3A_212] : memref<16x184x2x56xi32, #tpu.memory_space<hbm>> -> memref<1x8x2x56xi32, #tpu.memory_space<hbm>>
        %dma_wait3A_214 = tpu.memref_squeeze %dma_wait3A_213 : memref<1x8x2x56xi32, #tpu.memory_space<hbm>> -> memref<8x2x56xi32, #tpu.memory_space<hbm>>
        %dma_wait3A_215 = arith.constant 0 : i32
        %dma_wait3A_216 = arith.constant 0 : i32
        %dma_wait3A_217 = arith.constant 0 : i32
        %dma_wait3A_218 = tpu.memref_slice %arg9[%dma_wait3A_204, %dma_wait3A_215, %dma_wait3A_216, %dma_wait3A_217] : memref<2x8x2x56xi32, #tpu.memory_space<vmem>> -> memref<1x8x2x56xi32, #tpu.memory_space<vmem>>
        %dma_wait3A_219 = tpu.memref_squeeze %dma_wait3A_218 : memref<1x8x2x56xi32, #tpu.memory_space<vmem>> -> memref<8x2x56xi32, #tpu.memory_space<vmem>>
        %dma_wait3A_220 = arith.constant 0 : i32
        %dma_wait3A_221 = arith.constant 0 : i32
        %dma_wait3A_222 = arith.constant 0 : i32
        %dma_wait3A_223 = tpu.memref_slice %arg5[%arg1, %dma_wait3A_220, %dma_wait3A_221, %dma_wait3A_222] : memref<16x184x2x56xi32, #tpu.memory_space<hbm>> -> memref<1x8x2x56xi32, #tpu.memory_space<hbm>>
        %dma_wait3A_224 = tpu.memref_squeeze %dma_wait3A_223 : memref<1x8x2x56xi32, #tpu.memory_space<hbm>> -> memref<8x2x56xi32, #tpu.memory_space<hbm>>
        tpu.wait_dma2 semaphore(%arg22 : memref<!tpu.dma_semaphore, #tpu.memory_space<semaphore_mem>>) src(%dma_wait3A_224 : memref<8x2x56xi32, #tpu.memory_space<hbm>>) dst(%dma_wait3A_219 : memref<8x2x56xi32, #tpu.memory_space<vmem>>)
        %dma_wait3A_225 = arith.constant 1 : i32
        %dma_wait3A_226 = arith.constant 0 : i32
        %dma_wait3A_227 = arith.constant 0 : i32
        %dma_wait3A_228 = arith.constant 0 : i32
        %dma_wait3A_229 = tpu.memref_slice %arg10[%dma_wait3A_225, %dma_wait3A_226, %dma_wait3A_227, %dma_wait3A_228] : memref<2x8x2x56xi32, #tpu.memory_space<vmem>> -> memref<1x8x2x56xi32, #tpu.memory_space<vmem>>
        %dma_wait3A_230 = tpu.memref_squeeze %dma_wait3A_229 : memref<1x8x2x56xi32, #tpu.memory_space<vmem>> -> memref<8x2x56xi32, #tpu.memory_space<vmem>>
        %dma_wait3A_231 = arith.constant 0 : i32
        %dma_wait3A_232 = arith.constant 0 : i32
        %dma_wait3A_233 = arith.constant 0 : i32
        %dma_wait3A_234 = tpu.memref_slice %arg4[%arg1, %dma_wait3A_231, %dma_wait3A_232, %dma_wait3A_233] : memref<16x184x2x56xi32, #tpu.memory_space<hbm>> -> memref<1x8x2x56xi32, #tpu.memory_space<hbm>>
        %dma_wait3A_235 = tpu.memref_squeeze %dma_wait3A_234 : memref<1x8x2x56xi32, #tpu.memory_space<hbm>> -> memref<8x2x56xi32, #tpu.memory_space<hbm>>
        %dma_wait3A_236 = arith.constant 0 : i32
        %dma_wait3A_237 = arith.constant 0 : i32
        %dma_wait3A_238 = arith.constant 0 : i32
        %dma_wait3A_239 = tpu.memref_slice %arg10[%dma_wait3A_225, %dma_wait3A_236, %dma_wait3A_237, %dma_wait3A_238] : memref<2x8x2x56xi32, #tpu.memory_space<vmem>> -> memref<1x8x2x56xi32, #tpu.memory_space<vmem>>
        %dma_wait3A_240 = tpu.memref_squeeze %dma_wait3A_239 : memref<1x8x2x56xi32, #tpu.memory_space<vmem>> -> memref<8x2x56xi32, #tpu.memory_space<vmem>>
        %dma_wait3A_241 = arith.constant 0 : i32
        %dma_wait3A_242 = arith.constant 0 : i32
        %dma_wait3A_243 = arith.constant 0 : i32
        %dma_wait3A_244 = tpu.memref_slice %arg4[%arg1, %dma_wait3A_241, %dma_wait3A_242, %dma_wait3A_243] : memref<16x184x2x56xi32, #tpu.memory_space<hbm>> -> memref<1x8x2x56xi32, #tpu.memory_space<hbm>>
        %dma_wait3A_245 = tpu.memref_squeeze %dma_wait3A_244 : memref<1x8x2x56xi32, #tpu.memory_space<hbm>> -> memref<8x2x56xi32, #tpu.memory_space<hbm>>
        tpu.wait_dma2 semaphore(%arg22 : memref<!tpu.dma_semaphore, #tpu.memory_space<semaphore_mem>>) src(%dma_wait3A_245 : memref<8x2x56xi32, #tpu.memory_space<hbm>>) dst(%dma_wait3A_240 : memref<8x2x56xi32, #tpu.memory_space<vmem>>)
        %dma_wait3A_246 = arith.constant 1 : i32
        %dma_wait3A_247 = arith.constant 0 : i32
        %dma_wait3A_248 = arith.constant 0 : i32
        %dma_wait3A_249 = tpu.memref_slice %arg11[%dma_wait3A_246, %dma_wait3A_247, %dma_wait3A_248] : memref<2x8x112xf32, #tpu.memory_space<vmem>> -> memref<1x8x112xf32, #tpu.memory_space<vmem>>
        %dma_wait3A_250 = tpu.memref_squeeze %dma_wait3A_249 : memref<1x8x112xf32, #tpu.memory_space<vmem>> -> memref<8x112xf32, #tpu.memory_space<vmem>>
        %dma_wait3A_251 = arith.constant 0 : i32
        %dma_wait3A_252 = arith.constant 0 : i32
        %dma_wait3A_253 = tpu.memref_slice %arg6[%arg1, %dma_wait3A_251, %dma_wait3A_252] : memref<16x184x112xf32, #tpu.memory_space<hbm>> -> memref<1x8x112xf32, #tpu.memory_space<hbm>>
        %dma_wait3A_254 = tpu.memref_squeeze %dma_wait3A_253 : memref<1x8x112xf32, #tpu.memory_space<hbm>> -> memref<8x112xf32, #tpu.memory_space<hbm>>
        %dma_wait3A_255 = arith.constant 0 : i32
        %dma_wait3A_256 = arith.constant 0 : i32
        %dma_wait3A_257 = tpu.memref_slice %arg11[%dma_wait3A_246, %dma_wait3A_255, %dma_wait3A_256] : memref<2x8x112xf32, #tpu.memory_space<vmem>> -> memref<1x8x112xf32, #tpu.memory_space<vmem>>
        %dma_wait3A_258 = tpu.memref_squeeze %dma_wait3A_257 : memref<1x8x112xf32, #tpu.memory_space<vmem>> -> memref<8x112xf32, #tpu.memory_space<vmem>>
        %dma_wait3A_259 = arith.constant 0 : i32
        %dma_wait3A_260 = arith.constant 0 : i32
        %dma_wait3A_261 = tpu.memref_slice %arg6[%arg1, %dma_wait3A_259, %dma_wait3A_260] : memref<16x184x112xf32, #tpu.memory_space<hbm>> -> memref<1x8x112xf32, #tpu.memory_space<hbm>>
        %dma_wait3A_262 = tpu.memref_squeeze %dma_wait3A_261 : memref<1x8x112xf32, #tpu.memory_space<hbm>> -> memref<8x112xf32, #tpu.memory_space<hbm>>
        tpu.wait_dma2 semaphore(%arg22 : memref<!tpu.dma_semaphore, #tpu.memory_space<semaphore_mem>>) src(%dma_wait3A_262 : memref<8x112xf32, #tpu.memory_space<hbm>>) dst(%dma_wait3A_258 : memref<8x112xf32, #tpu.memory_space<vmem>>)
      } else {
      }
      %add3A_127 = arith.constant 1 : i32
      %add3A_128 = arith.addi %add3A_103, %add3A_127 : i32
      %lt3A_129 = arith.constant 23 : i32
      %lt3A_130 = arith.cmpi slt, %add3A_128, %lt3A_129 : i32
      %convert_element_type3A_131 = arith.extui %lt3A_130 : i1 to i32
      %cond3A_132 = arith.constant 0 : i32
      %cond3A_133 = arith.cmpi ne, %convert_element_type3A_131, %cond3A_132 : i32
      scf.if %cond3A_133 {
        %eq3A_204 = arith.constant 0 : i32
        %eq3A_205 = arith.cmpi eq, %select_n3A_114, %eq3A_204 : i32
        %convert_element_type3A_206 = arith.extui %eq3A_205 : i1 to i32
        %cond3A_207 = arith.constant 0 : i32
        %cond3A_208 = arith.cmpi ne, %convert_element_type3A_206, %cond3A_207 : i32
        scf.if %cond3A_208 {
          %add3A_214 = arith.constant 1 : i32
          %add3A_215 = arith.addi %add3A_103, %add3A_214 : i32
          %mul3A_216 = arith.constant 8 : i32
          %mul3A_217 = arith.muli %add3A_215, %mul3A_216 : i32
          %eq3A_218 = arith.constant 0 : i32
          %eq3A_219 = arith.cmpi eq, %arg0, %eq3A_218 : i32
          %convert_element_type3A_220 = arith.extui %eq3A_219 : i1 to i32
          %cond3A_221 = arith.constant 0 : i32
          %cond3A_222 = arith.cmpi ne, %convert_element_type3A_220, %cond3A_221 : i32
          scf.if %cond3A_222 {
            %dma_start3A_243 = arith.constant 1 : i32
            %dma_start3A_244 = arith.constant 0 : i32
            %dma_start3A_245 = arith.constant 0 : i32
            %dma_start3A_246 = arith.constant 0 : i32
            %dma_start3A_247 = tpu.memref_slice %arg9[%dma_start3A_243, %dma_start3A_244, %dma_start3A_245, %dma_start3A_246] : memref<2x8x2x56xi32, #tpu.memory_space<vmem>> -> memref<1x8x2x56xi32, #tpu.memory_space<vmem>>
            %dma_start3A_248 = tpu.memref_squeeze %dma_start3A_247 : memref<1x8x2x56xi32, #tpu.memory_space<vmem>> -> memref<8x2x56xi32, #tpu.memory_space<vmem>>
            %dma_start3A_249 = arith.constant 0 : i32
            %dma_start3A_250 = arith.constant 0 : i32
            %dma_start3A_251 = tpu.memref_slice %arg5[%arg1, %mul3A_217, %dma_start3A_249, %dma_start3A_250] : memref<16x184x2x56xi32, #tpu.memory_space<hbm>> -> memref<1x8x2x56xi32, #tpu.memory_space<hbm>>
            %dma_start3A_252 = tpu.memref_squeeze %dma_start3A_251 : memref<1x8x2x56xi32, #tpu.memory_space<hbm>> -> memref<8x2x56xi32, #tpu.memory_space<hbm>>
            %dma_start3A_253 = arith.constant 0 : i32
            %dma_start3A_254 = arith.constant 0 : i32
            %dma_start3A_255 = arith.constant 0 : i32
            %dma_start3A_256 = tpu.memref_slice %arg9[%dma_start3A_243, %dma_start3A_253, %dma_start3A_254, %dma_start3A_255] : memref<2x8x2x56xi32, #tpu.memory_space<vmem>> -> memref<1x8x2x56xi32, #tpu.memory_space<vmem>>
            %dma_start3A_257 = tpu.memref_squeeze %dma_start3A_256 : memref<1x8x2x56xi32, #tpu.memory_space<vmem>> -> memref<8x2x56xi32, #tpu.memory_space<vmem>>
            %dma_start3A_258 = arith.constant 0 : i32
            %dma_start3A_259 = arith.constant 0 : i32
            %dma_start3A_260 = tpu.memref_slice %arg5[%arg1, %mul3A_217, %dma_start3A_258, %dma_start3A_259] : memref<16x184x2x56xi32, #tpu.memory_space<hbm>> -> memref<1x8x2x56xi32, #tpu.memory_space<hbm>>
            %dma_start3A_261 = tpu.memref_squeeze %dma_start3A_260 : memref<1x8x2x56xi32, #tpu.memory_space<hbm>> -> memref<8x2x56xi32, #tpu.memory_space<hbm>>
            tpu.enqueue_dma source(%dma_start3A_261 : memref<8x2x56xi32, #tpu.memory_space<hbm>>) target(%dma_start3A_257 : memref<8x2x56xi32, #tpu.memory_space<vmem>>) target_semaphore(%arg22 : memref<!tpu.dma_semaphore, #tpu.memory_space<semaphore_mem>>)
            %dma_start3A_262 = arith.constant 1 : i32
            %dma_start3A_263 = arith.constant 0 : i32
            %dma_start3A_264 = arith.constant 0 : i32
            %dma_start3A_265 = arith.constant 0 : i32
            %dma_start3A_266 = tpu.memref_slice %arg10[%dma_start3A_262, %dma_start3A_263, %dma_start3A_264, %dma_start3A_265] : memref<2x8x2x56xi32, #tpu.memory_space<vmem>> -> memref<1x8x2x56xi32, #tpu.memory_space<vmem>>
            %dma_start3A_267 = tpu.memref_squeeze %dma_start3A_266 : memref<1x8x2x56xi32, #tpu.memory_space<vmem>> -> memref<8x2x56xi32, #tpu.memory_space<vmem>>
            %dma_start3A_268 = arith.constant 0 : i32
            %dma_start3A_269 = arith.constant 0 : i32
            %dma_start3A_270 = tpu.memref_slice %arg4[%arg1, %mul3A_217, %dma_start3A_268, %dma_start3A_269] : memref<16x184x2x56xi32, #tpu.memory_space<hbm>> -> memref<1x8x2x56xi32, #tpu.memory_space<hbm>>
            %dma_start3A_271 = tpu.memref_squeeze %dma_start3A_270 : memref<1x8x2x56xi32, #tpu.memory_space<hbm>> -> memref<8x2x56xi32, #tpu.memory_space<hbm>>
            %dma_start3A_272 = arith.constant 0 : i32
            %dma_start3A_273 = arith.constant 0 : i32
            %dma_start3A_274 = arith.constant 0 : i32
            %dma_start3A_275 = tpu.memref_slice %arg10[%dma_start3A_262, %dma_start3A_272, %dma_start3A_273, %dma_start3A_274] : memref<2x8x2x56xi32, #tpu.memory_space<vmem>> -> memref<1x8x2x56xi32, #tpu.memory_space<vmem>>
            %dma_start3A_276 = tpu.memref_squeeze %dma_start3A_275 : memref<1x8x2x56xi32, #tpu.memory_space<vmem>> -> memref<8x2x56xi32, #tpu.memory_space<vmem>>
            %dma_start3A_277 = arith.constant 0 : i32
            %dma_start3A_278 = arith.constant 0 : i32
            %dma_start3A_279 = tpu.memref_slice %arg4[%arg1, %mul3A_217, %dma_start3A_277, %dma_start3A_278] : memref<16x184x2x56xi32, #tpu.memory_space<hbm>> -> memref<1x8x2x56xi32, #tpu.memory_space<hbm>>
            %dma_start3A_280 = tpu.memref_squeeze %dma_start3A_279 : memref<1x8x2x56xi32, #tpu.memory_space<hbm>> -> memref<8x2x56xi32, #tpu.memory_space<hbm>>
            tpu.enqueue_dma source(%dma_start3A_280 : memref<8x2x56xi32, #tpu.memory_space<hbm>>) target(%dma_start3A_276 : memref<8x2x56xi32, #tpu.memory_space<vmem>>) target_semaphore(%arg22 : memref<!tpu.dma_semaphore, #tpu.memory_space<semaphore_mem>>)
          } else {
          }
          %ne3A_223 = arith.constant 0 : i32
          %ne3A_224 = arith.cmpi ne, %arg0, %ne3A_223 : i32
          %convert_element_type3A_225 = arith.extui %ne3A_224 : i1 to i32
          %cond3A_226 = arith.constant 0 : i32
          %cond3A_227 = arith.cmpi ne, %convert_element_type3A_225, %cond3A_226 : i32
          scf.if %cond3A_227 {
            %dma_start3A_243 = arith.constant 1 : i32
            %dma_start3A_244 = arith.constant 0 : i32
            %dma_start3A_245 = arith.constant 0 : i32
            %dma_start3A_246 = arith.constant 0 : i32
            %dma_start3A_247 = tpu.memref_slice %arg9[%dma_start3A_243, %dma_start3A_244, %dma_start3A_245, %dma_start3A_246] : memref<2x8x2x56xi32, #tpu.memory_space<vmem>> -> memref<1x8x2x56xi32, #tpu.memory_space<vmem>>
            %dma_start3A_248 = tpu.memref_squeeze %dma_start3A_247 : memref<1x8x2x56xi32, #tpu.memory_space<vmem>> -> memref<8x2x56xi32, #tpu.memory_space<vmem>>
            %dma_start3A_249 = arith.constant 0 : i32
            %dma_start3A_250 = arith.constant 0 : i32
            %dma_start3A_251 = tpu.memref_slice %arg4[%arg1, %mul3A_217, %dma_start3A_249, %dma_start3A_250] : memref<16x184x2x56xi32, #tpu.memory_space<hbm>> -> memref<1x8x2x56xi32, #tpu.memory_space<hbm>>
            %dma_start3A_252 = tpu.memref_squeeze %dma_start3A_251 : memref<1x8x2x56xi32, #tpu.memory_space<hbm>> -> memref<8x2x56xi32, #tpu.memory_space<hbm>>
            %dma_start3A_253 = arith.constant 0 : i32
            %dma_start3A_254 = arith.constant 0 : i32
            %dma_start3A_255 = arith.constant 0 : i32
            %dma_start3A_256 = tpu.memref_slice %arg9[%dma_start3A_243, %dma_start3A_253, %dma_start3A_254, %dma_start3A_255] : memref<2x8x2x56xi32, #tpu.memory_space<vmem>> -> memref<1x8x2x56xi32, #tpu.memory_space<vmem>>
            %dma_start3A_257 = tpu.memref_squeeze %dma_start3A_256 : memref<1x8x2x56xi32, #tpu.memory_space<vmem>> -> memref<8x2x56xi32, #tpu.memory_space<vmem>>
            %dma_start3A_258 = arith.constant 0 : i32
            %dma_start3A_259 = arith.constant 0 : i32
            %dma_start3A_260 = tpu.memref_slice %arg4[%arg1, %mul3A_217, %dma_start3A_258, %dma_start3A_259] : memref<16x184x2x56xi32, #tpu.memory_space<hbm>> -> memref<1x8x2x56xi32, #tpu.memory_space<hbm>>
            %dma_start3A_261 = tpu.memref_squeeze %dma_start3A_260 : memref<1x8x2x56xi32, #tpu.memory_space<hbm>> -> memref<8x2x56xi32, #tpu.memory_space<hbm>>
            tpu.enqueue_dma source(%dma_start3A_261 : memref<8x2x56xi32, #tpu.memory_space<hbm>>) target(%dma_start3A_257 : memref<8x2x56xi32, #tpu.memory_space<vmem>>) target_semaphore(%arg22 : memref<!tpu.dma_semaphore, #tpu.memory_space<semaphore_mem>>)
            %dma_start3A_262 = arith.constant 1 : i32
            %dma_start3A_263 = arith.constant 0 : i32
            %dma_start3A_264 = arith.constant 0 : i32
            %dma_start3A_265 = arith.constant 0 : i32
            %dma_start3A_266 = tpu.memref_slice %arg10[%dma_start3A_262, %dma_start3A_263, %dma_start3A_264, %dma_start3A_265] : memref<2x8x2x56xi32, #tpu.memory_space<vmem>> -> memref<1x8x2x56xi32, #tpu.memory_space<vmem>>
            %dma_start3A_267 = tpu.memref_squeeze %dma_start3A_266 : memref<1x8x2x56xi32, #tpu.memory_space<vmem>> -> memref<8x2x56xi32, #tpu.memory_space<vmem>>
            %dma_start3A_268 = arith.constant 0 : i32
            %dma_start3A_269 = arith.constant 0 : i32
            %dma_start3A_270 = tpu.memref_slice %arg5[%arg1, %mul3A_217, %dma_start3A_268, %dma_start3A_269] : memref<16x184x2x56xi32, #tpu.memory_space<hbm>> -> memref<1x8x2x56xi32, #tpu.memory_space<hbm>>
            %dma_start3A_271 = tpu.memref_squeeze %dma_start3A_270 : memref<1x8x2x56xi32, #tpu.memory_space<hbm>> -> memref<8x2x56xi32, #tpu.memory_space<hbm>>
            %dma_start3A_272 = arith.constant 0 : i32
            %dma_start3A_273 = arith.constant 0 : i32
            %dma_start3A_274 = arith.constant 0 : i32
            %dma_start3A_275 = tpu.memref_slice %arg10[%dma_start3A_262, %dma_start3A_272, %dma_start3A_273, %dma_start3A_274] : memref<2x8x2x56xi32, #tpu.memory_space<vmem>> -> memref<1x8x2x56xi32, #tpu.memory_space<vmem>>
            %dma_start3A_276 = tpu.memref_squeeze %dma_start3A_275 : memref<1x8x2x56xi32, #tpu.memory_space<vmem>> -> memref<8x2x56xi32, #tpu.memory_space<vmem>>
            %dma_start3A_277 = arith.constant 0 : i32
            %dma_start3A_278 = arith.constant 0 : i32
            %dma_start3A_279 = tpu.memref_slice %arg5[%arg1, %mul3A_217, %dma_start3A_277, %dma_start3A_278] : memref<16x184x2x56xi32, #tpu.memory_space<hbm>> -> memref<1x8x2x56xi32, #tpu.memory_space<hbm>>
            %dma_start3A_280 = tpu.memref_squeeze %dma_start3A_279 : memref<1x8x2x56xi32, #tpu.memory_space<hbm>> -> memref<8x2x56xi32, #tpu.memory_space<hbm>>
            tpu.enqueue_dma source(%dma_start3A_280 : memref<8x2x56xi32, #tpu.memory_space<hbm>>) target(%dma_start3A_276 : memref<8x2x56xi32, #tpu.memory_space<vmem>>) target_semaphore(%arg22 : memref<!tpu.dma_semaphore, #tpu.memory_space<semaphore_mem>>)
          } else {
          }
          %dma_start3A_228 = arith.constant 1 : i32
          %dma_start3A_229 = arith.constant 0 : i32
          %dma_start3A_230 = arith.constant 0 : i32
          %dma_start3A_231 = tpu.memref_slice %arg11[%dma_start3A_228, %dma_start3A_229, %dma_start3A_230] : memref<2x8x112xf32, #tpu.memory_space<vmem>> -> memref<1x8x112xf32, #tpu.memory_space<vmem>>
          %dma_start3A_232 = tpu.memref_squeeze %dma_start3A_231 : memref<1x8x112xf32, #tpu.memory_space<vmem>> -> memref<8x112xf32, #tpu.memory_space<vmem>>
          %dma_start3A_233 = arith.constant 0 : i32
          %dma_start3A_234 = tpu.memref_slice %arg6[%arg1, %mul3A_217, %dma_start3A_233] : memref<16x184x112xf32, #tpu.memory_space<hbm>> -> memref<1x8x112xf32, #tpu.memory_space<hbm>>
          %dma_start3A_235 = tpu.memref_squeeze %dma_start3A_234 : memref<1x8x112xf32, #tpu.memory_space<hbm>> -> memref<8x112xf32, #tpu.memory_space<hbm>>
          %dma_start3A_236 = arith.constant 0 : i32
          %dma_start3A_237 = arith.constant 0 : i32
          %dma_start3A_238 = tpu.memref_slice %arg11[%dma_start3A_228, %dma_start3A_236, %dma_start3A_237] : memref<2x8x112xf32, #tpu.memory_space<vmem>> -> memref<1x8x112xf32, #tpu.memory_space<vmem>>
          %dma_start3A_239 = tpu.memref_squeeze %dma_start3A_238 : memref<1x8x112xf32, #tpu.memory_space<vmem>> -> memref<8x112xf32, #tpu.memory_space<vmem>>
          %dma_start3A_240 = arith.constant 0 : i32
          %dma_start3A_241 = tpu.memref_slice %arg6[%arg1, %mul3A_217, %dma_start3A_240] : memref<16x184x112xf32, #tpu.memory_space<hbm>> -> memref<1x8x112xf32, #tpu.memory_space<hbm>>
          %dma_start3A_242 = tpu.memref_squeeze %dma_start3A_241 : memref<1x8x112xf32, #tpu.memory_space<hbm>> -> memref<8x112xf32, #tpu.memory_space<hbm>>
          tpu.enqueue_dma source(%dma_start3A_242 : memref<8x112xf32, #tpu.memory_space<hbm>>) target(%dma_start3A_239 : memref<8x112xf32, #tpu.memory_space<vmem>>) target_semaphore(%arg22 : memref<!tpu.dma_semaphore, #tpu.memory_space<semaphore_mem>>)
        } else {
        }
        %eq3A_209 = arith.constant 1 : i32
        %eq3A_210 = arith.cmpi eq, %select_n3A_114, %eq3A_209 : i32
        %convert_element_type3A_211 = arith.extui %eq3A_210 : i1 to i32
        %cond3A_212 = arith.constant 0 : i32
        %cond3A_213 = arith.cmpi ne, %convert_element_type3A_211, %cond3A_212 : i32
        scf.if %cond3A_213 {
          %add3A_214 = arith.constant 1 : i32
          %add3A_215 = arith.addi %add3A_103, %add3A_214 : i32
          %mul3A_216 = arith.constant 8 : i32
          %mul3A_217 = arith.muli %add3A_215, %mul3A_216 : i32
          %eq3A_218 = arith.constant 0 : i32
          %eq3A_219 = arith.cmpi eq, %arg0, %eq3A_218 : i32
          %convert_element_type3A_220 = arith.extui %eq3A_219 : i1 to i32
          %cond3A_221 = arith.constant 0 : i32
          %cond3A_222 = arith.cmpi ne, %convert_element_type3A_220, %cond3A_221 : i32
          scf.if %cond3A_222 {
            %dma_start3A_243 = arith.constant 0 : i32
            %dma_start3A_244 = arith.constant 0 : i32
            %dma_start3A_245 = arith.constant 0 : i32
            %dma_start3A_246 = arith.constant 0 : i32
            %dma_start3A_247 = tpu.memref_slice %arg9[%dma_start3A_243, %dma_start3A_244, %dma_start3A_245, %dma_start3A_246] : memref<2x8x2x56xi32, #tpu.memory_space<vmem>> -> memref<1x8x2x56xi32, #tpu.memory_space<vmem>>
            %dma_start3A_248 = tpu.memref_squeeze %dma_start3A_247 : memref<1x8x2x56xi32, #tpu.memory_space<vmem>> -> memref<8x2x56xi32, #tpu.memory_space<vmem>>
            %dma_start3A_249 = arith.constant 0 : i32
            %dma_start3A_250 = arith.constant 0 : i32
            %dma_start3A_251 = tpu.memref_slice %arg5[%arg1, %mul3A_217, %dma_start3A_249, %dma_start3A_250] : memref<16x184x2x56xi32, #tpu.memory_space<hbm>> -> memref<1x8x2x56xi32, #tpu.memory_space<hbm>>
            %dma_start3A_252 = tpu.memref_squeeze %dma_start3A_251 : memref<1x8x2x56xi32, #tpu.memory_space<hbm>> -> memref<8x2x56xi32, #tpu.memory_space<hbm>>
            %dma_start3A_253 = arith.constant 0 : i32
            %dma_start3A_254 = arith.constant 0 : i32
            %dma_start3A_255 = arith.constant 0 : i32
            %dma_start3A_256 = tpu.memref_slice %arg9[%dma_start3A_243, %dma_start3A_253, %dma_start3A_254, %dma_start3A_255] : memref<2x8x2x56xi32, #tpu.memory_space<vmem>> -> memref<1x8x2x56xi32, #tpu.memory_space<vmem>>
            %dma_start3A_257 = tpu.memref_squeeze %dma_start3A_256 : memref<1x8x2x56xi32, #tpu.memory_space<vmem>> -> memref<8x2x56xi32, #tpu.memory_space<vmem>>
            %dma_start3A_258 = arith.constant 0 : i32
            %dma_start3A_259 = arith.constant 0 : i32
            %dma_start3A_260 = tpu.memref_slice %arg5[%arg1, %mul3A_217, %dma_start3A_258, %dma_start3A_259] : memref<16x184x2x56xi32, #tpu.memory_space<hbm>> -> memref<1x8x2x56xi32, #tpu.memory_space<hbm>>
            %dma_start3A_261 = tpu.memref_squeeze %dma_start3A_260 : memref<1x8x2x56xi32, #tpu.memory_space<hbm>> -> memref<8x2x56xi32, #tpu.memory_space<hbm>>
            tpu.enqueue_dma source(%dma_start3A_261 : memref<8x2x56xi32, #tpu.memory_space<hbm>>) target(%dma_start3A_257 : memref<8x2x56xi32, #tpu.memory_space<vmem>>) target_semaphore(%arg21 : memref<!tpu.dma_semaphore, #tpu.memory_space<semaphore_mem>>)
            %dma_start3A_262 = arith.constant 0 : i32
            %dma_start3A_263 = arith.constant 0 : i32
            %dma_start3A_264 = arith.constant 0 : i32
            %dma_start3A_265 = arith.constant 0 : i32
            %dma_start3A_266 = tpu.memref_slice %arg10[%dma_start3A_262, %dma_start3A_263, %dma_start3A_264, %dma_start3A_265] : memref<2x8x2x56xi32, #tpu.memory_space<vmem>> -> memref<1x8x2x56xi32, #tpu.memory_space<vmem>>
            %dma_start3A_267 = tpu.memref_squeeze %dma_start3A_266 : memref<1x8x2x56xi32, #tpu.memory_space<vmem>> -> memref<8x2x56xi32, #tpu.memory_space<vmem>>
            %dma_start3A_268 = arith.constant 0 : i32
            %dma_start3A_269 = arith.constant 0 : i32
            %dma_start3A_270 = tpu.memref_slice %arg4[%arg1, %mul3A_217, %dma_start3A_268, %dma_start3A_269] : memref<16x184x2x56xi32, #tpu.memory_space<hbm>> -> memref<1x8x2x56xi32, #tpu.memory_space<hbm>>
            %dma_start3A_271 = tpu.memref_squeeze %dma_start3A_270 : memref<1x8x2x56xi32, #tpu.memory_space<hbm>> -> memref<8x2x56xi32, #tpu.memory_space<hbm>>
            %dma_start3A_272 = arith.constant 0 : i32
            %dma_start3A_273 = arith.constant 0 : i32
            %dma_start3A_274 = arith.constant 0 : i32
            %dma_start3A_275 = tpu.memref_slice %arg10[%dma_start3A_262, %dma_start3A_272, %dma_start3A_273, %dma_start3A_274] : memref<2x8x2x56xi32, #tpu.memory_space<vmem>> -> memref<1x8x2x56xi32, #tpu.memory_space<vmem>>
            %dma_start3A_276 = tpu.memref_squeeze %dma_start3A_275 : memref<1x8x2x56xi32, #tpu.memory_space<vmem>> -> memref<8x2x56xi32, #tpu.memory_space<vmem>>
            %dma_start3A_277 = arith.constant 0 : i32
            %dma_start3A_278 = arith.constant 0 : i32
            %dma_start3A_279 = tpu.memref_slice %arg4[%arg1, %mul3A_217, %dma_start3A_277, %dma_start3A_278] : memref<16x184x2x56xi32, #tpu.memory_space<hbm>> -> memref<1x8x2x56xi32, #tpu.memory_space<hbm>>
            %dma_start3A_280 = tpu.memref_squeeze %dma_start3A_279 : memref<1x8x2x56xi32, #tpu.memory_space<hbm>> -> memref<8x2x56xi32, #tpu.memory_space<hbm>>
            tpu.enqueue_dma source(%dma_start3A_280 : memref<8x2x56xi32, #tpu.memory_space<hbm>>) target(%dma_start3A_276 : memref<8x2x56xi32, #tpu.memory_space<vmem>>) target_semaphore(%arg21 : memref<!tpu.dma_semaphore, #tpu.memory_space<semaphore_mem>>)
          } else {
          }
          %ne3A_223 = arith.constant 0 : i32
          %ne3A_224 = arith.cmpi ne, %arg0, %ne3A_223 : i32
          %convert_element_type3A_225 = arith.extui %ne3A_224 : i1 to i32
          %cond3A_226 = arith.constant 0 : i32
          %cond3A_227 = arith.cmpi ne, %convert_element_type3A_225, %cond3A_226 : i32
          scf.if %cond3A_227 {
            %dma_start3A_243 = arith.constant 0 : i32
            %dma_start3A_244 = arith.constant 0 : i32
            %dma_start3A_245 = arith.constant 0 : i32
            %dma_start3A_246 = arith.constant 0 : i32
            %dma_start3A_247 = tpu.memref_slice %arg9[%dma_start3A_243, %dma_start3A_244, %dma_start3A_245, %dma_start3A_246] : memref<2x8x2x56xi32, #tpu.memory_space<vmem>> -> memref<1x8x2x56xi32, #tpu.memory_space<vmem>>
            %dma_start3A_248 = tpu.memref_squeeze %dma_start3A_247 : memref<1x8x2x56xi32, #tpu.memory_space<vmem>> -> memref<8x2x56xi32, #tpu.memory_space<vmem>>
            %dma_start3A_249 = arith.constant 0 : i32
            %dma_start3A_250 = arith.constant 0 : i32
            %dma_start3A_251 = tpu.memref_slice %arg4[%arg1, %mul3A_217, %dma_start3A_249, %dma_start3A_250] : memref<16x184x2x56xi32, #tpu.memory_space<hbm>> -> memref<1x8x2x56xi32, #tpu.memory_space<hbm>>
            %dma_start3A_252 = tpu.memref_squeeze %dma_start3A_251 : memref<1x8x2x56xi32, #tpu.memory_space<hbm>> -> memref<8x2x56xi32, #tpu.memory_space<hbm>>
            %dma_start3A_253 = arith.constant 0 : i32
            %dma_start3A_254 = arith.constant 0 : i32
            %dma_start3A_255 = arith.constant 0 : i32
            %dma_start3A_256 = tpu.memref_slice %arg9[%dma_start3A_243, %dma_start3A_253, %dma_start3A_254, %dma_start3A_255] : memref<2x8x2x56xi32, #tpu.memory_space<vmem>> -> memref<1x8x2x56xi32, #tpu.memory_space<vmem>>
            %dma_start3A_257 = tpu.memref_squeeze %dma_start3A_256 : memref<1x8x2x56xi32, #tpu.memory_space<vmem>> -> memref<8x2x56xi32, #tpu.memory_space<vmem>>
            %dma_start3A_258 = arith.constant 0 : i32
            %dma_start3A_259 = arith.constant 0 : i32
            %dma_start3A_260 = tpu.memref_slice %arg4[%arg1, %mul3A_217, %dma_start3A_258, %dma_start3A_259] : memref<16x184x2x56xi32, #tpu.memory_space<hbm>> -> memref<1x8x2x56xi32, #tpu.memory_space<hbm>>
            %dma_start3A_261 = tpu.memref_squeeze %dma_start3A_260 : memref<1x8x2x56xi32, #tpu.memory_space<hbm>> -> memref<8x2x56xi32, #tpu.memory_space<hbm>>
            tpu.enqueue_dma source(%dma_start3A_261 : memref<8x2x56xi32, #tpu.memory_space<hbm>>) target(%dma_start3A_257 : memref<8x2x56xi32, #tpu.memory_space<vmem>>) target_semaphore(%arg21 : memref<!tpu.dma_semaphore, #tpu.memory_space<semaphore_mem>>)
            %dma_start3A_262 = arith.constant 0 : i32
            %dma_start3A_263 = arith.constant 0 : i32
            %dma_start3A_264 = arith.constant 0 : i32
            %dma_start3A_265 = arith.constant 0 : i32
            %dma_start3A_266 = tpu.memref_slice %arg10[%dma_start3A_262, %dma_start3A_263, %dma_start3A_264, %dma_start3A_265] : memref<2x8x2x56xi32, #tpu.memory_space<vmem>> -> memref<1x8x2x56xi32, #tpu.memory_space<vmem>>
            %dma_start3A_267 = tpu.memref_squeeze %dma_start3A_266 : memref<1x8x2x56xi32, #tpu.memory_space<vmem>> -> memref<8x2x56xi32, #tpu.memory_space<vmem>>
            %dma_start3A_268 = arith.constant 0 : i32
            %dma_start3A_269 = arith.constant 0 : i32
            %dma_start3A_270 = tpu.memref_slice %arg5[%arg1, %mul3A_217, %dma_start3A_268, %dma_start3A_269] : memref<16x184x2x56xi32, #tpu.memory_space<hbm>> -> memref<1x8x2x56xi32, #tpu.memory_space<hbm>>
            %dma_start3A_271 = tpu.memref_squeeze %dma_start3A_270 : memref<1x8x2x56xi32, #tpu.memory_space<hbm>> -> memref<8x2x56xi32, #tpu.memory_space<hbm>>
            %dma_start3A_272 = arith.constant 0 : i32
            %dma_start3A_273 = arith.constant 0 : i32
            %dma_start3A_274 = arith.constant 0 : i32
            %dma_start3A_275 = tpu.memref_slice %arg10[%dma_start3A_262, %dma_start3A_272, %dma_start3A_273, %dma_start3A_274] : memref<2x8x2x56xi32, #tpu.memory_space<vmem>> -> memref<1x8x2x56xi32, #tpu.memory_space<vmem>>
            %dma_start3A_276 = tpu.memref_squeeze %dma_start3A_275 : memref<1x8x2x56xi32, #tpu.memory_space<vmem>> -> memref<8x2x56xi32, #tpu.memory_space<vmem>>
            %dma_start3A_277 = arith.constant 0 : i32
            %dma_start3A_278 = arith.constant 0 : i32
            %dma_start3A_279 = tpu.memref_slice %arg5[%arg1, %mul3A_217, %dma_start3A_277, %dma_start3A_278] : memref<16x184x2x56xi32, #tpu.memory_space<hbm>> -> memref<1x8x2x56xi32, #tpu.memory_space<hbm>>
            %dma_start3A_280 = tpu.memref_squeeze %dma_start3A_279 : memref<1x8x2x56xi32, #tpu.memory_space<hbm>> -> memref<8x2x56xi32, #tpu.memory_space<hbm>>
            tpu.enqueue_dma source(%dma_start3A_280 : memref<8x2x56xi32, #tpu.memory_space<hbm>>) target(%dma_start3A_276 : memref<8x2x56xi32, #tpu.memory_space<vmem>>) target_semaphore(%arg21 : memref<!tpu.dma_semaphore, #tpu.memory_space<semaphore_mem>>)
          } else {
          }
          %dma_start3A_228 = arith.constant 0 : i32
          %dma_start3A_229 = arith.constant 0 : i32
          %dma_start3A_230 = arith.constant 0 : i32
          %dma_start3A_231 = tpu.memref_slice %arg11[%dma_start3A_228, %dma_start3A_229, %dma_start3A_230] : memref<2x8x112xf32, #tpu.memory_space<vmem>> -> memref<1x8x112xf32, #tpu.memory_space<vmem>>
          %dma_start3A_232 = tpu.memref_squeeze %dma_start3A_231 : memref<1x8x112xf32, #tpu.memory_space<vmem>> -> memref<8x112xf32, #tpu.memory_space<vmem>>
          %dma_start3A_233 = arith.constant 0 : i32
          %dma_start3A_234 = tpu.memref_slice %arg6[%arg1, %mul3A_217, %dma_start3A_233] : memref<16x184x112xf32, #tpu.memory_space<hbm>> -> memref<1x8x112xf32, #tpu.memory_space<hbm>>
          %dma_start3A_235 = tpu.memref_squeeze %dma_start3A_234 : memref<1x8x112xf32, #tpu.memory_space<hbm>> -> memref<8x112xf32, #tpu.memory_space<hbm>>
          %dma_start3A_236 = arith.constant 0 : i32
          %dma_start3A_237 = arith.constant 0 : i32
          %dma_start3A_238 = tpu.memref_slice %arg11[%dma_start3A_228, %dma_start3A_236, %dma_start3A_237] : memref<2x8x112xf32, #tpu.memory_space<vmem>> -> memref<1x8x112xf32, #tpu.memory_space<vmem>>
          %dma_start3A_239 = tpu.memref_squeeze %dma_start3A_238 : memref<1x8x112xf32, #tpu.memory_space<vmem>> -> memref<8x112xf32, #tpu.memory_space<vmem>>
          %dma_start3A_240 = arith.constant 0 : i32
          %dma_start3A_241 = tpu.memref_slice %arg6[%arg1, %mul3A_217, %dma_start3A_240] : memref<16x184x112xf32, #tpu.memory_space<hbm>> -> memref<1x8x112xf32, #tpu.memory_space<hbm>>
          %dma_start3A_242 = tpu.memref_squeeze %dma_start3A_241 : memref<1x8x112xf32, #tpu.memory_space<hbm>> -> memref<8x112xf32, #tpu.memory_space<hbm>>
          tpu.enqueue_dma source(%dma_start3A_242 : memref<8x112xf32, #tpu.memory_space<hbm>>) target(%dma_start3A_239 : memref<8x112xf32, #tpu.memory_space<vmem>>) target_semaphore(%arg21 : memref<!tpu.dma_semaphore, #tpu.memory_space<semaphore_mem>>)
        } else {
        }
      } else {
      }
      %not3A = arith.constant true
      %not3A_134 = arith.xori %eq3A_116, %not3A : i1
      %convert_element_type3A_135 = arith.extui %not3A_134 : i1 to i32
      %cond3A_136 = arith.constant 0 : i32
      %cond3A_137 = arith.cmpi ne, %convert_element_type3A_135, %cond3A_136 : i32
      scf.if %cond3A_137 {
        %dma_wait3A_204 = arith.constant 0 : i32
        %dma_wait3A_205 = arith.constant 0 : i32
        %dma_wait3A_206 = arith.constant 0 : i32
        %dma_wait3A_207 = arith.constant 0 : i32
        %dma_wait3A_208 = arith.constant 0 : i32
        %dma_wait3A_209 = tpu.memref_slice %arg14[%dma_wait3A_207, %dma_wait3A_208] : memref<112x128xf32, #tpu.memory_space<vmem>> -> memref<56x128xf32, #tpu.memory_space<vmem>>
        %dma_wait3A_210 = arith.constant 0 : i32
        %dma_wait3A_211 = tpu.memref_slice %arg10[%dma_wait3A_204, %dma_wait3A_205, %dma_wait3A_206, %dma_wait3A_210] : memref<2x8x2x56xi32, #tpu.memory_space<vmem>> -> memref<1x1x1x56xi32, #tpu.memory_space<vmem>>
        %dma_wait3A_212 = tpu.memref_squeeze %dma_wait3A_211 : memref<1x1x1x56xi32, #tpu.memory_space<vmem>> -> memref<56xi32, #tpu.memory_space<vmem>>
        %dma_wait3A_213 = arith.constant 0 : i32
        %dma_wait3A_214 = arith.constant 0 : i32
        %dma_wait3A_215 = tpu.memref_slice %arg16[%dma_wait3A_213, %dma_wait3A_214] : memref<10112x128xf32, #tpu.memory_space<vmem_shared>> -> memref<10112x128xf32, #tpu.memory_space<vmem_shared>>
        tpu.wait_indirect_dma semaphore(%arg19 : memref<!tpu.dma_semaphore, #tpu.memory_space<semaphore_mem>>) src(%dma_wait3A_209 : memref<56x128xf32, #tpu.memory_space<vmem>>) dst(%dma_wait3A_215 : memref<10112x128xf32, #tpu.memory_space<vmem_shared>>)
        %dma_wait3A_216 = arith.constant 0 : i32
        %dma_wait3A_217 = arith.constant 0 : i32
        %dma_wait3A_218 = arith.constant 0 : i32
        %dma_wait3A_219 = arith.constant 56 : i32
        %dma_wait3A_220 = arith.constant 0 : i32
        %dma_wait3A_221 = tpu.memref_slice %arg14[%dma_wait3A_219, %dma_wait3A_220] : memref<112x128xf32, #tpu.memory_space<vmem>> -> memref<56x128xf32, #tpu.memory_space<vmem>>
        %dma_wait3A_222 = arith.constant 0 : i32
        %dma_wait3A_223 = tpu.memref_slice %arg10[%dma_wait3A_216, %dma_wait3A_217, %dma_wait3A_218, %dma_wait3A_222] : memref<2x8x2x56xi32, #tpu.memory_space<vmem>> -> memref<1x1x1x56xi32, #tpu.memory_space<vmem>>
        %dma_wait3A_224 = tpu.memref_squeeze %dma_wait3A_223 : memref<1x1x1x56xi32, #tpu.memory_space<vmem>> -> memref<56xi32, #tpu.memory_space<vmem>>
        %dma_wait3A_225 = arith.constant 0 : i32
        %dma_wait3A_226 = arith.constant 0 : i32
        %dma_wait3A_227 = tpu.memref_slice %arg16[%dma_wait3A_225, %dma_wait3A_226] : memref<10112x128xf32, #tpu.memory_space<vmem_shared>> -> memref<10112x128xf32, #tpu.memory_space<vmem_shared>>
        tpu.wait_indirect_dma semaphore(%arg19 : memref<!tpu.dma_semaphore, #tpu.memory_space<semaphore_mem>>) src(%dma_wait3A_221 : memref<56x128xf32, #tpu.memory_space<vmem>>) dst(%dma_wait3A_227 : memref<10112x128xf32, #tpu.memory_space<vmem_shared>>)
      } else {
      }
      %eq3A_138 = arith.constant 0 : i32
      %eq3A_139 = arith.cmpi eq, %arg0, %eq3A_138 : i32
      %convert_element_type3A_140 = arith.extui %eq3A_139 : i1 to i32
      %cond3A_141 = arith.constant 0 : i32
      %cond3A_142 = arith.constant 0 : i32
      %cond3A_143 = arith.constant 0 : i32
      %cond3A_144 = arith.cmpi ne, %convert_element_type3A_140, %cond3A_143 : i32
      scf.if %cond3A_144 {
        %dma_start3A_204 = arith.constant 0 : i32
        %dma_start3A_205 = arith.constant 0 : i32
        %dma_start3A_206 = tpu.memref_slice %arg12[%dma_start3A_204, %dma_start3A_205] : memref<112x128xbf16, #tpu.memory_space<vmem>> -> memref<56x128xbf16, #tpu.memory_space<vmem>>
        %dma_start3A_207 = arith.constant 0 : i32
        %dma_start3A_208 = tpu.memref_slice %arg9[%select_n3A_114, %cond3A_141, %cond3A_142, %dma_start3A_207] : memref<2x8x2x56xi32, #tpu.memory_space<vmem>> -> memref<1x1x1x56xi32, #tpu.memory_space<vmem>>
        %dma_start3A_209 = tpu.memref_squeeze %dma_start3A_208 : memref<1x1x1x56xi32, #tpu.memory_space<vmem>> -> memref<56xi32, #tpu.memory_space<vmem>>
        %dma_start3A_210 = arith.constant 0 : i32
        %dma_start3A_211 = arith.constant 0 : i32
        %dma_start3A_212 = tpu.memref_slice %arg2[%dma_start3A_210, %dma_start3A_211] : memref<10240x128xbf16, #tpu.memory_space<hbm>> -> memref<10240x128xbf16, #tpu.memory_space<hbm>>
        tpu.enqueue_indirect_dma source(%dma_start3A_212 : memref<10240x128xbf16, #tpu.memory_space<hbm>>) target(%dma_start3A_206 : memref<56x128xbf16, #tpu.memory_space<vmem>>) offsets(%dma_start3A_209 : memref<56xi32, #tpu.memory_space<vmem>>) semaphore(%arg17 : memref<!tpu.dma_semaphore, #tpu.memory_space<semaphore_mem>>)
      } else {
      }
      %ne3A_145 = arith.constant 0 : i32
      %ne3A_146 = arith.cmpi ne, %arg0, %ne3A_145 : i32
      %convert_element_type3A_147 = arith.extui %ne3A_146 : i1 to i32
      %cond3A_148 = arith.constant 0 : i32
      %cond3A_149 = arith.constant 0 : i32
      %cond3A_150 = arith.constant 0 : i32
      %cond3A_151 = arith.cmpi ne, %convert_element_type3A_147, %cond3A_150 : i32
      scf.if %cond3A_151 {
        %dma_start3A_204 = arith.constant 0 : i32
        %dma_start3A_205 = arith.constant 0 : i32
        %dma_start3A_206 = tpu.memref_slice %arg12[%dma_start3A_204, %dma_start3A_205] : memref<112x128xbf16, #tpu.memory_space<vmem>> -> memref<56x128xbf16, #tpu.memory_space<vmem>>
        %dma_start3A_207 = arith.constant 0 : i32
        %dma_start3A_208 = tpu.memref_slice %arg9[%select_n3A_114, %cond3A_148, %cond3A_149, %dma_start3A_207] : memref<2x8x2x56xi32, #tpu.memory_space<vmem>> -> memref<1x1x1x56xi32, #tpu.memory_space<vmem>>
        %dma_start3A_209 = tpu.memref_squeeze %dma_start3A_208 : memref<1x1x1x56xi32, #tpu.memory_space<vmem>> -> memref<56xi32, #tpu.memory_space<vmem>>
        %dma_start3A_210 = arith.constant 0 : i32
        %dma_start3A_211 = arith.constant 0 : i32
        %dma_start3A_212 = tpu.memref_slice %arg3[%dma_start3A_210, %dma_start3A_211] : memref<10240x128xbf16, #tpu.memory_space<hbm>> -> memref<10240x128xbf16, #tpu.memory_space<hbm>>
        tpu.enqueue_indirect_dma source(%dma_start3A_212 : memref<10240x128xbf16, #tpu.memory_space<hbm>>) target(%dma_start3A_206 : memref<56x128xbf16, #tpu.memory_space<vmem>>) offsets(%dma_start3A_209 : memref<56xi32, #tpu.memory_space<vmem>>) semaphore(%arg17 : memref<!tpu.dma_semaphore, #tpu.memory_space<semaphore_mem>>)
      } else {
      }
      %eq3A_152 = arith.constant 0 : i32
      %eq3A_153 = arith.cmpi eq, %arg0, %eq3A_152 : i32
      %convert_element_type3A_154 = arith.extui %eq3A_153 : i1 to i32
      %cond3A_155 = arith.constant 0 : i32
      %cond3A_156 = arith.constant 1 : i32
      %cond3A_157 = arith.constant 0 : i32
      %cond3A_158 = arith.cmpi ne, %convert_element_type3A_154, %cond3A_157 : i32
      scf.if %cond3A_158 {
        %dma_start3A_204 = arith.constant 56 : i32
        %dma_start3A_205 = arith.constant 0 : i32
        %dma_start3A_206 = tpu.memref_slice %arg12[%dma_start3A_204, %dma_start3A_205] : memref<112x128xbf16, #tpu.memory_space<vmem>> -> memref<56x128xbf16, #tpu.memory_space<vmem>>
        %dma_start3A_207 = arith.constant 0 : i32
        %dma_start3A_208 = tpu.memref_slice %arg9[%select_n3A_114, %cond3A_155, %cond3A_156, %dma_start3A_207] : memref<2x8x2x56xi32, #tpu.memory_space<vmem>> -> memref<1x1x1x56xi32, #tpu.memory_space<vmem>>
        %dma_start3A_209 = tpu.memref_squeeze %dma_start3A_208 : memref<1x1x1x56xi32, #tpu.memory_space<vmem>> -> memref<56xi32, #tpu.memory_space<vmem>>
        %dma_start3A_210 = arith.constant 0 : i32
        %dma_start3A_211 = arith.constant 0 : i32
        %dma_start3A_212 = tpu.memref_slice %arg2[%dma_start3A_210, %dma_start3A_211] : memref<10240x128xbf16, #tpu.memory_space<hbm>> -> memref<10240x128xbf16, #tpu.memory_space<hbm>>
        tpu.enqueue_indirect_dma source(%dma_start3A_212 : memref<10240x128xbf16, #tpu.memory_space<hbm>>) target(%dma_start3A_206 : memref<56x128xbf16, #tpu.memory_space<vmem>>) offsets(%dma_start3A_209 : memref<56xi32, #tpu.memory_space<vmem>>) semaphore(%arg17 : memref<!tpu.dma_semaphore, #tpu.memory_space<semaphore_mem>>)
      } else {
      }
      %ne3A_159 = arith.constant 0 : i32
      %ne3A_160 = arith.cmpi ne, %arg0, %ne3A_159 : i32
      %convert_element_type3A_161 = arith.extui %ne3A_160 : i1 to i32
      %cond3A_162 = arith.constant 0 : i32
      %cond3A_163 = arith.constant 1 : i32
      %cond3A_164 = arith.constant 0 : i32
      %cond3A_165 = arith.cmpi ne, %convert_element_type3A_161, %cond3A_164 : i32
      scf.if %cond3A_165 {
        %dma_start3A_204 = arith.constant 56 : i32
        %dma_start3A_205 = arith.constant 0 : i32
        %dma_start3A_206 = tpu.memref_slice %arg12[%dma_start3A_204, %dma_start3A_205] : memref<112x128xbf16, #tpu.memory_space<vmem>> -> memref<56x128xbf16, #tpu.memory_space<vmem>>
        %dma_start3A_207 = arith.constant 0 : i32
        %dma_start3A_208 = tpu.memref_slice %arg9[%select_n3A_114, %cond3A_162, %cond3A_163, %dma_start3A_207] : memref<2x8x2x56xi32, #tpu.memory_space<vmem>> -> memref<1x1x1x56xi32, #tpu.memory_space<vmem>>
        %dma_start3A_209 = tpu.memref_squeeze %dma_start3A_208 : memref<1x1x1x56xi32, #tpu.memory_space<vmem>> -> memref<56xi32, #tpu.memory_space<vmem>>
        %dma_start3A_210 = arith.constant 0 : i32
        %dma_start3A_211 = arith.constant 0 : i32
        %dma_start3A_212 = tpu.memref_slice %arg3[%dma_start3A_210, %dma_start3A_211] : memref<10240x128xbf16, #tpu.memory_space<hbm>> -> memref<10240x128xbf16, #tpu.memory_space<hbm>>
        tpu.enqueue_indirect_dma source(%dma_start3A_212 : memref<10240x128xbf16, #tpu.memory_space<hbm>>) target(%dma_start3A_206 : memref<56x128xbf16, #tpu.memory_space<vmem>>) offsets(%dma_start3A_209 : memref<56xi32, #tpu.memory_space<vmem>>) semaphore(%arg17 : memref<!tpu.dma_semaphore, #tpu.memory_space<semaphore_mem>>)
      } else {
      }
      %not3A_166 = arith.constant true
      %not3A_167 = arith.xori %eq3A_116, %not3A_166 : i1
      %convert_element_type3A_168 = arith.extui %not3A_167 : i1 to i32
      %cond3A_169 = arith.constant 0 : i32
      %cond3A_170 = arith.cmpi ne, %convert_element_type3A_168, %cond3A_169 : i32
      scf.if %cond3A_170 {
        %dma_wait3A_204 = arith.constant 0 : i32
        %dma_wait3A_205 = arith.constant 0 : i32
        %dma_wait3A_206 = arith.constant 0 : i32
        %dma_wait3A_207 = arith.constant 0 : i32
        %dma_wait3A_208 = arith.constant 0 : i32
        %dma_wait3A_209 = tpu.memref_slice %arg15[%dma_wait3A_207, %dma_wait3A_208] : memref<112x128xf32, #tpu.memory_space<vmem>> -> memref<56x128xf32, #tpu.memory_space<vmem>>
        %dma_wait3A_210 = arith.constant 0 : i32
        %dma_wait3A_211 = tpu.memref_slice %arg10[%dma_wait3A_204, %dma_wait3A_205, %dma_wait3A_206, %dma_wait3A_210] : memref<2x8x2x56xi32, #tpu.memory_space<vmem>> -> memref<1x1x1x56xi32, #tpu.memory_space<vmem>>
        %dma_wait3A_212 = tpu.memref_squeeze %dma_wait3A_211 : memref<1x1x1x56xi32, #tpu.memory_space<vmem>> -> memref<56xi32, #tpu.memory_space<vmem>>
        %dma_wait3A_213 = arith.constant 0 : i32
        %dma_wait3A_214 = arith.constant 0 : i32
        %dma_wait3A_215 = tpu.memref_slice %arg16[%dma_wait3A_213, %dma_wait3A_214] : memref<10112x128xf32, #tpu.memory_space<vmem_shared>> -> memref<10112x128xf32, #tpu.memory_space<vmem_shared>>
        tpu.wait_indirect_dma semaphore(%arg20 : memref<!tpu.dma_semaphore, #tpu.memory_space<semaphore_mem>>) src(%dma_wait3A_209 : memref<56x128xf32, #tpu.memory_space<vmem>>) dst(%dma_wait3A_215 : memref<10112x128xf32, #tpu.memory_space<vmem_shared>>)
        %dma_wait3A_216 = arith.constant 0 : i32
        %dma_wait3A_217 = arith.constant 0 : i32
        %dma_wait3A_218 = arith.constant 0 : i32
        %dma_wait3A_219 = arith.constant 56 : i32
        %dma_wait3A_220 = arith.constant 0 : i32
        %dma_wait3A_221 = tpu.memref_slice %arg15[%dma_wait3A_219, %dma_wait3A_220] : memref<112x128xf32, #tpu.memory_space<vmem>> -> memref<56x128xf32, #tpu.memory_space<vmem>>
        %dma_wait3A_222 = arith.constant 0 : i32
        %dma_wait3A_223 = tpu.memref_slice %arg10[%dma_wait3A_216, %dma_wait3A_217, %dma_wait3A_218, %dma_wait3A_222] : memref<2x8x2x56xi32, #tpu.memory_space<vmem>> -> memref<1x1x1x56xi32, #tpu.memory_space<vmem>>
        %dma_wait3A_224 = tpu.memref_squeeze %dma_wait3A_223 : memref<1x1x1x56xi32, #tpu.memory_space<vmem>> -> memref<56xi32, #tpu.memory_space<vmem>>
        %dma_wait3A_225 = arith.constant 0 : i32
        %dma_wait3A_226 = arith.constant 0 : i32
        %dma_wait3A_227 = tpu.memref_slice %arg16[%dma_wait3A_225, %dma_wait3A_226] : memref<10112x128xf32, #tpu.memory_space<vmem_shared>> -> memref<10112x128xf32, #tpu.memory_space<vmem_shared>>
        tpu.wait_indirect_dma semaphore(%arg20 : memref<!tpu.dma_semaphore, #tpu.memory_space<semaphore_mem>>) src(%dma_wait3A_221 : memref<56x128xf32, #tpu.memory_space<vmem>>) dst(%dma_wait3A_227 : memref<10112x128xf32, #tpu.memory_space<vmem_shared>>)
      } else {
      }
      %eq3A_171 = arith.constant 0 : i32
      %eq3A_172 = arith.cmpi eq, %arg0, %eq3A_171 : i32
      %convert_element_type3A_173 = arith.extui %eq3A_172 : i1 to i32
      %cond3A_174 = arith.constant 1 : i32
      %cond3A_175 = arith.constant 0 : i32
      %cond3A_176 = arith.constant 0 : i32
      %cond3A_177 = arith.cmpi ne, %convert_element_type3A_173, %cond3A_176 : i32
      scf.if %cond3A_177 {
        %dma_start3A_204 = arith.constant 0 : i32
        %dma_start3A_205 = arith.constant 0 : i32
        %dma_start3A_206 = tpu.memref_slice %arg13[%dma_start3A_204, %dma_start3A_205] : memref<112x128xbf16, #tpu.memory_space<vmem>> -> memref<56x128xbf16, #tpu.memory_space<vmem>>
        %dma_start3A_207 = arith.constant 0 : i32
        %dma_start3A_208 = tpu.memref_slice %arg9[%select_n3A_114, %cond3A_174, %cond3A_175, %dma_start3A_207] : memref<2x8x2x56xi32, #tpu.memory_space<vmem>> -> memref<1x1x1x56xi32, #tpu.memory_space<vmem>>
        %dma_start3A_209 = tpu.memref_squeeze %dma_start3A_208 : memref<1x1x1x56xi32, #tpu.memory_space<vmem>> -> memref<56xi32, #tpu.memory_space<vmem>>
        %dma_start3A_210 = arith.constant 0 : i32
        %dma_start3A_211 = arith.constant 0 : i32
        %dma_start3A_212 = tpu.memref_slice %arg2[%dma_start3A_210, %dma_start3A_211] : memref<10240x128xbf16, #tpu.memory_space<hbm>> -> memref<10240x128xbf16, #tpu.memory_space<hbm>>
        tpu.enqueue_indirect_dma source(%dma_start3A_212 : memref<10240x128xbf16, #tpu.memory_space<hbm>>) target(%dma_start3A_206 : memref<56x128xbf16, #tpu.memory_space<vmem>>) offsets(%dma_start3A_209 : memref<56xi32, #tpu.memory_space<vmem>>) semaphore(%arg18 : memref<!tpu.dma_semaphore, #tpu.memory_space<semaphore_mem>>)
      } else {
      }
      %ne3A_178 = arith.constant 0 : i32
      %ne3A_179 = arith.cmpi ne, %arg0, %ne3A_178 : i32
      %convert_element_type3A_180 = arith.extui %ne3A_179 : i1 to i32
      %cond3A_181 = arith.constant 1 : i32
      %cond3A_182 = arith.constant 0 : i32
      %cond3A_183 = arith.constant 0 : i32
      %cond3A_184 = arith.cmpi ne, %convert_element_type3A_180, %cond3A_183 : i32
      scf.if %cond3A_184 {
        %dma_start3A_204 = arith.constant 0 : i32
        %dma_start3A_205 = arith.constant 0 : i32
        %dma_start3A_206 = tpu.memref_slice %arg13[%dma_start3A_204, %dma_start3A_205] : memref<112x128xbf16, #tpu.memory_space<vmem>> -> memref<56x128xbf16, #tpu.memory_space<vmem>>
        %dma_start3A_207 = arith.constant 0 : i32
        %dma_start3A_208 = tpu.memref_slice %arg9[%select_n3A_114, %cond3A_181, %cond3A_182, %dma_start3A_207] : memref<2x8x2x56xi32, #tpu.memory_space<vmem>> -> memref<1x1x1x56xi32, #tpu.memory_space<vmem>>
        %dma_start3A_209 = tpu.memref_squeeze %dma_start3A_208 : memref<1x1x1x56xi32, #tpu.memory_space<vmem>> -> memref<56xi32, #tpu.memory_space<vmem>>
        %dma_start3A_210 = arith.constant 0 : i32
        %dma_start3A_211 = arith.constant 0 : i32
        %dma_start3A_212 = tpu.memref_slice %arg3[%dma_start3A_210, %dma_start3A_211] : memref<10240x128xbf16, #tpu.memory_space<hbm>> -> memref<10240x128xbf16, #tpu.memory_space<hbm>>
        tpu.enqueue_indirect_dma source(%dma_start3A_212 : memref<10240x128xbf16, #tpu.memory_space<hbm>>) target(%dma_start3A_206 : memref<56x128xbf16, #tpu.memory_space<vmem>>) offsets(%dma_start3A_209 : memref<56xi32, #tpu.memory_space<vmem>>) semaphore(%arg18 : memref<!tpu.dma_semaphore, #tpu.memory_space<semaphore_mem>>)
      } else {
      }
      %eq3A_185 = arith.constant 0 : i32
      %eq3A_186 = arith.cmpi eq, %arg0, %eq3A_185 : i32
      %convert_element_type3A_187 = arith.extui %eq3A_186 : i1 to i32
      %cond3A_188 = arith.constant 1 : i32
      %cond3A_189 = arith.constant 1 : i32
      %cond3A_190 = arith.constant 0 : i32
      %cond3A_191 = arith.cmpi ne, %convert_element_type3A_187, %cond3A_190 : i32
      scf.if %cond3A_191 {
        %dma_start3A_204 = arith.constant 56 : i32
        %dma_start3A_205 = arith.constant 0 : i32
        %dma_start3A_206 = tpu.memref_slice %arg13[%dma_start3A_204, %dma_start3A_205] : memref<112x128xbf16, #tpu.memory_space<vmem>> -> memref<56x128xbf16, #tpu.memory_space<vmem>>
        %dma_start3A_207 = arith.constant 0 : i32
        %dma_start3A_208 = tpu.memref_slice %arg9[%select_n3A_114, %cond3A_188, %cond3A_189, %dma_start3A_207] : memref<2x8x2x56xi32, #tpu.memory_space<vmem>> -> memref<1x1x1x56xi32, #tpu.memory_space<vmem>>
        %dma_start3A_209 = tpu.memref_squeeze %dma_start3A_208 : memref<1x1x1x56xi32, #tpu.memory_space<vmem>> -> memref<56xi32, #tpu.memory_space<vmem>>
        %dma_start3A_210 = arith.constant 0 : i32
        %dma_start3A_211 = arith.constant 0 : i32
        %dma_start3A_212 = tpu.memref_slice %arg2[%dma_start3A_210, %dma_start3A_211] : memref<10240x128xbf16, #tpu.memory_space<hbm>> -> memref<10240x128xbf16, #tpu.memory_space<hbm>>
        tpu.enqueue_indirect_dma source(%dma_start3A_212 : memref<10240x128xbf16, #tpu.memory_space<hbm>>) target(%dma_start3A_206 : memref<56x128xbf16, #tpu.memory_space<vmem>>) offsets(%dma_start3A_209 : memref<56xi32, #tpu.memory_space<vmem>>) semaphore(%arg18 : memref<!tpu.dma_semaphore, #tpu.memory_space<semaphore_mem>>)
      } else {
      }
      %ne3A_192 = arith.constant 0 : i32
      %ne3A_193 = arith.cmpi ne, %arg0, %ne3A_192 : i32
      %convert_element_type3A_194 = arith.extui %ne3A_193 : i1 to i32
      %cond3A_195 = arith.constant 1 : i32
      %cond3A_196 = arith.constant 1 : i32
      %cond3A_197 = arith.constant 0 : i32
      %cond3A_198 = arith.cmpi ne, %convert_element_type3A_194, %cond3A_197 : i32
      scf.if %cond3A_198 {
        %dma_start3A_204 = arith.constant 56 : i32
        %dma_start3A_205 = arith.constant 0 : i32
        %dma_start3A_206 = tpu.memref_slice %arg13[%dma_start3A_204, %dma_start3A_205] : memref<112x128xbf16, #tpu.memory_space<vmem>> -> memref<56x128xbf16, #tpu.memory_space<vmem>>
        %dma_start3A_207 = arith.constant 0 : i32
        %dma_start3A_208 = tpu.memref_slice %arg9[%select_n3A_114, %cond3A_195, %cond3A_196, %dma_start3A_207] : memref<2x8x2x56xi32, #tpu.memory_space<vmem>> -> memref<1x1x1x56xi32, #tpu.memory_space<vmem>>
        %dma_start3A_209 = tpu.memref_squeeze %dma_start3A_208 : memref<1x1x1x56xi32, #tpu.memory_space<vmem>> -> memref<56xi32, #tpu.memory_space<vmem>>
        %dma_start3A_210 = arith.constant 0 : i32
        %dma_start3A_211 = arith.constant 0 : i32
        %dma_start3A_212 = tpu.memref_slice %arg3[%dma_start3A_210, %dma_start3A_211] : memref<10240x128xbf16, #tpu.memory_space<hbm>> -> memref<10240x128xbf16, #tpu.memory_space<hbm>>
        tpu.enqueue_indirect_dma source(%dma_start3A_212 : memref<10240x128xbf16, #tpu.memory_space<hbm>>) target(%dma_start3A_206 : memref<56x128xbf16, #tpu.memory_space<vmem>>) offsets(%dma_start3A_209 : memref<56xi32, #tpu.memory_space<vmem>>) semaphore(%arg18 : memref<!tpu.dma_semaphore, #tpu.memory_space<semaphore_mem>>)
      } else {
      }
      %scan3A_199 = arith.constant 0 : i32
      %scan3A_200 = arith.constant 4 : i32
      %scan3A_201 = arith.addi %scan3A_199, %scan3A_200 : i32
      %scan3A_202 = arith.constant 1 : i32
      scf.for %scan3A_204 = %scan3A_199 to %scan3A_201 step %scan3A_202  : i32 {
        %mul3A_205 = arith.constant 1 : i32
        %mul3A_206 = arith.muli %scan3A_204, %mul3A_205 : i32
        %add3A_207 = arith.constant 0 : i32
        %add3A_208 = arith.addi %add3A_207, %mul3A_206 : i32
        %mul3A_209 = arith.constant 2 : i32
        %mul3A_210 = arith.muli %mul3A_209, %add3A_208 : i32
        %add3A_211 = arith.constant 0 : i32
        %add3A_212 = arith.addi %mul3A_210, %add3A_211 : i32
        %dma_wait3A_213 = arith.constant 0 : i32
        %dma_wait3A_214 = arith.constant 0 : i32
        %dma_wait3A_215 = arith.constant 0 : i32
        %dma_wait3A_216 = arith.constant 0 : i32
        %dma_wait3A_217 = arith.constant 0 : i32
        %dma_wait3A_218 = tpu.memref_slice %arg12[%dma_wait3A_216, %dma_wait3A_217] : memref<112x128xbf16, #tpu.memory_space<vmem>> -> memref<56x128xbf16, #tpu.memory_space<vmem>>
        %dma_wait3A_219 = arith.constant 0 : i32
        %dma_wait3A_220 = tpu.memref_slice %arg9[%dma_wait3A_213, %dma_wait3A_214, %dma_wait3A_215, %dma_wait3A_219] : memref<2x8x2x56xi32, #tpu.memory_space<vmem>> -> memref<1x1x1x56xi32, #tpu.memory_space<vmem>>
        %dma_wait3A_221 = tpu.memref_squeeze %dma_wait3A_220 : memref<1x1x1x56xi32, #tpu.memory_space<vmem>> -> memref<56xi32, #tpu.memory_space<vmem>>
        %dma_wait3A_222 = arith.constant 0 : i32
        %dma_wait3A_223 = arith.constant 0 : i32
        %dma_wait3A_224 = tpu.memref_slice %arg2[%dma_wait3A_222, %dma_wait3A_223] : memref<10240x128xbf16, #tpu.memory_space<hbm>> -> memref<10240x128xbf16, #tpu.memory_space<hbm>>
        tpu.wait_indirect_dma semaphore(%arg17 : memref<!tpu.dma_semaphore, #tpu.memory_space<semaphore_mem>>) src(%dma_wait3A_224 : memref<10240x128xbf16, #tpu.memory_space<hbm>>) dst(%dma_wait3A_218 : memref<56x128xbf16, #tpu.memory_space<vmem>>)
        %dma_wait3A_225 = arith.constant 0 : i32
        %dma_wait3A_226 = arith.constant 0 : i32
        %dma_wait3A_227 = arith.constant 0 : i32
        %dma_wait3A_228 = arith.constant 56 : i32
        %dma_wait3A_229 = arith.constant 0 : i32
        %dma_wait3A_230 = tpu.memref_slice %arg12[%dma_wait3A_228, %dma_wait3A_229] : memref<112x128xbf16, #tpu.memory_space<vmem>> -> memref<56x128xbf16, #tpu.memory_space<vmem>>
        %dma_wait3A_231 = arith.constant 0 : i32
        %dma_wait3A_232 = tpu.memref_slice %arg9[%dma_wait3A_225, %dma_wait3A_226, %dma_wait3A_227, %dma_wait3A_231] : memref<2x8x2x56xi32, #tpu.memory_space<vmem>> -> memref<1x1x1x56xi32, #tpu.memory_space<vmem>>
        %dma_wait3A_233 = tpu.memref_squeeze %dma_wait3A_232 : memref<1x1x1x56xi32, #tpu.memory_space<vmem>> -> memref<56xi32, #tpu.memory_space<vmem>>
        %dma_wait3A_234 = arith.constant 0 : i32
        %dma_wait3A_235 = arith.constant 0 : i32
        %dma_wait3A_236 = tpu.memref_slice %arg2[%dma_wait3A_234, %dma_wait3A_235] : memref<10240x128xbf16, #tpu.memory_space<hbm>> -> memref<10240x128xbf16, #tpu.memory_space<hbm>>
        tpu.wait_indirect_dma semaphore(%arg17 : memref<!tpu.dma_semaphore, #tpu.memory_space<semaphore_mem>>) src(%dma_wait3A_236 : memref<10240x128xbf16, #tpu.memory_space<hbm>>) dst(%dma_wait3A_230 : memref<56x128xbf16, #tpu.memory_space<vmem>>)
        %gt3A = arith.constant 0 : i32
        %gt3A_237 = arith.cmpi sgt, %add3A_208, %gt3A : i32
        %convert_element_type3A_238 = arith.extui %gt3A_237 : i1 to i32
        %cond3A_239 = arith.constant 0 : i32
        %cond3A_240 = arith.cmpi ne, %convert_element_type3A_238, %cond3A_239 : i32
        scf.if %cond3A_240 {
          %dma_wait3A_338 = arith.constant 0 : i32
          %dma_wait3A_339 = arith.constant 0 : i32
          %dma_wait3A_340 = arith.constant 0 : i32
          %dma_wait3A_341 = arith.constant 0 : i32
          %dma_wait3A_342 = arith.constant 0 : i32
          %dma_wait3A_343 = tpu.memref_slice %arg14[%dma_wait3A_341, %dma_wait3A_342] : memref<112x128xf32, #tpu.memory_space<vmem>> -> memref<56x128xf32, #tpu.memory_space<vmem>>
          %dma_wait3A_344 = arith.constant 0 : i32
          %dma_wait3A_345 = tpu.memref_slice %arg10[%dma_wait3A_338, %dma_wait3A_339, %dma_wait3A_340, %dma_wait3A_344] : memref<2x8x2x56xi32, #tpu.memory_space<vmem>> -> memref<1x1x1x56xi32, #tpu.memory_space<vmem>>
          %dma_wait3A_346 = tpu.memref_squeeze %dma_wait3A_345 : memref<1x1x1x56xi32, #tpu.memory_space<vmem>> -> memref<56xi32, #tpu.memory_space<vmem>>
          %dma_wait3A_347 = arith.constant 0 : i32
          %dma_wait3A_348 = arith.constant 0 : i32
          %dma_wait3A_349 = tpu.memref_slice %arg16[%dma_wait3A_347, %dma_wait3A_348] : memref<10112x128xf32, #tpu.memory_space<vmem_shared>> -> memref<10112x128xf32, #tpu.memory_space<vmem_shared>>
          tpu.wait_indirect_dma semaphore(%arg19 : memref<!tpu.dma_semaphore, #tpu.memory_space<semaphore_mem>>) src(%dma_wait3A_343 : memref<56x128xf32, #tpu.memory_space<vmem>>) dst(%dma_wait3A_349 : memref<10112x128xf32, #tpu.memory_space<vmem_shared>>)
          %dma_wait3A_350 = arith.constant 0 : i32
          %dma_wait3A_351 = arith.constant 0 : i32
          %dma_wait3A_352 = arith.constant 0 : i32
          %dma_wait3A_353 = arith.constant 56 : i32
          %dma_wait3A_354 = arith.constant 0 : i32
          %dma_wait3A_355 = tpu.memref_slice %arg14[%dma_wait3A_353, %dma_wait3A_354] : memref<112x128xf32, #tpu.memory_space<vmem>> -> memref<56x128xf32, #tpu.memory_space<vmem>>
          %dma_wait3A_356 = arith.constant 0 : i32
          %dma_wait3A_357 = tpu.memref_slice %arg10[%dma_wait3A_350, %dma_wait3A_351, %dma_wait3A_352, %dma_wait3A_356] : memref<2x8x2x56xi32, #tpu.memory_space<vmem>> -> memref<1x1x1x56xi32, #tpu.memory_space<vmem>>
          %dma_wait3A_358 = tpu.memref_squeeze %dma_wait3A_357 : memref<1x1x1x56xi32, #tpu.memory_space<vmem>> -> memref<56xi32, #tpu.memory_space<vmem>>
          %dma_wait3A_359 = arith.constant 0 : i32
          %dma_wait3A_360 = arith.constant 0 : i32
          %dma_wait3A_361 = tpu.memref_slice %arg16[%dma_wait3A_359, %dma_wait3A_360] : memref<10112x128xf32, #tpu.memory_space<vmem_shared>> -> memref<10112x128xf32, #tpu.memory_space<vmem_shared>>
          tpu.wait_indirect_dma semaphore(%arg19 : memref<!tpu.dma_semaphore, #tpu.memory_space<semaphore_mem>>) src(%dma_wait3A_355 : memref<56x128xf32, #tpu.memory_space<vmem>>) dst(%dma_wait3A_361 : memref<10112x128xf32, #tpu.memory_space<vmem_shared>>)
        } else {
        }
        %scan3A_241 = arith.constant 0 : i32
        %scan3A_242 = arith.constant 7 : i32
        %scan3A_243 = arith.addi %scan3A_241, %scan3A_242 : i32
        %scan3A_244 = arith.constant 1 : i32
        scf.for %scan3A_338 = %scan3A_241 to %scan3A_243 step %scan3A_244  : i32 {
          %mul3A_339 = arith.constant 1 : i32
          %mul3A_340 = arith.muli %scan3A_338, %mul3A_339 : i32
          %add3A_341 = arith.constant 0 : i32
          %add3A_342 = arith.addi %add3A_341, %mul3A_340 : i32
          %mul3A_343 = arith.constant 16 : i32
          %mul3A_344 = arith.muli %add3A_342, %mul3A_343 : i32
          %get3A = arith.index_cast %select_n3A_114 : i32 to index
          %get3A_345 = arith.index_cast %add3A_212 : i32 to index
          %get3A_346 = arith.index_cast %mul3A_344 : i32 to index
          %get3A_347 = tpu.vector_load %arg11[%get3A, %get3A_345, %get3A_346] {strides = array<i32>} : memref<2x8x112xf32, #tpu.memory_space<vmem>>, vector<16xf32>,
          %slice3A = vector.extract_strided_slice %get3A_347 {offsets = [0], sizes = [1], strides = [1]} : vector<16xf32> to vector<1xf32>
          %squeeze3A = vector.extract %slice3A[0] : f32 from vector<1xf32>
          %broadcast_in_dim3A_348 = vector.broadcast %squeeze3A : f32 to vector<16xf32>
          %mul3A_349 = arith.constant 16 : i32
          %mul3A_350 = arith.muli %add3A_342, %mul3A_349 : i32
          %add3A_351 = arith.constant 0 : i32
          %add3A_352 = arith.addi %mul3A_350, %add3A_351 : i32
          %get3A_353 = arith.index_cast %add3A_352 : i32 to index
          %get3A_354 = arith.constant 0 : index
          %get3A_355 = tpu.vector_load %arg12[%get3A_353, %get3A_354] {strides = array<i32>} : memref<112x128xbf16, #tpu.memory_space<vmem>>, vector<32xbf16>,
          %bitcast3A = vector.bitcast %get3A_355 : vector<32xbf16> to vector<16xi32>
          %shift_left3A = arith.constant 16 : i32
          %shift_left3A_356 = vector.broadcast %shift_left3A : i32 to vector<16xi32>
          %shift_left3A_357 = arith.shli %bitcast3A, %shift_left3A_356 : vector<16xi32>
          %bitcast3A_358 = vector.bitcast %shift_left3A_357 : vector<16xi32> to vector<16xf32>
          %and3A_359 = vector.broadcast %scan3A_35 : i32 to vector<16xi32>
          %and3A_360 = arith.andi %bitcast3A, %and3A_359 : vector<16xi32>
          %bitcast3A_361 = vector.bitcast %and3A_360 : vector<16xi32> to vector<16xf32>
          %mul3A_362 = arith.mulf %bitcast3A_358, %broadcast_in_dim3A_348 : vector<16xf32>
          %swap3A = arith.index_cast %add3A_352 : i32 to index
          %swap3A_363 = arith.constant 0 : index
          %swap3A_364 = tpu.vector_load %arg14[%swap3A, %swap3A_363] {strides = array<i32>} : memref<112x128xf32, #tpu.memory_space<vmem>>, vector<16xf32>,
          tpu.vector_store %arg14[%swap3A, %swap3A_363], %mul3A_362 {strides = array<i32>} : memref<112x128xf32, #tpu.memory_space<vmem>>, vector<16xf32>,
          %mul3A_365 = arith.mulf %bitcast3A_361, %broadcast_in_dim3A_348 : vector<16xf32>
          %swap3A_366 = arith.index_cast %add3A_352 : i32 to index
          %swap3A_367 = arith.constant 16 : index
          %swap3A_368 = tpu.vector_load %arg14[%swap3A_366, %swap3A_367] {strides = array<i32>} : memref<112x128xf32, #tpu.memory_space<vmem>>, vector<16xf32>,
          tpu.vector_store %arg14[%swap3A_366, %swap3A_367], %mul3A_365 {strides = array<i32>} : memref<112x128xf32, #tpu.memory_space<vmem>>, vector<16xf32>,
          %get3A_369 = arith.index_cast %add3A_352 : i32 to index
          %get3A_370 = arith.constant 32 : index
          %get3A_371 = tpu.vector_load %arg12[%get3A_369, %get3A_370] {strides = array<i32>} : memref<112x128xbf16, #tpu.memory_space<vmem>>, vector<32xbf16>,
          %bitcast3A_372 = vector.bitcast %get3A_371 : vector<32xbf16> to vector<16xi32>
          %shift_left3A_373 = arith.constant 16 : i32
          %shift_left3A_374 = vector.broadcast %shift_left3A_373 : i32 to vector<16xi32>
          %shift_left3A_375 = arith.shli %bitcast3A_372, %shift_left3A_374 : vector<16xi32>
          %bitcast3A_376 = vector.bitcast %shift_left3A_375 : vector<16xi32> to vector<16xf32>
          %and3A_377 = vector.broadcast %scan3A_35 : i32 to vector<16xi32>
          %and3A_378 = arith.andi %bitcast3A_372, %and3A_377 : vector<16xi32>
          %bitcast3A_379 = vector.bitcast %and3A_378 : vector<16xi32> to vector<16xf32>
          %mul3A_380 = arith.mulf %bitcast3A_376, %broadcast_in_dim3A_348 : vector<16xf32>
          %swap3A_381 = arith.index_cast %add3A_352 : i32 to index
          %swap3A_382 = arith.constant 32 : index
          %swap3A_383 = tpu.vector_load %arg14[%swap3A_381, %swap3A_382] {strides = array<i32>} : memref<112x128xf32, #tpu.memory_space<vmem>>, vector<16xf32>,
          tpu.vector_store %arg14[%swap3A_381, %swap3A_382], %mul3A_380 {strides = array<i32>} : memref<112x128xf32, #tpu.memory_space<vmem>>, vector<16xf32>,
          %mul3A_384 = arith.mulf %bitcast3A_379, %broadcast_in_dim3A_348 : vector<16xf32>
          %swap3A_385 = arith.index_cast %add3A_352 : i32 to index
          %swap3A_386 = arith.constant 48 : index
          %swap3A_387 = tpu.vector_load %arg14[%swap3A_385, %swap3A_386] {strides = array<i32>} : memref<112x128xf32, #tpu.memory_space<vmem>>, vector<16xf32>,
          tpu.vector_store %arg14[%swap3A_385, %swap3A_386], %mul3A_384 {strides = array<i32>} : memref<112x128xf32, #tpu.memory_space<vmem>>, vector<16xf32>,
          %get3A_388 = arith.index_cast %add3A_352 : i32 to index
          %get3A_389 = arith.constant 64 : index
          %get3A_390 = tpu.vector_load %arg12[%get3A_388, %get3A_389] {strides = array<i32>} : memref<112x128xbf16, #tpu.memory_space<vmem>>, vector<32xbf16>,
          %bitcast3A_391 = vector.bitcast %get3A_390 : vector<32xbf16> to vector<16xi32>
          %shift_left3A_392 = arith.constant 16 : i32
          %shift_left3A_393 = vector.broadcast %shift_left3A_392 : i32 to vector<16xi32>
          %shift_left3A_394 = arith.shli %bitcast3A_391, %shift_left3A_393 : vector<16xi32>
          %bitcast3A_395 = vector.bitcast %shift_left3A_394 : vector<16xi32> to vector<16xf32>
          %and3A_396 = vector.broadcast %scan3A_35 : i32 to vector<16xi32>
          %and3A_397 = arith.andi %bitcast3A_391, %and3A_396 : vector<16xi32>
          %bitcast3A_398 = vector.bitcast %and3A_397 : vector<16xi32> to vector<16xf32>
          %mul3A_399 = arith.mulf %bitcast3A_395, %broadcast_in_dim3A_348 : vector<16xf32>
          %swap3A_400 = arith.index_cast %add3A_352 : i32 to index
          %swap3A_401 = arith.constant 64 : index
          %swap3A_402 = tpu.vector_load %arg14[%swap3A_400, %swap3A_401] {strides = array<i32>} : memref<112x128xf32, #tpu.memory_space<vmem>>, vector<16xf32>,
          tpu.vector_store %arg14[%swap3A_400, %swap3A_401], %mul3A_399 {strides = array<i32>} : memref<112x128xf32, #tpu.memory_space<vmem>>, vector<16xf32>,
          %mul3A_403 = arith.mulf %bitcast3A_398, %broadcast_in_dim3A_348 : vector<16xf32>
          %swap3A_404 = arith.index_cast %add3A_352 : i32 to index
          %swap3A_405 = arith.constant 80 : index
          %swap3A_406 = tpu.vector_load %arg14[%swap3A_404, %swap3A_405] {strides = array<i32>} : memref<112x128xf32, #tpu.memory_space<vmem>>, vector<16xf32>,
          tpu.vector_store %arg14[%swap3A_404, %swap3A_405], %mul3A_403 {strides = array<i32>} : memref<112x128xf32, #tpu.memory_space<vmem>>, vector<16xf32>,
          %get3A_407 = arith.index_cast %add3A_352 : i32 to index
          %get3A_408 = arith.constant 96 : index
          %get3A_409 = tpu.vector_load %arg12[%get3A_407, %get3A_408] {strides = array<i32>} : memref<112x128xbf16, #tpu.memory_space<vmem>>, vector<32xbf16>,
          %bitcast3A_410 = vector.bitcast %get3A_409 : vector<32xbf16> to vector<16xi32>
          %shift_left3A_411 = arith.constant 16 : i32
          %shift_left3A_412 = vector.broadcast %shift_left3A_411 : i32 to vector<16xi32>
          %shift_left3A_413 = arith.shli %bitcast3A_410, %shift_left3A_412 : vector<16xi32>
          %bitcast3A_414 = vector.bitcast %shift_left3A_413 : vector<16xi32> to vector<16xf32>
          %and3A_415 = vector.broadcast %scan3A_35 : i32 to vector<16xi32>
          %and3A_416 = arith.andi %bitcast3A_410, %and3A_415 : vector<16xi32>
          %bitcast3A_417 = vector.bitcast %and3A_416 : vector<16xi32> to vector<16xf32>
          %mul3A_418 = arith.mulf %bitcast3A_414, %broadcast_in_dim3A_348 : vector<16xf32>
          %swap3A_419 = arith.index_cast %add3A_352 : i32 to index
          %swap3A_420 = arith.constant 96 : index
          %swap3A_421 = tpu.vector_load %arg14[%swap3A_419, %swap3A_420] {strides = array<i32>} : memref<112x128xf32, #tpu.memory_space<vmem>>, vector<16xf32>,
          tpu.vector_store %arg14[%swap3A_419, %swap3A_420], %mul3A_418 {strides = array<i32>} : memref<112x128xf32, #tpu.memory_space<vmem>>, vector<16xf32>,
          %mul3A_422 = arith.mulf %bitcast3A_417, %broadcast_in_dim3A_348 : vector<16xf32>
          %swap3A_423 = arith.index_cast %add3A_352 : i32 to index
          %swap3A_424 = arith.constant 112 : index
          %swap3A_425 = tpu.vector_load %arg14[%swap3A_423, %swap3A_424] {strides = array<i32>} : memref<112x128xf32, #tpu.memory_space<vmem>>, vector<16xf32>,
          tpu.vector_store %arg14[%swap3A_423, %swap3A_424], %mul3A_422 {strides = array<i32>} : memref<112x128xf32, #tpu.memory_space<vmem>>, vector<16xf32>,
          %slice3A_426 = vector.extract_strided_slice %get3A_347 {offsets = [1], sizes = [1], strides = [1]} : vector<16xf32> to vector<1xf32>
          %squeeze3A_427 = vector.extract %slice3A_426[0] : f32 from vector<1xf32>
          %broadcast_in_dim3A_428 = vector.broadcast %squeeze3A_427 : f32 to vector<16xf32>
          %mul3A_429 = arith.constant 16 : i32
          %mul3A_430 = arith.muli %add3A_342, %mul3A_429 : i32
          %add3A_431 = arith.constant 1 : i32
          %add3A_432 = arith.addi %mul3A_430, %add3A_431 : i32
          %get3A_433 = arith.index_cast %add3A_432 : i32 to index
          %get3A_434 = arith.constant 0 : index
          %get3A_435 = tpu.vector_load %arg12[%get3A_433, %get3A_434] {strides = array<i32>} : memref<112x128xbf16, #tpu.memory_space<vmem>>, vector<32xbf16>,
          %bitcast3A_436 = vector.bitcast %get3A_435 : vector<32xbf16> to vector<16xi32>
          %shift_left3A_437 = arith.constant 16 : i32
          %shift_left3A_438 = vector.broadcast %shift_left3A_437 : i32 to vector<16xi32>
          %shift_left3A_439 = arith.shli %bitcast3A_436, %shift_left3A_438 : vector<16xi32>
          %bitcast3A_440 = vector.bitcast %shift_left3A_439 : vector<16xi32> to vector<16xf32>
          %and3A_441 = vector.broadcast %scan3A_35 : i32 to vector<16xi32>
          %and3A_442 = arith.andi %bitcast3A_436, %and3A_441 : vector<16xi32>
          %bitcast3A_443 = vector.bitcast %and3A_442 : vector<16xi32> to vector<16xf32>
          %mul3A_444 = arith.mulf %bitcast3A_440, %broadcast_in_dim3A_428 : vector<16xf32>
          %swap3A_445 = arith.index_cast %add3A_432 : i32 to index
          %swap3A_446 = arith.constant 0 : index
          %swap3A_447 = tpu.vector_load %arg14[%swap3A_445, %swap3A_446] {strides = array<i32>} : memref<112x128xf32, #tpu.memory_space<vmem>>, vector<16xf32>,
          tpu.vector_store %arg14[%swap3A_445, %swap3A_446], %mul3A_444 {strides = array<i32>} : memref<112x128xf32, #tpu.memory_space<vmem>>, vector<16xf32>,
          %mul3A_448 = arith.mulf %bitcast3A_443, %broadcast_in_dim3A_428 : vector<16xf32>
          %swap3A_449 = arith.index_cast %add3A_432 : i32 to index
          %swap3A_450 = arith.constant 16 : index
          %swap3A_451 = tpu.vector_load %arg14[%swap3A_449, %swap3A_450] {strides = array<i32>} : memref<112x128xf32, #tpu.memory_space<vmem>>, vector<16xf32>,
          tpu.vector_store %arg14[%swap3A_449, %swap3A_450], %mul3A_448 {strides = array<i32>} : memref<112x128xf32, #tpu.memory_space<vmem>>, vector<16xf32>,
          %get3A_452 = arith.index_cast %add3A_432 : i32 to index
          %get3A_453 = arith.constant 32 : index
          %get3A_454 = tpu.vector_load %arg12[%get3A_452, %get3A_453] {strides = array<i32>} : memref<112x128xbf16, #tpu.memory_space<vmem>>, vector<32xbf16>,
          %bitcast3A_455 = vector.bitcast %get3A_454 : vector<32xbf16> to vector<16xi32>
          %shift_left3A_456 = arith.constant 16 : i32
          %shift_left3A_457 = vector.broadcast %shift_left3A_456 : i32 to vector<16xi32>
          %shift_left3A_458 = arith.shli %bitcast3A_455, %shift_left3A_457 : vector<16xi32>
          %bitcast3A_459 = vector.bitcast %shift_left3A_458 : vector<16xi32> to vector<16xf32>
          %and3A_460 = vector.broadcast %scan3A_35 : i32 to vector<16xi32>
          %and3A_461 = arith.andi %bitcast3A_455, %and3A_460 : vector<16xi32>
          %bitcast3A_462 = vector.bitcast %and3A_461 : vector<16xi32> to vector<16xf32>
          %mul3A_463 = arith.mulf %bitcast3A_459, %broadcast_in_dim3A_428 : vector<16xf32>
          %swap3A_464 = arith.index_cast %add3A_432 : i32 to index
          %swap3A_465 = arith.constant 32 : index
          %swap3A_466 = tpu.vector_load %arg14[%swap3A_464, %swap3A_465] {strides = array<i32>} : memref<112x128xf32, #tpu.memory_space<vmem>>, vector<16xf32>,
          tpu.vector_store %arg14[%swap3A_464, %swap3A_465], %mul3A_463 {strides = array<i32>} : memref<112x128xf32, #tpu.memory_space<vmem>>, vector<16xf32>,
          %mul3A_467 = arith.mulf %bitcast3A_462, %broadcast_in_dim3A_428 : vector<16xf32>
          %swap3A_468 = arith.index_cast %add3A_432 : i32 to index
          %swap3A_469 = arith.constant 48 : index
          %swap3A_470 = tpu.vector_load %arg14[%swap3A_468, %swap3A_469] {strides = array<i32>} : memref<112x128xf32, #tpu.memory_space<vmem>>, vector<16xf32>,
          tpu.vector_store %arg14[%swap3A_468, %swap3A_469], %mul3A_467 {strides = array<i32>} : memref<112x128xf32, #tpu.memory_space<vmem>>, vector<16xf32>,
          %get3A_471 = arith.index_cast %add3A_432 : i32 to index
          %get3A_472 = arith.constant 64 : index
          %get3A_473 = tpu.vector_load %arg12[%get3A_471, %get3A_472] {strides = array<i32>} : memref<112x128xbf16, #tpu.memory_space<vmem>>, vector<32xbf16>,
          %bitcast3A_474 = vector.bitcast %get3A_473 : vector<32xbf16> to vector<16xi32>
          %shift_left3A_475 = arith.constant 16 : i32
          %shift_left3A_476 = vector.broadcast %shift_left3A_475 : i32 to vector<16xi32>
          %shift_left3A_477 = arith.shli %bitcast3A_474, %shift_left3A_476 : vector<16xi32>
          %bitcast3A_478 = vector.bitcast %shift_left3A_477 : vector<16xi32> to vector<16xf32>
          %and3A_479 = vector.broadcast %scan3A_35 : i32 to vector<16xi32>
          %and3A_480 = arith.andi %bitcast3A_474, %and3A_479 : vector<16xi32>
          %bitcast3A_481 = vector.bitcast %and3A_480 : vector<16xi32> to vector<16xf32>
          %mul3A_482 = arith.mulf %bitcast3A_478, %broadcast_in_dim3A_428 : vector<16xf32>
          %swap3A_483 = arith.index_cast %add3A_432 : i32 to index
          %swap3A_484 = arith.constant 64 : index
          %swap3A_485 = tpu.vector_load %arg14[%swap3A_483, %swap3A_484] {strides = array<i32>} : memref<112x128xf32, #tpu.memory_space<vmem>>, vector<16xf32>,
          tpu.vector_store %arg14[%swap3A_483, %swap3A_484], %mul3A_482 {strides = array<i32>} : memref<112x128xf32, #tpu.memory_space<vmem>>, vector<16xf32>,
          %mul3A_486 = arith.mulf %bitcast3A_481, %broadcast_in_dim3A_428 : vector<16xf32>
          %swap3A_487 = arith.index_cast %add3A_432 : i32 to index
          %swap3A_488 = arith.constant 80 : index
          %swap3A_489 = tpu.vector_load %arg14[%swap3A_487, %swap3A_488] {strides = array<i32>} : memref<112x128xf32, #tpu.memory_space<vmem>>, vector<16xf32>,
          tpu.vector_store %arg14[%swap3A_487, %swap3A_488], %mul3A_486 {strides = array<i32>} : memref<112x128xf32, #tpu.memory_space<vmem>>, vector<16xf32>,
          %get3A_490 = arith.index_cast %add3A_432 : i32 to index
          %get3A_491 = arith.constant 96 : index
          %get3A_492 = tpu.vector_load %arg12[%get3A_490, %get3A_491] {strides = array<i32>} : memref<112x128xbf16, #tpu.memory_space<vmem>>, vector<32xbf16>,
          %bitcast3A_493 = vector.bitcast %get3A_492 : vector<32xbf16> to vector<16xi32>
          %shift_left3A_494 = arith.constant 16 : i32
          %shift_left3A_495 = vector.broadcast %shift_left3A_494 : i32 to vector<16xi32>
          %shift_left3A_496 = arith.shli %bitcast3A_493, %shift_left3A_495 : vector<16xi32>
          %bitcast3A_497 = vector.bitcast %shift_left3A_496 : vector<16xi32> to vector<16xf32>
          %and3A_498 = vector.broadcast %scan3A_35 : i32 to vector<16xi32>
          %and3A_499 = arith.andi %bitcast3A_493, %and3A_498 : vector<16xi32>
          %bitcast3A_500 = vector.bitcast %and3A_499 : vector<16xi32> to vector<16xf32>
          %mul3A_501 = arith.mulf %bitcast3A_497, %broadcast_in_dim3A_428 : vector<16xf32>
          %swap3A_502 = arith.index_cast %add3A_432 : i32 to index
          %swap3A_503 = arith.constant 96 : index
          %swap3A_504 = tpu.vector_load %arg14[%swap3A_502, %swap3A_503] {strides = array<i32>} : memref<112x128xf32, #tpu.memory_space<vmem>>, vector<16xf32>,
          tpu.vector_store %arg14[%swap3A_502, %swap3A_503], %mul3A_501 {strides = array<i32>} : memref<112x128xf32, #tpu.memory_space<vmem>>, vector<16xf32>,
          %mul3A_505 = arith.mulf %bitcast3A_500, %broadcast_in_dim3A_428 : vector<16xf32>
          %swap3A_506 = arith.index_cast %add3A_432 : i32 to index
          %swap3A_507 = arith.constant 112 : index
          %swap3A_508 = tpu.vector_load %arg14[%swap3A_506, %swap3A_507] {strides = array<i32>} : memref<112x128xf32, #tpu.memory_space<vmem>>, vector<16xf32>,
          tpu.vector_store %arg14[%swap3A_506, %swap3A_507], %mul3A_505 {strides = array<i32>} : memref<112x128xf32, #tpu.memory_space<vmem>>, vector<16xf32>,
          %slice3A_509 = vector.extract_strided_slice %get3A_347 {offsets = [2], sizes = [1], strides = [1]} : vector<16xf32> to vector<1xf32>
          %squeeze3A_510 = vector.extract %slice3A_509[0] : f32 from vector<1xf32>
          %broadcast_in_dim3A_511 = vector.broadcast %squeeze3A_510 : f32 to vector<16xf32>
          %mul3A_512 = arith.constant 16 : i32
          %mul3A_513 = arith.muli %add3A_342, %mul3A_512 : i32
          %add3A_514 = arith.constant 2 : i32
          %add3A_515 = arith.addi %mul3A_513, %add3A_514 : i32
          %get3A_516 = arith.index_cast %add3A_515 : i32 to index
          %get3A_517 = arith.constant 0 : index
          %get3A_518 = tpu.vector_load %arg12[%get3A_516, %get3A_517] {strides = array<i32>} : memref<112x128xbf16, #tpu.memory_space<vmem>>, vector<32xbf16>,
          %bitcast3A_519 = vector.bitcast %get3A_518 : vector<32xbf16> to vector<16xi32>
          %shift_left3A_520 = arith.constant 16 : i32
          %shift_left3A_521 = vector.broadcast %shift_left3A_520 : i32 to vector<16xi32>
          %shift_left3A_522 = arith.shli %bitcast3A_519, %shift_left3A_521 : vector<16xi32>
          %bitcast3A_523 = vector.bitcast %shift_left3A_522 : vector<16xi32> to vector<16xf32>
          %and3A_524 = vector.broadcast %scan3A_35 : i32 to vector<16xi32>
          %and3A_525 = arith.andi %bitcast3A_519, %and3A_524 : vector<16xi32>
          %bitcast3A_526 = vector.bitcast %and3A_525 : vector<16xi32> to vector<16xf32>
          %mul3A_527 = arith.mulf %bitcast3A_523, %broadcast_in_dim3A_511 : vector<16xf32>
          %swap3A_528 = arith.index_cast %add3A_515 : i32 to index
          %swap3A_529 = arith.constant 0 : index
          %swap3A_530 = tpu.vector_load %arg14[%swap3A_528, %swap3A_529] {strides = array<i32>} : memref<112x128xf32, #tpu.memory_space<vmem>>, vector<16xf32>,
          tpu.vector_store %arg14[%swap3A_528, %swap3A_529], %mul3A_527 {strides = array<i32>} : memref<112x128xf32, #tpu.memory_space<vmem>>, vector<16xf32>,
          %mul3A_531 = arith.mulf %bitcast3A_526, %broadcast_in_dim3A_511 : vector<16xf32>
          %swap3A_532 = arith.index_cast %add3A_515 : i32 to index
          %swap3A_533 = arith.constant 16 : index
          %swap3A_534 = tpu.vector_load %arg14[%swap3A_532, %swap3A_533] {strides = array<i32>} : memref<112x128xf32, #tpu.memory_space<vmem>>, vector<16xf32>,
          tpu.vector_store %arg14[%swap3A_532, %swap3A_533], %mul3A_531 {strides = array<i32>} : memref<112x128xf32, #tpu.memory_space<vmem>>, vector<16xf32>,
          %get3A_535 = arith.index_cast %add3A_515 : i32 to index
          %get3A_536 = arith.constant 32 : index
          %get3A_537 = tpu.vector_load %arg12[%get3A_535, %get3A_536] {strides = array<i32>} : memref<112x128xbf16, #tpu.memory_space<vmem>>, vector<32xbf16>,
          %bitcast3A_538 = vector.bitcast %get3A_537 : vector<32xbf16> to vector<16xi32>
          %shift_left3A_539 = arith.constant 16 : i32
          %shift_left3A_540 = vector.broadcast %shift_left3A_539 : i32 to vector<16xi32>
          %shift_left3A_541 = arith.shli %bitcast3A_538, %shift_left3A_540 : vector<16xi32>
          %bitcast3A_542 = vector.bitcast %shift_left3A_541 : vector<16xi32> to vector<16xf32>
          %and3A_543 = vector.broadcast %scan3A_35 : i32 to vector<16xi32>
          %and3A_544 = arith.andi %bitcast3A_538, %and3A_543 : vector<16xi32>
          %bitcast3A_545 = vector.bitcast %and3A_544 : vector<16xi32> to vector<16xf32>
          %mul3A_546 = arith.mulf %bitcast3A_542, %broadcast_in_dim3A_511 : vector<16xf32>
          %swap3A_547 = arith.index_cast %add3A_515 : i32 to index
          %swap3A_548 = arith.constant 32 : index
          %swap3A_549 = tpu.vector_load %arg14[%swap3A_547, %swap3A_548] {strides = array<i32>} : memref<112x128xf32, #tpu.memory_space<vmem>>, vector<16xf32>,
          tpu.vector_store %arg14[%swap3A_547, %swap3A_548], %mul3A_546 {strides = array<i32>} : memref<112x128xf32, #tpu.memory_space<vmem>>, vector<16xf32>,
          %mul3A_550 = arith.mulf %bitcast3A_545, %broadcast_in_dim3A_511 : vector<16xf32>
          %swap3A_551 = arith.index_cast %add3A_515 : i32 to index
          %swap3A_552 = arith.constant 48 : index
          %swap3A_553 = tpu.vector_load %arg14[%swap3A_551, %swap3A_552] {strides = array<i32>} : memref<112x128xf32, #tpu.memory_space<vmem>>, vector<16xf32>,
          tpu.vector_store %arg14[%swap3A_551, %swap3A_552], %mul3A_550 {strides = array<i32>} : memref<112x128xf32, #tpu.memory_space<vmem>>, vector<16xf32>,
          %get3A_554 = arith.index_cast %add3A_515 : i32 to index
          %get3A_555 = arith.constant 64 : index
          %get3A_556 = tpu.vector_load %arg12[%get3A_554, %get3A_555] {strides = array<i32>} : memref<112x128xbf16, #tpu.memory_space<vmem>>, vector<32xbf16>,
          %bitcast3A_557 = vector.bitcast %get3A_556 : vector<32xbf16> to vector<16xi32>
          %shift_left3A_558 = arith.constant 16 : i32
          %shift_left3A_559 = vector.broadcast %shift_left3A_558 : i32 to vector<16xi32>
          %shift_left3A_560 = arith.shli %bitcast3A_557, %shift_left3A_559 : vector<16xi32>
          %bitcast3A_561 = vector.bitcast %shift_left3A_560 : vector<16xi32> to vector<16xf32>
          %and3A_562 = vector.broadcast %scan3A_35 : i32 to vector<16xi32>
          %and3A_563 = arith.andi %bitcast3A_557, %and3A_562 : vector<16xi32>
          %bitcast3A_564 = vector.bitcast %and3A_563 : vector<16xi32> to vector<16xf32>
          %mul3A_565 = arith.mulf %bitcast3A_561, %broadcast_in_dim3A_511 : vector<16xf32>
          %swap3A_566 = arith.index_cast %add3A_515 : i32 to index
          %swap3A_567 = arith.constant 64 : index
          %swap3A_568 = tpu.vector_load %arg14[%swap3A_566, %swap3A_567] {strides = array<i32>} : memref<112x128xf32, #tpu.memory_space<vmem>>, vector<16xf32>,
          tpu.vector_store %arg14[%swap3A_566, %swap3A_567], %mul3A_565 {strides = array<i32>} : memref<112x128xf32, #tpu.memory_space<vmem>>, vector<16xf32>,
          %mul3A_569 = arith.mulf %bitcast3A_564, %broadcast_in_dim3A_511 : vector<16xf32>
          %swap3A_570 = arith.index_cast %add3A_515 : i32 to index
          %swap3A_571 = arith.constant 80 : index
          %swap3A_572 = tpu.vector_load %arg14[%swap3A_570, %swap3A_571] {strides = array<i32>} : memref<112x128xf32, #tpu.memory_space<vmem>>, vector<16xf32>,
          tpu.vector_store %arg14[%swap3A_570, %swap3A_571], %mul3A_569 {strides = array<i32>} : memref<112x128xf32, #tpu.memory_space<vmem>>, vector<16xf32>,
          %get3A_573 = arith.index_cast %add3A_515 : i32 to index
          %get3A_574 = arith.constant 96 : index
          %get3A_575 = tpu.vector_load %arg12[%get3A_573, %get3A_574] {strides = array<i32>} : memref<112x128xbf16, #tpu.memory_space<vmem>>, vector<32xbf16>,
          %bitcast3A_576 = vector.bitcast %get3A_575 : vector<32xbf16> to vector<16xi32>
          %shift_left3A_577 = arith.constant 16 : i32
          %shift_left3A_578 = vector.broadcast %shift_left3A_577 : i32 to vector<16xi32>
          %shift_left3A_579 = arith.shli %bitcast3A_576, %shift_left3A_578 : vector<16xi32>
          %bitcast3A_580 = vector.bitcast %shift_left3A_579 : vector<16xi32> to vector<16xf32>
          %and3A_581 = vector.broadcast %scan3A_35 : i32 to vector<16xi32>
          %and3A_582 = arith.andi %bitcast3A_576, %and3A_581 : vector<16xi32>
          %bitcast3A_583 = vector.bitcast %and3A_582 : vector<16xi32> to vector<16xf32>
          %mul3A_584 = arith.mulf %bitcast3A_580, %broadcast_in_dim3A_511 : vector<16xf32>
          %swap3A_585 = arith.index_cast %add3A_515 : i32 to index
          %swap3A_586 = arith.constant 96 : index
          %swap3A_587 = tpu.vector_load %arg14[%swap3A_585, %swap3A_586] {strides = array<i32>} : memref<112x128xf32, #tpu.memory_space<vmem>>, vector<16xf32>,
          tpu.vector_store %arg14[%swap3A_585, %swap3A_586], %mul3A_584 {strides = array<i32>} : memref<112x128xf32, #tpu.memory_space<vmem>>, vector<16xf32>,
          %mul3A_588 = arith.mulf %bitcast3A_583, %broadcast_in_dim3A_511 : vector<16xf32>
          %swap3A_589 = arith.index_cast %add3A_515 : i32 to index
          %swap3A_590 = arith.constant 112 : index
          %swap3A_591 = tpu.vector_load %arg14[%swap3A_589, %swap3A_590] {strides = array<i32>} : memref<112x128xf32, #tpu.memory_space<vmem>>, vector<16xf32>,
          tpu.vector_store %arg14[%swap3A_589, %swap3A_590], %mul3A_588 {strides = array<i32>} : memref<112x128xf32, #tpu.memory_space<vmem>>, vector<16xf32>,
          %slice3A_592 = vector.extract_strided_slice %get3A_347 {offsets = [3], sizes = [1], strides = [1]} : vector<16xf32> to vector<1xf32>
          %squeeze3A_593 = vector.extract %slice3A_592[0] : f32 from vector<1xf32>
          %broadcast_in_dim3A_594 = vector.broadcast %squeeze3A_593 : f32 to vector<16xf32>
          %mul3A_595 = arith.constant 16 : i32
          %mul3A_596 = arith.muli %add3A_342, %mul3A_595 : i32
          %add3A_597 = arith.constant 3 : i32
          %add3A_598 = arith.addi %mul3A_596, %add3A_597 : i32
          %get3A_599 = arith.index_cast %add3A_598 : i32 to index
          %get3A_600 = arith.constant 0 : index
          %get3A_601 = tpu.vector_load %arg12[%get3A_599, %get3A_600] {strides = array<i32>} : memref<112x128xbf16, #tpu.memory_space<vmem>>, vector<32xbf16>,
          %bitcast3A_602 = vector.bitcast %get3A_601 : vector<32xbf16> to vector<16xi32>
          %shift_left3A_603 = arith.constant 16 : i32
          %shift_left3A_604 = vector.broadcast %shift_left3A_603 : i32 to vector<16xi32>
          %shift_left3A_605 = arith.shli %bitcast3A_602, %shift_left3A_604 : vector<16xi32>
          %bitcast3A_606 = vector.bitcast %shift_left3A_605 : vector<16xi32> to vector<16xf32>
          %and3A_607 = vector.broadcast %scan3A_35 : i32 to vector<16xi32>
          %and3A_608 = arith.andi %bitcast3A_602, %and3A_607 : vector<16xi32>
          %bitcast3A_609 = vector.bitcast %and3A_608 : vector<16xi32> to vector<16xf32>
          %mul3A_610 = arith.mulf %bitcast3A_606, %broadcast_in_dim3A_594 : vector<16xf32>
          %swap3A_611 = arith.index_cast %add3A_598 : i32 to index
          %swap3A_612 = arith.constant 0 : index
          %swap3A_613 = tpu.vector_load %arg14[%swap3A_611, %swap3A_612] {strides = array<i32>} : memref<112x128xf32, #tpu.memory_space<vmem>>, vector<16xf32>,
          tpu.vector_store %arg14[%swap3A_611, %swap3A_612], %mul3A_610 {strides = array<i32>} : memref<112x128xf32, #tpu.memory_space<vmem>>, vector<16xf32>,
          %mul3A_614 = arith.mulf %bitcast3A_609, %broadcast_in_dim3A_594 : vector<16xf32>
          %swap3A_615 = arith.index_cast %add3A_598 : i32 to index
          %swap3A_616 = arith.constant 16 : index
          %swap3A_617 = tpu.vector_load %arg14[%swap3A_615, %swap3A_616] {strides = array<i32>} : memref<112x128xf32, #tpu.memory_space<vmem>>, vector<16xf32>,
          tpu.vector_store %arg14[%swap3A_615, %swap3A_616], %mul3A_614 {strides = array<i32>} : memref<112x128xf32, #tpu.memory_space<vmem>>, vector<16xf32>,
          %get3A_618 = arith.index_cast %add3A_598 : i32 to index
          %get3A_619 = arith.constant 32 : index
          %get3A_620 = tpu.vector_load %arg12[%get3A_618, %get3A_619] {strides = array<i32>} : memref<112x128xbf16, #tpu.memory_space<vmem>>, vector<32xbf16>,
          %bitcast3A_621 = vector.bitcast %get3A_620 : vector<32xbf16> to vector<16xi32>
          %shift_left3A_622 = arith.constant 16 : i32
          %shift_left3A_623 = vector.broadcast %shift_left3A_622 : i32 to vector<16xi32>
          %shift_left3A_624 = arith.shli %bitcast3A_621, %shift_left3A_623 : vector<16xi32>
          %bitcast3A_625 = vector.bitcast %shift_left3A_624 : vector<16xi32> to vector<16xf32>
          %and3A_626 = vector.broadcast %scan3A_35 : i32 to vector<16xi32>
          %and3A_627 = arith.andi %bitcast3A_621, %and3A_626 : vector<16xi32>
          %bitcast3A_628 = vector.bitcast %and3A_627 : vector<16xi32> to vector<16xf32>
          %mul3A_629 = arith.mulf %bitcast3A_625, %broadcast_in_dim3A_594 : vector<16xf32>
          %swap3A_630 = arith.index_cast %add3A_598 : i32 to index
          %swap3A_631 = arith.constant 32 : index
          %swap3A_632 = tpu.vector_load %arg14[%swap3A_630, %swap3A_631] {strides = array<i32>} : memref<112x128xf32, #tpu.memory_space<vmem>>, vector<16xf32>,
          tpu.vector_store %arg14[%swap3A_630, %swap3A_631], %mul3A_629 {strides = array<i32>} : memref<112x128xf32, #tpu.memory_space<vmem>>, vector<16xf32>,
          %mul3A_633 = arith.mulf %bitcast3A_628, %broadcast_in_dim3A_594 : vector<16xf32>
          %swap3A_634 = arith.index_cast %add3A_598 : i32 to index
          %swap3A_635 = arith.constant 48 : index
          %swap3A_636 = tpu.vector_load %arg14[%swap3A_634, %swap3A_635] {strides = array<i32>} : memref<112x128xf32, #tpu.memory_space<vmem>>, vector<16xf32>,
          tpu.vector_store %arg14[%swap3A_634, %swap3A_635], %mul3A_633 {strides = array<i32>} : memref<112x128xf32, #tpu.memory_space<vmem>>, vector<16xf32>,
          %get3A_637 = arith.index_cast %add3A_598 : i32 to index
          %get3A_638 = arith.constant 64 : index
          %get3A_639 = tpu.vector_load %arg12[%get3A_637, %get3A_638] {strides = array<i32>} : memref<112x128xbf16, #tpu.memory_space<vmem>>, vector<32xbf16>,
          %bitcast3A_640 = vector.bitcast %get3A_639 : vector<32xbf16> to vector<16xi32>
          %shift_left3A_641 = arith.constant 16 : i32
          %shift_left3A_642 = vector.broadcast %shift_left3A_641 : i32 to vector<16xi32>
          %shift_left3A_643 = arith.shli %bitcast3A_640, %shift_left3A_642 : vector<16xi32>
          %bitcast3A_644 = vector.bitcast %shift_left3A_643 : vector<16xi32> to vector<16xf32>
          %and3A_645 = vector.broadcast %scan3A_35 : i32 to vector<16xi32>
          %and3A_646 = arith.andi %bitcast3A_640, %and3A_645 : vector<16xi32>
          %bitcast3A_647 = vector.bitcast %and3A_646 : vector<16xi32> to vector<16xf32>
          %mul3A_648 = arith.mulf %bitcast3A_644, %broadcast_in_dim3A_594 : vector<16xf32>
          %swap3A_649 = arith.index_cast %add3A_598 : i32 to index
          %swap3A_650 = arith.constant 64 : index
          %swap3A_651 = tpu.vector_load %arg14[%swap3A_649, %swap3A_650] {strides = array<i32>} : memref<112x128xf32, #tpu.memory_space<vmem>>, vector<16xf32>,
          tpu.vector_store %arg14[%swap3A_649, %swap3A_650], %mul3A_648 {strides = array<i32>} : memref<112x128xf32, #tpu.memory_space<vmem>>, vector<16xf32>,
          %mul3A_652 = arith.mulf %bitcast3A_647, %broadcast_in_dim3A_594 : vector<16xf32>
          %swap3A_653 = arith.index_cast %add3A_598 : i32 to index
          %swap3A_654 = arith.constant 80 : index
          %swap3A_655 = tpu.vector_load %arg14[%swap3A_653, %swap3A_654] {strides = array<i32>} : memref<112x128xf32, #tpu.memory_space<vmem>>, vector<16xf32>,
          tpu.vector_store %arg14[%swap3A_653, %swap3A_654], %mul3A_652 {strides = array<i32>} : memref<112x128xf32, #tpu.memory_space<vmem>>, vector<16xf32>,
          %get3A_656 = arith.index_cast %add3A_598 : i32 to index
          %get3A_657 = arith.constant 96 : index
          %get3A_658 = tpu.vector_load %arg12[%get3A_656, %get3A_657] {strides = array<i32>} : memref<112x128xbf16, #tpu.memory_space<vmem>>, vector<32xbf16>,
          %bitcast3A_659 = vector.bitcast %get3A_658 : vector<32xbf16> to vector<16xi32>
          %shift_left3A_660 = arith.constant 16 : i32
          %shift_left3A_661 = vector.broadcast %shift_left3A_660 : i32 to vector<16xi32>
          %shift_left3A_662 = arith.shli %bitcast3A_659, %shift_left3A_661 : vector<16xi32>
          %bitcast3A_663 = vector.bitcast %shift_left3A_662 : vector<16xi32> to vector<16xf32>
          %and3A_664 = vector.broadcast %scan3A_35 : i32 to vector<16xi32>
          %and3A_665 = arith.andi %bitcast3A_659, %and3A_664 : vector<16xi32>
          %bitcast3A_666 = vector.bitcast %and3A_665 : vector<16xi32> to vector<16xf32>
          %mul3A_667 = arith.mulf %bitcast3A_663, %broadcast_in_dim3A_594 : vector<16xf32>
          %swap3A_668 = arith.index_cast %add3A_598 : i32 to index
          %swap3A_669 = arith.constant 96 : index
          %swap3A_670 = tpu.vector_load %arg14[%swap3A_668, %swap3A_669] {strides = array<i32>} : memref<112x128xf32, #tpu.memory_space<vmem>>, vector<16xf32>,
          tpu.vector_store %arg14[%swap3A_668, %swap3A_669], %mul3A_667 {strides = array<i32>} : memref<112x128xf32, #tpu.memory_space<vmem>>, vector<16xf32>,
          %mul3A_671 = arith.mulf %bitcast3A_666, %broadcast_in_dim3A_594 : vector<16xf32>
          %swap3A_672 = arith.index_cast %add3A_598 : i32 to index
          %swap3A_673 = arith.constant 112 : index
          %swap3A_674 = tpu.vector_load %arg14[%swap3A_672, %swap3A_673] {strides = array<i32>} : memref<112x128xf32, #tpu.memory_space<vmem>>, vector<16xf32>,
          tpu.vector_store %arg14[%swap3A_672, %swap3A_673], %mul3A_671 {strides = array<i32>} : memref<112x128xf32, #tpu.memory_space<vmem>>, vector<16xf32>,
          %slice3A_675 = vector.extract_strided_slice %get3A_347 {offsets = [4], sizes = [1], strides = [1]} : vector<16xf32> to vector<1xf32>
          %squeeze3A_676 = vector.extract %slice3A_675[0] : f32 from vector<1xf32>
          %broadcast_in_dim3A_677 = vector.broadcast %squeeze3A_676 : f32 to vector<16xf32>
          %mul3A_678 = arith.constant 16 : i32
          %mul3A_679 = arith.muli %add3A_342, %mul3A_678 : i32
          %add3A_680 = arith.constant 4 : i32
          %add3A_681 = arith.addi %mul3A_679, %add3A_680 : i32
          %get3A_682 = arith.index_cast %add3A_681 : i32 to index
          %get3A_683 = arith.constant 0 : index
          %get3A_684 = tpu.vector_load %arg12[%get3A_682, %get3A_683] {strides = array<i32>} : memref<112x128xbf16, #tpu.memory_space<vmem>>, vector<32xbf16>,
          %bitcast3A_685 = vector.bitcast %get3A_684 : vector<32xbf16> to vector<16xi32>
          %shift_left3A_686 = arith.constant 16 : i32
          %shift_left3A_687 = vector.broadcast %shift_left3A_686 : i32 to vector<16xi32>
          %shift_left3A_688 = arith.shli %bitcast3A_685, %shift_left3A_687 : vector<16xi32>
          %bitcast3A_689 = vector.bitcast %shift_left3A_688 : vector<16xi32> to vector<16xf32>
          %and3A_690 = vector.broadcast %scan3A_35 : i32 to vector<16xi32>
          %and3A_691 = arith.andi %bitcast3A_685, %and3A_690 : vector<16xi32>
          %bitcast3A_692 = vector.bitcast %and3A_691 : vector<16xi32> to vector<16xf32>
          %mul3A_693 = arith.mulf %bitcast3A_689, %broadcast_in_dim3A_677 : vector<16xf32>
          %swap3A_694 = arith.index_cast %add3A_681 : i32 to index
          %swap3A_695 = arith.constant 0 : index
          %swap3A_696 = tpu.vector_load %arg14[%swap3A_694, %swap3A_695] {strides = array<i32>} : memref<112x128xf32, #tpu.memory_space<vmem>>, vector<16xf32>,
          tpu.vector_store %arg14[%swap3A_694, %swap3A_695], %mul3A_693 {strides = array<i32>} : memref<112x128xf32, #tpu.memory_space<vmem>>, vector<16xf32>,
          %mul3A_697 = arith.mulf %bitcast3A_692, %broadcast_in_dim3A_677 : vector<16xf32>
          %swap3A_698 = arith.index_cast %add3A_681 : i32 to index
          %swap3A_699 = arith.constant 16 : index
          %swap3A_700 = tpu.vector_load %arg14[%swap3A_698, %swap3A_699] {strides = array<i32>} : memref<112x128xf32, #tpu.memory_space<vmem>>, vector<16xf32>,
          tpu.vector_store %arg14[%swap3A_698, %swap3A_699], %mul3A_697 {strides = array<i32>} : memref<112x128xf32, #tpu.memory_space<vmem>>, vector<16xf32>,
          %get3A_701 = arith.index_cast %add3A_681 : i32 to index
          %get3A_702 = arith.constant 32 : index
          %get3A_703 = tpu.vector_load %arg12[%get3A_701, %get3A_702] {strides = array<i32>} : memref<112x128xbf16, #tpu.memory_space<vmem>>, vector<32xbf16>,
          %bitcast3A_704 = vector.bitcast %get3A_703 : vector<32xbf16> to vector<16xi32>
          %shift_left3A_705 = arith.constant 16 : i32
          %shift_left3A_706 = vector.broadcast %shift_left3A_705 : i32 to vector<16xi32>
          %shift_left3A_707 = arith.shli %bitcast3A_704, %shift_left3A_706 : vector<16xi32>
          %bitcast3A_708 = vector.bitcast %shift_left3A_707 : vector<16xi32> to vector<16xf32>
          %and3A_709 = vector.broadcast %scan3A_35 : i32 to vector<16xi32>
          %and3A_710 = arith.andi %bitcast3A_704, %and3A_709 : vector<16xi32>
          %bitcast3A_711 = vector.bitcast %and3A_710 : vector<16xi32> to vector<16xf32>
          %mul3A_712 = arith.mulf %bitcast3A_708, %broadcast_in_dim3A_677 : vector<16xf32>
          %swap3A_713 = arith.index_cast %add3A_681 : i32 to index
          %swap3A_714 = arith.constant 32 : index
          %swap3A_715 = tpu.vector_load %arg14[%swap3A_713, %swap3A_714] {strides = array<i32>} : memref<112x128xf32, #tpu.memory_space<vmem>>, vector<16xf32>,
          tpu.vector_store %arg14[%swap3A_713, %swap3A_714], %mul3A_712 {strides = array<i32>} : memref<112x128xf32, #tpu.memory_space<vmem>>, vector<16xf32>,
          %mul3A_716 = arith.mulf %bitcast3A_711, %broadcast_in_dim3A_677 : vector<16xf32>
          %swap3A_717 = arith.index_cast %add3A_681 : i32 to index
          %swap3A_718 = arith.constant 48 : index
          %swap3A_719 = tpu.vector_load %arg14[%swap3A_717, %swap3A_718] {strides = array<i32>} : memref<112x128xf32, #tpu.memory_space<vmem>>, vector<16xf32>,
          tpu.vector_store %arg14[%swap3A_717, %swap3A_718], %mul3A_716 {strides = array<i32>} : memref<112x128xf32, #tpu.memory_space<vmem>>, vector<16xf32>,
          %get3A_720 = arith.index_cast %add3A_681 : i32 to index
          %get3A_721 = arith.constant 64 : index
          %get3A_722 = tpu.vector_load %arg12[%get3A_720, %get3A_721] {strides = array<i32>} : memref<112x128xbf16, #tpu.memory_space<vmem>>, vector<32xbf16>,
          %bitcast3A_723 = vector.bitcast %get3A_722 : vector<32xbf16> to vector<16xi32>
          %shift_left3A_724 = arith.constant 16 : i32
          %shift_left3A_725 = vector.broadcast %shift_left3A_724 : i32 to vector<16xi32>
          %shift_left3A_726 = arith.shli %bitcast3A_723, %shift_left3A_725 : vector<16xi32>
          %bitcast3A_727 = vector.bitcast %shift_left3A_726 : vector<16xi32> to vector<16xf32>
          %and3A_728 = vector.broadcast %scan3A_35 : i32 to vector<16xi32>
          %and3A_729 = arith.andi %bitcast3A_723, %and3A_728 : vector<16xi32>
          %bitcast3A_730 = vector.bitcast %and3A_729 : vector<16xi32> to vector<16xf32>
          %mul3A_731 = arith.mulf %bitcast3A_727, %broadcast_in_dim3A_677 : vector<16xf32>
          %swap3A_732 = arith.index_cast %add3A_681 : i32 to index
          %swap3A_733 = arith.constant 64 : index
          %swap3A_734 = tpu.vector_load %arg14[%swap3A_732, %swap3A_733] {strides = array<i32>} : memref<112x128xf32, #tpu.memory_space<vmem>>, vector<16xf32>,
          tpu.vector_store %arg14[%swap3A_732, %swap3A_733], %mul3A_731 {strides = array<i32>} : memref<112x128xf32, #tpu.memory_space<vmem>>, vector<16xf32>,
          %mul3A_735 = arith.mulf %bitcast3A_730, %broadcast_in_dim3A_677 : vector<16xf32>
          %swap3A_736 = arith.index_cast %add3A_681 : i32 to index
          %swap3A_737 = arith.constant 80 : index
          %swap3A_738 = tpu.vector_load %arg14[%swap3A_736, %swap3A_737] {strides = array<i32>} : memref<112x128xf32, #tpu.memory_space<vmem>>, vector<16xf32>,
          tpu.vector_store %arg14[%swap3A_736, %swap3A_737], %mul3A_735 {strides = array<i32>} : memref<112x128xf32, #tpu.memory_space<vmem>>, vector<16xf32>,
          %get3A_739 = arith.index_cast %add3A_681 : i32 to index
          %get3A_740 = arith.constant 96 : index
          %get3A_741 = tpu.vector_load %arg12[%get3A_739, %get3A_740] {strides = array<i32>} : memref<112x128xbf16, #tpu.memory_space<vmem>>, vector<32xbf16>,
          %bitcast3A_742 = vector.bitcast %get3A_741 : vector<32xbf16> to vector<16xi32>
          %shift_left3A_743 = arith.constant 16 : i32
          %shift_left3A_744 = vector.broadcast %shift_left3A_743 : i32 to vector<16xi32>
          %shift_left3A_745 = arith.shli %bitcast3A_742, %shift_left3A_744 : vector<16xi32>
          %bitcast3A_746 = vector.bitcast %shift_left3A_745 : vector<16xi32> to vector<16xf32>
          %and3A_747 = vector.broadcast %scan3A_35 : i32 to vector<16xi32>
          %and3A_748 = arith.andi %bitcast3A_742, %and3A_747 : vector<16xi32>
          %bitcast3A_749 = vector.bitcast %and3A_748 : vector<16xi32> to vector<16xf32>
          %mul3A_750 = arith.mulf %bitcast3A_746, %broadcast_in_dim3A_677 : vector<16xf32>
          %swap3A_751 = arith.index_cast %add3A_681 : i32 to index
          %swap3A_752 = arith.constant 96 : index
          %swap3A_753 = tpu.vector_load %arg14[%swap3A_751, %swap3A_752] {strides = array<i32>} : memref<112x128xf32, #tpu.memory_space<vmem>>, vector<16xf32>,
          tpu.vector_store %arg14[%swap3A_751, %swap3A_752], %mul3A_750 {strides = array<i32>} : memref<112x128xf32, #tpu.memory_space<vmem>>, vector<16xf32>,
          %mul3A_754 = arith.mulf %bitcast3A_749, %broadcast_in_dim3A_677 : vector<16xf32>
          %swap3A_755 = arith.index_cast %add3A_681 : i32 to index
          %swap3A_756 = arith.constant 112 : index
          %swap3A_757 = tpu.vector_load %arg14[%swap3A_755, %swap3A_756] {strides = array<i32>} : memref<112x128xf32, #tpu.memory_space<vmem>>, vector<16xf32>,
          tpu.vector_store %arg14[%swap3A_755, %swap3A_756], %mul3A_754 {strides = array<i32>} : memref<112x128xf32, #tpu.memory_space<vmem>>, vector<16xf32>,
          %slice3A_758 = vector.extract_strided_slice %get3A_347 {offsets = [5], sizes = [1], strides = [1]} : vector<16xf32> to vector<1xf32>
          %squeeze3A_759 = vector.extract %slice3A_758[0] : f32 from vector<1xf32>
          %broadcast_in_dim3A_760 = vector.broadcast %squeeze3A_759 : f32 to vector<16xf32>
          %mul3A_761 = arith.constant 16 : i32
          %mul3A_762 = arith.muli %add3A_342, %mul3A_761 : i32
          %add3A_763 = arith.constant 5 : i32
          %add3A_764 = arith.addi %mul3A_762, %add3A_763 : i32
          %get3A_765 = arith.index_cast %add3A_764 : i32 to index
          %get3A_766 = arith.constant 0 : index
          %get3A_767 = tpu.vector_load %arg12[%get3A_765, %get3A_766] {strides = array<i32>} : memref<112x128xbf16, #tpu.memory_space<vmem>>, vector<32xbf16>,
          %bitcast3A_768 = vector.bitcast %get3A_767 : vector<32xbf16> to vector<16xi32>
          %shift_left3A_769 = arith.constant 16 : i32
          %shift_left3A_770 = vector.broadcast %shift_left3A_769 : i32 to vector<16xi32>
          %shift_left3A_771 = arith.shli %bitcast3A_768, %shift_left3A_770 : vector<16xi32>
          %bitcast3A_772 = vector.bitcast %shift_left3A_771 : vector<16xi32> to vector<16xf32>
          %and3A_773 = vector.broadcast %scan3A_35 : i32 to vector<16xi32>
          %and3A_774 = arith.andi %bitcast3A_768, %and3A_773 : vector<16xi32>
          %bitcast3A_775 = vector.bitcast %and3A_774 : vector<16xi32> to vector<16xf32>
          %mul3A_776 = arith.mulf %bitcast3A_772, %broadcast_in_dim3A_760 : vector<16xf32>
          %swap3A_777 = arith.index_cast %add3A_764 : i32 to index
          %swap3A_778 = arith.constant 0 : index
          %swap3A_779 = tpu.vector_load %arg14[%swap3A_777, %swap3A_778] {strides = array<i32>} : memref<112x128xf32, #tpu.memory_space<vmem>>, vector<16xf32>,
          tpu.vector_store %arg14[%swap3A_777, %swap3A_778], %mul3A_776 {strides = array<i32>} : memref<112x128xf32, #tpu.memory_space<vmem>>, vector<16xf32>,
          %mul3A_780 = arith.mulf %bitcast3A_775, %broadcast_in_dim3A_760 : vector<16xf32>
          %swap3A_781 = arith.index_cast %add3A_764 : i32 to index
          %swap3A_782 = arith.constant 16 : index
          %swap3A_783 = tpu.vector_load %arg14[%swap3A_781, %swap3A_782] {strides = array<i32>} : memref<112x128xf32, #tpu.memory_space<vmem>>, vector<16xf32>,
          tpu.vector_store %arg14[%swap3A_781, %swap3A_782], %mul3A_780 {strides = array<i32>} : memref<112x128xf32, #tpu.memory_space<vmem>>, vector<16xf32>,
          %get3A_784 = arith.index_cast %add3A_764 : i32 to index
          %get3A_785 = arith.constant 32 : index
          %get3A_786 = tpu.vector_load %arg12[%get3A_784, %get3A_785] {strides = array<i32>} : memref<112x128xbf16, #tpu.memory_space<vmem>>, vector<32xbf16>,
          %bitcast3A_787 = vector.bitcast %get3A_786 : vector<32xbf16> to vector<16xi32>
          %shift_left3A_788 = arith.constant 16 : i32
          %shift_left3A_789 = vector.broadcast %shift_left3A_788 : i32 to vector<16xi32>
          %shift_left3A_790 = arith.shli %bitcast3A_787, %shift_left3A_789 : vector<16xi32>
          %bitcast3A_791 = vector.bitcast %shift_left3A_790 : vector<16xi32> to vector<16xf32>
          %and3A_792 = vector.broadcast %scan3A_35 : i32 to vector<16xi32>
          %and3A_793 = arith.andi %bitcast3A_787, %and3A_792 : vector<16xi32>
          %bitcast3A_794 = vector.bitcast %and3A_793 : vector<16xi32> to vector<16xf32>
          %mul3A_795 = arith.mulf %bitcast3A_791, %broadcast_in_dim3A_760 : vector<16xf32>
          %swap3A_796 = arith.index_cast %add3A_764 : i32 to index
          %swap3A_797 = arith.constant 32 : index
          %swap3A_798 = tpu.vector_load %arg14[%swap3A_796, %swap3A_797] {strides = array<i32>} : memref<112x128xf32, #tpu.memory_space<vmem>>, vector<16xf32>,
          tpu.vector_store %arg14[%swap3A_796, %swap3A_797], %mul3A_795 {strides = array<i32>} : memref<112x128xf32, #tpu.memory_space<vmem>>, vector<16xf32>,
          %mul3A_799 = arith.mulf %bitcast3A_794, %broadcast_in_dim3A_760 : vector<16xf32>
          %swap3A_800 = arith.index_cast %add3A_764 : i32 to index
          %swap3A_801 = arith.constant 48 : index
          %swap3A_802 = tpu.vector_load %arg14[%swap3A_800, %swap3A_801] {strides = array<i32>} : memref<112x128xf32, #tpu.memory_space<vmem>>, vector<16xf32>,
          tpu.vector_store %arg14[%swap3A_800, %swap3A_801], %mul3A_799 {strides = array<i32>} : memref<112x128xf32, #tpu.memory_space<vmem>>, vector<16xf32>,
          %get3A_803 = arith.index_cast %add3A_764 : i32 to index
          %get3A_804 = arith.constant 64 : index
          %get3A_805 = tpu.vector_load %arg12[%get3A_803, %get3A_804] {strides = array<i32>} : memref<112x128xbf16, #tpu.memory_space<vmem>>, vector<32xbf16>,
          %bitcast3A_806 = vector.bitcast %get3A_805 : vector<32xbf16> to vector<16xi32>
          %shift_left3A_807 = arith.constant 16 : i32
          %shift_left3A_808 = vector.broadcast %shift_left3A_807 : i32 to vector<16xi32>
          %shift_left3A_809 = arith.shli %bitcast3A_806, %shift_left3A_808 : vector<16xi32>
          %bitcast3A_810 = vector.bitcast %shift_left3A_809 : vector<16xi32> to vector<16xf32>
          %and3A_811 = vector.broadcast %scan3A_35 : i32 to vector<16xi32>
          %and3A_812 = arith.andi %bitcast3A_806, %and3A_811 : vector<16xi32>
          %bitcast3A_813 = vector.bitcast %and3A_812 : vector<16xi32> to vector<16xf32>
          %mul3A_814 = arith.mulf %bitcast3A_810, %broadcast_in_dim3A_760 : vector<16xf32>
          %swap3A_815 = arith.index_cast %add3A_764 : i32 to index
          %swap3A_816 = arith.constant 64 : index
          %swap3A_817 = tpu.vector_load %arg14[%swap3A_815, %swap3A_816] {strides = array<i32>} : memref<112x128xf32, #tpu.memory_space<vmem>>, vector<16xf32>,
          tpu.vector_store %arg14[%swap3A_815, %swap3A_816], %mul3A_814 {strides = array<i32>} : memref<112x128xf32, #tpu.memory_space<vmem>>, vector<16xf32>,
          %mul3A_818 = arith.mulf %bitcast3A_813, %broadcast_in_dim3A_760 : vector<16xf32>
          %swap3A_819 = arith.index_cast %add3A_764 : i32 to index
          %swap3A_820 = arith.constant 80 : index
          %swap3A_821 = tpu.vector_load %arg14[%swap3A_819, %swap3A_820] {strides = array<i32>} : memref<112x128xf32, #tpu.memory_space<vmem>>, vector<16xf32>,
          tpu.vector_store %arg14[%swap3A_819, %swap3A_820], %mul3A_818 {strides = array<i32>} : memref<112x128xf32, #tpu.memory_space<vmem>>, vector<16xf32>,
          %get3A_822 = arith.index_cast %add3A_764 : i32 to index
          %get3A_823 = arith.constant 96 : index
          %get3A_824 = tpu.vector_load %arg12[%get3A_822, %get3A_823] {strides = array<i32>} : memref<112x128xbf16, #tpu.memory_space<vmem>>, vector<32xbf16>,
          %bitcast3A_825 = vector.bitcast %get3A_824 : vector<32xbf16> to vector<16xi32>
          %shift_left3A_826 = arith.constant 16 : i32
          %shift_left3A_827 = vector.broadcast %shift_left3A_826 : i32 to vector<16xi32>
          %shift_left3A_828 = arith.shli %bitcast3A_825, %shift_left3A_827 : vector<16xi32>
          %bitcast3A_829 = vector.bitcast %shift_left3A_828 : vector<16xi32> to vector<16xf32>
          %and3A_830 = vector.broadcast %scan3A_35 : i32 to vector<16xi32>
          %and3A_831 = arith.andi %bitcast3A_825, %and3A_830 : vector<16xi32>
          %bitcast3A_832 = vector.bitcast %and3A_831 : vector<16xi32> to vector<16xf32>
          %mul3A_833 = arith.mulf %bitcast3A_829, %broadcast_in_dim3A_760 : vector<16xf32>
          %swap3A_834 = arith.index_cast %add3A_764 : i32 to index
          %swap3A_835 = arith.constant 96 : index
          %swap3A_836 = tpu.vector_load %arg14[%swap3A_834, %swap3A_835] {strides = array<i32>} : memref<112x128xf32, #tpu.memory_space<vmem>>, vector<16xf32>,
          tpu.vector_store %arg14[%swap3A_834, %swap3A_835], %mul3A_833 {strides = array<i32>} : memref<112x128xf32, #tpu.memory_space<vmem>>, vector<16xf32>,
          %mul3A_837 = arith.mulf %bitcast3A_832, %broadcast_in_dim3A_760 : vector<16xf32>
          %swap3A_838 = arith.index_cast %add3A_764 : i32 to index
          %swap3A_839 = arith.constant 112 : index
          %swap3A_840 = tpu.vector_load %arg14[%swap3A_838, %swap3A_839] {strides = array<i32>} : memref<112x128xf32, #tpu.memory_space<vmem>>, vector<16xf32>,
          tpu.vector_store %arg14[%swap3A_838, %swap3A_839], %mul3A_837 {strides = array<i32>} : memref<112x128xf32, #tpu.memory_space<vmem>>, vector<16xf32>,
          %slice3A_841 = vector.extract_strided_slice %get3A_347 {offsets = [6], sizes = [1], strides = [1]} : vector<16xf32> to vector<1xf32>
          %squeeze3A_842 = vector.extract %slice3A_841[0] : f32 from vector<1xf32>
          %broadcast_in_dim3A_843 = vector.broadcast %squeeze3A_842 : f32 to vector<16xf32>
          %mul3A_844 = arith.constant 16 : i32
          %mul3A_845 = arith.muli %add3A_342, %mul3A_844 : i32
          %add3A_846 = arith.constant 6 : i32
          %add3A_847 = arith.addi %mul3A_845, %add3A_846 : i32
          %get3A_848 = arith.index_cast %add3A_847 : i32 to index
          %get3A_849 = arith.constant 0 : index
          %get3A_850 = tpu.vector_load %arg12[%get3A_848, %get3A_849] {strides = array<i32>} : memref<112x128xbf16, #tpu.memory_space<vmem>>, vector<32xbf16>,
          %bitcast3A_851 = vector.bitcast %get3A_850 : vector<32xbf16> to vector<16xi32>
          %shift_left3A_852 = arith.constant 16 : i32
          %shift_left3A_853 = vector.broadcast %shift_left3A_852 : i32 to vector<16xi32>
          %shift_left3A_854 = arith.shli %bitcast3A_851, %shift_left3A_853 : vector<16xi32>
          %bitcast3A_855 = vector.bitcast %shift_left3A_854 : vector<16xi32> to vector<16xf32>
          %and3A_856 = vector.broadcast %scan3A_35 : i32 to vector<16xi32>
          %and3A_857 = arith.andi %bitcast3A_851, %and3A_856 : vector<16xi32>
          %bitcast3A_858 = vector.bitcast %and3A_857 : vector<16xi32> to vector<16xf32>
          %mul3A_859 = arith.mulf %bitcast3A_855, %broadcast_in_dim3A_843 : vector<16xf32>
          %swap3A_860 = arith.index_cast %add3A_847 : i32 to index
          %swap3A_861 = arith.constant 0 : index
          %swap3A_862 = tpu.vector_load %arg14[%swap3A_860, %swap3A_861] {strides = array<i32>} : memref<112x128xf32, #tpu.memory_space<vmem>>, vector<16xf32>,
          tpu.vector_store %arg14[%swap3A_860, %swap3A_861], %mul3A_859 {strides = array<i32>} : memref<112x128xf32, #tpu.memory_space<vmem>>, vector<16xf32>,
          %mul3A_863 = arith.mulf %bitcast3A_858, %broadcast_in_dim3A_843 : vector<16xf32>
          %swap3A_864 = arith.index_cast %add3A_847 : i32 to index
          %swap3A_865 = arith.constant 16 : index
          %swap3A_866 = tpu.vector_load %arg14[%swap3A_864, %swap3A_865] {strides = array<i32>} : memref<112x128xf32, #tpu.memory_space<vmem>>, vector<16xf32>,
          tpu.vector_store %arg14[%swap3A_864, %swap3A_865], %mul3A_863 {strides = array<i32>} : memref<112x128xf32, #tpu.memory_space<vmem>>, vector<16xf32>,
          %get3A_867 = arith.index_cast %add3A_847 : i32 to index
          %get3A_868 = arith.constant 32 : index
          %get3A_869 = tpu.vector_load %arg12[%get3A_867, %get3A_868] {strides = array<i32>} : memref<112x128xbf16, #tpu.memory_space<vmem>>, vector<32xbf16>,
          %bitcast3A_870 = vector.bitcast %get3A_869 : vector<32xbf16> to vector<16xi32>
          %shift_left3A_871 = arith.constant 16 : i32
          %shift_left3A_872 = vector.broadcast %shift_left3A_871 : i32 to vector<16xi32>
          %shift_left3A_873 = arith.shli %bitcast3A_870, %shift_left3A_872 : vector<16xi32>
          %bitcast3A_874 = vector.bitcast %shift_left3A_873 : vector<16xi32> to vector<16xf32>
          %and3A_875 = vector.broadcast %scan3A_35 : i32 to vector<16xi32>
          %and3A_876 = arith.andi %bitcast3A_870, %and3A_875 : vector<16xi32>
          %bitcast3A_877 = vector.bitcast %and3A_876 : vector<16xi32> to vector<16xf32>
          %mul3A_878 = arith.mulf %bitcast3A_874, %broadcast_in_dim3A_843 : vector<16xf32>
          %swap3A_879 = arith.index_cast %add3A_847 : i32 to index
          %swap3A_880 = arith.constant 32 : index
          %swap3A_881 = tpu.vector_load %arg14[%swap3A_879, %swap3A_880] {strides = array<i32>} : memref<112x128xf32, #tpu.memory_space<vmem>>, vector<16xf32>,
          tpu.vector_store %arg14[%swap3A_879, %swap3A_880], %mul3A_878 {strides = array<i32>} : memref<112x128xf32, #tpu.memory_space<vmem>>, vector<16xf32>,
          %mul3A_882 = arith.mulf %bitcast3A_877, %broadcast_in_dim3A_843 : vector<16xf32>
          %swap3A_883 = arith.index_cast %add3A_847 : i32 to index
          %swap3A_884 = arith.constant 48 : index
          %swap3A_885 = tpu.vector_load %arg14[%swap3A_883, %swap3A_884] {strides = array<i32>} : memref<112x128xf32, #tpu.memory_space<vmem>>, vector<16xf32>,
          tpu.vector_store %arg14[%swap3A_883, %swap3A_884], %mul3A_882 {strides = array<i32>} : memref<112x128xf32, #tpu.memory_space<vmem>>, vector<16xf32>,
          %get3A_886 = arith.index_cast %add3A_847 : i32 to index
          %get3A_887 = arith.constant 64 : index
          %get3A_888 = tpu.vector_load %arg12[%get3A_886, %get3A_887] {strides = array<i32>} : memref<112x128xbf16, #tpu.memory_space<vmem>>, vector<32xbf16>,
          %bitcast3A_889 = vector.bitcast %get3A_888 : vector<32xbf16> to vector<16xi32>
          %shift_left3A_890 = arith.constant 16 : i32
          %shift_left3A_891 = vector.broadcast %shift_left3A_890 : i32 to vector<16xi32>
          %shift_left3A_892 = arith.shli %bitcast3A_889, %shift_left3A_891 : vector<16xi32>
          %bitcast3A_893 = vector.bitcast %shift_left3A_892 : vector<16xi32> to vector<16xf32>
          %and3A_894 = vector.broadcast %scan3A_35 : i32 to vector<16xi32>
          %and3A_895 = arith.andi %bitcast3A_889, %and3A_894 : vector<16xi32>
          %bitcast3A_896 = vector.bitcast %and3A_895 : vector<16xi32> to vector<16xf32>
          %mul3A_897 = arith.mulf %bitcast3A_893, %broadcast_in_dim3A_843 : vector<16xf32>
          %swap3A_898 = arith.index_cast %add3A_847 : i32 to index
          %swap3A_899 = arith.constant 64 : index
          %swap3A_900 = tpu.vector_load %arg14[%swap3A_898, %swap3A_899] {strides = array<i32>} : memref<112x128xf32, #tpu.memory_space<vmem>>, vector<16xf32>,
          tpu.vector_store %arg14[%swap3A_898, %swap3A_899], %mul3A_897 {strides = array<i32>} : memref<112x128xf32, #tpu.memory_space<vmem>>, vector<16xf32>,
          %mul3A_901 = arith.mulf %bitcast3A_896, %broadcast_in_dim3A_843 : vector<16xf32>
          %swap3A_902 = arith.index_cast %add3A_847 : i32 to index
          %swap3A_903 = arith.constant 80 : index
          %swap3A_904 = tpu.vector_load %arg14[%swap3A_902, %swap3A_903] {strides = array<i32>} : memref<112x128xf32, #tpu.memory_space<vmem>>, vector<16xf32>,
          tpu.vector_store %arg14[%swap3A_902, %swap3A_903], %mul3A_901 {strides = array<i32>} : memref<112x128xf32, #tpu.memory_space<vmem>>, vector<16xf32>,
          %get3A_905 = arith.index_cast %add3A_847 : i32 to index
          %get3A_906 = arith.constant 96 : index
          %get3A_907 = tpu.vector_load %arg12[%get3A_905, %get3A_906] {strides = array<i32>} : memref<112x128xbf16, #tpu.memory_space<vmem>>, vector<32xbf16>,
          %bitcast3A_908 = vector.bitcast %get3A_907 : vector<32xbf16> to vector<16xi32>
          %shift_left3A_909 = arith.constant 16 : i32
          %shift_left3A_910 = vector.broadcast %shift_left3A_909 : i32 to vector<16xi32>
          %shift_left3A_911 = arith.shli %bitcast3A_908, %shift_left3A_910 : vector<16xi32>
          %bitcast3A_912 = vector.bitcast %shift_left3A_911 : vector<16xi32> to vector<16xf32>
          %and3A_913 = vector.broadcast %scan3A_35 : i32 to vector<16xi32>
          %and3A_914 = arith.andi %bitcast3A_908, %and3A_913 : vector<16xi32>
          %bitcast3A_915 = vector.bitcast %and3A_914 : vector<16xi32> to vector<16xf32>
          %mul3A_916 = arith.mulf %bitcast3A_912, %broadcast_in_dim3A_843 : vector<16xf32>
          %swap3A_917 = arith.index_cast %add3A_847 : i32 to index
          %swap3A_918 = arith.constant 96 : index
          %swap3A_919 = tpu.vector_load %arg14[%swap3A_917, %swap3A_918] {strides = array<i32>} : memref<112x128xf32, #tpu.memory_space<vmem>>, vector<16xf32>,
          tpu.vector_store %arg14[%swap3A_917, %swap3A_918], %mul3A_916 {strides = array<i32>} : memref<112x128xf32, #tpu.memory_space<vmem>>, vector<16xf32>,
          %mul3A_920 = arith.mulf %bitcast3A_915, %broadcast_in_dim3A_843 : vector<16xf32>
          %swap3A_921 = arith.index_cast %add3A_847 : i32 to index
          %swap3A_922 = arith.constant 112 : index
          %swap3A_923 = tpu.vector_load %arg14[%swap3A_921, %swap3A_922] {strides = array<i32>} : memref<112x128xf32, #tpu.memory_space<vmem>>, vector<16xf32>,
          tpu.vector_store %arg14[%swap3A_921, %swap3A_922], %mul3A_920 {strides = array<i32>} : memref<112x128xf32, #tpu.memory_space<vmem>>, vector<16xf32>,
          %slice3A_924 = vector.extract_strided_slice %get3A_347 {offsets = [7], sizes = [1], strides = [1]} : vector<16xf32> to vector<1xf32>
          %squeeze3A_925 = vector.extract %slice3A_924[0] : f32 from vector<1xf32>
          %broadcast_in_dim3A_926 = vector.broadcast %squeeze3A_925 : f32 to vector<16xf32>
          %mul3A_927 = arith.constant 16 : i32
          %mul3A_928 = arith.muli %add3A_342, %mul3A_927 : i32
          %add3A_929 = arith.constant 7 : i32
          %add3A_930 = arith.addi %mul3A_928, %add3A_929 : i32
          %get3A_931 = arith.index_cast %add3A_930 : i32 to index
          %get3A_932 = arith.constant 0 : index
          %get3A_933 = tpu.vector_load %arg12[%get3A_931, %get3A_932] {strides = array<i32>} : memref<112x128xbf16, #tpu.memory_space<vmem>>, vector<32xbf16>,
          %bitcast3A_934 = vector.bitcast %get3A_933 : vector<32xbf16> to vector<16xi32>
          %shift_left3A_935 = arith.constant 16 : i32
          %shift_left3A_936 = vector.broadcast %shift_left3A_935 : i32 to vector<16xi32>
          %shift_left3A_937 = arith.shli %bitcast3A_934, %shift_left3A_936 : vector<16xi32>
          %bitcast3A_938 = vector.bitcast %shift_left3A_937 : vector<16xi32> to vector<16xf32>
          %and3A_939 = vector.broadcast %scan3A_35 : i32 to vector<16xi32>
          %and3A_940 = arith.andi %bitcast3A_934, %and3A_939 : vector<16xi32>
          %bitcast3A_941 = vector.bitcast %and3A_940 : vector<16xi32> to vector<16xf32>
          %mul3A_942 = arith.mulf %bitcast3A_938, %broadcast_in_dim3A_926 : vector<16xf32>
          %swap3A_943 = arith.index_cast %add3A_930 : i32 to index
          %swap3A_944 = arith.constant 0 : index
          %swap3A_945 = tpu.vector_load %arg14[%swap3A_943, %swap3A_944] {strides = array<i32>} : memref<112x128xf32, #tpu.memory_space<vmem>>, vector<16xf32>,
          tpu.vector_store %arg14[%swap3A_943, %swap3A_944], %mul3A_942 {strides = array<i32>} : memref<112x128xf32, #tpu.memory_space<vmem>>, vector<16xf32>,
          %mul3A_946 = arith.mulf %bitcast3A_941, %broadcast_in_dim3A_926 : vector<16xf32>
          %swap3A_947 = arith.index_cast %add3A_930 : i32 to index
          %swap3A_948 = arith.constant 16 : index
          %swap3A_949 = tpu.vector_load %arg14[%swap3A_947, %swap3A_948] {strides = array<i32>} : memref<112x128xf32, #tpu.memory_space<vmem>>, vector<16xf32>,
          tpu.vector_store %arg14[%swap3A_947, %swap3A_948], %mul3A_946 {strides = array<i32>} : memref<112x128xf32, #tpu.memory_space<vmem>>, vector<16xf32>,
          %get3A_950 = arith.index_cast %add3A_930 : i32 to index
          %get3A_951 = arith.constant 32 : index
          %get3A_952 = tpu.vector_load %arg12[%get3A_950, %get3A_951] {strides = array<i32>} : memref<112x128xbf16, #tpu.memory_space<vmem>>, vector<32xbf16>,
          %bitcast3A_953 = vector.bitcast %get3A_952 : vector<32xbf16> to vector<16xi32>
          %shift_left3A_954 = arith.constant 16 : i32
          %shift_left3A_955 = vector.broadcast %shift_left3A_954 : i32 to vector<16xi32>
          %shift_left3A_956 = arith.shli %bitcast3A_953, %shift_left3A_955 : vector<16xi32>
          %bitcast3A_957 = vector.bitcast %shift_left3A_956 : vector<16xi32> to vector<16xf32>
          %and3A_958 = vector.broadcast %scan3A_35 : i32 to vector<16xi32>
          %and3A_959 = arith.andi %bitcast3A_953, %and3A_958 : vector<16xi32>
          %bitcast3A_960 = vector.bitcast %and3A_959 : vector<16xi32> to vector<16xf32>
          %mul3A_961 = arith.mulf %bitcast3A_957, %broadcast_in_dim3A_926 : vector<16xf32>
          %swap3A_962 = arith.index_cast %add3A_930 : i32 to index
          %swap3A_963 = arith.constant 32 : index
          %swap3A_964 = tpu.vector_load %arg14[%swap3A_962, %swap3A_963] {strides = array<i32>} : memref<112x128xf32, #tpu.memory_space<vmem>>, vector<16xf32>,
          tpu.vector_store %arg14[%swap3A_962, %swap3A_963], %mul3A_961 {strides = array<i32>} : memref<112x128xf32, #tpu.memory_space<vmem>>, vector<16xf32>,
          %mul3A_965 = arith.mulf %bitcast3A_960, %broadcast_in_dim3A_926 : vector<16xf32>
          %swap3A_966 = arith.index_cast %add3A_930 : i32 to index
          %swap3A_967 = arith.constant 48 : index
          %swap3A_968 = tpu.vector_load %arg14[%swap3A_966, %swap3A_967] {strides = array<i32>} : memref<112x128xf32, #tpu.memory_space<vmem>>, vector<16xf32>,
          tpu.vector_store %arg14[%swap3A_966, %swap3A_967], %mul3A_965 {strides = array<i32>} : memref<112x128xf32, #tpu.memory_space<vmem>>, vector<16xf32>,
          %get3A_969 = arith.index_cast %add3A_930 : i32 to index
          %get3A_970 = arith.constant 64 : index
          %get3A_971 = tpu.vector_load %arg12[%get3A_969, %get3A_970] {strides = array<i32>} : memref<112x128xbf16, #tpu.memory_space<vmem>>, vector<32xbf16>,
          %bitcast3A_972 = vector.bitcast %get3A_971 : vector<32xbf16> to vector<16xi32>
          %shift_left3A_973 = arith.constant 16 : i32
          %shift_left3A_974 = vector.broadcast %shift_left3A_973 : i32 to vector<16xi32>
          %shift_left3A_975 = arith.shli %bitcast3A_972, %shift_left3A_974 : vector<16xi32>
          %bitcast3A_976 = vector.bitcast %shift_left3A_975 : vector<16xi32> to vector<16xf32>
          %and3A_977 = vector.broadcast %scan3A_35 : i32 to vector<16xi32>
          %and3A_978 = arith.andi %bitcast3A_972, %and3A_977 : vector<16xi32>
          %bitcast3A_979 = vector.bitcast %and3A_978 : vector<16xi32> to vector<16xf32>
          %mul3A_980 = arith.mulf %bitcast3A_976, %broadcast_in_dim3A_926 : vector<16xf32>
          %swap3A_981 = arith.index_cast %add3A_930 : i32 to index
          %swap3A_982 = arith.constant 64 : index
          %swap3A_983 = tpu.vector_load %arg14[%swap3A_981, %swap3A_982] {strides = array<i32>} : memref<112x128xf32, #tpu.memory_space<vmem>>, vector<16xf32>,
          tpu.vector_store %arg14[%swap3A_981, %swap3A_982], %mul3A_980 {strides = array<i32>} : memref<112x128xf32, #tpu.memory_space<vmem>>, vector<16xf32>,
          %mul3A_984 = arith.mulf %bitcast3A_979, %broadcast_in_dim3A_926 : vector<16xf32>
          %swap3A_985 = arith.index_cast %add3A_930 : i32 to index
          %swap3A_986 = arith.constant 80 : index
          %swap3A_987 = tpu.vector_load %arg14[%swap3A_985, %swap3A_986] {strides = array<i32>} : memref<112x128xf32, #tpu.memory_space<vmem>>, vector<16xf32>,
          tpu.vector_store %arg14[%swap3A_985, %swap3A_986], %mul3A_984 {strides = array<i32>} : memref<112x128xf32, #tpu.memory_space<vmem>>, vector<16xf32>,
          %get3A_988 = arith.index_cast %add3A_930 : i32 to index
          %get3A_989 = arith.constant 96 : index
          %get3A_990 = tpu.vector_load %arg12[%get3A_988, %get3A_989] {strides = array<i32>} : memref<112x128xbf16, #tpu.memory_space<vmem>>, vector<32xbf16>,
          %bitcast3A_991 = vector.bitcast %get3A_990 : vector<32xbf16> to vector<16xi32>
          %shift_left3A_992 = arith.constant 16 : i32
          %shift_left3A_993 = vector.broadcast %shift_left3A_992 : i32 to vector<16xi32>
          %shift_left3A_994 = arith.shli %bitcast3A_991, %shift_left3A_993 : vector<16xi32>
          %bitcast3A_995 = vector.bitcast %shift_left3A_994 : vector<16xi32> to vector<16xf32>
          %and3A_996 = vector.broadcast %scan3A_35 : i32 to vector<16xi32>
          %and3A_997 = arith.andi %bitcast3A_991, %and3A_996 : vector<16xi32>
          %bitcast3A_998 = vector.bitcast %and3A_997 : vector<16xi32> to vector<16xf32>
          %mul3A_999 = arith.mulf %bitcast3A_995, %broadcast_in_dim3A_926 : vector<16xf32>
          %swap3A_1000 = arith.index_cast %add3A_930 : i32 to index
          %swap3A_1001 = arith.constant 96 : index
          %swap3A_1002 = tpu.vector_load %arg14[%swap3A_1000, %swap3A_1001] {strides = array<i32>} : memref<112x128xf32, #tpu.memory_space<vmem>>, vector<16xf32>,
          tpu.vector_store %arg14[%swap3A_1000, %swap3A_1001], %mul3A_999 {strides = array<i32>} : memref<112x128xf32, #tpu.memory_space<vmem>>, vector<16xf32>,
          %mul3A_1003 = arith.mulf %bitcast3A_998, %broadcast_in_dim3A_926 : vector<16xf32>
          %swap3A_1004 = arith.index_cast %add3A_930 : i32 to index
          %swap3A_1005 = arith.constant 112 : index
          %swap3A_1006 = tpu.vector_load %arg14[%swap3A_1004, %swap3A_1005] {strides = array<i32>} : memref<112x128xf32, #tpu.memory_space<vmem>>, vector<16xf32>,
          tpu.vector_store %arg14[%swap3A_1004, %swap3A_1005], %mul3A_1003 {strides = array<i32>} : memref<112x128xf32, #tpu.memory_space<vmem>>, vector<16xf32>,
          %slice3A_1007 = vector.extract_strided_slice %get3A_347 {offsets = [8], sizes = [1], strides = [1]} : vector<16xf32> to vector<1xf32>
          %squeeze3A_1008 = vector.extract %slice3A_1007[0] : f32 from vector<1xf32>
          %broadcast_in_dim3A_1009 = vector.broadcast %squeeze3A_1008 : f32 to vector<16xf32>
          %mul3A_1010 = arith.constant 16 : i32
          %mul3A_1011 = arith.muli %add3A_342, %mul3A_1010 : i32
          %add3A_1012 = arith.constant 8 : i32
          %add3A_1013 = arith.addi %mul3A_1011, %add3A_1012 : i32
          %get3A_1014 = arith.index_cast %add3A_1013 : i32 to index
          %get3A_1015 = arith.constant 0 : index
          %get3A_1016 = tpu.vector_load %arg12[%get3A_1014, %get3A_1015] {strides = array<i32>} : memref<112x128xbf16, #tpu.memory_space<vmem>>, vector<32xbf16>,
          %bitcast3A_1017 = vector.bitcast %get3A_1016 : vector<32xbf16> to vector<16xi32>
          %shift_left3A_1018 = arith.constant 16 : i32
          %shift_left3A_1019 = vector.broadcast %shift_left3A_1018 : i32 to vector<16xi32>
          %shift_left3A_1020 = arith.shli %bitcast3A_1017, %shift_left3A_1019 : vector<16xi32>
          %bitcast3A_1021 = vector.bitcast %shift_left3A_1020 : vector<16xi32> to vector<16xf32>
          %and3A_1022 = vector.broadcast %scan3A_35 : i32 to vector<16xi32>
          %and3A_1023 = arith.andi %bitcast3A_1017, %and3A_1022 : vector<16xi32>
          %bitcast3A_1024 = vector.bitcast %and3A_1023 : vector<16xi32> to vector<16xf32>
          %mul3A_1025 = arith.mulf %bitcast3A_1021, %broadcast_in_dim3A_1009 : vector<16xf32>
          %swap3A_1026 = arith.index_cast %add3A_1013 : i32 to index
          %swap3A_1027 = arith.constant 0 : index
          %swap3A_1028 = tpu.vector_load %arg14[%swap3A_1026, %swap3A_1027] {strides = array<i32>} : memref<112x128xf32, #tpu.memory_space<vmem>>, vector<16xf32>,
          tpu.vector_store %arg14[%swap3A_1026, %swap3A_1027], %mul3A_1025 {strides = array<i32>} : memref<112x128xf32, #tpu.memory_space<vmem>>, vector<16xf32>,
          %mul3A_1029 = arith.mulf %bitcast3A_1024, %broadcast_in_dim3A_1009 : vector<16xf32>
          %swap3A_1030 = arith.index_cast %add3A_1013 : i32 to index
          %swap3A_1031 = arith.constant 16 : index
          %swap3A_1032 = tpu.vector_load %arg14[%swap3A_1030, %swap3A_1031] {strides = array<i32>} : memref<112x128xf32, #tpu.memory_space<vmem>>, vector<16xf32>,
          tpu.vector_store %arg14[%swap3A_1030, %swap3A_1031], %mul3A_1029 {strides = array<i32>} : memref<112x128xf32, #tpu.memory_space<vmem>>, vector<16xf32>,
          %get3A_1033 = arith.index_cast %add3A_1013 : i32 to index
          %get3A_1034 = arith.constant 32 : index
          %get3A_1035 = tpu.vector_load %arg12[%get3A_1033, %get3A_1034] {strides = array<i32>} : memref<112x128xbf16, #tpu.memory_space<vmem>>, vector<32xbf16>,
          %bitcast3A_1036 = vector.bitcast %get3A_1035 : vector<32xbf16> to vector<16xi32>
          %shift_left3A_1037 = arith.constant 16 : i32
          %shift_left3A_1038 = vector.broadcast %shift_left3A_1037 : i32 to vector<16xi32>
          %shift_left3A_1039 = arith.shli %bitcast3A_1036, %shift_left3A_1038 : vector<16xi32>
          %bitcast3A_1040 = vector.bitcast %shift_left3A_1039 : vector<16xi32> to vector<16xf32>
          %and3A_1041 = vector.broadcast %scan3A_35 : i32 to vector<16xi32>
          %and3A_1042 = arith.andi %bitcast3A_1036, %and3A_1041 : vector<16xi32>
          %bitcast3A_1043 = vector.bitcast %and3A_1042 : vector<16xi32> to vector<16xf32>
          %mul3A_1044 = arith.mulf %bitcast3A_1040, %broadcast_in_dim3A_1009 : vector<16xf32>
          %swap3A_1045 = arith.index_cast %add3A_1013 : i32 to index
          %swap3A_1046 = arith.constant 32 : index
          %swap3A_1047 = tpu.vector_load %arg14[%swap3A_1045, %swap3A_1046] {strides = array<i32>} : memref<112x128xf32, #tpu.memory_space<vmem>>, vector<16xf32>,
          tpu.vector_store %arg14[%swap3A_1045, %swap3A_1046], %mul3A_1044 {strides = array<i32>} : memref<112x128xf32, #tpu.memory_space<vmem>>, vector<16xf32>,
          %mul3A_1048 = arith.mulf %bitcast3A_1043, %broadcast_in_dim3A_1009 : vector<16xf32>
          %swap3A_1049 = arith.index_cast %add3A_1013 : i32 to index
          %swap3A_1050 = arith.constant 48 : index
          %swap3A_1051 = tpu.vector_load %arg14[%swap3A_1049, %swap3A_1050] {strides = array<i32>} : memref<112x128xf32, #tpu.memory_space<vmem>>, vector<16xf32>,
          tpu.vector_store %arg14[%swap3A_1049, %swap3A_1050], %mul3A_1048 {strides = array<i32>} : memref<112x128xf32, #tpu.memory_space<vmem>>, vector<16xf32>,
          %get3A_1052 = arith.index_cast %add3A_1013 : i32 to index
          %get3A_1053 = arith.constant 64 : index
          %get3A_1054 = tpu.vector_load %arg12[%get3A_1052, %get3A_1053] {strides = array<i32>} : memref<112x128xbf16, #tpu.memory_space<vmem>>, vector<32xbf16>,
          %bitcast3A_1055 = vector.bitcast %get3A_1054 : vector<32xbf16> to vector<16xi32>
          %shift_left3A_1056 = arith.constant 16 : i32
          %shift_left3A_1057 = vector.broadcast %shift_left3A_1056 : i32 to vector<16xi32>
          %shift_left3A_1058 = arith.shli %bitcast3A_1055, %shift_left3A_1057 : vector<16xi32>
          %bitcast3A_1059 = vector.bitcast %shift_left3A_1058 : vector<16xi32> to vector<16xf32>
          %and3A_1060 = vector.broadcast %scan3A_35 : i32 to vector<16xi32>
          %and3A_1061 = arith.andi %bitcast3A_1055, %and3A_1060 : vector<16xi32>
          %bitcast3A_1062 = vector.bitcast %and3A_1061 : vector<16xi32> to vector<16xf32>
          %mul3A_1063 = arith.mulf %bitcast3A_1059, %broadcast_in_dim3A_1009 : vector<16xf32>
          %swap3A_1064 = arith.index_cast %add3A_1013 : i32 to index
          %swap3A_1065 = arith.constant 64 : index
          %swap3A_1066 = tpu.vector_load %arg14[%swap3A_1064, %swap3A_1065] {strides = array<i32>} : memref<112x128xf32, #tpu.memory_space<vmem>>, vector<16xf32>,
          tpu.vector_store %arg14[%swap3A_1064, %swap3A_1065], %mul3A_1063 {strides = array<i32>} : memref<112x128xf32, #tpu.memory_space<vmem>>, vector<16xf32>,
          %mul3A_1067 = arith.mulf %bitcast3A_1062, %broadcast_in_dim3A_1009 : vector<16xf32>
          %swap3A_1068 = arith.index_cast %add3A_1013 : i32 to index
          %swap3A_1069 = arith.constant 80 : index
          %swap3A_1070 = tpu.vector_load %arg14[%swap3A_1068, %swap3A_1069] {strides = array<i32>} : memref<112x128xf32, #tpu.memory_space<vmem>>, vector<16xf32>,
          tpu.vector_store %arg14[%swap3A_1068, %swap3A_1069], %mul3A_1067 {strides = array<i32>} : memref<112x128xf32, #tpu.memory_space<vmem>>, vector<16xf32>,
          %get3A_1071 = arith.index_cast %add3A_1013 : i32 to index
          %get3A_1072 = arith.constant 96 : index
          %get3A_1073 = tpu.vector_load %arg12[%get3A_1071, %get3A_1072] {strides = array<i32>} : memref<112x128xbf16, #tpu.memory_space<vmem>>, vector<32xbf16>,
          %bitcast3A_1074 = vector.bitcast %get3A_1073 : vector<32xbf16> to vector<16xi32>
          %shift_left3A_1075 = arith.constant 16 : i32
          %shift_left3A_1076 = vector.broadcast %shift_left3A_1075 : i32 to vector<16xi32>
          %shift_left3A_1077 = arith.shli %bitcast3A_1074, %shift_left3A_1076 : vector<16xi32>
          %bitcast3A_1078 = vector.bitcast %shift_left3A_1077 : vector<16xi32> to vector<16xf32>
          %and3A_1079 = vector.broadcast %scan3A_35 : i32 to vector<16xi32>
          %and3A_1080 = arith.andi %bitcast3A_1074, %and3A_1079 : vector<16xi32>
          %bitcast3A_1081 = vector.bitcast %and3A_1080 : vector<16xi32> to vector<16xf32>
          %mul3A_1082 = arith.mulf %bitcast3A_1078, %broadcast_in_dim3A_1009 : vector<16xf32>
          %swap3A_1083 = arith.index_cast %add3A_1013 : i32 to index
          %swap3A_1084 = arith.constant 96 : index
          %swap3A_1085 = tpu.vector_load %arg14[%swap3A_1083, %swap3A_1084] {strides = array<i32>} : memref<112x128xf32, #tpu.memory_space<vmem>>, vector<16xf32>,
          tpu.vector_store %arg14[%swap3A_1083, %swap3A_1084], %mul3A_1082 {strides = array<i32>} : memref<112x128xf32, #tpu.memory_space<vmem>>, vector<16xf32>,
          %mul3A_1086 = arith.mulf %bitcast3A_1081, %broadcast_in_dim3A_1009 : vector<16xf32>
          %swap3A_1087 = arith.index_cast %add3A_1013 : i32 to index
          %swap3A_1088 = arith.constant 112 : index
          %swap3A_1089 = tpu.vector_load %arg14[%swap3A_1087, %swap3A_1088] {strides = array<i32>} : memref<112x128xf32, #tpu.memory_space<vmem>>, vector<16xf32>,
          tpu.vector_store %arg14[%swap3A_1087, %swap3A_1088], %mul3A_1086 {strides = array<i32>} : memref<112x128xf32, #tpu.memory_space<vmem>>, vector<16xf32>,
          %slice3A_1090 = vector.extract_strided_slice %get3A_347 {offsets = [9], sizes = [1], strides = [1]} : vector<16xf32> to vector<1xf32>
          %squeeze3A_1091 = vector.extract %slice3A_1090[0] : f32 from vector<1xf32>
          %broadcast_in_dim3A_1092 = vector.broadcast %squeeze3A_1091 : f32 to vector<16xf32>
          %mul3A_1093 = arith.constant 16 : i32
          %mul3A_1094 = arith.muli %add3A_342, %mul3A_1093 : i32
          %add3A_1095 = arith.constant 9 : i32
          %add3A_1096 = arith.addi %mul3A_1094, %add3A_1095 : i32
          %get3A_1097 = arith.index_cast %add3A_1096 : i32 to index
          %get3A_1098 = arith.constant 0 : index
          %get3A_1099 = tpu.vector_load %arg12[%get3A_1097, %get3A_1098] {strides = array<i32>} : memref<112x128xbf16, #tpu.memory_space<vmem>>, vector<32xbf16>,
          %bitcast3A_1100 = vector.bitcast %get3A_1099 : vector<32xbf16> to vector<16xi32>
          %shift_left3A_1101 = arith.constant 16 : i32
          %shift_left3A_1102 = vector.broadcast %shift_left3A_1101 : i32 to vector<16xi32>
          %shift_left3A_1103 = arith.shli %bitcast3A_1100, %shift_left3A_1102 : vector<16xi32>
          %bitcast3A_1104 = vector.bitcast %shift_left3A_1103 : vector<16xi32> to vector<16xf32>
          %and3A_1105 = vector.broadcast %scan3A_35 : i32 to vector<16xi32>
          %and3A_1106 = arith.andi %bitcast3A_1100, %and3A_1105 : vector<16xi32>
          %bitcast3A_1107 = vector.bitcast %and3A_1106 : vector<16xi32> to vector<16xf32>
          %mul3A_1108 = arith.mulf %bitcast3A_1104, %broadcast_in_dim3A_1092 : vector<16xf32>
          %swap3A_1109 = arith.index_cast %add3A_1096 : i32 to index
          %swap3A_1110 = arith.constant 0 : index
          %swap3A_1111 = tpu.vector_load %arg14[%swap3A_1109, %swap3A_1110] {strides = array<i32>} : memref<112x128xf32, #tpu.memory_space<vmem>>, vector<16xf32>,
          tpu.vector_store %arg14[%swap3A_1109, %swap3A_1110], %mul3A_1108 {strides = array<i32>} : memref<112x128xf32, #tpu.memory_space<vmem>>, vector<16xf32>,
          %mul3A_1112 = arith.mulf %bitcast3A_1107, %broadcast_in_dim3A_1092 : vector<16xf32>
          %swap3A_1113 = arith.index_cast %add3A_1096 : i32 to index
          %swap3A_1114 = arith.constant 16 : index
          %swap3A_1115 = tpu.vector_load %arg14[%swap3A_1113, %swap3A_1114] {strides = array<i32>} : memref<112x128xf32, #tpu.memory_space<vmem>>, vector<16xf32>,
          tpu.vector_store %arg14[%swap3A_1113, %swap3A_1114], %mul3A_1112 {strides = array<i32>} : memref<112x128xf32, #tpu.memory_space<vmem>>, vector<16xf32>,
          %get3A_1116 = arith.index_cast %add3A_1096 : i32 to index
          %get3A_1117 = arith.constant 32 : index
          %get3A_1118 = tpu.vector_load %arg12[%get3A_1116, %get3A_1117] {strides = array<i32>} : memref<112x128xbf16, #tpu.memory_space<vmem>>, vector<32xbf16>,
          %bitcast3A_1119 = vector.bitcast %get3A_1118 : vector<32xbf16> to vector<16xi32>
          %shift_left3A_1120 = arith.constant 16 : i32
          %shift_left3A_1121 = vector.broadcast %shift_left3A_1120 : i32 to vector<16xi32>
          %shift_left3A_1122 = arith.shli %bitcast3A_1119, %shift_left3A_1121 : vector<16xi32>
          %bitcast3A_1123 = vector.bitcast %shift_left3A_1122 : vector<16xi32> to vector<16xf32>
          %and3A_1124 = vector.broadcast %scan3A_35 : i32 to vector<16xi32>
          %and3A_1125 = arith.andi %bitcast3A_1119, %and3A_1124 : vector<16xi32>
          %bitcast3A_1126 = vector.bitcast %and3A_1125 : vector<16xi32> to vector<16xf32>
          %mul3A_1127 = arith.mulf %bitcast3A_1123, %broadcast_in_dim3A_1092 : vector<16xf32>
          %swap3A_1128 = arith.index_cast %add3A_1096 : i32 to index
          %swap3A_1129 = arith.constant 32 : index
          %swap3A_1130 = tpu.vector_load %arg14[%swap3A_1128, %swap3A_1129] {strides = array<i32>} : memref<112x128xf32, #tpu.memory_space<vmem>>, vector<16xf32>,
          tpu.vector_store %arg14[%swap3A_1128, %swap3A_1129], %mul3A_1127 {strides = array<i32>} : memref<112x128xf32, #tpu.memory_space<vmem>>, vector<16xf32>,
          %mul3A_1131 = arith.mulf %bitcast3A_1126, %broadcast_in_dim3A_1092 : vector<16xf32>
          %swap3A_1132 = arith.index_cast %add3A_1096 : i32 to index
          %swap3A_1133 = arith.constant 48 : index
          %swap3A_1134 = tpu.vector_load %arg14[%swap3A_1132, %swap3A_1133] {strides = array<i32>} : memref<112x128xf32, #tpu.memory_space<vmem>>, vector<16xf32>,
          tpu.vector_store %arg14[%swap3A_1132, %swap3A_1133], %mul3A_1131 {strides = array<i32>} : memref<112x128xf32, #tpu.memory_space<vmem>>, vector<16xf32>,
          %get3A_1135 = arith.index_cast %add3A_1096 : i32 to index
          %get3A_1136 = arith.constant 64 : index
          %get3A_1137 = tpu.vector_load %arg12[%get3A_1135, %get3A_1136] {strides = array<i32>} : memref<112x128xbf16, #tpu.memory_space<vmem>>, vector<32xbf16>,
          %bitcast3A_1138 = vector.bitcast %get3A_1137 : vector<32xbf16> to vector<16xi32>
          %shift_left3A_1139 = arith.constant 16 : i32
          %shift_left3A_1140 = vector.broadcast %shift_left3A_1139 : i32 to vector<16xi32>
          %shift_left3A_1141 = arith.shli %bitcast3A_1138, %shift_left3A_1140 : vector<16xi32>
          %bitcast3A_1142 = vector.bitcast %shift_left3A_1141 : vector<16xi32> to vector<16xf32>
          %and3A_1143 = vector.broadcast %scan3A_35 : i32 to vector<16xi32>
          %and3A_1144 = arith.andi %bitcast3A_1138, %and3A_1143 : vector<16xi32>
          %bitcast3A_1145 = vector.bitcast %and3A_1144 : vector<16xi32> to vector<16xf32>
          %mul3A_1146 = arith.mulf %bitcast3A_1142, %broadcast_in_dim3A_1092 : vector<16xf32>
          %swap3A_1147 = arith.index_cast %add3A_1096 : i32 to index
          %swap3A_1148 = arith.constant 64 : index
          %swap3A_1149 = tpu.vector_load %arg14[%swap3A_1147, %swap3A_1148] {strides = array<i32>} : memref<112x128xf32, #tpu.memory_space<vmem>>, vector<16xf32>,
          tpu.vector_store %arg14[%swap3A_1147, %swap3A_1148], %mul3A_1146 {strides = array<i32>} : memref<112x128xf32, #tpu.memory_space<vmem>>, vector<16xf32>,
          %mul3A_1150 = arith.mulf %bitcast3A_1145, %broadcast_in_dim3A_1092 : vector<16xf32>
          %swap3A_1151 = arith.index_cast %add3A_1096 : i32 to index
          %swap3A_1152 = arith.constant 80 : index
          %swap3A_1153 = tpu.vector_load %arg14[%swap3A_1151, %swap3A_1152] {strides = array<i32>} : memref<112x128xf32, #tpu.memory_space<vmem>>, vector<16xf32>,
          tpu.vector_store %arg14[%swap3A_1151, %swap3A_1152], %mul3A_1150 {strides = array<i32>} : memref<112x128xf32, #tpu.memory_space<vmem>>, vector<16xf32>,
          %get3A_1154 = arith.index_cast %add3A_1096 : i32 to index
          %get3A_1155 = arith.constant 96 : index
          %get3A_1156 = tpu.vector_load %arg12[%get3A_1154, %get3A_1155] {strides = array<i32>} : memref<112x128xbf16, #tpu.memory_space<vmem>>, vector<32xbf16>,
          %bitcast3A_1157 = vector.bitcast %get3A_1156 : vector<32xbf16> to vector<16xi32>
          %shift_left3A_1158 = arith.constant 16 : i32
          %shift_left3A_1159 = vector.broadcast %shift_left3A_1158 : i32 to vector<16xi32>
          %shift_left3A_1160 = arith.shli %bitcast3A_1157, %shift_left3A_1159 : vector<16xi32>
          %bitcast3A_1161 = vector.bitcast %shift_left3A_1160 : vector<16xi32> to vector<16xf32>
          %and3A_1162 = vector.broadcast %scan3A_35 : i32 to vector<16xi32>
          %and3A_1163 = arith.andi %bitcast3A_1157, %and3A_1162 : vector<16xi32>
          %bitcast3A_1164 = vector.bitcast %and3A_1163 : vector<16xi32> to vector<16xf32>
          %mul3A_1165 = arith.mulf %bitcast3A_1161, %broadcast_in_dim3A_1092 : vector<16xf32>
          %swap3A_1166 = arith.index_cast %add3A_1096 : i32 to index
          %swap3A_1167 = arith.constant 96 : index
          %swap3A_1168 = tpu.vector_load %arg14[%swap3A_1166, %swap3A_1167] {strides = array<i32>} : memref<112x128xf32, #tpu.memory_space<vmem>>, vector<16xf32>,
          tpu.vector_store %arg14[%swap3A_1166, %swap3A_1167], %mul3A_1165 {strides = array<i32>} : memref<112x128xf32, #tpu.memory_space<vmem>>, vector<16xf32>,
          %mul3A_1169 = arith.mulf %bitcast3A_1164, %broadcast_in_dim3A_1092 : vector<16xf32>
          %swap3A_1170 = arith.index_cast %add3A_1096 : i32 to index
          %swap3A_1171 = arith.constant 112 : index
          %swap3A_1172 = tpu.vector_load %arg14[%swap3A_1170, %swap3A_1171] {strides = array<i32>} : memref<112x128xf32, #tpu.memory_space<vmem>>, vector<16xf32>,
          tpu.vector_store %arg14[%swap3A_1170, %swap3A_1171], %mul3A_1169 {strides = array<i32>} : memref<112x128xf32, #tpu.memory_space<vmem>>, vector<16xf32>,
          %slice3A_1173 = vector.extract_strided_slice %get3A_347 {offsets = [10], sizes = [1], strides = [1]} : vector<16xf32> to vector<1xf32>
          %squeeze3A_1174 = vector.extract %slice3A_1173[0] : f32 from vector<1xf32>
          %broadcast_in_dim3A_1175 = vector.broadcast %squeeze3A_1174 : f32 to vector<16xf32>
          %mul3A_1176 = arith.constant 16 : i32
          %mul3A_1177 = arith.muli %add3A_342, %mul3A_1176 : i32
          %add3A_1178 = arith.constant 10 : i32
          %add3A_1179 = arith.addi %mul3A_1177, %add3A_1178 : i32
          %get3A_1180 = arith.index_cast %add3A_1179 : i32 to index
          %get3A_1181 = arith.constant 0 : index
          %get3A_1182 = tpu.vector_load %arg12[%get3A_1180, %get3A_1181] {strides = array<i32>} : memref<112x128xbf16, #tpu.memory_space<vmem>>, vector<32xbf16>,
          %bitcast3A_1183 = vector.bitcast %get3A_1182 : vector<32xbf16> to vector<16xi32>
          %shift_left3A_1184 = arith.constant 16 : i32
          %shift_left3A_1185 = vector.broadcast %shift_left3A_1184 : i32 to vector<16xi32>
          %shift_left3A_1186 = arith.shli %bitcast3A_1183, %shift_left3A_1185 : vector<16xi32>
          %bitcast3A_1187 = vector.bitcast %shift_left3A_1186 : vector<16xi32> to vector<16xf32>
          %and3A_1188 = vector.broadcast %scan3A_35 : i32 to vector<16xi32>
          %and3A_1189 = arith.andi %bitcast3A_1183, %and3A_1188 : vector<16xi32>
          %bitcast3A_1190 = vector.bitcast %and3A_1189 : vector<16xi32> to vector<16xf32>
          %mul3A_1191 = arith.mulf %bitcast3A_1187, %broadcast_in_dim3A_1175 : vector<16xf32>
          %swap3A_1192 = arith.index_cast %add3A_1179 : i32 to index
          %swap3A_1193 = arith.constant 0 : index
          %swap3A_1194 = tpu.vector_load %arg14[%swap3A_1192, %swap3A_1193] {strides = array<i32>} : memref<112x128xf32, #tpu.memory_space<vmem>>, vector<16xf32>,
          tpu.vector_store %arg14[%swap3A_1192, %swap3A_1193], %mul3A_1191 {strides = array<i32>} : memref<112x128xf32, #tpu.memory_space<vmem>>, vector<16xf32>,
          %mul3A_1195 = arith.mulf %bitcast3A_1190, %broadcast_in_dim3A_1175 : vector<16xf32>
          %swap3A_1196 = arith.index_cast %add3A_1179 : i32 to index
          %swap3A_1197 = arith.constant 16 : index
          %swap3A_1198 = tpu.vector_load %arg14[%swap3A_1196, %swap3A_1197] {strides = array<i32>} : memref<112x128xf32, #tpu.memory_space<vmem>>, vector<16xf32>,
          tpu.vector_store %arg14[%swap3A_1196, %swap3A_1197], %mul3A_1195 {strides = array<i32>} : memref<112x128xf32, #tpu.memory_space<vmem>>, vector<16xf32>,
          %get3A_1199 = arith.index_cast %add3A_1179 : i32 to index
          %get3A_1200 = arith.constant 32 : index
          %get3A_1201 = tpu.vector_load %arg12[%get3A_1199, %get3A_1200] {strides = array<i32>} : memref<112x128xbf16, #tpu.memory_space<vmem>>, vector<32xbf16>,
          %bitcast3A_1202 = vector.bitcast %get3A_1201 : vector<32xbf16> to vector<16xi32>
          %shift_left3A_1203 = arith.constant 16 : i32
          %shift_left3A_1204 = vector.broadcast %shift_left3A_1203 : i32 to vector<16xi32>
          %shift_left3A_1205 = arith.shli %bitcast3A_1202, %shift_left3A_1204 : vector<16xi32>
          %bitcast3A_1206 = vector.bitcast %shift_left3A_1205 : vector<16xi32> to vector<16xf32>
          %and3A_1207 = vector.broadcast %scan3A_35 : i32 to vector<16xi32>
          %and3A_1208 = arith.andi %bitcast3A_1202, %and3A_1207 : vector<16xi32>
          %bitcast3A_1209 = vector.bitcast %and3A_1208 : vector<16xi32> to vector<16xf32>
          %mul3A_1210 = arith.mulf %bitcast3A_1206, %broadcast_in_dim3A_1175 : vector<16xf32>
          %swap3A_1211 = arith.index_cast %add3A_1179 : i32 to index
          %swap3A_1212 = arith.constant 32 : index
          %swap3A_1213 = tpu.vector_load %arg14[%swap3A_1211, %swap3A_1212] {strides = array<i32>} : memref<112x128xf32, #tpu.memory_space<vmem>>, vector<16xf32>,
          tpu.vector_store %arg14[%swap3A_1211, %swap3A_1212], %mul3A_1210 {strides = array<i32>} : memref<112x128xf32, #tpu.memory_space<vmem>>, vector<16xf32>,
          %mul3A_1214 = arith.mulf %bitcast3A_1209, %broadcast_in_dim3A_1175 : vector<16xf32>
          %swap3A_1215 = arith.index_cast %add3A_1179 : i32 to index
          %swap3A_1216 = arith.constant 48 : index
          %swap3A_1217 = tpu.vector_load %arg14[%swap3A_1215, %swap3A_1216] {strides = array<i32>} : memref<112x128xf32, #tpu.memory_space<vmem>>, vector<16xf32>,
          tpu.vector_store %arg14[%swap3A_1215, %swap3A_1216], %mul3A_1214 {strides = array<i32>} : memref<112x128xf32, #tpu.memory_space<vmem>>, vector<16xf32>,
          %get3A_1218 = arith.index_cast %add3A_1179 : i32 to index
          %get3A_1219 = arith.constant 64 : index
          %get3A_1220 = tpu.vector_load %arg12[%get3A_1218, %get3A_1219] {strides = array<i32>} : memref<112x128xbf16, #tpu.memory_space<vmem>>, vector<32xbf16>,
          %bitcast3A_1221 = vector.bitcast %get3A_1220 : vector<32xbf16> to vector<16xi32>
          %shift_left3A_1222 = arith.constant 16 : i32
          %shift_left3A_1223 = vector.broadcast %shift_left3A_1222 : i32 to vector<16xi32>
          %shift_left3A_1224 = arith.shli %bitcast3A_1221, %shift_left3A_1223 : vector<16xi32>
          %bitcast3A_1225 = vector.bitcast %shift_left3A_1224 : vector<16xi32> to vector<16xf32>
          %and3A_1226 = vector.broadcast %scan3A_35 : i32 to vector<16xi32>
          %and3A_1227 = arith.andi %bitcast3A_1221, %and3A_1226 : vector<16xi32>
          %bitcast3A_1228 = vector.bitcast %and3A_1227 : vector<16xi32> to vector<16xf32>
          %mul3A_1229 = arith.mulf %bitcast3A_1225, %broadcast_in_dim3A_1175 : vector<16xf32>
          %swap3A_1230 = arith.index_cast %add3A_1179 : i32 to index
          %swap3A_1231 = arith.constant 64 : index
          %swap3A_1232 = tpu.vector_load %arg14[%swap3A_1230, %swap3A_1231] {strides = array<i32>} : memref<112x128xf32, #tpu.memory_space<vmem>>, vector<16xf32>,
          tpu.vector_store %arg14[%swap3A_1230, %swap3A_1231], %mul3A_1229 {strides = array<i32>} : memref<112x128xf32, #tpu.memory_space<vmem>>, vector<16xf32>,
          %mul3A_1233 = arith.mulf %bitcast3A_1228, %broadcast_in_dim3A_1175 : vector<16xf32>
          %swap3A_1234 = arith.index_cast %add3A_1179 : i32 to index
          %swap3A_1235 = arith.constant 80 : index
          %swap3A_1236 = tpu.vector_load %arg14[%swap3A_1234, %swap3A_1235] {strides = array<i32>} : memref<112x128xf32, #tpu.memory_space<vmem>>, vector<16xf32>,
          tpu.vector_store %arg14[%swap3A_1234, %swap3A_1235], %mul3A_1233 {strides = array<i32>} : memref<112x128xf32, #tpu.memory_space<vmem>>, vector<16xf32>,
          %get3A_1237 = arith.index_cast %add3A_1179 : i32 to index
          %get3A_1238 = arith.constant 96 : index
          %get3A_1239 = tpu.vector_load %arg12[%get3A_1237, %get3A_1238] {strides = array<i32>} : memref<112x128xbf16, #tpu.memory_space<vmem>>, vector<32xbf16>,
          %bitcast3A_1240 = vector.bitcast %get3A_1239 : vector<32xbf16> to vector<16xi32>
          %shift_left3A_1241 = arith.constant 16 : i32
          %shift_left3A_1242 = vector.broadcast %shift_left3A_1241 : i32 to vector<16xi32>
          %shift_left3A_1243 = arith.shli %bitcast3A_1240, %shift_left3A_1242 : vector<16xi32>
          %bitcast3A_1244 = vector.bitcast %shift_left3A_1243 : vector<16xi32> to vector<16xf32>
          %and3A_1245 = vector.broadcast %scan3A_35 : i32 to vector<16xi32>
          %and3A_1246 = arith.andi %bitcast3A_1240, %and3A_1245 : vector<16xi32>
          %bitcast3A_1247 = vector.bitcast %and3A_1246 : vector<16xi32> to vector<16xf32>
          %mul3A_1248 = arith.mulf %bitcast3A_1244, %broadcast_in_dim3A_1175 : vector<16xf32>
          %swap3A_1249 = arith.index_cast %add3A_1179 : i32 to index
          %swap3A_1250 = arith.constant 96 : index
          %swap3A_1251 = tpu.vector_load %arg14[%swap3A_1249, %swap3A_1250] {strides = array<i32>} : memref<112x128xf32, #tpu.memory_space<vmem>>, vector<16xf32>,
          tpu.vector_store %arg14[%swap3A_1249, %swap3A_1250], %mul3A_1248 {strides = array<i32>} : memref<112x128xf32, #tpu.memory_space<vmem>>, vector<16xf32>,
          %mul3A_1252 = arith.mulf %bitcast3A_1247, %broadcast_in_dim3A_1175 : vector<16xf32>
          %swap3A_1253 = arith.index_cast %add3A_1179 : i32 to index
          %swap3A_1254 = arith.constant 112 : index
          %swap3A_1255 = tpu.vector_load %arg14[%swap3A_1253, %swap3A_1254] {strides = array<i32>} : memref<112x128xf32, #tpu.memory_space<vmem>>, vector<16xf32>,
          tpu.vector_store %arg14[%swap3A_1253, %swap3A_1254], %mul3A_1252 {strides = array<i32>} : memref<112x128xf32, #tpu.memory_space<vmem>>, vector<16xf32>,
          %slice3A_1256 = vector.extract_strided_slice %get3A_347 {offsets = [11], sizes = [1], strides = [1]} : vector<16xf32> to vector<1xf32>
          %squeeze3A_1257 = vector.extract %slice3A_1256[0] : f32 from vector<1xf32>
          %broadcast_in_dim3A_1258 = vector.broadcast %squeeze3A_1257 : f32 to vector<16xf32>
          %mul3A_1259 = arith.constant 16 : i32
          %mul3A_1260 = arith.muli %add3A_342, %mul3A_1259 : i32
          %add3A_1261 = arith.constant 11 : i32
          %add3A_1262 = arith.addi %mul3A_1260, %add3A_1261 : i32
          %get3A_1263 = arith.index_cast %add3A_1262 : i32 to index
          %get3A_1264 = arith.constant 0 : index
          %get3A_1265 = tpu.vector_load %arg12[%get3A_1263, %get3A_1264] {strides = array<i32>} : memref<112x128xbf16, #tpu.memory_space<vmem>>, vector<32xbf16>,
          %bitcast3A_1266 = vector.bitcast %get3A_1265 : vector<32xbf16> to vector<16xi32>
          %shift_left3A_1267 = arith.constant 16 : i32
          %shift_left3A_1268 = vector.broadcast %shift_left3A_1267 : i32 to vector<16xi32>
          %shift_left3A_1269 = arith.shli %bitcast3A_1266, %shift_left3A_1268 : vector<16xi32>
          %bitcast3A_1270 = vector.bitcast %shift_left3A_1269 : vector<16xi32> to vector<16xf32>
          %and3A_1271 = vector.broadcast %scan3A_35 : i32 to vector<16xi32>
          %and3A_1272 = arith.andi %bitcast3A_1266, %and3A_1271 : vector<16xi32>
          %bitcast3A_1273 = vector.bitcast %and3A_1272 : vector<16xi32> to vector<16xf32>
          %mul3A_1274 = arith.mulf %bitcast3A_1270, %broadcast_in_dim3A_1258 : vector<16xf32>
          %swap3A_1275 = arith.index_cast %add3A_1262 : i32 to index
          %swap3A_1276 = arith.constant 0 : index
          %swap3A_1277 = tpu.vector_load %arg14[%swap3A_1275, %swap3A_1276] {strides = array<i32>} : memref<112x128xf32, #tpu.memory_space<vmem>>, vector<16xf32>,
          tpu.vector_store %arg14[%swap3A_1275, %swap3A_1276], %mul3A_1274 {strides = array<i32>} : memref<112x128xf32, #tpu.memory_space<vmem>>, vector<16xf32>,
          %mul3A_1278 = arith.mulf %bitcast3A_1273, %broadcast_in_dim3A_1258 : vector<16xf32>
          %swap3A_1279 = arith.index_cast %add3A_1262 : i32 to index
          %swap3A_1280 = arith.constant 16 : index
          %swap3A_1281 = tpu.vector_load %arg14[%swap3A_1279, %swap3A_1280] {strides = array<i32>} : memref<112x128xf32, #tpu.memory_space<vmem>>, vector<16xf32>,
          tpu.vector_store %arg14[%swap3A_1279, %swap3A_1280], %mul3A_1278 {strides = array<i32>} : memref<112x128xf32, #tpu.memory_space<vmem>>, vector<16xf32>,
          %get3A_1282 = arith.index_cast %add3A_1262 : i32 to index
          %get3A_1283 = arith.constant 32 : index
          %get3A_1284 = tpu.vector_load %arg12[%get3A_1282, %get3A_1283] {strides = array<i32>} : memref<112x128xbf16, #tpu.memory_space<vmem>>, vector<32xbf16>,
          %bitcast3A_1285 = vector.bitcast %get3A_1284 : vector<32xbf16> to vector<16xi32>
          %shift_left3A_1286 = arith.constant 16 : i32
          %shift_left3A_1287 = vector.broadcast %shift_left3A_1286 : i32 to vector<16xi32>
          %shift_left3A_1288 = arith.shli %bitcast3A_1285, %shift_left3A_1287 : vector<16xi32>
          %bitcast3A_1289 = vector.bitcast %shift_left3A_1288 : vector<16xi32> to vector<16xf32>
          %and3A_1290 = vector.broadcast %scan3A_35 : i32 to vector<16xi32>
          %and3A_1291 = arith.andi %bitcast3A_1285, %and3A_1290 : vector<16xi32>
          %bitcast3A_1292 = vector.bitcast %and3A_1291 : vector<16xi32> to vector<16xf32>
          %mul3A_1293 = arith.mulf %bitcast3A_1289, %broadcast_in_dim3A_1258 : vector<16xf32>
          %swap3A_1294 = arith.index_cast %add3A_1262 : i32 to index
          %swap3A_1295 = arith.constant 32 : index
          %swap3A_1296 = tpu.vector_load %arg14[%swap3A_1294, %swap3A_1295] {strides = array<i32>} : memref<112x128xf32, #tpu.memory_space<vmem>>, vector<16xf32>,
          tpu.vector_store %arg14[%swap3A_1294, %swap3A_1295], %mul3A_1293 {strides = array<i32>} : memref<112x128xf32, #tpu.memory_space<vmem>>, vector<16xf32>,
          %mul3A_1297 = arith.mulf %bitcast3A_1292, %broadcast_in_dim3A_1258 : vector<16xf32>
          %swap3A_1298 = arith.index_cast %add3A_1262 : i32 to index
          %swap3A_1299 = arith.constant 48 : index
          %swap3A_1300 = tpu.vector_load %arg14[%swap3A_1298, %swap3A_1299] {strides = array<i32>} : memref<112x128xf32, #tpu.memory_space<vmem>>, vector<16xf32>,
          tpu.vector_store %arg14[%swap3A_1298, %swap3A_1299], %mul3A_1297 {strides = array<i32>} : memref<112x128xf32, #tpu.memory_space<vmem>>, vector<16xf32>,
          %get3A_1301 = arith.index_cast %add3A_1262 : i32 to index
          %get3A_1302 = arith.constant 64 : index
          %get3A_1303 = tpu.vector_load %arg12[%get3A_1301, %get3A_1302] {strides = array<i32>} : memref<112x128xbf16, #tpu.memory_space<vmem>>, vector<32xbf16>,
          %bitcast3A_1304 = vector.bitcast %get3A_1303 : vector<32xbf16> to vector<16xi32>
          %shift_left3A_1305 = arith.constant 16 : i32
          %shift_left3A_1306 = vector.broadcast %shift_left3A_1305 : i32 to vector<16xi32>
          %shift_left3A_1307 = arith.shli %bitcast3A_1304, %shift_left3A_1306 : vector<16xi32>
          %bitcast3A_1308 = vector.bitcast %shift_left3A_1307 : vector<16xi32> to vector<16xf32>
          %and3A_1309 = vector.broadcast %scan3A_35 : i32 to vector<16xi32>
          %and3A_1310 = arith.andi %bitcast3A_1304, %and3A_1309 : vector<16xi32>
          %bitcast3A_1311 = vector.bitcast %and3A_1310 : vector<16xi32> to vector<16xf32>
          %mul3A_1312 = arith.mulf %bitcast3A_1308, %broadcast_in_dim3A_1258 : vector<16xf32>
          %swap3A_1313 = arith.index_cast %add3A_1262 : i32 to index
          %swap3A_1314 = arith.constant 64 : index
          %swap3A_1315 = tpu.vector_load %arg14[%swap3A_1313, %swap3A_1314] {strides = array<i32>} : memref<112x128xf32, #tpu.memory_space<vmem>>, vector<16xf32>,
          tpu.vector_store %arg14[%swap3A_1313, %swap3A_1314], %mul3A_1312 {strides = array<i32>} : memref<112x128xf32, #tpu.memory_space<vmem>>, vector<16xf32>,
          %mul3A_1316 = arith.mulf %bitcast3A_1311, %broadcast_in_dim3A_1258 : vector<16xf32>
          %swap3A_1317 = arith.index_cast %add3A_1262 : i32 to index
          %swap3A_1318 = arith.constant 80 : index
          %swap3A_1319 = tpu.vector_load %arg14[%swap3A_1317, %swap3A_1318] {strides = array<i32>} : memref<112x128xf32, #tpu.memory_space<vmem>>, vector<16xf32>,
          tpu.vector_store %arg14[%swap3A_1317, %swap3A_1318], %mul3A_1316 {strides = array<i32>} : memref<112x128xf32, #tpu.memory_space<vmem>>, vector<16xf32>,
          %get3A_1320 = arith.index_cast %add3A_1262 : i32 to index
          %get3A_1321 = arith.constant 96 : index
          %get3A_1322 = tpu.vector_load %arg12[%get3A_1320, %get3A_1321] {strides = array<i32>} : memref<112x128xbf16, #tpu.memory_space<vmem>>, vector<32xbf16>,
          %bitcast3A_1323 = vector.bitcast %get3A_1322 : vector<32xbf16> to vector<16xi32>
          %shift_left3A_1324 = arith.constant 16 : i32
          %shift_left3A_1325 = vector.broadcast %shift_left3A_1324 : i32 to vector<16xi32>
          %shift_left3A_1326 = arith.shli %bitcast3A_1323, %shift_left3A_1325 : vector<16xi32>
          %bitcast3A_1327 = vector.bitcast %shift_left3A_1326 : vector<16xi32> to vector<16xf32>
          %and3A_1328 = vector.broadcast %scan3A_35 : i32 to vector<16xi32>
          %and3A_1329 = arith.andi %bitcast3A_1323, %and3A_1328 : vector<16xi32>
          %bitcast3A_1330 = vector.bitcast %and3A_1329 : vector<16xi32> to vector<16xf32>
          %mul3A_1331 = arith.mulf %bitcast3A_1327, %broadcast_in_dim3A_1258 : vector<16xf32>
          %swap3A_1332 = arith.index_cast %add3A_1262 : i32 to index
          %swap3A_1333 = arith.constant 96 : index
          %swap3A_1334 = tpu.vector_load %arg14[%swap3A_1332, %swap3A_1333] {strides = array<i32>} : memref<112x128xf32, #tpu.memory_space<vmem>>, vector<16xf32>,
          tpu.vector_store %arg14[%swap3A_1332, %swap3A_1333], %mul3A_1331 {strides = array<i32>} : memref<112x128xf32, #tpu.memory_space<vmem>>, vector<16xf32>,
          %mul3A_1335 = arith.mulf %bitcast3A_1330, %broadcast_in_dim3A_1258 : vector<16xf32>
          %swap3A_1336 = arith.index_cast %add3A_1262 : i32 to index
          %swap3A_1337 = arith.constant 112 : index
          %swap3A_1338 = tpu.vector_load %arg14[%swap3A_1336, %swap3A_1337] {strides = array<i32>} : memref<112x128xf32, #tpu.memory_space<vmem>>, vector<16xf32>,
          tpu.vector_store %arg14[%swap3A_1336, %swap3A_1337], %mul3A_1335 {strides = array<i32>} : memref<112x128xf32, #tpu.memory_space<vmem>>, vector<16xf32>,
          %slice3A_1339 = vector.extract_strided_slice %get3A_347 {offsets = [12], sizes = [1], strides = [1]} : vector<16xf32> to vector<1xf32>
          %squeeze3A_1340 = vector.extract %slice3A_1339[0] : f32 from vector<1xf32>
          %broadcast_in_dim3A_1341 = vector.broadcast %squeeze3A_1340 : f32 to vector<16xf32>
          %mul3A_1342 = arith.constant 16 : i32
          %mul3A_1343 = arith.muli %add3A_342, %mul3A_1342 : i32
          %add3A_1344 = arith.constant 12 : i32
          %add3A_1345 = arith.addi %mul3A_1343, %add3A_1344 : i32
          %get3A_1346 = arith.index_cast %add3A_1345 : i32 to index
          %get3A_1347 = arith.constant 0 : index
          %get3A_1348 = tpu.vector_load %arg12[%get3A_1346, %get3A_1347] {strides = array<i32>} : memref<112x128xbf16, #tpu.memory_space<vmem>>, vector<32xbf16>,
          %bitcast3A_1349 = vector.bitcast %get3A_1348 : vector<32xbf16> to vector<16xi32>
          %shift_left3A_1350 = arith.constant 16 : i32
          %shift_left3A_1351 = vector.broadcast %shift_left3A_1350 : i32 to vector<16xi32>
          %shift_left3A_1352 = arith.shli %bitcast3A_1349, %shift_left3A_1351 : vector<16xi32>
          %bitcast3A_1353 = vector.bitcast %shift_left3A_1352 : vector<16xi32> to vector<16xf32>
          %and3A_1354 = vector.broadcast %scan3A_35 : i32 to vector<16xi32>
          %and3A_1355 = arith.andi %bitcast3A_1349, %and3A_1354 : vector<16xi32>
          %bitcast3A_1356 = vector.bitcast %and3A_1355 : vector<16xi32> to vector<16xf32>
          %mul3A_1357 = arith.mulf %bitcast3A_1353, %broadcast_in_dim3A_1341 : vector<16xf32>
          %swap3A_1358 = arith.index_cast %add3A_1345 : i32 to index
          %swap3A_1359 = arith.constant 0 : index
          %swap3A_1360 = tpu.vector_load %arg14[%swap3A_1358, %swap3A_1359] {strides = array<i32>} : memref<112x128xf32, #tpu.memory_space<vmem>>, vector<16xf32>,
          tpu.vector_store %arg14[%swap3A_1358, %swap3A_1359], %mul3A_1357 {strides = array<i32>} : memref<112x128xf32, #tpu.memory_space<vmem>>, vector<16xf32>,
          %mul3A_1361 = arith.mulf %bitcast3A_1356, %broadcast_in_dim3A_1341 : vector<16xf32>
          %swap3A_1362 = arith.index_cast %add3A_1345 : i32 to index
          %swap3A_1363 = arith.constant 16 : index
          %swap3A_1364 = tpu.vector_load %arg14[%swap3A_1362, %swap3A_1363] {strides = array<i32>} : memref<112x128xf32, #tpu.memory_space<vmem>>, vector<16xf32>,
          tpu.vector_store %arg14[%swap3A_1362, %swap3A_1363], %mul3A_1361 {strides = array<i32>} : memref<112x128xf32, #tpu.memory_space<vmem>>, vector<16xf32>,
          %get3A_1365 = arith.index_cast %add3A_1345 : i32 to index
          %get3A_1366 = arith.constant 32 : index
          %get3A_1367 = tpu.vector_load %arg12[%get3A_1365, %get3A_1366] {strides = array<i32>} : memref<112x128xbf16, #tpu.memory_space<vmem>>, vector<32xbf16>,
          %bitcast3A_1368 = vector.bitcast %get3A_1367 : vector<32xbf16> to vector<16xi32>
          %shift_left3A_1369 = arith.constant 16 : i32
          %shift_left3A_1370 = vector.broadcast %shift_left3A_1369 : i32 to vector<16xi32>
          %shift_left3A_1371 = arith.shli %bitcast3A_1368, %shift_left3A_1370 : vector<16xi32>
          %bitcast3A_1372 = vector.bitcast %shift_left3A_1371 : vector<16xi32> to vector<16xf32>
          %and3A_1373 = vector.broadcast %scan3A_35 : i32 to vector<16xi32>
          %and3A_1374 = arith.andi %bitcast3A_1368, %and3A_1373 : vector<16xi32>
          %bitcast3A_1375 = vector.bitcast %and3A_1374 : vector<16xi32> to vector<16xf32>
          %mul3A_1376 = arith.mulf %bitcast3A_1372, %broadcast_in_dim3A_1341 : vector<16xf32>
          %swap3A_1377 = arith.index_cast %add3A_1345 : i32 to index
          %swap3A_1378 = arith.constant 32 : index
          %swap3A_1379 = tpu.vector_load %arg14[%swap3A_1377, %swap3A_1378] {strides = array<i32>} : memref<112x128xf32, #tpu.memory_space<vmem>>, vector<16xf32>,
          tpu.vector_store %arg14[%swap3A_1377, %swap3A_1378], %mul3A_1376 {strides = array<i32>} : memref<112x128xf32, #tpu.memory_space<vmem>>, vector<16xf32>,
          %mul3A_1380 = arith.mulf %bitcast3A_1375, %broadcast_in_dim3A_1341 : vector<16xf32>
          %swap3A_1381 = arith.index_cast %add3A_1345 : i32 to index
          %swap3A_1382 = arith.constant 48 : index
          %swap3A_1383 = tpu.vector_load %arg14[%swap3A_1381, %swap3A_1382] {strides = array<i32>} : memref<112x128xf32, #tpu.memory_space<vmem>>, vector<16xf32>,
          tpu.vector_store %arg14[%swap3A_1381, %swap3A_1382], %mul3A_1380 {strides = array<i32>} : memref<112x128xf32, #tpu.memory_space<vmem>>, vector<16xf32>,
          %get3A_1384 = arith.index_cast %add3A_1345 : i32 to index
          %get3A_1385 = arith.constant 64 : index
          %get3A_1386 = tpu.vector_load %arg12[%get3A_1384, %get3A_1385] {strides = array<i32>} : memref<112x128xbf16, #tpu.memory_space<vmem>>, vector<32xbf16>,
          %bitcast3A_1387 = vector.bitcast %get3A_1386 : vector<32xbf16> to vector<16xi32>
          %shift_left3A_1388 = arith.constant 16 : i32
          %shift_left3A_1389 = vector.broadcast %shift_left3A_1388 : i32 to vector<16xi32>
          %shift_left3A_1390 = arith.shli %bitcast3A_1387, %shift_left3A_1389 : vector<16xi32>
          %bitcast3A_1391 = vector.bitcast %shift_left3A_1390 : vector<16xi32> to vector<16xf32>
          %and3A_1392 = vector.broadcast %scan3A_35 : i32 to vector<16xi32>
          %and3A_1393 = arith.andi %bitcast3A_1387, %and3A_1392 : vector<16xi32>
          %bitcast3A_1394 = vector.bitcast %and3A_1393 : vector<16xi32> to vector<16xf32>
          %mul3A_1395 = arith.mulf %bitcast3A_1391, %broadcast_in_dim3A_1341 : vector<16xf32>
          %swap3A_1396 = arith.index_cast %add3A_1345 : i32 to index
          %swap3A_1397 = arith.constant 64 : index
          %swap3A_1398 = tpu.vector_load %arg14[%swap3A_1396, %swap3A_1397] {strides = array<i32>} : memref<112x128xf32, #tpu.memory_space<vmem>>, vector<16xf32>,
          tpu.vector_store %arg14[%swap3A_1396, %swap3A_1397], %mul3A_1395 {strides = array<i32>} : memref<112x128xf32, #tpu.memory_space<vmem>>, vector<16xf32>,
          %mul3A_1399 = arith.mulf %bitcast3A_1394, %broadcast_in_dim3A_1341 : vector<16xf32>
          %swap3A_1400 = arith.index_cast %add3A_1345 : i32 to index
          %swap3A_1401 = arith.constant 80 : index
          %swap3A_1402 = tpu.vector_load %arg14[%swap3A_1400, %swap3A_1401] {strides = array<i32>} : memref<112x128xf32, #tpu.memory_space<vmem>>, vector<16xf32>,
          tpu.vector_store %arg14[%swap3A_1400, %swap3A_1401], %mul3A_1399 {strides = array<i32>} : memref<112x128xf32, #tpu.memory_space<vmem>>, vector<16xf32>,
          %get3A_1403 = arith.index_cast %add3A_1345 : i32 to index
          %get3A_1404 = arith.constant 96 : index
          %get3A_1405 = tpu.vector_load %arg12[%get3A_1403, %get3A_1404] {strides = array<i32>} : memref<112x128xbf16, #tpu.memory_space<vmem>>, vector<32xbf16>,
          %bitcast3A_1406 = vector.bitcast %get3A_1405 : vector<32xbf16> to vector<16xi32>
          %shift_left3A_1407 = arith.constant 16 : i32
          %shift_left3A_1408 = vector.broadcast %shift_left3A_1407 : i32 to vector<16xi32>
          %shift_left3A_1409 = arith.shli %bitcast3A_1406, %shift_left3A_1408 : vector<16xi32>
          %bitcast3A_1410 = vector.bitcast %shift_left3A_1409 : vector<16xi32> to vector<16xf32>
          %and3A_1411 = vector.broadcast %scan3A_35 : i32 to vector<16xi32>
          %and3A_1412 = arith.andi %bitcast3A_1406, %and3A_1411 : vector<16xi32>
          %bitcast3A_1413 = vector.bitcast %and3A_1412 : vector<16xi32> to vector<16xf32>
          %mul3A_1414 = arith.mulf %bitcast3A_1410, %broadcast_in_dim3A_1341 : vector<16xf32>
          %swap3A_1415 = arith.index_cast %add3A_1345 : i32 to index
          %swap3A_1416 = arith.constant 96 : index
          %swap3A_1417 = tpu.vector_load %arg14[%swap3A_1415, %swap3A_1416] {strides = array<i32>} : memref<112x128xf32, #tpu.memory_space<vmem>>, vector<16xf32>,
          tpu.vector_store %arg14[%swap3A_1415, %swap3A_1416], %mul3A_1414 {strides = array<i32>} : memref<112x128xf32, #tpu.memory_space<vmem>>, vector<16xf32>,
          %mul3A_1418 = arith.mulf %bitcast3A_1413, %broadcast_in_dim3A_1341 : vector<16xf32>
          %swap3A_1419 = arith.index_cast %add3A_1345 : i32 to index
          %swap3A_1420 = arith.constant 112 : index
          %swap3A_1421 = tpu.vector_load %arg14[%swap3A_1419, %swap3A_1420] {strides = array<i32>} : memref<112x128xf32, #tpu.memory_space<vmem>>, vector<16xf32>,
          tpu.vector_store %arg14[%swap3A_1419, %swap3A_1420], %mul3A_1418 {strides = array<i32>} : memref<112x128xf32, #tpu.memory_space<vmem>>, vector<16xf32>,
          %slice3A_1422 = vector.extract_strided_slice %get3A_347 {offsets = [13], sizes = [1], strides = [1]} : vector<16xf32> to vector<1xf32>
          %squeeze3A_1423 = vector.extract %slice3A_1422[0] : f32 from vector<1xf32>
          %broadcast_in_dim3A_1424 = vector.broadcast %squeeze3A_1423 : f32 to vector<16xf32>
          %mul3A_1425 = arith.constant 16 : i32
          %mul3A_1426 = arith.muli %add3A_342, %mul3A_1425 : i32
          %add3A_1427 = arith.constant 13 : i32
          %add3A_1428 = arith.addi %mul3A_1426, %add3A_1427 : i32
          %get3A_1429 = arith.index_cast %add3A_1428 : i32 to index
          %get3A_1430 = arith.constant 0 : index
          %get3A_1431 = tpu.vector_load %arg12[%get3A_1429, %get3A_1430] {strides = array<i32>} : memref<112x128xbf16, #tpu.memory_space<vmem>>, vector<32xbf16>,
          %bitcast3A_1432 = vector.bitcast %get3A_1431 : vector<32xbf16> to vector<16xi32>
          %shift_left3A_1433 = arith.constant 16 : i32
          %shift_left3A_1434 = vector.broadcast %shift_left3A_1433 : i32 to vector<16xi32>
          %shift_left3A_1435 = arith.shli %bitcast3A_1432, %shift_left3A_1434 : vector<16xi32>
          %bitcast3A_1436 = vector.bitcast %shift_left3A_1435 : vector<16xi32> to vector<16xf32>
          %and3A_1437 = vector.broadcast %scan3A_35 : i32 to vector<16xi32>
          %and3A_1438 = arith.andi %bitcast3A_1432, %and3A_1437 : vector<16xi32>
          %bitcast3A_1439 = vector.bitcast %and3A_1438 : vector<16xi32> to vector<16xf32>
          %mul3A_1440 = arith.mulf %bitcast3A_1436, %broadcast_in_dim3A_1424 : vector<16xf32>
          %swap3A_1441 = arith.index_cast %add3A_1428 : i32 to index
          %swap3A_1442 = arith.constant 0 : index
          %swap3A_1443 = tpu.vector_load %arg14[%swap3A_1441, %swap3A_1442] {strides = array<i32>} : memref<112x128xf32, #tpu.memory_space<vmem>>, vector<16xf32>,
          tpu.vector_store %arg14[%swap3A_1441, %swap3A_1442], %mul3A_1440 {strides = array<i32>} : memref<112x128xf32, #tpu.memory_space<vmem>>, vector<16xf32>,
          %mul3A_1444 = arith.mulf %bitcast3A_1439, %broadcast_in_dim3A_1424 : vector<16xf32>
          %swap3A_1445 = arith.index_cast %add3A_1428 : i32 to index
          %swap3A_1446 = arith.constant 16 : index
          %swap3A_1447 = tpu.vector_load %arg14[%swap3A_1445, %swap3A_1446] {strides = array<i32>} : memref<112x128xf32, #tpu.memory_space<vmem>>, vector<16xf32>,
          tpu.vector_store %arg14[%swap3A_1445, %swap3A_1446], %mul3A_1444 {strides = array<i32>} : memref<112x128xf32, #tpu.memory_space<vmem>>, vector<16xf32>,
          %get3A_1448 = arith.index_cast %add3A_1428 : i32 to index
          %get3A_1449 = arith.constant 32 : index
          %get3A_1450 = tpu.vector_load %arg12[%get3A_1448, %get3A_1449] {strides = array<i32>} : memref<112x128xbf16, #tpu.memory_space<vmem>>, vector<32xbf16>,
          %bitcast3A_1451 = vector.bitcast %get3A_1450 : vector<32xbf16> to vector<16xi32>
          %shift_left3A_1452 = arith.constant 16 : i32
          %shift_left3A_1453 = vector.broadcast %shift_left3A_1452 : i32 to vector<16xi32>
          %shift_left3A_1454 = arith.shli %bitcast3A_1451, %shift_left3A_1453 : vector<16xi32>
          %bitcast3A_1455 = vector.bitcast %shift_left3A_1454 : vector<16xi32> to vector<16xf32>
          %and3A_1456 = vector.broadcast %scan3A_35 : i32 to vector<16xi32>
          %and3A_1457 = arith.andi %bitcast3A_1451, %and3A_1456 : vector<16xi32>
          %bitcast3A_1458 = vector.bitcast %and3A_1457 : vector<16xi32> to vector<16xf32>
          %mul3A_1459 = arith.mulf %bitcast3A_1455, %broadcast_in_dim3A_1424 : vector<16xf32>
          %swap3A_1460 = arith.index_cast %add3A_1428 : i32 to index
          %swap3A_1461 = arith.constant 32 : index
          %swap3A_1462 = tpu.vector_load %arg14[%swap3A_1460, %swap3A_1461] {strides = array<i32>} : memref<112x128xf32, #tpu.memory_space<vmem>>, vector<16xf32>,
          tpu.vector_store %arg14[%swap3A_1460, %swap3A_1461], %mul3A_1459 {strides = array<i32>} : memref<112x128xf32, #tpu.memory_space<vmem>>, vector<16xf32>,
          %mul3A_1463 = arith.mulf %bitcast3A_1458, %broadcast_in_dim3A_1424 : vector<16xf32>
          %swap3A_1464 = arith.index_cast %add3A_1428 : i32 to index
          %swap3A_1465 = arith.constant 48 : index
          %swap3A_1466 = tpu.vector_load %arg14[%swap3A_1464, %swap3A_1465] {strides = array<i32>} : memref<112x128xf32, #tpu.memory_space<vmem>>, vector<16xf32>,
          tpu.vector_store %arg14[%swap3A_1464, %swap3A_1465], %mul3A_1463 {strides = array<i32>} : memref<112x128xf32, #tpu.memory_space<vmem>>, vector<16xf32>,
          %get3A_1467 = arith.index_cast %add3A_1428 : i32 to index
          %get3A_1468 = arith.constant 64 : index
          %get3A_1469 = tpu.vector_load %arg12[%get3A_1467, %get3A_1468] {strides = array<i32>} : memref<112x128xbf16, #tpu.memory_space<vmem>>, vector<32xbf16>,
          %bitcast3A_1470 = vector.bitcast %get3A_1469 : vector<32xbf16> to vector<16xi32>
          %shift_left3A_1471 = arith.constant 16 : i32
          %shift_left3A_1472 = vector.broadcast %shift_left3A_1471 : i32 to vector<16xi32>
          %shift_left3A_1473 = arith.shli %bitcast3A_1470, %shift_left3A_1472 : vector<16xi32>
          %bitcast3A_1474 = vector.bitcast %shift_left3A_1473 : vector<16xi32> to vector<16xf32>
          %and3A_1475 = vector.broadcast %scan3A_35 : i32 to vector<16xi32>
          %and3A_1476 = arith.andi %bitcast3A_1470, %and3A_1475 : vector<16xi32>
          %bitcast3A_1477 = vector.bitcast %and3A_1476 : vector<16xi32> to vector<16xf32>
          %mul3A_1478 = arith.mulf %bitcast3A_1474, %broadcast_in_dim3A_1424 : vector<16xf32>
          %swap3A_1479 = arith.index_cast %add3A_1428 : i32 to index
          %swap3A_1480 = arith.constant 64 : index
          %swap3A_1481 = tpu.vector_load %arg14[%swap3A_1479, %swap3A_1480] {strides = array<i32>} : memref<112x128xf32, #tpu.memory_space<vmem>>, vector<16xf32>,
          tpu.vector_store %arg14[%swap3A_1479, %swap3A_1480], %mul3A_1478 {strides = array<i32>} : memref<112x128xf32, #tpu.memory_space<vmem>>, vector<16xf32>,
          %mul3A_1482 = arith.mulf %bitcast3A_1477, %broadcast_in_dim3A_1424 : vector<16xf32>
          %swap3A_1483 = arith.index_cast %add3A_1428 : i32 to index
          %swap3A_1484 = arith.constant 80 : index
          %swap3A_1485 = tpu.vector_load %arg14[%swap3A_1483, %swap3A_1484] {strides = array<i32>} : memref<112x128xf32, #tpu.memory_space<vmem>>, vector<16xf32>,
          tpu.vector_store %arg14[%swap3A_1483, %swap3A_1484], %mul3A_1482 {strides = array<i32>} : memref<112x128xf32, #tpu.memory_space<vmem>>, vector<16xf32>,
          %get3A_1486 = arith.index_cast %add3A_1428 : i32 to index
          %get3A_1487 = arith.constant 96 : index
          %get3A_1488 = tpu.vector_load %arg12[%get3A_1486, %get3A_1487] {strides = array<i32>} : memref<112x128xbf16, #tpu.memory_space<vmem>>, vector<32xbf16>,
          %bitcast3A_1489 = vector.bitcast %get3A_1488 : vector<32xbf16> to vector<16xi32>
          %shift_left3A_1490 = arith.constant 16 : i32
          %shift_left3A_1491 = vector.broadcast %shift_left3A_1490 : i32 to vector<16xi32>
          %shift_left3A_1492 = arith.shli %bitcast3A_1489, %shift_left3A_1491 : vector<16xi32>
          %bitcast3A_1493 = vector.bitcast %shift_left3A_1492 : vector<16xi32> to vector<16xf32>
          %and3A_1494 = vector.broadcast %scan3A_35 : i32 to vector<16xi32>
          %and3A_1495 = arith.andi %bitcast3A_1489, %and3A_1494 : vector<16xi32>
          %bitcast3A_1496 = vector.bitcast %and3A_1495 : vector<16xi32> to vector<16xf32>
          %mul3A_1497 = arith.mulf %bitcast3A_1493, %broadcast_in_dim3A_1424 : vector<16xf32>
          %swap3A_1498 = arith.index_cast %add3A_1428 : i32 to index
          %swap3A_1499 = arith.constant 96 : index
          %swap3A_1500 = tpu.vector_load %arg14[%swap3A_1498, %swap3A_1499] {strides = array<i32>} : memref<112x128xf32, #tpu.memory_space<vmem>>, vector<16xf32>,
          tpu.vector_store %arg14[%swap3A_1498, %swap3A_1499], %mul3A_1497 {strides = array<i32>} : memref<112x128xf32, #tpu.memory_space<vmem>>, vector<16xf32>,
          %mul3A_1501 = arith.mulf %bitcast3A_1496, %broadcast_in_dim3A_1424 : vector<16xf32>
          %swap3A_1502 = arith.index_cast %add3A_1428 : i32 to index
          %swap3A_1503 = arith.constant 112 : index
          %swap3A_1504 = tpu.vector_load %arg14[%swap3A_1502, %swap3A_1503] {strides = array<i32>} : memref<112x128xf32, #tpu.memory_space<vmem>>, vector<16xf32>,
          tpu.vector_store %arg14[%swap3A_1502, %swap3A_1503], %mul3A_1501 {strides = array<i32>} : memref<112x128xf32, #tpu.memory_space<vmem>>, vector<16xf32>,
          %slice3A_1505 = vector.extract_strided_slice %get3A_347 {offsets = [14], sizes = [1], strides = [1]} : vector<16xf32> to vector<1xf32>
          %squeeze3A_1506 = vector.extract %slice3A_1505[0] : f32 from vector<1xf32>
          %broadcast_in_dim3A_1507 = vector.broadcast %squeeze3A_1506 : f32 to vector<16xf32>
          %mul3A_1508 = arith.constant 16 : i32
          %mul3A_1509 = arith.muli %add3A_342, %mul3A_1508 : i32
          %add3A_1510 = arith.constant 14 : i32
          %add3A_1511 = arith.addi %mul3A_1509, %add3A_1510 : i32
          %get3A_1512 = arith.index_cast %add3A_1511 : i32 to index
          %get3A_1513 = arith.constant 0 : index
          %get3A_1514 = tpu.vector_load %arg12[%get3A_1512, %get3A_1513] {strides = array<i32>} : memref<112x128xbf16, #tpu.memory_space<vmem>>, vector<32xbf16>,
          %bitcast3A_1515 = vector.bitcast %get3A_1514 : vector<32xbf16> to vector<16xi32>
          %shift_left3A_1516 = arith.constant 16 : i32
          %shift_left3A_1517 = vector.broadcast %shift_left3A_1516 : i32 to vector<16xi32>
          %shift_left3A_1518 = arith.shli %bitcast3A_1515, %shift_left3A_1517 : vector<16xi32>
          %bitcast3A_1519 = vector.bitcast %shift_left3A_1518 : vector<16xi32> to vector<16xf32>
          %and3A_1520 = vector.broadcast %scan3A_35 : i32 to vector<16xi32>
          %and3A_1521 = arith.andi %bitcast3A_1515, %and3A_1520 : vector<16xi32>
          %bitcast3A_1522 = vector.bitcast %and3A_1521 : vector<16xi32> to vector<16xf32>
          %mul3A_1523 = arith.mulf %bitcast3A_1519, %broadcast_in_dim3A_1507 : vector<16xf32>
          %swap3A_1524 = arith.index_cast %add3A_1511 : i32 to index
          %swap3A_1525 = arith.constant 0 : index
          %swap3A_1526 = tpu.vector_load %arg14[%swap3A_1524, %swap3A_1525] {strides = array<i32>} : memref<112x128xf32, #tpu.memory_space<vmem>>, vector<16xf32>,
          tpu.vector_store %arg14[%swap3A_1524, %swap3A_1525], %mul3A_1523 {strides = array<i32>} : memref<112x128xf32, #tpu.memory_space<vmem>>, vector<16xf32>,
          %mul3A_1527 = arith.mulf %bitcast3A_1522, %broadcast_in_dim3A_1507 : vector<16xf32>
          %swap3A_1528 = arith.index_cast %add3A_1511 : i32 to index
          %swap3A_1529 = arith.constant 16 : index
          %swap3A_1530 = tpu.vector_load %arg14[%swap3A_1528, %swap3A_1529] {strides = array<i32>} : memref<112x128xf32, #tpu.memory_space<vmem>>, vector<16xf32>,
          tpu.vector_store %arg14[%swap3A_1528, %swap3A_1529], %mul3A_1527 {strides = array<i32>} : memref<112x128xf32, #tpu.memory_space<vmem>>, vector<16xf32>,
          %get3A_1531 = arith.index_cast %add3A_1511 : i32 to index
          %get3A_1532 = arith.constant 32 : index
          %get3A_1533 = tpu.vector_load %arg12[%get3A_1531, %get3A_1532] {strides = array<i32>} : memref<112x128xbf16, #tpu.memory_space<vmem>>, vector<32xbf16>,
          %bitcast3A_1534 = vector.bitcast %get3A_1533 : vector<32xbf16> to vector<16xi32>
          %shift_left3A_1535 = arith.constant 16 : i32
          %shift_left3A_1536 = vector.broadcast %shift_left3A_1535 : i32 to vector<16xi32>
          %shift_left3A_1537 = arith.shli %bitcast3A_1534, %shift_left3A_1536 : vector<16xi32>
          %bitcast3A_1538 = vector.bitcast %shift_left3A_1537 : vector<16xi32> to vector<16xf32>
          %and3A_1539 = vector.broadcast %scan3A_35 : i32 to vector<16xi32>
          %and3A_1540 = arith.andi %bitcast3A_1534, %and3A_1539 : vector<16xi32>
          %bitcast3A_1541 = vector.bitcast %and3A_1540 : vector<16xi32> to vector<16xf32>
          %mul3A_1542 = arith.mulf %bitcast3A_1538, %broadcast_in_dim3A_1507 : vector<16xf32>
          %swap3A_1543 = arith.index_cast %add3A_1511 : i32 to index
          %swap3A_1544 = arith.constant 32 : index
          %swap3A_1545 = tpu.vector_load %arg14[%swap3A_1543, %swap3A_1544] {strides = array<i32>} : memref<112x128xf32, #tpu.memory_space<vmem>>, vector<16xf32>,
          tpu.vector_store %arg14[%swap3A_1543, %swap3A_1544], %mul3A_1542 {strides = array<i32>} : memref<112x128xf32, #tpu.memory_space<vmem>>, vector<16xf32>,
          %mul3A_1546 = arith.mulf %bitcast3A_1541, %broadcast_in_dim3A_1507 : vector<16xf32>
          %swap3A_1547 = arith.index_cast %add3A_1511 : i32 to index
          %swap3A_1548 = arith.constant 48 : index
          %swap3A_1549 = tpu.vector_load %arg14[%swap3A_1547, %swap3A_1548] {strides = array<i32>} : memref<112x128xf32, #tpu.memory_space<vmem>>, vector<16xf32>,
          tpu.vector_store %arg14[%swap3A_1547, %swap3A_1548], %mul3A_1546 {strides = array<i32>} : memref<112x128xf32, #tpu.memory_space<vmem>>, vector<16xf32>,
          %get3A_1550 = arith.index_cast %add3A_1511 : i32 to index
          %get3A_1551 = arith.constant 64 : index
          %get3A_1552 = tpu.vector_load %arg12[%get3A_1550, %get3A_1551] {strides = array<i32>} : memref<112x128xbf16, #tpu.memory_space<vmem>>, vector<32xbf16>,
          %bitcast3A_1553 = vector.bitcast %get3A_1552 : vector<32xbf16> to vector<16xi32>
          %shift_left3A_1554 = arith.constant 16 : i32
          %shift_left3A_1555 = vector.broadcast %shift_left3A_1554 : i32 to vector<16xi32>
          %shift_left3A_1556 = arith.shli %bitcast3A_1553, %shift_left3A_1555 : vector<16xi32>
          %bitcast3A_1557 = vector.bitcast %shift_left3A_1556 : vector<16xi32> to vector<16xf32>
          %and3A_1558 = vector.broadcast %scan3A_35 : i32 to vector<16xi32>
          %and3A_1559 = arith.andi %bitcast3A_1553, %and3A_1558 : vector<16xi32>
          %bitcast3A_1560 = vector.bitcast %and3A_1559 : vector<16xi32> to vector<16xf32>
          %mul3A_1561 = arith.mulf %bitcast3A_1557, %broadcast_in_dim3A_1507 : vector<16xf32>
          %swap3A_1562 = arith.index_cast %add3A_1511 : i32 to index
          %swap3A_1563 = arith.constant 64 : index
          %swap3A_1564 = tpu.vector_load %arg14[%swap3A_1562, %swap3A_1563] {strides = array<i32>} : memref<112x128xf32, #tpu.memory_space<vmem>>, vector<16xf32>,
          tpu.vector_store %arg14[%swap3A_1562, %swap3A_1563], %mul3A_1561 {strides = array<i32>} : memref<112x128xf32, #tpu.memory_space<vmem>>, vector<16xf32>,
          %mul3A_1565 = arith.mulf %bitcast3A_1560, %broadcast_in_dim3A_1507 : vector<16xf32>
          %swap3A_1566 = arith.index_cast %add3A_1511 : i32 to index
          %swap3A_1567 = arith.constant 80 : index
          %swap3A_1568 = tpu.vector_load %arg14[%swap3A_1566, %swap3A_1567] {strides = array<i32>} : memref<112x128xf32, #tpu.memory_space<vmem>>, vector<16xf32>,
          tpu.vector_store %arg14[%swap3A_1566, %swap3A_1567], %mul3A_1565 {strides = array<i32>} : memref<112x128xf32, #tpu.memory_space<vmem>>, vector<16xf32>,
          %get3A_1569 = arith.index_cast %add3A_1511 : i32 to index
          %get3A_1570 = arith.constant 96 : index
          %get3A_1571 = tpu.vector_load %arg12[%get3A_1569, %get3A_1570] {strides = array<i32>} : memref<112x128xbf16, #tpu.memory_space<vmem>>, vector<32xbf16>,
          %bitcast3A_1572 = vector.bitcast %get3A_1571 : vector<32xbf16> to vector<16xi32>
          %shift_left3A_1573 = arith.constant 16 : i32
          %shift_left3A_1574 = vector.broadcast %shift_left3A_1573 : i32 to vector<16xi32>
          %shift_left3A_1575 = arith.shli %bitcast3A_1572, %shift_left3A_1574 : vector<16xi32>
          %bitcast3A_1576 = vector.bitcast %shift_left3A_1575 : vector<16xi32> to vector<16xf32>
          %and3A_1577 = vector.broadcast %scan3A_35 : i32 to vector<16xi32>
          %and3A_1578 = arith.andi %bitcast3A_1572, %and3A_1577 : vector<16xi32>
          %bitcast3A_1579 = vector.bitcast %and3A_1578 : vector<16xi32> to vector<16xf32>
          %mul3A_1580 = arith.mulf %bitcast3A_1576, %broadcast_in_dim3A_1507 : vector<16xf32>
          %swap3A_1581 = arith.index_cast %add3A_1511 : i32 to index
          %swap3A_1582 = arith.constant 96 : index
          %swap3A_1583 = tpu.vector_load %arg14[%swap3A_1581, %swap3A_1582] {strides = array<i32>} : memref<112x128xf32, #tpu.memory_space<vmem>>, vector<16xf32>,
          tpu.vector_store %arg14[%swap3A_1581, %swap3A_1582], %mul3A_1580 {strides = array<i32>} : memref<112x128xf32, #tpu.memory_space<vmem>>, vector<16xf32>,
          %mul3A_1584 = arith.mulf %bitcast3A_1579, %broadcast_in_dim3A_1507 : vector<16xf32>
          %swap3A_1585 = arith.index_cast %add3A_1511 : i32 to index
          %swap3A_1586 = arith.constant 112 : index
          %swap3A_1587 = tpu.vector_load %arg14[%swap3A_1585, %swap3A_1586] {strides = array<i32>} : memref<112x128xf32, #tpu.memory_space<vmem>>, vector<16xf32>,
          tpu.vector_store %arg14[%swap3A_1585, %swap3A_1586], %mul3A_1584 {strides = array<i32>} : memref<112x128xf32, #tpu.memory_space<vmem>>, vector<16xf32>,
          %slice3A_1588 = vector.extract_strided_slice %get3A_347 {offsets = [15], sizes = [1], strides = [1]} : vector<16xf32> to vector<1xf32>
          %squeeze3A_1589 = vector.extract %slice3A_1588[0] : f32 from vector<1xf32>
          %broadcast_in_dim3A_1590 = vector.broadcast %squeeze3A_1589 : f32 to vector<16xf32>
          %mul3A_1591 = arith.constant 16 : i32
          %mul3A_1592 = arith.muli %add3A_342, %mul3A_1591 : i32
          %add3A_1593 = arith.constant 15 : i32
          %add3A_1594 = arith.addi %mul3A_1592, %add3A_1593 : i32
          %get3A_1595 = arith.index_cast %add3A_1594 : i32 to index
          %get3A_1596 = arith.constant 0 : index
          %get3A_1597 = tpu.vector_load %arg12[%get3A_1595, %get3A_1596] {strides = array<i32>} : memref<112x128xbf16, #tpu.memory_space<vmem>>, vector<32xbf16>,
          %bitcast3A_1598 = vector.bitcast %get3A_1597 : vector<32xbf16> to vector<16xi32>
          %shift_left3A_1599 = arith.constant 16 : i32
          %shift_left3A_1600 = vector.broadcast %shift_left3A_1599 : i32 to vector<16xi32>
          %shift_left3A_1601 = arith.shli %bitcast3A_1598, %shift_left3A_1600 : vector<16xi32>
          %bitcast3A_1602 = vector.bitcast %shift_left3A_1601 : vector<16xi32> to vector<16xf32>
          %and3A_1603 = vector.broadcast %scan3A_35 : i32 to vector<16xi32>
          %and3A_1604 = arith.andi %bitcast3A_1598, %and3A_1603 : vector<16xi32>
          %bitcast3A_1605 = vector.bitcast %and3A_1604 : vector<16xi32> to vector<16xf32>
          %mul3A_1606 = arith.mulf %bitcast3A_1602, %broadcast_in_dim3A_1590 : vector<16xf32>
          %swap3A_1607 = arith.index_cast %add3A_1594 : i32 to index
          %swap3A_1608 = arith.constant 0 : index
          %swap3A_1609 = tpu.vector_load %arg14[%swap3A_1607, %swap3A_1608] {strides = array<i32>} : memref<112x128xf32, #tpu.memory_space<vmem>>, vector<16xf32>,
          tpu.vector_store %arg14[%swap3A_1607, %swap3A_1608], %mul3A_1606 {strides = array<i32>} : memref<112x128xf32, #tpu.memory_space<vmem>>, vector<16xf32>,
          %mul3A_1610 = arith.mulf %bitcast3A_1605, %broadcast_in_dim3A_1590 : vector<16xf32>
          %swap3A_1611 = arith.index_cast %add3A_1594 : i32 to index
          %swap3A_1612 = arith.constant 16 : index
          %swap3A_1613 = tpu.vector_load %arg14[%swap3A_1611, %swap3A_1612] {strides = array<i32>} : memref<112x128xf32, #tpu.memory_space<vmem>>, vector<16xf32>,
          tpu.vector_store %arg14[%swap3A_1611, %swap3A_1612], %mul3A_1610 {strides = array<i32>} : memref<112x128xf32, #tpu.memory_space<vmem>>, vector<16xf32>,
          %get3A_1614 = arith.index_cast %add3A_1594 : i32 to index
          %get3A_1615 = arith.constant 32 : index
          %get3A_1616 = tpu.vector_load %arg12[%get3A_1614, %get3A_1615] {strides = array<i32>} : memref<112x128xbf16, #tpu.memory_space<vmem>>, vector<32xbf16>,
          %bitcast3A_1617 = vector.bitcast %get3A_1616 : vector<32xbf16> to vector<16xi32>
          %shift_left3A_1618 = arith.constant 16 : i32
          %shift_left3A_1619 = vector.broadcast %shift_left3A_1618 : i32 to vector<16xi32>
          %shift_left3A_1620 = arith.shli %bitcast3A_1617, %shift_left3A_1619 : vector<16xi32>
          %bitcast3A_1621 = vector.bitcast %shift_left3A_1620 : vector<16xi32> to vector<16xf32>
          %and3A_1622 = vector.broadcast %scan3A_35 : i32 to vector<16xi32>
          %and3A_1623 = arith.andi %bitcast3A_1617, %and3A_1622 : vector<16xi32>
          %bitcast3A_1624 = vector.bitcast %and3A_1623 : vector<16xi32> to vector<16xf32>
          %mul3A_1625 = arith.mulf %bitcast3A_1621, %broadcast_in_dim3A_1590 : vector<16xf32>
          %swap3A_1626 = arith.index_cast %add3A_1594 : i32 to index
          %swap3A_1627 = arith.constant 32 : index
          %swap3A_1628 = tpu.vector_load %arg14[%swap3A_1626, %swap3A_1627] {strides = array<i32>} : memref<112x128xf32, #tpu.memory_space<vmem>>, vector<16xf32>,
          tpu.vector_store %arg14[%swap3A_1626, %swap3A_1627], %mul3A_1625 {strides = array<i32>} : memref<112x128xf32, #tpu.memory_space<vmem>>, vector<16xf32>,
          %mul3A_1629 = arith.mulf %bitcast3A_1624, %broadcast_in_dim3A_1590 : vector<16xf32>
          %swap3A_1630 = arith.index_cast %add3A_1594 : i32 to index
          %swap3A_1631 = arith.constant 48 : index
          %swap3A_1632 = tpu.vector_load %arg14[%swap3A_1630, %swap3A_1631] {strides = array<i32>} : memref<112x128xf32, #tpu.memory_space<vmem>>, vector<16xf32>,
          tpu.vector_store %arg14[%swap3A_1630, %swap3A_1631], %mul3A_1629 {strides = array<i32>} : memref<112x128xf32, #tpu.memory_space<vmem>>, vector<16xf32>,
          %get3A_1633 = arith.index_cast %add3A_1594 : i32 to index
          %get3A_1634 = arith.constant 64 : index
          %get3A_1635 = tpu.vector_load %arg12[%get3A_1633, %get3A_1634] {strides = array<i32>} : memref<112x128xbf16, #tpu.memory_space<vmem>>, vector<32xbf16>,
          %bitcast3A_1636 = vector.bitcast %get3A_1635 : vector<32xbf16> to vector<16xi32>
          %shift_left3A_1637 = arith.constant 16 : i32
          %shift_left3A_1638 = vector.broadcast %shift_left3A_1637 : i32 to vector<16xi32>
          %shift_left3A_1639 = arith.shli %bitcast3A_1636, %shift_left3A_1638 : vector<16xi32>
          %bitcast3A_1640 = vector.bitcast %shift_left3A_1639 : vector<16xi32> to vector<16xf32>
          %and3A_1641 = vector.broadcast %scan3A_35 : i32 to vector<16xi32>
          %and3A_1642 = arith.andi %bitcast3A_1636, %and3A_1641 : vector<16xi32>
          %bitcast3A_1643 = vector.bitcast %and3A_1642 : vector<16xi32> to vector<16xf32>
          %mul3A_1644 = arith.mulf %bitcast3A_1640, %broadcast_in_dim3A_1590 : vector<16xf32>
          %swap3A_1645 = arith.index_cast %add3A_1594 : i32 to index
          %swap3A_1646 = arith.constant 64 : index
          %swap3A_1647 = tpu.vector_load %arg14[%swap3A_1645, %swap3A_1646] {strides = array<i32>} : memref<112x128xf32, #tpu.memory_space<vmem>>, vector<16xf32>,
          tpu.vector_store %arg14[%swap3A_1645, %swap3A_1646], %mul3A_1644 {strides = array<i32>} : memref<112x128xf32, #tpu.memory_space<vmem>>, vector<16xf32>,
          %mul3A_1648 = arith.mulf %bitcast3A_1643, %broadcast_in_dim3A_1590 : vector<16xf32>
          %swap3A_1649 = arith.index_cast %add3A_1594 : i32 to index
          %swap3A_1650 = arith.constant 80 : index
          %swap3A_1651 = tpu.vector_load %arg14[%swap3A_1649, %swap3A_1650] {strides = array<i32>} : memref<112x128xf32, #tpu.memory_space<vmem>>, vector<16xf32>,
          tpu.vector_store %arg14[%swap3A_1649, %swap3A_1650], %mul3A_1648 {strides = array<i32>} : memref<112x128xf32, #tpu.memory_space<vmem>>, vector<16xf32>,
          %get3A_1652 = arith.index_cast %add3A_1594 : i32 to index
          %get3A_1653 = arith.constant 96 : index
          %get3A_1654 = tpu.vector_load %arg12[%get3A_1652, %get3A_1653] {strides = array<i32>} : memref<112x128xbf16, #tpu.memory_space<vmem>>, vector<32xbf16>,
          %bitcast3A_1655 = vector.bitcast %get3A_1654 : vector<32xbf16> to vector<16xi32>
          %shift_left3A_1656 = arith.constant 16 : i32
          %shift_left3A_1657 = vector.broadcast %shift_left3A_1656 : i32 to vector<16xi32>
          %shift_left3A_1658 = arith.shli %bitcast3A_1655, %shift_left3A_1657 : vector<16xi32>
          %bitcast3A_1659 = vector.bitcast %shift_left3A_1658 : vector<16xi32> to vector<16xf32>
          %and3A_1660 = vector.broadcast %scan3A_35 : i32 to vector<16xi32>
          %and3A_1661 = arith.andi %bitcast3A_1655, %and3A_1660 : vector<16xi32>
          %bitcast3A_1662 = vector.bitcast %and3A_1661 : vector<16xi32> to vector<16xf32>
          %mul3A_1663 = arith.mulf %bitcast3A_1659, %broadcast_in_dim3A_1590 : vector<16xf32>
          %swap3A_1664 = arith.index_cast %add3A_1594 : i32 to index
          %swap3A_1665 = arith.constant 96 : index
          %swap3A_1666 = tpu.vector_load %arg14[%swap3A_1664, %swap3A_1665] {strides = array<i32>} : memref<112x128xf32, #tpu.memory_space<vmem>>, vector<16xf32>,
          tpu.vector_store %arg14[%swap3A_1664, %swap3A_1665], %mul3A_1663 {strides = array<i32>} : memref<112x128xf32, #tpu.memory_space<vmem>>, vector<16xf32>,
          %mul3A_1667 = arith.mulf %bitcast3A_1662, %broadcast_in_dim3A_1590 : vector<16xf32>
          %swap3A_1668 = arith.index_cast %add3A_1594 : i32 to index
          %swap3A_1669 = arith.constant 112 : index
          %swap3A_1670 = tpu.vector_load %arg14[%swap3A_1668, %swap3A_1669] {strides = array<i32>} : memref<112x128xf32, #tpu.memory_space<vmem>>, vector<16xf32>,
          tpu.vector_store %arg14[%swap3A_1668, %swap3A_1669], %mul3A_1667 {strides = array<i32>} : memref<112x128xf32, #tpu.memory_space<vmem>>, vector<16xf32>,
        }
        %scan3A_245 = arith.constant 7 : i32
        %add3A_246 = arith.constant 2 : i32
        %add3A_247 = arith.addi %add3A_212, %add3A_246 : i32
        %lt3A_248 = arith.constant 8 : i32
        %lt3A_249 = arith.cmpi slt, %add3A_247, %lt3A_248 : i32
        %convert_element_type3A_250 = arith.extui %lt3A_249 : i1 to i32
        %cond3A_251 = arith.constant 0 : i32
        %cond3A_252 = arith.cmpi ne, %convert_element_type3A_250, %cond3A_251 : i32
        scf.if %cond3A_252 {
          %add3A_338 = arith.constant 2 : i32
          %add3A_339 = arith.addi %add3A_212, %add3A_338 : i32
          %eq3A_340 = arith.constant 0 : i32
          %eq3A_341 = arith.cmpi eq, %arg0, %eq3A_340 : i32
          %convert_element_type3A_342 = arith.extui %eq3A_341 : i1 to i32
          %cond3A_343 = arith.constant 0 : i32
          %cond3A_344 = arith.constant 0 : i32
          %cond3A_345 = arith.cmpi ne, %convert_element_type3A_342, %cond3A_344 : i32
          scf.if %cond3A_345 {
            %dma_start3A_364 = arith.constant 0 : i32
            %dma_start3A_365 = arith.constant 0 : i32
            %dma_start3A_366 = tpu.memref_slice %arg12[%dma_start3A_364, %dma_start3A_365] : memref<112x128xbf16, #tpu.memory_space<vmem>> -> memref<56x128xbf16, #tpu.memory_space<vmem>>
            %dma_start3A_367 = arith.constant 0 : i32
            %dma_start3A_368 = tpu.memref_slice %arg9[%select_n3A_114, %add3A_339, %cond3A_343, %dma_start3A_367] : memref<2x8x2x56xi32, #tpu.memory_space<vmem>> -> memref<1x1x1x56xi32, #tpu.memory_space<vmem>>
            %dma_start3A_369 = tpu.memref_squeeze %dma_start3A_368 : memref<1x1x1x56xi32, #tpu.memory_space<vmem>> -> memref<56xi32, #tpu.memory_space<vmem>>
            %dma_start3A_370 = arith.constant 0 : i32
            %dma_start3A_371 = arith.constant 0 : i32
            %dma_start3A_372 = tpu.memref_slice %arg2[%dma_start3A_370, %dma_start3A_371] : memref<10240x128xbf16, #tpu.memory_space<hbm>> -> memref<10240x128xbf16, #tpu.memory_space<hbm>>
            tpu.enqueue_indirect_dma source(%dma_start3A_372 : memref<10240x128xbf16, #tpu.memory_space<hbm>>) target(%dma_start3A_366 : memref<56x128xbf16, #tpu.memory_space<vmem>>) offsets(%dma_start3A_369 : memref<56xi32, #tpu.memory_space<vmem>>) semaphore(%arg17 : memref<!tpu.dma_semaphore, #tpu.memory_space<semaphore_mem>>)
          } else {
          }
          %ne3A_346 = arith.constant 0 : i32
          %ne3A_347 = arith.cmpi ne, %arg0, %ne3A_346 : i32
          %convert_element_type3A_348 = arith.extui %ne3A_347 : i1 to i32
          %cond3A_349 = arith.constant 0 : i32
          %cond3A_350 = arith.constant 0 : i32
          %cond3A_351 = arith.cmpi ne, %convert_element_type3A_348, %cond3A_350 : i32
          scf.if %cond3A_351 {
            %dma_start3A_364 = arith.constant 0 : i32
            %dma_start3A_365 = arith.constant 0 : i32
            %dma_start3A_366 = tpu.memref_slice %arg12[%dma_start3A_364, %dma_start3A_365] : memref<112x128xbf16, #tpu.memory_space<vmem>> -> memref<56x128xbf16, #tpu.memory_space<vmem>>
            %dma_start3A_367 = arith.constant 0 : i32
            %dma_start3A_368 = tpu.memref_slice %arg9[%select_n3A_114, %add3A_339, %cond3A_349, %dma_start3A_367] : memref<2x8x2x56xi32, #tpu.memory_space<vmem>> -> memref<1x1x1x56xi32, #tpu.memory_space<vmem>>
            %dma_start3A_369 = tpu.memref_squeeze %dma_start3A_368 : memref<1x1x1x56xi32, #tpu.memory_space<vmem>> -> memref<56xi32, #tpu.memory_space<vmem>>
            %dma_start3A_370 = arith.constant 0 : i32
            %dma_start3A_371 = arith.constant 0 : i32
            %dma_start3A_372 = tpu.memref_slice %arg3[%dma_start3A_370, %dma_start3A_371] : memref<10240x128xbf16, #tpu.memory_space<hbm>> -> memref<10240x128xbf16, #tpu.memory_space<hbm>>
            tpu.enqueue_indirect_dma source(%dma_start3A_372 : memref<10240x128xbf16, #tpu.memory_space<hbm>>) target(%dma_start3A_366 : memref<56x128xbf16, #tpu.memory_space<vmem>>) offsets(%dma_start3A_369 : memref<56xi32, #tpu.memory_space<vmem>>) semaphore(%arg17 : memref<!tpu.dma_semaphore, #tpu.memory_space<semaphore_mem>>)
          } else {
          }
          %eq3A_352 = arith.constant 0 : i32
          %eq3A_353 = arith.cmpi eq, %arg0, %eq3A_352 : i32
          %convert_element_type3A_354 = arith.extui %eq3A_353 : i1 to i32
          %cond3A_355 = arith.constant 1 : i32
          %cond3A_356 = arith.constant 0 : i32
          %cond3A_357 = arith.cmpi ne, %convert_element_type3A_354, %cond3A_356 : i32
          scf.if %cond3A_357 {
            %dma_start3A_364 = arith.constant 56 : i32
            %dma_start3A_365 = arith.constant 0 : i32
            %dma_start3A_366 = tpu.memref_slice %arg12[%dma_start3A_364, %dma_start3A_365] : memref<112x128xbf16, #tpu.memory_space<vmem>> -> memref<56x128xbf16, #tpu.memory_space<vmem>>
            %dma_start3A_367 = arith.constant 0 : i32
            %dma_start3A_368 = tpu.memref_slice %arg9[%select_n3A_114, %add3A_339, %cond3A_355, %dma_start3A_367] : memref<2x8x2x56xi32, #tpu.memory_space<vmem>> -> memref<1x1x1x56xi32, #tpu.memory_space<vmem>>
            %dma_start3A_369 = tpu.memref_squeeze %dma_start3A_368 : memref<1x1x1x56xi32, #tpu.memory_space<vmem>> -> memref<56xi32, #tpu.memory_space<vmem>>
            %dma_start3A_370 = arith.constant 0 : i32
            %dma_start3A_371 = arith.constant 0 : i32
            %dma_start3A_372 = tpu.memref_slice %arg2[%dma_start3A_370, %dma_start3A_371] : memref<10240x128xbf16, #tpu.memory_space<hbm>> -> memref<10240x128xbf16, #tpu.memory_space<hbm>>
            tpu.enqueue_indirect_dma source(%dma_start3A_372 : memref<10240x128xbf16, #tpu.memory_space<hbm>>) target(%dma_start3A_366 : memref<56x128xbf16, #tpu.memory_space<vmem>>) offsets(%dma_start3A_369 : memref<56xi32, #tpu.memory_space<vmem>>) semaphore(%arg17 : memref<!tpu.dma_semaphore, #tpu.memory_space<semaphore_mem>>)
          } else {
          }
          %ne3A_358 = arith.constant 0 : i32
          %ne3A_359 = arith.cmpi ne, %arg0, %ne3A_358 : i32
          %convert_element_type3A_360 = arith.extui %ne3A_359 : i1 to i32
          %cond3A_361 = arith.constant 1 : i32
          %cond3A_362 = arith.constant 0 : i32
          %cond3A_363 = arith.cmpi ne, %convert_element_type3A_360, %cond3A_362 : i32
          scf.if %cond3A_363 {
            %dma_start3A_364 = arith.constant 56 : i32
            %dma_start3A_365 = arith.constant 0 : i32
            %dma_start3A_366 = tpu.memref_slice %arg12[%dma_start3A_364, %dma_start3A_365] : memref<112x128xbf16, #tpu.memory_space<vmem>> -> memref<56x128xbf16, #tpu.memory_space<vmem>>
            %dma_start3A_367 = arith.constant 0 : i32
            %dma_start3A_368 = tpu.memref_slice %arg9[%select_n3A_114, %add3A_339, %cond3A_361, %dma_start3A_367] : memref<2x8x2x56xi32, #tpu.memory_space<vmem>> -> memref<1x1x1x56xi32, #tpu.memory_space<vmem>>
            %dma_start3A_369 = tpu.memref_squeeze %dma_start3A_368 : memref<1x1x1x56xi32, #tpu.memory_space<vmem>> -> memref<56xi32, #tpu.memory_space<vmem>>
            %dma_start3A_370 = arith.constant 0 : i32
            %dma_start3A_371 = arith.constant 0 : i32
            %dma_start3A_372 = tpu.memref_slice %arg3[%dma_start3A_370, %dma_start3A_371] : memref<10240x128xbf16, #tpu.memory_space<hbm>> -> memref<10240x128xbf16, #tpu.memory_space<hbm>>
            tpu.enqueue_indirect_dma source(%dma_start3A_372 : memref<10240x128xbf16, #tpu.memory_space<hbm>>) target(%dma_start3A_366 : memref<56x128xbf16, #tpu.memory_space<vmem>>) offsets(%dma_start3A_369 : memref<56xi32, #tpu.memory_space<vmem>>) semaphore(%arg17 : memref<!tpu.dma_semaphore, #tpu.memory_space<semaphore_mem>>)
          } else {
          }
        } else {
        }
        %dma_start3A_253 = arith.constant 0 : i32
        %dma_start3A_254 = arith.constant 0 : i32
        %dma_start3A_255 = arith.constant 0 : i32
        %dma_start3A_256 = tpu.memref_slice %arg14[%dma_start3A_254, %dma_start3A_255] : memref<112x128xf32, #tpu.memory_space<vmem>> -> memref<56x128xf32, #tpu.memory_space<vmem>>
        %dma_start3A_257 = arith.constant 0 : i32
        %dma_start3A_258 = tpu.memref_slice %arg10[%select_n3A_114, %add3A_212, %dma_start3A_253, %dma_start3A_257] : memref<2x8x2x56xi32, #tpu.memory_space<vmem>> -> memref<1x1x1x56xi32, #tpu.memory_space<vmem>>
        %dma_start3A_259 = tpu.memref_squeeze %dma_start3A_258 : memref<1x1x1x56xi32, #tpu.memory_space<vmem>> -> memref<56xi32, #tpu.memory_space<vmem>>
        %dma_start3A_260 = arith.constant 0 : i32
        %dma_start3A_261 = arith.constant 0 : i32
        %dma_start3A_262 = tpu.memref_slice %arg16[%dma_start3A_260, %dma_start3A_261] : memref<10112x128xf32, #tpu.memory_space<vmem_shared>> -> memref<10112x128xf32, #tpu.memory_space<vmem_shared>>
        tpu.enqueue_indirect_dma source(%dma_start3A_256 : memref<56x128xf32, #tpu.memory_space<vmem>>) target(%dma_start3A_262 : memref<10112x128xf32, #tpu.memory_space<vmem_shared>>) offsets(%dma_start3A_259 : memref<56xi32, #tpu.memory_space<vmem>>) semaphore(%arg19 : memref<!tpu.dma_semaphore, #tpu.memory_space<semaphore_mem>>) {add = true}
        %dma_start3A_263 = arith.constant 1 : i32
        %dma_start3A_264 = arith.constant 56 : i32
        %dma_start3A_265 = arith.constant 0 : i32
        %dma_start3A_266 = tpu.memref_slice %arg14[%dma_start3A_264, %dma_start3A_265] : memref<112x128xf32, #tpu.memory_space<vmem>> -> memref<56x128xf32, #tpu.memory_space<vmem>>
        %dma_start3A_267 = arith.constant 0 : i32
        %dma_start3A_268 = tpu.memref_slice %arg10[%select_n3A_114, %add3A_212, %dma_start3A_263, %dma_start3A_267] : memref<2x8x2x56xi32, #tpu.memory_space<vmem>> -> memref<1x1x1x56xi32, #tpu.memory_space<vmem>>
        %dma_start3A_269 = tpu.memref_squeeze %dma_start3A_268 : memref<1x1x1x56xi32, #tpu.memory_space<vmem>> -> memref<56xi32, #tpu.memory_space<vmem>>
        %dma_start3A_270 = arith.constant 0 : i32
        %dma_start3A_271 = arith.constant 0 : i32
        %dma_start3A_272 = tpu.memref_slice %arg16[%dma_start3A_270, %dma_start3A_271] : memref<10112x128xf32, #tpu.memory_space<vmem_shared>> -> memref<10112x128xf32, #tpu.memory_space<vmem_shared>>
        tpu.enqueue_indirect_dma source(%dma_start3A_266 : memref<56x128xf32, #tpu.memory_space<vmem>>) target(%dma_start3A_272 : memref<10112x128xf32, #tpu.memory_space<vmem_shared>>) offsets(%dma_start3A_269 : memref<56xi32, #tpu.memory_space<vmem>>) semaphore(%arg19 : memref<!tpu.dma_semaphore, #tpu.memory_space<semaphore_mem>>) {add = true}
        %mul3A_273 = arith.constant 2 : i32
        %mul3A_274 = arith.muli %mul3A_273, %add3A_208 : i32
        %add3A_275 = arith.constant 1 : i32
        %add3A_276 = arith.addi %mul3A_274, %add3A_275 : i32
        %dma_wait3A_277 = arith.constant 0 : i32
        %dma_wait3A_278 = arith.constant 0 : i32
        %dma_wait3A_279 = arith.constant 0 : i32
        %dma_wait3A_280 = arith.constant 0 : i32
        %dma_wait3A_281 = arith.constant 0 : i32
        %dma_wait3A_282 = tpu.memref_slice %arg13[%dma_wait3A_280, %dma_wait3A_281] : memref<112x128xbf16, #tpu.memory_space<vmem>> -> memref<56x128xbf16, #tpu.memory_space<vmem>>
        %dma_wait3A_283 = arith.constant 0 : i32
        %dma_wait3A_284 = tpu.memref_slice %arg9[%dma_wait3A_277, %dma_wait3A_278, %dma_wait3A_279, %dma_wait3A_283] : memref<2x8x2x56xi32, #tpu.memory_space<vmem>> -> memref<1x1x1x56xi32, #tpu.memory_space<vmem>>
        %dma_wait3A_285 = tpu.memref_squeeze %dma_wait3A_284 : memref<1x1x1x56xi32, #tpu.memory_space<vmem>> -> memref<56xi32, #tpu.memory_space<vmem>>
        %dma_wait3A_286 = arith.constant 0 : i32
        %dma_wait3A_287 = arith.constant 0 : i32
        %dma_wait3A_288 = tpu.memref_slice %arg2[%dma_wait3A_286, %dma_wait3A_287] : memref<10240x128xbf16, #tpu.memory_space<hbm>> -> memref<10240x128xbf16, #tpu.memory_space<hbm>>
        tpu.wait_indirect_dma semaphore(%arg18 : memref<!tpu.dma_semaphore, #tpu.memory_space<semaphore_mem>>) src(%dma_wait3A_288 : memref<10240x128xbf16, #tpu.memory_space<hbm>>) dst(%dma_wait3A_282 : memref<56x128xbf16, #tpu.memory_space<vmem>>)
        %dma_wait3A_289 = arith.constant 0 : i32
        %dma_wait3A_290 = arith.constant 0 : i32
        %dma_wait3A_291 = arith.constant 0 : i32
        %dma_wait3A_292 = arith.constant 56 : i32
        %dma_wait3A_293 = arith.constant 0 : i32
        %dma_wait3A_294 = tpu.memref_slice %arg13[%dma_wait3A_292, %dma_wait3A_293] : memref<112x128xbf16, #tpu.memory_space<vmem>> -> memref<56x128xbf16, #tpu.memory_space<vmem>>
        %dma_wait3A_295 = arith.constant 0 : i32
        %dma_wait3A_296 = tpu.memref_slice %arg9[%dma_wait3A_289, %dma_wait3A_290, %dma_wait3A_291, %dma_wait3A_295] : memref<2x8x2x56xi32, #tpu.memory_space<vmem>> -> memref<1x1x1x56xi32, #tpu.memory_space<vmem>>
        %dma_wait3A_297 = tpu.memref_squeeze %dma_wait3A_296 : memref<1x1x1x56xi32, #tpu.memory_space<vmem>> -> memref<56xi32, #tpu.memory_space<vmem>>
        %dma_wait3A_298 = arith.constant 0 : i32
        %dma_wait3A_299 = arith.constant 0 : i32
        %dma_wait3A_300 = tpu.memref_slice %arg2[%dma_wait3A_298, %dma_wait3A_299] : memref<10240x128xbf16, #tpu.memory_space<hbm>> -> memref<10240x128xbf16, #tpu.memory_space<hbm>>
        tpu.wait_indirect_dma semaphore(%arg18 : memref<!tpu.dma_semaphore, #tpu.memory_space<semaphore_mem>>) src(%dma_wait3A_300 : memref<10240x128xbf16, #tpu.memory_space<hbm>>) dst(%dma_wait3A_294 : memref<56x128xbf16, #tpu.memory_space<vmem>>)
        %gt3A_301 = arith.constant 0 : i32
        %gt3A_302 = arith.cmpi sgt, %add3A_208, %gt3A_301 : i32
        %convert_element_type3A_303 = arith.extui %gt3A_302 : i1 to i32
        %cond3A_304 = arith.constant 0 : i32
        %cond3A_305 = arith.cmpi ne, %convert_element_type3A_303, %cond3A_304 : i32
        scf.if %cond3A_305 {
          %dma_wait3A_338 = arith.constant 0 : i32
          %dma_wait3A_339 = arith.constant 0 : i32
          %dma_wait3A_340 = arith.constant 0 : i32
          %dma_wait3A_341 = arith.constant 0 : i32
          %dma_wait3A_342 = arith.constant 0 : i32
          %dma_wait3A_343 = tpu.memref_slice %arg15[%dma_wait3A_341, %dma_wait3A_342] : memref<112x128xf32, #tpu.memory_space<vmem>> -> memref<56x128xf32, #tpu.memory_space<vmem>>
          %dma_wait3A_344 = arith.constant 0 : i32
          %dma_wait3A_345 = tpu.memref_slice %arg10[%dma_wait3A_338, %dma_wait3A_339, %dma_wait3A_340, %dma_wait3A_344] : memref<2x8x2x56xi32, #tpu.memory_space<vmem>> -> memref<1x1x1x56xi32, #tpu.memory_space<vmem>>
          %dma_wait3A_346 = tpu.memref_squeeze %dma_wait3A_345 : memref<1x1x1x56xi32, #tpu.memory_space<vmem>> -> memref<56xi32, #tpu.memory_space<vmem>>
          %dma_wait3A_347 = arith.constant 0 : i32
          %dma_wait3A_348 = arith.constant 0 : i32
          %dma_wait3A_349 = tpu.memref_slice %arg16[%dma_wait3A_347, %dma_wait3A_348] : memref<10112x128xf32, #tpu.memory_space<vmem_shared>> -> memref<10112x128xf32, #tpu.memory_space<vmem_shared>>
          tpu.wait_indirect_dma semaphore(%arg20 : memref<!tpu.dma_semaphore, #tpu.memory_space<semaphore_mem>>) src(%dma_wait3A_343 : memref<56x128xf32, #tpu.memory_space<vmem>>) dst(%dma_wait3A_349 : memref<10112x128xf32, #tpu.memory_space<vmem_shared>>)
          %dma_wait3A_350 = arith.constant 0 : i32
          %dma_wait3A_351 = arith.constant 0 : i32
          %dma_wait3A_352 = arith.constant 0 : i32
          %dma_wait3A_353 = arith.constant 56 : i32
          %dma_wait3A_354 = arith.constant 0 : i32
          %dma_wait3A_355 = tpu.memref_slice %arg15[%dma_wait3A_353, %dma_wait3A_354] : memref<112x128xf32, #tpu.memory_space<vmem>> -> memref<56x128xf32, #tpu.memory_space<vmem>>
          %dma_wait3A_356 = arith.constant 0 : i32
          %dma_wait3A_357 = tpu.memref_slice %arg10[%dma_wait3A_350, %dma_wait3A_351, %dma_wait3A_352, %dma_wait3A_356] : memref<2x8x2x56xi32, #tpu.memory_space<vmem>> -> memref<1x1x1x56xi32, #tpu.memory_space<vmem>>
          %dma_wait3A_358 = tpu.memref_squeeze %dma_wait3A_357 : memref<1x1x1x56xi32, #tpu.memory_space<vmem>> -> memref<56xi32, #tpu.memory_space<vmem>>
          %dma_wait3A_359 = arith.constant 0 : i32
          %dma_wait3A_360 = arith.constant 0 : i32
          %dma_wait3A_361 = tpu.memref_slice %arg16[%dma_wait3A_359, %dma_wait3A_360] : memref<10112x128xf32, #tpu.memory_space<vmem_shared>> -> memref<10112x128xf32, #tpu.memory_space<vmem_shared>>
          tpu.wait_indirect_dma semaphore(%arg20 : memref<!tpu.dma_semaphore, #tpu.memory_space<semaphore_mem>>) src(%dma_wait3A_355 : memref<56x128xf32, #tpu.memory_space<vmem>>) dst(%dma_wait3A_361 : memref<10112x128xf32, #tpu.memory_space<vmem_shared>>)
        } else {
        }
        %scan3A_306 = arith.constant 0 : i32
        %scan3A_307 = arith.constant 7 : i32
        %scan3A_308 = arith.addi %scan3A_306, %scan3A_307 : i32
        %scan3A_309 = arith.constant 1 : i32
        scf.for %scan3A_338 = %scan3A_306 to %scan3A_308 step %scan3A_309  : i32 {
          %mul3A_339 = arith.constant 1 : i32
          %mul3A_340 = arith.muli %scan3A_338, %mul3A_339 : i32
          %add3A_341 = arith.constant 0 : i32
          %add3A_342 = arith.addi %add3A_341, %mul3A_340 : i32
          %mul3A_343 = arith.constant 16 : i32
          %mul3A_344 = arith.muli %add3A_342, %mul3A_343 : i32
          %get3A = arith.index_cast %select_n3A_114 : i32 to index
          %get3A_345 = arith.index_cast %add3A_276 : i32 to index
          %get3A_346 = arith.index_cast %mul3A_344 : i32 to index
          %get3A_347 = tpu.vector_load %arg11[%get3A, %get3A_345, %get3A_346] {strides = array<i32>} : memref<2x8x112xf32, #tpu.memory_space<vmem>>, vector<16xf32>,
          %slice3A = vector.extract_strided_slice %get3A_347 {offsets = [0], sizes = [1], strides = [1]} : vector<16xf32> to vector<1xf32>
          %squeeze3A = vector.extract %slice3A[0] : f32 from vector<1xf32>
          %broadcast_in_dim3A_348 = vector.broadcast %squeeze3A : f32 to vector<16xf32>
          %mul3A_349 = arith.constant 16 : i32
          %mul3A_350 = arith.muli %add3A_342, %mul3A_349 : i32
          %add3A_351 = arith.constant 0 : i32
          %add3A_352 = arith.addi %mul3A_350, %add3A_351 : i32
          %get3A_353 = arith.index_cast %add3A_352 : i32 to index
          %get3A_354 = arith.constant 0 : index
          %get3A_355 = tpu.vector_load %arg13[%get3A_353, %get3A_354] {strides = array<i32>} : memref<112x128xbf16, #tpu.memory_space<vmem>>, vector<32xbf16>,
          %bitcast3A = vector.bitcast %get3A_355 : vector<32xbf16> to vector<16xi32>
          %shift_left3A = arith.constant 16 : i32
          %shift_left3A_356 = vector.broadcast %shift_left3A : i32 to vector<16xi32>
          %shift_left3A_357 = arith.shli %bitcast3A, %shift_left3A_356 : vector<16xi32>
          %bitcast3A_358 = vector.bitcast %shift_left3A_357 : vector<16xi32> to vector<16xf32>
          %and3A_359 = vector.broadcast %scan3A_35 : i32 to vector<16xi32>
          %and3A_360 = arith.andi %bitcast3A, %and3A_359 : vector<16xi32>
          %bitcast3A_361 = vector.bitcast %and3A_360 : vector<16xi32> to vector<16xf32>
          %mul3A_362 = arith.mulf %bitcast3A_358, %broadcast_in_dim3A_348 : vector<16xf32>
          %swap3A = arith.index_cast %add3A_352 : i32 to index
          %swap3A_363 = arith.constant 0 : index
          %swap3A_364 = tpu.vector_load %arg15[%swap3A, %swap3A_363] {strides = array<i32>} : memref<112x128xf32, #tpu.memory_space<vmem>>, vector<16xf32>,
          tpu.vector_store %arg15[%swap3A, %swap3A_363], %mul3A_362 {strides = array<i32>} : memref<112x128xf32, #tpu.memory_space<vmem>>, vector<16xf32>,
          %mul3A_365 = arith.mulf %bitcast3A_361, %broadcast_in_dim3A_348 : vector<16xf32>
          %swap3A_366 = arith.index_cast %add3A_352 : i32 to index
          %swap3A_367 = arith.constant 16 : index
          %swap3A_368 = tpu.vector_load %arg15[%swap3A_366, %swap3A_367] {strides = array<i32>} : memref<112x128xf32, #tpu.memory_space<vmem>>, vector<16xf32>,
          tpu.vector_store %arg15[%swap3A_366, %swap3A_367], %mul3A_365 {strides = array<i32>} : memref<112x128xf32, #tpu.memory_space<vmem>>, vector<16xf32>,
          %get3A_369 = arith.index_cast %add3A_352 : i32 to index
          %get3A_370 = arith.constant 32 : index
          %get3A_371 = tpu.vector_load %arg13[%get3A_369, %get3A_370] {strides = array<i32>} : memref<112x128xbf16, #tpu.memory_space<vmem>>, vector<32xbf16>,
          %bitcast3A_372 = vector.bitcast %get3A_371 : vector<32xbf16> to vector<16xi32>
          %shift_left3A_373 = arith.constant 16 : i32
          %shift_left3A_374 = vector.broadcast %shift_left3A_373 : i32 to vector<16xi32>
          %shift_left3A_375 = arith.shli %bitcast3A_372, %shift_left3A_374 : vector<16xi32>
          %bitcast3A_376 = vector.bitcast %shift_left3A_375 : vector<16xi32> to vector<16xf32>
          %and3A_377 = vector.broadcast %scan3A_35 : i32 to vector<16xi32>
          %and3A_378 = arith.andi %bitcast3A_372, %and3A_377 : vector<16xi32>
          %bitcast3A_379 = vector.bitcast %and3A_378 : vector<16xi32> to vector<16xf32>
          %mul3A_380 = arith.mulf %bitcast3A_376, %broadcast_in_dim3A_348 : vector<16xf32>
          %swap3A_381 = arith.index_cast %add3A_352 : i32 to index
          %swap3A_382 = arith.constant 32 : index
          %swap3A_383 = tpu.vector_load %arg15[%swap3A_381, %swap3A_382] {strides = array<i32>} : memref<112x128xf32, #tpu.memory_space<vmem>>, vector<16xf32>,
          tpu.vector_store %arg15[%swap3A_381, %swap3A_382], %mul3A_380 {strides = array<i32>} : memref<112x128xf32, #tpu.memory_space<vmem>>, vector<16xf32>,
          %mul3A_384 = arith.mulf %bitcast3A_379, %broadcast_in_dim3A_348 : vector<16xf32>
          %swap3A_385 = arith.index_cast %add3A_352 : i32 to index
          %swap3A_386 = arith.constant 48 : index
          %swap3A_387 = tpu.vector_load %arg15[%swap3A_385, %swap3A_386] {strides = array<i32>} : memref<112x128xf32, #tpu.memory_space<vmem>>, vector<16xf32>,
          tpu.vector_store %arg15[%swap3A_385, %swap3A_386], %mul3A_384 {strides = array<i32>} : memref<112x128xf32, #tpu.memory_space<vmem>>, vector<16xf32>,
          %get3A_388 = arith.index_cast %add3A_352 : i32 to index
          %get3A_389 = arith.constant 64 : index
          %get3A_390 = tpu.vector_load %arg13[%get3A_388, %get3A_389] {strides = array<i32>} : memref<112x128xbf16, #tpu.memory_space<vmem>>, vector<32xbf16>,
          %bitcast3A_391 = vector.bitcast %get3A_390 : vector<32xbf16> to vector<16xi32>
          %shift_left3A_392 = arith.constant 16 : i32
          %shift_left3A_393 = vector.broadcast %shift_left3A_392 : i32 to vector<16xi32>
          %shift_left3A_394 = arith.shli %bitcast3A_391, %shift_left3A_393 : vector<16xi32>
          %bitcast3A_395 = vector.bitcast %shift_left3A_394 : vector<16xi32> to vector<16xf32>
          %and3A_396 = vector.broadcast %scan3A_35 : i32 to vector<16xi32>
          %and3A_397 = arith.andi %bitcast3A_391, %and3A_396 : vector<16xi32>
          %bitcast3A_398 = vector.bitcast %and3A_397 : vector<16xi32> to vector<16xf32>
          %mul3A_399 = arith.mulf %bitcast3A_395, %broadcast_in_dim3A_348 : vector<16xf32>
          %swap3A_400 = arith.index_cast %add3A_352 : i32 to index
          %swap3A_401 = arith.constant 64 : index
          %swap3A_402 = tpu.vector_load %arg15[%swap3A_400, %swap3A_401] {strides = array<i32>} : memref<112x128xf32, #tpu.memory_space<vmem>>, vector<16xf32>,
          tpu.vector_store %arg15[%swap3A_400, %swap3A_401], %mul3A_399 {strides = array<i32>} : memref<112x128xf32, #tpu.memory_space<vmem>>, vector<16xf32>,
          %mul3A_403 = arith.mulf %bitcast3A_398, %broadcast_in_dim3A_348 : vector<16xf32>
          %swap3A_404 = arith.index_cast %add3A_352 : i32 to index
          %swap3A_405 = arith.constant 80 : index
          %swap3A_406 = tpu.vector_load %arg15[%swap3A_404, %swap3A_405] {strides = array<i32>} : memref<112x128xf32, #tpu.memory_space<vmem>>, vector<16xf32>,
          tpu.vector_store %arg15[%swap3A_404, %swap3A_405], %mul3A_403 {strides = array<i32>} : memref<112x128xf32, #tpu.memory_space<vmem>>, vector<16xf32>,
          %get3A_407 = arith.index_cast %add3A_352 : i32 to index
          %get3A_408 = arith.constant 96 : index
          %get3A_409 = tpu.vector_load %arg13[%get3A_407, %get3A_408] {strides = array<i32>} : memref<112x128xbf16, #tpu.memory_space<vmem>>, vector<32xbf16>,
          %bitcast3A_410 = vector.bitcast %get3A_409 : vector<32xbf16> to vector<16xi32>
          %shift_left3A_411 = arith.constant 16 : i32
          %shift_left3A_412 = vector.broadcast %shift_left3A_411 : i32 to vector<16xi32>
          %shift_left3A_413 = arith.shli %bitcast3A_410, %shift_left3A_412 : vector<16xi32>
          %bitcast3A_414 = vector.bitcast %shift_left3A_413 : vector<16xi32> to vector<16xf32>
          %and3A_415 = vector.broadcast %scan3A_35 : i32 to vector<16xi32>
          %and3A_416 = arith.andi %bitcast3A_410, %and3A_415 : vector<16xi32>
          %bitcast3A_417 = vector.bitcast %and3A_416 : vector<16xi32> to vector<16xf32>
          %mul3A_418 = arith.mulf %bitcast3A_414, %broadcast_in_dim3A_348 : vector<16xf32>
          %swap3A_419 = arith.index_cast %add3A_352 : i32 to index
          %swap3A_420 = arith.constant 96 : index
          %swap3A_421 = tpu.vector_load %arg15[%swap3A_419, %swap3A_420] {strides = array<i32>} : memref<112x128xf32, #tpu.memory_space<vmem>>, vector<16xf32>,
          tpu.vector_store %arg15[%swap3A_419, %swap3A_420], %mul3A_418 {strides = array<i32>} : memref<112x128xf32, #tpu.memory_space<vmem>>, vector<16xf32>,
          %mul3A_422 = arith.mulf %bitcast3A_417, %broadcast_in_dim3A_348 : vector<16xf32>
          %swap3A_423 = arith.index_cast %add3A_352 : i32 to index
          %swap3A_424 = arith.constant 112 : index
          %swap3A_425 = tpu.vector_load %arg15[%swap3A_423, %swap3A_424] {strides = array<i32>} : memref<112x128xf32, #tpu.memory_space<vmem>>, vector<16xf32>,
          tpu.vector_store %arg15[%swap3A_423, %swap3A_424], %mul3A_422 {strides = array<i32>} : memref<112x128xf32, #tpu.memory_space<vmem>>, vector<16xf32>,
          %slice3A_426 = vector.extract_strided_slice %get3A_347 {offsets = [1], sizes = [1], strides = [1]} : vector<16xf32> to vector<1xf32>
          %squeeze3A_427 = vector.extract %slice3A_426[0] : f32 from vector<1xf32>
          %broadcast_in_dim3A_428 = vector.broadcast %squeeze3A_427 : f32 to vector<16xf32>
          %mul3A_429 = arith.constant 16 : i32
          %mul3A_430 = arith.muli %add3A_342, %mul3A_429 : i32
          %add3A_431 = arith.constant 1 : i32
          %add3A_432 = arith.addi %mul3A_430, %add3A_431 : i32
          %get3A_433 = arith.index_cast %add3A_432 : i32 to index
          %get3A_434 = arith.constant 0 : index
          %get3A_435 = tpu.vector_load %arg13[%get3A_433, %get3A_434] {strides = array<i32>} : memref<112x128xbf16, #tpu.memory_space<vmem>>, vector<32xbf16>,
          %bitcast3A_436 = vector.bitcast %get3A_435 : vector<32xbf16> to vector<16xi32>
          %shift_left3A_437 = arith.constant 16 : i32
          %shift_left3A_438 = vector.broadcast %shift_left3A_437 : i32 to vector<16xi32>
          %shift_left3A_439 = arith.shli %bitcast3A_436, %shift_left3A_438 : vector<16xi32>
          %bitcast3A_440 = vector.bitcast %shift_left3A_439 : vector<16xi32> to vector<16xf32>
          %and3A_441 = vector.broadcast %scan3A_35 : i32 to vector<16xi32>
          %and3A_442 = arith.andi %bitcast3A_436, %and3A_441 : vector<16xi32>
          %bitcast3A_443 = vector.bitcast %and3A_442 : vector<16xi32> to vector<16xf32>
          %mul3A_444 = arith.mulf %bitcast3A_440, %broadcast_in_dim3A_428 : vector<16xf32>
          %swap3A_445 = arith.index_cast %add3A_432 : i32 to index
          %swap3A_446 = arith.constant 0 : index
          %swap3A_447 = tpu.vector_load %arg15[%swap3A_445, %swap3A_446] {strides = array<i32>} : memref<112x128xf32, #tpu.memory_space<vmem>>, vector<16xf32>,
          tpu.vector_store %arg15[%swap3A_445, %swap3A_446], %mul3A_444 {strides = array<i32>} : memref<112x128xf32, #tpu.memory_space<vmem>>, vector<16xf32>,
          %mul3A_448 = arith.mulf %bitcast3A_443, %broadcast_in_dim3A_428 : vector<16xf32>
          %swap3A_449 = arith.index_cast %add3A_432 : i32 to index
          %swap3A_450 = arith.constant 16 : index
          %swap3A_451 = tpu.vector_load %arg15[%swap3A_449, %swap3A_450] {strides = array<i32>} : memref<112x128xf32, #tpu.memory_space<vmem>>, vector<16xf32>,
          tpu.vector_store %arg15[%swap3A_449, %swap3A_450], %mul3A_448 {strides = array<i32>} : memref<112x128xf32, #tpu.memory_space<vmem>>, vector<16xf32>,
          %get3A_452 = arith.index_cast %add3A_432 : i32 to index
          %get3A_453 = arith.constant 32 : index
          %get3A_454 = tpu.vector_load %arg13[%get3A_452, %get3A_453] {strides = array<i32>} : memref<112x128xbf16, #tpu.memory_space<vmem>>, vector<32xbf16>,
          %bitcast3A_455 = vector.bitcast %get3A_454 : vector<32xbf16> to vector<16xi32>
          %shift_left3A_456 = arith.constant 16 : i32
          %shift_left3A_457 = vector.broadcast %shift_left3A_456 : i32 to vector<16xi32>
          %shift_left3A_458 = arith.shli %bitcast3A_455, %shift_left3A_457 : vector<16xi32>
          %bitcast3A_459 = vector.bitcast %shift_left3A_458 : vector<16xi32> to vector<16xf32>
          %and3A_460 = vector.broadcast %scan3A_35 : i32 to vector<16xi32>
          %and3A_461 = arith.andi %bitcast3A_455, %and3A_460 : vector<16xi32>
          %bitcast3A_462 = vector.bitcast %and3A_461 : vector<16xi32> to vector<16xf32>
          %mul3A_463 = arith.mulf %bitcast3A_459, %broadcast_in_dim3A_428 : vector<16xf32>
          %swap3A_464 = arith.index_cast %add3A_432 : i32 to index
          %swap3A_465 = arith.constant 32 : index
          %swap3A_466 = tpu.vector_load %arg15[%swap3A_464, %swap3A_465] {strides = array<i32>} : memref<112x128xf32, #tpu.memory_space<vmem>>, vector<16xf32>,
          tpu.vector_store %arg15[%swap3A_464, %swap3A_465], %mul3A_463 {strides = array<i32>} : memref<112x128xf32, #tpu.memory_space<vmem>>, vector<16xf32>,
          %mul3A_467 = arith.mulf %bitcast3A_462, %broadcast_in_dim3A_428 : vector<16xf32>
          %swap3A_468 = arith.index_cast %add3A_432 : i32 to index
          %swap3A_469 = arith.constant 48 : index
          %swap3A_470 = tpu.vector_load %arg15[%swap3A_468, %swap3A_469] {strides = array<i32>} : memref<112x128xf32, #tpu.memory_space<vmem>>, vector<16xf32>,
          tpu.vector_store %arg15[%swap3A_468, %swap3A_469], %mul3A_467 {strides = array<i32>} : memref<112x128xf32, #tpu.memory_space<vmem>>, vector<16xf32>,
          %get3A_471 = arith.index_cast %add3A_432 : i32 to index
          %get3A_472 = arith.constant 64 : index
          %get3A_473 = tpu.vector_load %arg13[%get3A_471, %get3A_472] {strides = array<i32>} : memref<112x128xbf16, #tpu.memory_space<vmem>>, vector<32xbf16>,
          %bitcast3A_474 = vector.bitcast %get3A_473 : vector<32xbf16> to vector<16xi32>
          %shift_left3A_475 = arith.constant 16 : i32
          %shift_left3A_476 = vector.broadcast %shift_left3A_475 : i32 to vector<16xi32>
          %shift_left3A_477 = arith.shli %bitcast3A_474, %shift_left3A_476 : vector<16xi32>
          %bitcast3A_478 = vector.bitcast %shift_left3A_477 : vector<16xi32> to vector<16xf32>
          %and3A_479 = vector.broadcast %scan3A_35 : i32 to vector<16xi32>
          %and3A_480 = arith.andi %bitcast3A_474, %and3A_479 : vector<16xi32>
          %bitcast3A_481 = vector.bitcast %and3A_480 : vector<16xi32> to vector<16xf32>
          %mul3A_482 = arith.mulf %bitcast3A_478, %broadcast_in_dim3A_428 : vector<16xf32>
          %swap3A_483 = arith.index_cast %add3A_432 : i32 to index
          %swap3A_484 = arith.constant 64 : index
          %swap3A_485 = tpu.vector_load %arg15[%swap3A_483, %swap3A_484] {strides = array<i32>} : memref<112x128xf32, #tpu.memory_space<vmem>>, vector<16xf32>,
          tpu.vector_store %arg15[%swap3A_483, %swap3A_484], %mul3A_482 {strides = array<i32>} : memref<112x128xf32, #tpu.memory_space<vmem>>, vector<16xf32>,
          %mul3A_486 = arith.mulf %bitcast3A_481, %broadcast_in_dim3A_428 : vector<16xf32>
          %swap3A_487 = arith.index_cast %add3A_432 : i32 to index
          %swap3A_488 = arith.constant 80 : index
          %swap3A_489 = tpu.vector_load %arg15[%swap3A_487, %swap3A_488] {strides = array<i32>} : memref<112x128xf32, #tpu.memory_space<vmem>>, vector<16xf32>,
          tpu.vector_store %arg15[%swap3A_487, %swap3A_488], %mul3A_486 {strides = array<i32>} : memref<112x128xf32, #tpu.memory_space<vmem>>, vector<16xf32>,
          %get3A_490 = arith.index_cast %add3A_432 : i32 to index
          %get3A_491 = arith.constant 96 : index
          %get3A_492 = tpu.vector_load %arg13[%get3A_490, %get3A_491] {strides = array<i32>} : memref<112x128xbf16, #tpu.memory_space<vmem>>, vector<32xbf16>,
          %bitcast3A_493 = vector.bitcast %get3A_492 : vector<32xbf16> to vector<16xi32>
          %shift_left3A_494 = arith.constant 16 : i32
          %shift_left3A_495 = vector.broadcast %shift_left3A_494 : i32 to vector<16xi32>
          %shift_left3A_496 = arith.shli %bitcast3A_493, %shift_left3A_495 : vector<16xi32>
          %bitcast3A_497 = vector.bitcast %shift_left3A_496 : vector<16xi32> to vector<16xf32>
          %and3A_498 = vector.broadcast %scan3A_35 : i32 to vector<16xi32>
          %and3A_499 = arith.andi %bitcast3A_493, %and3A_498 : vector<16xi32>
          %bitcast3A_500 = vector.bitcast %and3A_499 : vector<16xi32> to vector<16xf32>
          %mul3A_501 = arith.mulf %bitcast3A_497, %broadcast_in_dim3A_428 : vector<16xf32>
          %swap3A_502 = arith.index_cast %add3A_432 : i32 to index
          %swap3A_503 = arith.constant 96 : index
          %swap3A_504 = tpu.vector_load %arg15[%swap3A_502, %swap3A_503] {strides = array<i32>} : memref<112x128xf32, #tpu.memory_space<vmem>>, vector<16xf32>,
          tpu.vector_store %arg15[%swap3A_502, %swap3A_503], %mul3A_501 {strides = array<i32>} : memref<112x128xf32, #tpu.memory_space<vmem>>, vector<16xf32>,
          %mul3A_505 = arith.mulf %bitcast3A_500, %broadcast_in_dim3A_428 : vector<16xf32>
          %swap3A_506 = arith.index_cast %add3A_432 : i32 to index
          %swap3A_507 = arith.constant 112 : index
          %swap3A_508 = tpu.vector_load %arg15[%swap3A_506, %swap3A_507] {strides = array<i32>} : memref<112x128xf32, #tpu.memory_space<vmem>>, vector<16xf32>,
          tpu.vector_store %arg15[%swap3A_506, %swap3A_507], %mul3A_505 {strides = array<i32>} : memref<112x128xf32, #tpu.memory_space<vmem>>, vector<16xf32>,
          %slice3A_509 = vector.extract_strided_slice %get3A_347 {offsets = [2], sizes = [1], strides = [1]} : vector<16xf32> to vector<1xf32>
          %squeeze3A_510 = vector.extract %slice3A_509[0] : f32 from vector<1xf32>
          %broadcast_in_dim3A_511 = vector.broadcast %squeeze3A_510 : f32 to vector<16xf32>
          %mul3A_512 = arith.constant 16 : i32
          %mul3A_513 = arith.muli %add3A_342, %mul3A_512 : i32
          %add3A_514 = arith.constant 2 : i32
          %add3A_515 = arith.addi %mul3A_513, %add3A_514 : i32
          %get3A_516 = arith.index_cast %add3A_515 : i32 to index
          %get3A_517 = arith.constant 0 : index
          %get3A_518 = tpu.vector_load %arg13[%get3A_516, %get3A_517] {strides = array<i32>} : memref<112x128xbf16, #tpu.memory_space<vmem>>, vector<32xbf16>,
          %bitcast3A_519 = vector.bitcast %get3A_518 : vector<32xbf16> to vector<16xi32>
          %shift_left3A_520 = arith.constant 16 : i32
          %shift_left3A_521 = vector.broadcast %shift_left3A_520 : i32 to vector<16xi32>
          %shift_left3A_522 = arith.shli %bitcast3A_519, %shift_left3A_521 : vector<16xi32>
          %bitcast3A_523 = vector.bitcast %shift_left3A_522 : vector<16xi32> to vector<16xf32>
          %and3A_524 = vector.broadcast %scan3A_35 : i32 to vector<16xi32>
          %and3A_525 = arith.andi %bitcast3A_519, %and3A_524 : vector<16xi32>
          %bitcast3A_526 = vector.bitcast %and3A_525 : vector<16xi32> to vector<16xf32>
          %mul3A_527 = arith.mulf %bitcast3A_523, %broadcast_in_dim3A_511 : vector<16xf32>
          %swap3A_528 = arith.index_cast %add3A_515 : i32 to index
          %swap3A_529 = arith.constant 0 : index
          %swap3A_530 = tpu.vector_load %arg15[%swap3A_528, %swap3A_529] {strides = array<i32>} : memref<112x128xf32, #tpu.memory_space<vmem>>, vector<16xf32>,
          tpu.vector_store %arg15[%swap3A_528, %swap3A_529], %mul3A_527 {strides = array<i32>} : memref<112x128xf32, #tpu.memory_space<vmem>>, vector<16xf32>,
          %mul3A_531 = arith.mulf %bitcast3A_526, %broadcast_in_dim3A_511 : vector<16xf32>
          %swap3A_532 = arith.index_cast %add3A_515 : i32 to index
          %swap3A_533 = arith.constant 16 : index
          %swap3A_534 = tpu.vector_load %arg15[%swap3A_532, %swap3A_533] {strides = array<i32>} : memref<112x128xf32, #tpu.memory_space<vmem>>, vector<16xf32>,
          tpu.vector_store %arg15[%swap3A_532, %swap3A_533], %mul3A_531 {strides = array<i32>} : memref<112x128xf32, #tpu.memory_space<vmem>>, vector<16xf32>,
          %get3A_535 = arith.index_cast %add3A_515 : i32 to index
          %get3A_536 = arith.constant 32 : index
          %get3A_537 = tpu.vector_load %arg13[%get3A_535, %get3A_536] {strides = array<i32>} : memref<112x128xbf16, #tpu.memory_space<vmem>>, vector<32xbf16>,
          %bitcast3A_538 = vector.bitcast %get3A_537 : vector<32xbf16> to vector<16xi32>
          %shift_left3A_539 = arith.constant 16 : i32
          %shift_left3A_540 = vector.broadcast %shift_left3A_539 : i32 to vector<16xi32>
          %shift_left3A_541 = arith.shli %bitcast3A_538, %shift_left3A_540 : vector<16xi32>
          %bitcast3A_542 = vector.bitcast %shift_left3A_541 : vector<16xi32> to vector<16xf32>
          %and3A_543 = vector.broadcast %scan3A_35 : i32 to vector<16xi32>
          %and3A_544 = arith.andi %bitcast3A_538, %and3A_543 : vector<16xi32>
          %bitcast3A_545 = vector.bitcast %and3A_544 : vector<16xi32> to vector<16xf32>
          %mul3A_546 = arith.mulf %bitcast3A_542, %broadcast_in_dim3A_511 : vector<16xf32>
          %swap3A_547 = arith.index_cast %add3A_515 : i32 to index
          %swap3A_548 = arith.constant 32 : index
          %swap3A_549 = tpu.vector_load %arg15[%swap3A_547, %swap3A_548] {strides = array<i32>} : memref<112x128xf32, #tpu.memory_space<vmem>>, vector<16xf32>,
          tpu.vector_store %arg15[%swap3A_547, %swap3A_548], %mul3A_546 {strides = array<i32>} : memref<112x128xf32, #tpu.memory_space<vmem>>, vector<16xf32>,
          %mul3A_550 = arith.mulf %bitcast3A_545, %broadcast_in_dim3A_511 : vector<16xf32>
          %swap3A_551 = arith.index_cast %add3A_515 : i32 to index
          %swap3A_552 = arith.constant 48 : index
          %swap3A_553 = tpu.vector_load %arg15[%swap3A_551, %swap3A_552] {strides = array<i32>} : memref<112x128xf32, #tpu.memory_space<vmem>>, vector<16xf32>,
          tpu.vector_store %arg15[%swap3A_551, %swap3A_552], %mul3A_550 {strides = array<i32>} : memref<112x128xf32, #tpu.memory_space<vmem>>, vector<16xf32>,
          %get3A_554 = arith.index_cast %add3A_515 : i32 to index
          %get3A_555 = arith.constant 64 : index
          %get3A_556 = tpu.vector_load %arg13[%get3A_554, %get3A_555] {strides = array<i32>} : memref<112x128xbf16, #tpu.memory_space<vmem>>, vector<32xbf16>,
          %bitcast3A_557 = vector.bitcast %get3A_556 : vector<32xbf16> to vector<16xi32>
          %shift_left3A_558 = arith.constant 16 : i32
          %shift_left3A_559 = vector.broadcast %shift_left3A_558 : i32 to vector<16xi32>
          %shift_left3A_560 = arith.shli %bitcast3A_557, %shift_left3A_559 : vector<16xi32>
          %bitcast3A_561 = vector.bitcast %shift_left3A_560 : vector<16xi32> to vector<16xf32>
          %and3A_562 = vector.broadcast %scan3A_35 : i32 to vector<16xi32>
          %and3A_563 = arith.andi %bitcast3A_557, %and3A_562 : vector<16xi32>
          %bitcast3A_564 = vector.bitcast %and3A_563 : vector<16xi32> to vector<16xf32>
          %mul3A_565 = arith.mulf %bitcast3A_561, %broadcast_in_dim3A_511 : vector<16xf32>
          %swap3A_566 = arith.index_cast %add3A_515 : i32 to index
          %swap3A_567 = arith.constant 64 : index
          %swap3A_568 = tpu.vector_load %arg15[%swap3A_566, %swap3A_567] {strides = array<i32>} : memref<112x128xf32, #tpu.memory_space<vmem>>, vector<16xf32>,
          tpu.vector_store %arg15[%swap3A_566, %swap3A_567], %mul3A_565 {strides = array<i32>} : memref<112x128xf32, #tpu.memory_space<vmem>>, vector<16xf32>,
          %mul3A_569 = arith.mulf %bitcast3A_564, %broadcast_in_dim3A_511 : vector<16xf32>
          %swap3A_570 = arith.index_cast %add3A_515 : i32 to index
          %swap3A_571 = arith.constant 80 : index
          %swap3A_572 = tpu.vector_load %arg15[%swap3A_570, %swap3A_571] {strides = array<i32>} : memref<112x128xf32, #tpu.memory_space<vmem>>, vector<16xf32>,
          tpu.vector_store %arg15[%swap3A_570, %swap3A_571], %mul3A_569 {strides = array<i32>} : memref<112x128xf32, #tpu.memory_space<vmem>>, vector<16xf32>,
          %get3A_573 = arith.index_cast %add3A_515 : i32 to index
          %get3A_574 = arith.constant 96 : index
          %get3A_575 = tpu.vector_load %arg13[%get3A_573, %get3A_574] {strides = array<i32>} : memref<112x128xbf16, #tpu.memory_space<vmem>>, vector<32xbf16>,
          %bitcast3A_576 = vector.bitcast %get3A_575 : vector<32xbf16> to vector<16xi32>
          %shift_left3A_577 = arith.constant 16 : i32
          %shift_left3A_578 = vector.broadcast %shift_left3A_577 : i32 to vector<16xi32>
          %shift_left3A_579 = arith.shli %bitcast3A_576, %shift_left3A_578 : vector<16xi32>
          %bitcast3A_580 = vector.bitcast %shift_left3A_579 : vector<16xi32> to vector<16xf32>
          %and3A_581 = vector.broadcast %scan3A_35 : i32 to vector<16xi32>
          %and3A_582 = arith.andi %bitcast3A_576, %and3A_581 : vector<16xi32>
          %bitcast3A_583 = vector.bitcast %and3A_582 : vector<16xi32> to vector<16xf32>
          %mul3A_584 = arith.mulf %bitcast3A_580, %broadcast_in_dim3A_511 : vector<16xf32>
          %swap3A_585 = arith.index_cast %add3A_515 : i32 to index
          %swap3A_586 = arith.constant 96 : index
          %swap3A_587 = tpu.vector_load %arg15[%swap3A_585, %swap3A_586] {strides = array<i32>} : memref<112x128xf32, #tpu.memory_space<vmem>>, vector<16xf32>,
          tpu.vector_store %arg15[%swap3A_585, %swap3A_586], %mul3A_584 {strides = array<i32>} : memref<112x128xf32, #tpu.memory_space<vmem>>, vector<16xf32>,
          %mul3A_588 = arith.mulf %bitcast3A_583, %broadcast_in_dim3A_511 : vector<16xf32>
          %swap3A_589 = arith.index_cast %add3A_515 : i32 to index
          %swap3A_590 = arith.constant 112 : index
          %swap3A_591 = tpu.vector_load %arg15[%swap3A_589, %swap3A_590] {strides = array<i32>} : memref<112x128xf32, #tpu.memory_space<vmem>>, vector<16xf32>,
          tpu.vector_store %arg15[%swap3A_589, %swap3A_590], %mul3A_588 {strides = array<i32>} : memref<112x128xf32, #tpu.memory_space<vmem>>, vector<16xf32>,
          %slice3A_592 = vector.extract_strided_slice %get3A_347 {offsets = [3], sizes = [1], strides = [1]} : vector<16xf32> to vector<1xf32>
          %squeeze3A_593 = vector.extract %slice3A_592[0] : f32 from vector<1xf32>
          %broadcast_in_dim3A_594 = vector.broadcast %squeeze3A_593 : f32 to vector<16xf32>
          %mul3A_595 = arith.constant 16 : i32
          %mul3A_596 = arith.muli %add3A_342, %mul3A_595 : i32
          %add3A_597 = arith.constant 3 : i32
          %add3A_598 = arith.addi %mul3A_596, %add3A_597 : i32
          %get3A_599 = arith.index_cast %add3A_598 : i32 to index
          %get3A_600 = arith.constant 0 : index
          %get3A_601 = tpu.vector_load %arg13[%get3A_599, %get3A_600] {strides = array<i32>} : memref<112x128xbf16, #tpu.memory_space<vmem>>, vector<32xbf16>,
          %bitcast3A_602 = vector.bitcast %get3A_601 : vector<32xbf16> to vector<16xi32>
          %shift_left3A_603 = arith.constant 16 : i32
          %shift_left3A_604 = vector.broadcast %shift_left3A_603 : i32 to vector<16xi32>
          %shift_left3A_605 = arith.shli %bitcast3A_602, %shift_left3A_604 : vector<16xi32>
          %bitcast3A_606 = vector.bitcast %shift_left3A_605 : vector<16xi32> to vector<16xf32>
          %and3A_607 = vector.broadcast %scan3A_35 : i32 to vector<16xi32>
          %and3A_608 = arith.andi %bitcast3A_602, %and3A_607 : vector<16xi32>
          %bitcast3A_609 = vector.bitcast %and3A_608 : vector<16xi32> to vector<16xf32>
          %mul3A_610 = arith.mulf %bitcast3A_606, %broadcast_in_dim3A_594 : vector<16xf32>
          %swap3A_611 = arith.index_cast %add3A_598 : i32 to index
          %swap3A_612 = arith.constant 0 : index
          %swap3A_613 = tpu.vector_load %arg15[%swap3A_611, %swap3A_612] {strides = array<i32>} : memref<112x128xf32, #tpu.memory_space<vmem>>, vector<16xf32>,
          tpu.vector_store %arg15[%swap3A_611, %swap3A_612], %mul3A_610 {strides = array<i32>} : memref<112x128xf32, #tpu.memory_space<vmem>>, vector<16xf32>,
          %mul3A_614 = arith.mulf %bitcast3A_609, %broadcast_in_dim3A_594 : vector<16xf32>
          %swap3A_615 = arith.index_cast %add3A_598 : i32 to index
          %swap3A_616 = arith.constant 16 : index
          %swap3A_617 = tpu.vector_load %arg15[%swap3A_615, %swap3A_616] {strides = array<i32>} : memref<112x128xf32, #tpu.memory_space<vmem>>, vector<16xf32>,
          tpu.vector_store %arg15[%swap3A_615, %swap3A_616], %mul3A_614 {strides = array<i32>} : memref<112x128xf32, #tpu.memory_space<vmem>>, vector<16xf32>,
          %get3A_618 = arith.index_cast %add3A_598 : i32 to index
          %get3A_619 = arith.constant 32 : index
          %get3A_620 = tpu.vector_load %arg13[%get3A_618, %get3A_619] {strides = array<i32>} : memref<112x128xbf16, #tpu.memory_space<vmem>>, vector<32xbf16>,
          %bitcast3A_621 = vector.bitcast %get3A_620 : vector<32xbf16> to vector<16xi32>
          %shift_left3A_622 = arith.constant 16 : i32
          %shift_left3A_623 = vector.broadcast %shift_left3A_622 : i32 to vector<16xi32>
          %shift_left3A_624 = arith.shli %bitcast3A_621, %shift_left3A_623 : vector<16xi32>
          %bitcast3A_625 = vector.bitcast %shift_left3A_624 : vector<16xi32> to vector<16xf32>
          %and3A_626 = vector.broadcast %scan3A_35 : i32 to vector<16xi32>
          %and3A_627 = arith.andi %bitcast3A_621, %and3A_626 : vector<16xi32>
          %bitcast3A_628 = vector.bitcast %and3A_627 : vector<16xi32> to vector<16xf32>
          %mul3A_629 = arith.mulf %bitcast3A_625, %broadcast_in_dim3A_594 : vector<16xf32>
          %swap3A_630 = arith.index_cast %add3A_598 : i32 to index
          %swap3A_631 = arith.constant 32 : index
          %swap3A_632 = tpu.vector_load %arg15[%swap3A_630, %swap3A_631] {strides = array<i32>} : memref<112x128xf32, #tpu.memory_space<vmem>>, vector<16xf32>,
          tpu.vector_store %arg15[%swap3A_630, %swap3A_631], %mul3A_629 {strides = array<i32>} : memref<112x128xf32, #tpu.memory_space<vmem>>, vector<16xf32>,
          %mul3A_633 = arith.mulf %bitcast3A_628, %broadcast_in_dim3A_594 : vector<16xf32>
          %swap3A_634 = arith.index_cast %add3A_598 : i32 to index
          %swap3A_635 = arith.constant 48 : index
          %swap3A_636 = tpu.vector_load %arg15[%swap3A_634, %swap3A_635] {strides = array<i32>} : memref<112x128xf32, #tpu.memory_space<vmem>>, vector<16xf32>,
          tpu.vector_store %arg15[%swap3A_634, %swap3A_635], %mul3A_633 {strides = array<i32>} : memref<112x128xf32, #tpu.memory_space<vmem>>, vector<16xf32>,
          %get3A_637 = arith.index_cast %add3A_598 : i32 to index
          %get3A_638 = arith.constant 64 : index
          %get3A_639 = tpu.vector_load %arg13[%get3A_637, %get3A_638] {strides = array<i32>} : memref<112x128xbf16, #tpu.memory_space<vmem>>, vector<32xbf16>,
          %bitcast3A_640 = vector.bitcast %get3A_639 : vector<32xbf16> to vector<16xi32>
          %shift_left3A_641 = arith.constant 16 : i32
          %shift_left3A_642 = vector.broadcast %shift_left3A_641 : i32 to vector<16xi32>
          %shift_left3A_643 = arith.shli %bitcast3A_640, %shift_left3A_642 : vector<16xi32>
          %bitcast3A_644 = vector.bitcast %shift_left3A_643 : vector<16xi32> to vector<16xf32>
          %and3A_645 = vector.broadcast %scan3A_35 : i32 to vector<16xi32>
          %and3A_646 = arith.andi %bitcast3A_640, %and3A_645 : vector<16xi32>
          %bitcast3A_647 = vector.bitcast %and3A_646 : vector<16xi32> to vector<16xf32>
          %mul3A_648 = arith.mulf %bitcast3A_644, %broadcast_in_dim3A_594 : vector<16xf32>
          %swap3A_649 = arith.index_cast %add3A_598 : i32 to index
          %swap3A_650 = arith.constant 64 : index
          %swap3A_651 = tpu.vector_load %arg15[%swap3A_649, %swap3A_650] {strides = array<i32>} : memref<112x128xf32, #tpu.memory_space<vmem>>, vector<16xf32>,
          tpu.vector_store %arg15[%swap3A_649, %swap3A_650], %mul3A_648 {strides = array<i32>} : memref<112x128xf32, #tpu.memory_space<vmem>>, vector<16xf32>,
          %mul3A_652 = arith.mulf %bitcast3A_647, %broadcast_in_dim3A_594 : vector<16xf32>
          %swap3A_653 = arith.index_cast %add3A_598 : i32 to index
          %swap3A_654 = arith.constant 80 : index
          %swap3A_655 = tpu.vector_load %arg15[%swap3A_653, %swap3A_654] {strides = array<i32>} : memref<112x128xf32, #tpu.memory_space<vmem>>, vector<16xf32>,
          tpu.vector_store %arg15[%swap3A_653, %swap3A_654], %mul3A_652 {strides = array<i32>} : memref<112x128xf32, #tpu.memory_space<vmem>>, vector<16xf32>,
          %get3A_656 = arith.index_cast %add3A_598 : i32 to index
          %get3A_657 = arith.constant 96 : index
          %get3A_658 = tpu.vector_load %arg13[%get3A_656, %get3A_657] {strides = array<i32>} : memref<112x128xbf16, #tpu.memory_space<vmem>>, vector<32xbf16>,
          %bitcast3A_659 = vector.bitcast %get3A_658 : vector<32xbf16> to vector<16xi32>
          %shift_left3A_660 = arith.constant 16 : i32
          %shift_left3A_661 = vector.broadcast %shift_left3A_660 : i32 to vector<16xi32>
          %shift_left3A_662 = arith.shli %bitcast3A_659, %shift_left3A_661 : vector<16xi32>
          %bitcast3A_663 = vector.bitcast %shift_left3A_662 : vector<16xi32> to vector<16xf32>
          %and3A_664 = vector.broadcast %scan3A_35 : i32 to vector<16xi32>
          %and3A_665 = arith.andi %bitcast3A_659, %and3A_664 : vector<16xi32>
          %bitcast3A_666 = vector.bitcast %and3A_665 : vector<16xi32> to vector<16xf32>
          %mul3A_667 = arith.mulf %bitcast3A_663, %broadcast_in_dim3A_594 : vector<16xf32>
          %swap3A_668 = arith.index_cast %add3A_598 : i32 to index
          %swap3A_669 = arith.constant 96 : index
          %swap3A_670 = tpu.vector_load %arg15[%swap3A_668, %swap3A_669] {strides = array<i32>} : memref<112x128xf32, #tpu.memory_space<vmem>>, vector<16xf32>,
          tpu.vector_store %arg15[%swap3A_668, %swap3A_669], %mul3A_667 {strides = array<i32>} : memref<112x128xf32, #tpu.memory_space<vmem>>, vector<16xf32>,
          %mul3A_671 = arith.mulf %bitcast3A_666, %broadcast_in_dim3A_594 : vector<16xf32>
          %swap3A_672 = arith.index_cast %add3A_598 : i32 to index
          %swap3A_673 = arith.constant 112 : index
          %swap3A_674 = tpu.vector_load %arg15[%swap3A_672, %swap3A_673] {strides = array<i32>} : memref<112x128xf32, #tpu.memory_space<vmem>>, vector<16xf32>,
          tpu.vector_store %arg15[%swap3A_672, %swap3A_673], %mul3A_671 {strides = array<i32>} : memref<112x128xf32, #tpu.memory_space<vmem>>, vector<16xf32>,
          %slice3A_675 = vector.extract_strided_slice %get3A_347 {offsets = [4], sizes = [1], strides = [1]} : vector<16xf32> to vector<1xf32>
          %squeeze3A_676 = vector.extract %slice3A_675[0] : f32 from vector<1xf32>
          %broadcast_in_dim3A_677 = vector.broadcast %squeeze3A_676 : f32 to vector<16xf32>
          %mul3A_678 = arith.constant 16 : i32
          %mul3A_679 = arith.muli %add3A_342, %mul3A_678 : i32
          %add3A_680 = arith.constant 4 : i32
          %add3A_681 = arith.addi %mul3A_679, %add3A_680 : i32
          %get3A_682 = arith.index_cast %add3A_681 : i32 to index
          %get3A_683 = arith.constant 0 : index
          %get3A_684 = tpu.vector_load %arg13[%get3A_682, %get3A_683] {strides = array<i32>} : memref<112x128xbf16, #tpu.memory_space<vmem>>, vector<32xbf16>,
          %bitcast3A_685 = vector.bitcast %get3A_684 : vector<32xbf16> to vector<16xi32>
          %shift_left3A_686 = arith.constant 16 : i32
          %shift_left3A_687 = vector.broadcast %shift_left3A_686 : i32 to vector<16xi32>
          %shift_left3A_688 = arith.shli %bitcast3A_685, %shift_left3A_687 : vector<16xi32>
          %bitcast3A_689 = vector.bitcast %shift_left3A_688 : vector<16xi32> to vector<16xf32>
          %and3A_690 = vector.broadcast %scan3A_35 : i32 to vector<16xi32>
          %and3A_691 = arith.andi %bitcast3A_685, %and3A_690 : vector<16xi32>
          %bitcast3A_692 = vector.bitcast %and3A_691 : vector<16xi32> to vector<16xf32>
          %mul3A_693 = arith.mulf %bitcast3A_689, %broadcast_in_dim3A_677 : vector<16xf32>
          %swap3A_694 = arith.index_cast %add3A_681 : i32 to index
          %swap3A_695 = arith.constant 0 : index
          %swap3A_696 = tpu.vector_load %arg15[%swap3A_694, %swap3A_695] {strides = array<i32>} : memref<112x128xf32, #tpu.memory_space<vmem>>, vector<16xf32>,
          tpu.vector_store %arg15[%swap3A_694, %swap3A_695], %mul3A_693 {strides = array<i32>} : memref<112x128xf32, #tpu.memory_space<vmem>>, vector<16xf32>,
          %mul3A_697 = arith.mulf %bitcast3A_692, %broadcast_in_dim3A_677 : vector<16xf32>
          %swap3A_698 = arith.index_cast %add3A_681 : i32 to index
          %swap3A_699 = arith.constant 16 : index
          %swap3A_700 = tpu.vector_load %arg15[%swap3A_698, %swap3A_699] {strides = array<i32>} : memref<112x128xf32, #tpu.memory_space<vmem>>, vector<16xf32>,
          tpu.vector_store %arg15[%swap3A_698, %swap3A_699], %mul3A_697 {strides = array<i32>} : memref<112x128xf32, #tpu.memory_space<vmem>>, vector<16xf32>,
          %get3A_701 = arith.index_cast %add3A_681 : i32 to index
          %get3A_702 = arith.constant 32 : index
          %get3A_703 = tpu.vector_load %arg13[%get3A_701, %get3A_702] {strides = array<i32>} : memref<112x128xbf16, #tpu.memory_space<vmem>>, vector<32xbf16>,
          %bitcast3A_704 = vector.bitcast %get3A_703 : vector<32xbf16> to vector<16xi32>
          %shift_left3A_705 = arith.constant 16 : i32
          %shift_left3A_706 = vector.broadcast %shift_left3A_705 : i32 to vector<16xi32>
          %shift_left3A_707 = arith.shli %bitcast3A_704, %shift_left3A_706 : vector<16xi32>
          %bitcast3A_708 = vector.bitcast %shift_left3A_707 : vector<16xi32> to vector<16xf32>
          %and3A_709 = vector.broadcast %scan3A_35 : i32 to vector<16xi32>
          %and3A_710 = arith.andi %bitcast3A_704, %and3A_709 : vector<16xi32>
          %bitcast3A_711 = vector.bitcast %and3A_710 : vector<16xi32> to vector<16xf32>
          %mul3A_712 = arith.mulf %bitcast3A_708, %broadcast_in_dim3A_677 : vector<16xf32>
          %swap3A_713 = arith.index_cast %add3A_681 : i32 to index
          %swap3A_714 = arith.constant 32 : index
          %swap3A_715 = tpu.vector_load %arg15[%swap3A_713, %swap3A_714] {strides = array<i32>} : memref<112x128xf32, #tpu.memory_space<vmem>>, vector<16xf32>,
          tpu.vector_store %arg15[%swap3A_713, %swap3A_714], %mul3A_712 {strides = array<i32>} : memref<112x128xf32, #tpu.memory_space<vmem>>, vector<16xf32>,
          %mul3A_716 = arith.mulf %bitcast3A_711, %broadcast_in_dim3A_677 : vector<16xf32>
          %swap3A_717 = arith.index_cast %add3A_681 : i32 to index
          %swap3A_718 = arith.constant 48 : index
          %swap3A_719 = tpu.vector_load %arg15[%swap3A_717, %swap3A_718] {strides = array<i32>} : memref<112x128xf32, #tpu.memory_space<vmem>>, vector<16xf32>,
          tpu.vector_store %arg15[%swap3A_717, %swap3A_718], %mul3A_716 {strides = array<i32>} : memref<112x128xf32, #tpu.memory_space<vmem>>, vector<16xf32>,
          %get3A_720 = arith.index_cast %add3A_681 : i32 to index
          %get3A_721 = arith.constant 64 : index
          %get3A_722 = tpu.vector_load %arg13[%get3A_720, %get3A_721] {strides = array<i32>} : memref<112x128xbf16, #tpu.memory_space<vmem>>, vector<32xbf16>,
          %bitcast3A_723 = vector.bitcast %get3A_722 : vector<32xbf16> to vector<16xi32>
          %shift_left3A_724 = arith.constant 16 : i32
          %shift_left3A_725 = vector.broadcast %shift_left3A_724 : i32 to vector<16xi32>
          %shift_left3A_726 = arith.shli %bitcast3A_723, %shift_left3A_725 : vector<16xi32>
          %bitcast3A_727 = vector.bitcast %shift_left3A_726 : vector<16xi32> to vector<16xf32>
          %and3A_728 = vector.broadcast %scan3A_35 : i32 to vector<16xi32>
          %and3A_729 = arith.andi %bitcast3A_723, %and3A_728 : vector<16xi32>
          %bitcast3A_730 = vector.bitcast %and3A_729 : vector<16xi32> to vector<16xf32>
          %mul3A_731 = arith.mulf %bitcast3A_727, %broadcast_in_dim3A_677 : vector<16xf32>
          %swap3A_732 = arith.index_cast %add3A_681 : i32 to index
          %swap3A_733 = arith.constant 64 : index
          %swap3A_734 = tpu.vector_load %arg15[%swap3A_732, %swap3A_733] {strides = array<i32>} : memref<112x128xf32, #tpu.memory_space<vmem>>, vector<16xf32>,
          tpu.vector_store %arg15[%swap3A_732, %swap3A_733], %mul3A_731 {strides = array<i32>} : memref<112x128xf32, #tpu.memory_space<vmem>>, vector<16xf32>,
          %mul3A_735 = arith.mulf %bitcast3A_730, %broadcast_in_dim3A_677 : vector<16xf32>
          %swap3A_736 = arith.index_cast %add3A_681 : i32 to index
          %swap3A_737 = arith.constant 80 : index
          %swap3A_738 = tpu.vector_load %arg15[%swap3A_736, %swap3A_737] {strides = array<i32>} : memref<112x128xf32, #tpu.memory_space<vmem>>, vector<16xf32>,
          tpu.vector_store %arg15[%swap3A_736, %swap3A_737], %mul3A_735 {strides = array<i32>} : memref<112x128xf32, #tpu.memory_space<vmem>>, vector<16xf32>,
          %get3A_739 = arith.index_cast %add3A_681 : i32 to index
          %get3A_740 = arith.constant 96 : index
          %get3A_741 = tpu.vector_load %arg13[%get3A_739, %get3A_740] {strides = array<i32>} : memref<112x128xbf16, #tpu.memory_space<vmem>>, vector<32xbf16>,
          %bitcast3A_742 = vector.bitcast %get3A_741 : vector<32xbf16> to vector<16xi32>
          %shift_left3A_743 = arith.constant 16 : i32
          %shift_left3A_744 = vector.broadcast %shift_left3A_743 : i32 to vector<16xi32>
          %shift_left3A_745 = arith.shli %bitcast3A_742, %shift_left3A_744 : vector<16xi32>
          %bitcast3A_746 = vector.bitcast %shift_left3A_745 : vector<16xi32> to vector<16xf32>
          %and3A_747 = vector.broadcast %scan3A_35 : i32 to vector<16xi32>
          %and3A_748 = arith.andi %bitcast3A_742, %and3A_747 : vector<16xi32>
          %bitcast3A_749 = vector.bitcast %and3A_748 : vector<16xi32> to vector<16xf32>
          %mul3A_750 = arith.mulf %bitcast3A_746, %broadcast_in_dim3A_677 : vector<16xf32>
          %swap3A_751 = arith.index_cast %add3A_681 : i32 to index
          %swap3A_752 = arith.constant 96 : index
          %swap3A_753 = tpu.vector_load %arg15[%swap3A_751, %swap3A_752] {strides = array<i32>} : memref<112x128xf32, #tpu.memory_space<vmem>>, vector<16xf32>,
          tpu.vector_store %arg15[%swap3A_751, %swap3A_752], %mul3A_750 {strides = array<i32>} : memref<112x128xf32, #tpu.memory_space<vmem>>, vector<16xf32>,
          %mul3A_754 = arith.mulf %bitcast3A_749, %broadcast_in_dim3A_677 : vector<16xf32>
          %swap3A_755 = arith.index_cast %add3A_681 : i32 to index
          %swap3A_756 = arith.constant 112 : index
          %swap3A_757 = tpu.vector_load %arg15[%swap3A_755, %swap3A_756] {strides = array<i32>} : memref<112x128xf32, #tpu.memory_space<vmem>>, vector<16xf32>,
          tpu.vector_store %arg15[%swap3A_755, %swap3A_756], %mul3A_754 {strides = array<i32>} : memref<112x128xf32, #tpu.memory_space<vmem>>, vector<16xf32>,
          %slice3A_758 = vector.extract_strided_slice %get3A_347 {offsets = [5], sizes = [1], strides = [1]} : vector<16xf32> to vector<1xf32>
          %squeeze3A_759 = vector.extract %slice3A_758[0] : f32 from vector<1xf32>
          %broadcast_in_dim3A_760 = vector.broadcast %squeeze3A_759 : f32 to vector<16xf32>
          %mul3A_761 = arith.constant 16 : i32
          %mul3A_762 = arith.muli %add3A_342, %mul3A_761 : i32
          %add3A_763 = arith.constant 5 : i32
          %add3A_764 = arith.addi %mul3A_762, %add3A_763 : i32
          %get3A_765 = arith.index_cast %add3A_764 : i32 to index
          %get3A_766 = arith.constant 0 : index
          %get3A_767 = tpu.vector_load %arg13[%get3A_765, %get3A_766] {strides = array<i32>} : memref<112x128xbf16, #tpu.memory_space<vmem>>, vector<32xbf16>,
          %bitcast3A_768 = vector.bitcast %get3A_767 : vector<32xbf16> to vector<16xi32>
          %shift_left3A_769 = arith.constant 16 : i32
          %shift_left3A_770 = vector.broadcast %shift_left3A_769 : i32 to vector<16xi32>
          %shift_left3A_771 = arith.shli %bitcast3A_768, %shift_left3A_770 : vector<16xi32>
          %bitcast3A_772 = vector.bitcast %shift_left3A_771 : vector<16xi32> to vector<16xf32>
          %and3A_773 = vector.broadcast %scan3A_35 : i32 to vector<16xi32>
          %and3A_774 = arith.andi %bitcast3A_768, %and3A_773 : vector<16xi32>
          %bitcast3A_775 = vector.bitcast %and3A_774 : vector<16xi32> to vector<16xf32>
          %mul3A_776 = arith.mulf %bitcast3A_772, %broadcast_in_dim3A_760 : vector<16xf32>
          %swap3A_777 = arith.index_cast %add3A_764 : i32 to index
          %swap3A_778 = arith.constant 0 : index
          %swap3A_779 = tpu.vector_load %arg15[%swap3A_777, %swap3A_778] {strides = array<i32>} : memref<112x128xf32, #tpu.memory_space<vmem>>, vector<16xf32>,
          tpu.vector_store %arg15[%swap3A_777, %swap3A_778], %mul3A_776 {strides = array<i32>} : memref<112x128xf32, #tpu.memory_space<vmem>>, vector<16xf32>,
          %mul3A_780 = arith.mulf %bitcast3A_775, %broadcast_in_dim3A_760 : vector<16xf32>
          %swap3A_781 = arith.index_cast %add3A_764 : i32 to index
          %swap3A_782 = arith.constant 16 : index
          %swap3A_783 = tpu.vector_load %arg15[%swap3A_781, %swap3A_782] {strides = array<i32>} : memref<112x128xf32, #tpu.memory_space<vmem>>, vector<16xf32>,
          tpu.vector_store %arg15[%swap3A_781, %swap3A_782], %mul3A_780 {strides = array<i32>} : memref<112x128xf32, #tpu.memory_space<vmem>>, vector<16xf32>,
          %get3A_784 = arith.index_cast %add3A_764 : i32 to index
          %get3A_785 = arith.constant 32 : index
          %get3A_786 = tpu.vector_load %arg13[%get3A_784, %get3A_785] {strides = array<i32>} : memref<112x128xbf16, #tpu.memory_space<vmem>>, vector<32xbf16>,
          %bitcast3A_787 = vector.bitcast %get3A_786 : vector<32xbf16> to vector<16xi32>
          %shift_left3A_788 = arith.constant 16 : i32
          %shift_left3A_789 = vector.broadcast %shift_left3A_788 : i32 to vector<16xi32>
          %shift_left3A_790 = arith.shli %bitcast3A_787, %shift_left3A_789 : vector<16xi32>
          %bitcast3A_791 = vector.bitcast %shift_left3A_790 : vector<16xi32> to vector<16xf32>
          %and3A_792 = vector.broadcast %scan3A_35 : i32 to vector<16xi32>
          %and3A_793 = arith.andi %bitcast3A_787, %and3A_792 : vector<16xi32>
          %bitcast3A_794 = vector.bitcast %and3A_793 : vector<16xi32> to vector<16xf32>
          %mul3A_795 = arith.mulf %bitcast3A_791, %broadcast_in_dim3A_760 : vector<16xf32>
          %swap3A_796 = arith.index_cast %add3A_764 : i32 to index
          %swap3A_797 = arith.constant 32 : index
          %swap3A_798 = tpu.vector_load %arg15[%swap3A_796, %swap3A_797] {strides = array<i32>} : memref<112x128xf32, #tpu.memory_space<vmem>>, vector<16xf32>,
          tpu.vector_store %arg15[%swap3A_796, %swap3A_797], %mul3A_795 {strides = array<i32>} : memref<112x128xf32, #tpu.memory_space<vmem>>, vector<16xf32>,
          %mul3A_799 = arith.mulf %bitcast3A_794, %broadcast_in_dim3A_760 : vector<16xf32>
          %swap3A_800 = arith.index_cast %add3A_764 : i32 to index
          %swap3A_801 = arith.constant 48 : index
          %swap3A_802 = tpu.vector_load %arg15[%swap3A_800, %swap3A_801] {strides = array<i32>} : memref<112x128xf32, #tpu.memory_space<vmem>>, vector<16xf32>,
          tpu.vector_store %arg15[%swap3A_800, %swap3A_801], %mul3A_799 {strides = array<i32>} : memref<112x128xf32, #tpu.memory_space<vmem>>, vector<16xf32>,
          %get3A_803 = arith.index_cast %add3A_764 : i32 to index
          %get3A_804 = arith.constant 64 : index
          %get3A_805 = tpu.vector_load %arg13[%get3A_803, %get3A_804] {strides = array<i32>} : memref<112x128xbf16, #tpu.memory_space<vmem>>, vector<32xbf16>,
          %bitcast3A_806 = vector.bitcast %get3A_805 : vector<32xbf16> to vector<16xi32>
          %shift_left3A_807 = arith.constant 16 : i32
          %shift_left3A_808 = vector.broadcast %shift_left3A_807 : i32 to vector<16xi32>
          %shift_left3A_809 = arith.shli %bitcast3A_806, %shift_left3A_808 : vector<16xi32>
          %bitcast3A_810 = vector.bitcast %shift_left3A_809 : vector<16xi32> to vector<16xf32>
          %and3A_811 = vector.broadcast %scan3A_35 : i32 to vector<16xi32>
          %and3A_812 = arith.andi %bitcast3A_806, %and3A_811 : vector<16xi32>
          %bitcast3A_813 = vector.bitcast %and3A_812 : vector<16xi32> to vector<16xf32>
          %mul3A_814 = arith.mulf %bitcast3A_810, %broadcast_in_dim3A_760 : vector<16xf32>
          %swap3A_815 = arith.index_cast %add3A_764 : i32 to index
          %swap3A_816 = arith.constant 64 : index
          %swap3A_817 = tpu.vector_load %arg15[%swap3A_815, %swap3A_816] {strides = array<i32>} : memref<112x128xf32, #tpu.memory_space<vmem>>, vector<16xf32>,
          tpu.vector_store %arg15[%swap3A_815, %swap3A_816], %mul3A_814 {strides = array<i32>} : memref<112x128xf32, #tpu.memory_space<vmem>>, vector<16xf32>,
          %mul3A_818 = arith.mulf %bitcast3A_813, %broadcast_in_dim3A_760 : vector<16xf32>
          %swap3A_819 = arith.index_cast %add3A_764 : i32 to index
          %swap3A_820 = arith.constant 80 : index
          %swap3A_821 = tpu.vector_load %arg15[%swap3A_819, %swap3A_820] {strides = array<i32>} : memref<112x128xf32, #tpu.memory_space<vmem>>, vector<16xf32>,
          tpu.vector_store %arg15[%swap3A_819, %swap3A_820], %mul3A_818 {strides = array<i32>} : memref<112x128xf32, #tpu.memory_space<vmem>>, vector<16xf32>,
          %get3A_822 = arith.index_cast %add3A_764 : i32 to index
          %get3A_823 = arith.constant 96 : index
          %get3A_824 = tpu.vector_load %arg13[%get3A_822, %get3A_823] {strides = array<i32>} : memref<112x128xbf16, #tpu.memory_space<vmem>>, vector<32xbf16>,
          %bitcast3A_825 = vector.bitcast %get3A_824 : vector<32xbf16> to vector<16xi32>
          %shift_left3A_826 = arith.constant 16 : i32
          %shift_left3A_827 = vector.broadcast %shift_left3A_826 : i32 to vector<16xi32>
          %shift_left3A_828 = arith.shli %bitcast3A_825, %shift_left3A_827 : vector<16xi32>
          %bitcast3A_829 = vector.bitcast %shift_left3A_828 : vector<16xi32> to vector<16xf32>
          %and3A_830 = vector.broadcast %scan3A_35 : i32 to vector<16xi32>
          %and3A_831 = arith.andi %bitcast3A_825, %and3A_830 : vector<16xi32>
          %bitcast3A_832 = vector.bitcast %and3A_831 : vector<16xi32> to vector<16xf32>
          %mul3A_833 = arith.mulf %bitcast3A_829, %broadcast_in_dim3A_760 : vector<16xf32>
          %swap3A_834 = arith.index_cast %add3A_764 : i32 to index
          %swap3A_835 = arith.constant 96 : index
          %swap3A_836 = tpu.vector_load %arg15[%swap3A_834, %swap3A_835] {strides = array<i32>} : memref<112x128xf32, #tpu.memory_space<vmem>>, vector<16xf32>,
          tpu.vector_store %arg15[%swap3A_834, %swap3A_835], %mul3A_833 {strides = array<i32>} : memref<112x128xf32, #tpu.memory_space<vmem>>, vector<16xf32>,
          %mul3A_837 = arith.mulf %bitcast3A_832, %broadcast_in_dim3A_760 : vector<16xf32>
          %swap3A_838 = arith.index_cast %add3A_764 : i32 to index
          %swap3A_839 = arith.constant 112 : index
          %swap3A_840 = tpu.vector_load %arg15[%swap3A_838, %swap3A_839] {strides = array<i32>} : memref<112x128xf32, #tpu.memory_space<vmem>>, vector<16xf32>,
          tpu.vector_store %arg15[%swap3A_838, %swap3A_839], %mul3A_837 {strides = array<i32>} : memref<112x128xf32, #tpu.memory_space<vmem>>, vector<16xf32>,
          %slice3A_841 = vector.extract_strided_slice %get3A_347 {offsets = [6], sizes = [1], strides = [1]} : vector<16xf32> to vector<1xf32>
          %squeeze3A_842 = vector.extract %slice3A_841[0] : f32 from vector<1xf32>
          %broadcast_in_dim3A_843 = vector.broadcast %squeeze3A_842 : f32 to vector<16xf32>
          %mul3A_844 = arith.constant 16 : i32
          %mul3A_845 = arith.muli %add3A_342, %mul3A_844 : i32
          %add3A_846 = arith.constant 6 : i32
          %add3A_847 = arith.addi %mul3A_845, %add3A_846 : i32
          %get3A_848 = arith.index_cast %add3A_847 : i32 to index
          %get3A_849 = arith.constant 0 : index
          %get3A_850 = tpu.vector_load %arg13[%get3A_848, %get3A_849] {strides = array<i32>} : memref<112x128xbf16, #tpu.memory_space<vmem>>, vector<32xbf16>,
          %bitcast3A_851 = vector.bitcast %get3A_850 : vector<32xbf16> to vector<16xi32>
          %shift_left3A_852 = arith.constant 16 : i32
          %shift_left3A_853 = vector.broadcast %shift_left3A_852 : i32 to vector<16xi32>
          %shift_left3A_854 = arith.shli %bitcast3A_851, %shift_left3A_853 : vector<16xi32>
          %bitcast3A_855 = vector.bitcast %shift_left3A_854 : vector<16xi32> to vector<16xf32>
          %and3A_856 = vector.broadcast %scan3A_35 : i32 to vector<16xi32>
          %and3A_857 = arith.andi %bitcast3A_851, %and3A_856 : vector<16xi32>
          %bitcast3A_858 = vector.bitcast %and3A_857 : vector<16xi32> to vector<16xf32>
          %mul3A_859 = arith.mulf %bitcast3A_855, %broadcast_in_dim3A_843 : vector<16xf32>
          %swap3A_860 = arith.index_cast %add3A_847 : i32 to index
          %swap3A_861 = arith.constant 0 : index
          %swap3A_862 = tpu.vector_load %arg15[%swap3A_860, %swap3A_861] {strides = array<i32>} : memref<112x128xf32, #tpu.memory_space<vmem>>, vector<16xf32>,
          tpu.vector_store %arg15[%swap3A_860, %swap3A_861], %mul3A_859 {strides = array<i32>} : memref<112x128xf32, #tpu.memory_space<vmem>>, vector<16xf32>,
          %mul3A_863 = arith.mulf %bitcast3A_858, %broadcast_in_dim3A_843 : vector<16xf32>
          %swap3A_864 = arith.index_cast %add3A_847 : i32 to index
          %swap3A_865 = arith.constant 16 : index
          %swap3A_866 = tpu.vector_load %arg15[%swap3A_864, %swap3A_865] {strides = array<i32>} : memref<112x128xf32, #tpu.memory_space<vmem>>, vector<16xf32>,
          tpu.vector_store %arg15[%swap3A_864, %swap3A_865], %mul3A_863 {strides = array<i32>} : memref<112x128xf32, #tpu.memory_space<vmem>>, vector<16xf32>,
          %get3A_867 = arith.index_cast %add3A_847 : i32 to index
          %get3A_868 = arith.constant 32 : index
          %get3A_869 = tpu.vector_load %arg13[%get3A_867, %get3A_868] {strides = array<i32>} : memref<112x128xbf16, #tpu.memory_space<vmem>>, vector<32xbf16>,
          %bitcast3A_870 = vector.bitcast %get3A_869 : vector<32xbf16> to vector<16xi32>
          %shift_left3A_871 = arith.constant 16 : i32
          %shift_left3A_872 = vector.broadcast %shift_left3A_871 : i32 to vector<16xi32>
          %shift_left3A_873 = arith.shli %bitcast3A_870, %shift_left3A_872 : vector<16xi32>
          %bitcast3A_874 = vector.bitcast %shift_left3A_873 : vector<16xi32> to vector<16xf32>
          %and3A_875 = vector.broadcast %scan3A_35 : i32 to vector<16xi32>
          %and3A_876 = arith.andi %bitcast3A_870, %and3A_875 : vector<16xi32>
          %bitcast3A_877 = vector.bitcast %and3A_876 : vector<16xi32> to vector<16xf32>
          %mul3A_878 = arith.mulf %bitcast3A_874, %broadcast_in_dim3A_843 : vector<16xf32>
          %swap3A_879 = arith.index_cast %add3A_847 : i32 to index
          %swap3A_880 = arith.constant 32 : index
          %swap3A_881 = tpu.vector_load %arg15[%swap3A_879, %swap3A_880] {strides = array<i32>} : memref<112x128xf32, #tpu.memory_space<vmem>>, vector<16xf32>,
          tpu.vector_store %arg15[%swap3A_879, %swap3A_880], %mul3A_878 {strides = array<i32>} : memref<112x128xf32, #tpu.memory_space<vmem>>, vector<16xf32>,
          %mul3A_882 = arith.mulf %bitcast3A_877, %broadcast_in_dim3A_843 : vector<16xf32>
          %swap3A_883 = arith.index_cast %add3A_847 : i32 to index
          %swap3A_884 = arith.constant 48 : index
          %swap3A_885 = tpu.vector_load %arg15[%swap3A_883, %swap3A_884] {strides = array<i32>} : memref<112x128xf32, #tpu.memory_space<vmem>>, vector<16xf32>,
          tpu.vector_store %arg15[%swap3A_883, %swap3A_884], %mul3A_882 {strides = array<i32>} : memref<112x128xf32, #tpu.memory_space<vmem>>, vector<16xf32>,
          %get3A_886 = arith.index_cast %add3A_847 : i32 to index
          %get3A_887 = arith.constant 64 : index
          %get3A_888 = tpu.vector_load %arg13[%get3A_886, %get3A_887] {strides = array<i32>} : memref<112x128xbf16, #tpu.memory_space<vmem>>, vector<32xbf16>,
          %bitcast3A_889 = vector.bitcast %get3A_888 : vector<32xbf16> to vector<16xi32>
          %shift_left3A_890 = arith.constant 16 : i32
          %shift_left3A_891 = vector.broadcast %shift_left3A_890 : i32 to vector<16xi32>
          %shift_left3A_892 = arith.shli %bitcast3A_889, %shift_left3A_891 : vector<16xi32>
          %bitcast3A_893 = vector.bitcast %shift_left3A_892 : vector<16xi32> to vector<16xf32>
          %and3A_894 = vector.broadcast %scan3A_35 : i32 to vector<16xi32>
          %and3A_895 = arith.andi %bitcast3A_889, %and3A_894 : vector<16xi32>
          %bitcast3A_896 = vector.bitcast %and3A_895 : vector<16xi32> to vector<16xf32>
          %mul3A_897 = arith.mulf %bitcast3A_893, %broadcast_in_dim3A_843 : vector<16xf32>
          %swap3A_898 = arith.index_cast %add3A_847 : i32 to index
          %swap3A_899 = arith.constant 64 : index
          %swap3A_900 = tpu.vector_load %arg15[%swap3A_898, %swap3A_899] {strides = array<i32>} : memref<112x128xf32, #tpu.memory_space<vmem>>, vector<16xf32>,
          tpu.vector_store %arg15[%swap3A_898, %swap3A_899], %mul3A_897 {strides = array<i32>} : memref<112x128xf32, #tpu.memory_space<vmem>>, vector<16xf32>,
          %mul3A_901 = arith.mulf %bitcast3A_896, %broadcast_in_dim3A_843 : vector<16xf32>
          %swap3A_902 = arith.index_cast %add3A_847 : i32 to index
          %swap3A_903 = arith.constant 80 : index
          %swap3A_904 = tpu.vector_load %arg15[%swap3A_902, %swap3A_903] {strides = array<i32>} : memref<112x128xf32, #tpu.memory_space<vmem>>, vector<16xf32>,
          tpu.vector_store %arg15[%swap3A_902, %swap3A_903], %mul3A_901 {strides = array<i32>} : memref<112x128xf32, #tpu.memory_space<vmem>>, vector<16xf32>,
          %get3A_905 = arith.index_cast %add3A_847 : i32 to index
          %get3A_906 = arith.constant 96 : index
          %get3A_907 = tpu.vector_load %arg13[%get3A_905, %get3A_906] {strides = array<i32>} : memref<112x128xbf16, #tpu.memory_space<vmem>>, vector<32xbf16>,
          %bitcast3A_908 = vector.bitcast %get3A_907 : vector<32xbf16> to vector<16xi32>
          %shift_left3A_909 = arith.constant 16 : i32
          %shift_left3A_910 = vector.broadcast %shift_left3A_909 : i32 to vector<16xi32>
          %shift_left3A_911 = arith.shli %bitcast3A_908, %shift_left3A_910 : vector<16xi32>
          %bitcast3A_912 = vector.bitcast %shift_left3A_911 : vector<16xi32> to vector<16xf32>
          %and3A_913 = vector.broadcast %scan3A_35 : i32 to vector<16xi32>
          %and3A_914 = arith.andi %bitcast3A_908, %and3A_913 : vector<16xi32>
          %bitcast3A_915 = vector.bitcast %and3A_914 : vector<16xi32> to vector<16xf32>
          %mul3A_916 = arith.mulf %bitcast3A_912, %broadcast_in_dim3A_843 : vector<16xf32>
          %swap3A_917 = arith.index_cast %add3A_847 : i32 to index
          %swap3A_918 = arith.constant 96 : index
          %swap3A_919 = tpu.vector_load %arg15[%swap3A_917, %swap3A_918] {strides = array<i32>} : memref<112x128xf32, #tpu.memory_space<vmem>>, vector<16xf32>,
          tpu.vector_store %arg15[%swap3A_917, %swap3A_918], %mul3A_916 {strides = array<i32>} : memref<112x128xf32, #tpu.memory_space<vmem>>, vector<16xf32>,
          %mul3A_920 = arith.mulf %bitcast3A_915, %broadcast_in_dim3A_843 : vector<16xf32>
          %swap3A_921 = arith.index_cast %add3A_847 : i32 to index
          %swap3A_922 = arith.constant 112 : index
          %swap3A_923 = tpu.vector_load %arg15[%swap3A_921, %swap3A_922] {strides = array<i32>} : memref<112x128xf32, #tpu.memory_space<vmem>>, vector<16xf32>,
          tpu.vector_store %arg15[%swap3A_921, %swap3A_922], %mul3A_920 {strides = array<i32>} : memref<112x128xf32, #tpu.memory_space<vmem>>, vector<16xf32>,
          %slice3A_924 = vector.extract_strided_slice %get3A_347 {offsets = [7], sizes = [1], strides = [1]} : vector<16xf32> to vector<1xf32>
          %squeeze3A_925 = vector.extract %slice3A_924[0] : f32 from vector<1xf32>
          %broadcast_in_dim3A_926 = vector.broadcast %squeeze3A_925 : f32 to vector<16xf32>
          %mul3A_927 = arith.constant 16 : i32
          %mul3A_928 = arith.muli %add3A_342, %mul3A_927 : i32
          %add3A_929 = arith.constant 7 : i32
          %add3A_930 = arith.addi %mul3A_928, %add3A_929 : i32
          %get3A_931 = arith.index_cast %add3A_930 : i32 to index
          %get3A_932 = arith.constant 0 : index
          %get3A_933 = tpu.vector_load %arg13[%get3A_931, %get3A_932] {strides = array<i32>} : memref<112x128xbf16, #tpu.memory_space<vmem>>, vector<32xbf16>,
          %bitcast3A_934 = vector.bitcast %get3A_933 : vector<32xbf16> to vector<16xi32>
          %shift_left3A_935 = arith.constant 16 : i32
          %shift_left3A_936 = vector.broadcast %shift_left3A_935 : i32 to vector<16xi32>
          %shift_left3A_937 = arith.shli %bitcast3A_934, %shift_left3A_936 : vector<16xi32>
          %bitcast3A_938 = vector.bitcast %shift_left3A_937 : vector<16xi32> to vector<16xf32>
          %and3A_939 = vector.broadcast %scan3A_35 : i32 to vector<16xi32>
          %and3A_940 = arith.andi %bitcast3A_934, %and3A_939 : vector<16xi32>
          %bitcast3A_941 = vector.bitcast %and3A_940 : vector<16xi32> to vector<16xf32>
          %mul3A_942 = arith.mulf %bitcast3A_938, %broadcast_in_dim3A_926 : vector<16xf32>
          %swap3A_943 = arith.index_cast %add3A_930 : i32 to index
          %swap3A_944 = arith.constant 0 : index
          %swap3A_945 = tpu.vector_load %arg15[%swap3A_943, %swap3A_944] {strides = array<i32>} : memref<112x128xf32, #tpu.memory_space<vmem>>, vector<16xf32>,
          tpu.vector_store %arg15[%swap3A_943, %swap3A_944], %mul3A_942 {strides = array<i32>} : memref<112x128xf32, #tpu.memory_space<vmem>>, vector<16xf32>,
          %mul3A_946 = arith.mulf %bitcast3A_941, %broadcast_in_dim3A_926 : vector<16xf32>
          %swap3A_947 = arith.index_cast %add3A_930 : i32 to index
          %swap3A_948 = arith.constant 16 : index
          %swap3A_949 = tpu.vector_load %arg15[%swap3A_947, %swap3A_948] {strides = array<i32>} : memref<112x128xf32, #tpu.memory_space<vmem>>, vector<16xf32>,
          tpu.vector_store %arg15[%swap3A_947, %swap3A_948], %mul3A_946 {strides = array<i32>} : memref<112x128xf32, #tpu.memory_space<vmem>>, vector<16xf32>,
          %get3A_950 = arith.index_cast %add3A_930 : i32 to index
          %get3A_951 = arith.constant 32 : index
          %get3A_952 = tpu.vector_load %arg13[%get3A_950, %get3A_951] {strides = array<i32>} : memref<112x128xbf16, #tpu.memory_space<vmem>>, vector<32xbf16>,
          %bitcast3A_953 = vector.bitcast %get3A_952 : vector<32xbf16> to vector<16xi32>
          %shift_left3A_954 = arith.constant 16 : i32
          %shift_left3A_955 = vector.broadcast %shift_left3A_954 : i32 to vector<16xi32>
          %shift_left3A_956 = arith.shli %bitcast3A_953, %shift_left3A_955 : vector<16xi32>
          %bitcast3A_957 = vector.bitcast %shift_left3A_956 : vector<16xi32> to vector<16xf32>
          %and3A_958 = vector.broadcast %scan3A_35 : i32 to vector<16xi32>
          %and3A_959 = arith.andi %bitcast3A_953, %and3A_958 : vector<16xi32>
          %bitcast3A_960 = vector.bitcast %and3A_959 : vector<16xi32> to vector<16xf32>
          %mul3A_961 = arith.mulf %bitcast3A_957, %broadcast_in_dim3A_926 : vector<16xf32>
          %swap3A_962 = arith.index_cast %add3A_930 : i32 to index
          %swap3A_963 = arith.constant 32 : index
          %swap3A_964 = tpu.vector_load %arg15[%swap3A_962, %swap3A_963] {strides = array<i32>} : memref<112x128xf32, #tpu.memory_space<vmem>>, vector<16xf32>,
          tpu.vector_store %arg15[%swap3A_962, %swap3A_963], %mul3A_961 {strides = array<i32>} : memref<112x128xf32, #tpu.memory_space<vmem>>, vector<16xf32>,
          %mul3A_965 = arith.mulf %bitcast3A_960, %broadcast_in_dim3A_926 : vector<16xf32>
          %swap3A_966 = arith.index_cast %add3A_930 : i32 to index
          %swap3A_967 = arith.constant 48 : index
          %swap3A_968 = tpu.vector_load %arg15[%swap3A_966, %swap3A_967] {strides = array<i32>} : memref<112x128xf32, #tpu.memory_space<vmem>>, vector<16xf32>,
          tpu.vector_store %arg15[%swap3A_966, %swap3A_967], %mul3A_965 {strides = array<i32>} : memref<112x128xf32, #tpu.memory_space<vmem>>, vector<16xf32>,
          %get3A_969 = arith.index_cast %add3A_930 : i32 to index
          %get3A_970 = arith.constant 64 : index
          %get3A_971 = tpu.vector_load %arg13[%get3A_969, %get3A_970] {strides = array<i32>} : memref<112x128xbf16, #tpu.memory_space<vmem>>, vector<32xbf16>,
          %bitcast3A_972 = vector.bitcast %get3A_971 : vector<32xbf16> to vector<16xi32>
          %shift_left3A_973 = arith.constant 16 : i32
          %shift_left3A_974 = vector.broadcast %shift_left3A_973 : i32 to vector<16xi32>
          %shift_left3A_975 = arith.shli %bitcast3A_972, %shift_left3A_974 : vector<16xi32>
          %bitcast3A_976 = vector.bitcast %shift_left3A_975 : vector<16xi32> to vector<16xf32>
          %and3A_977 = vector.broadcast %scan3A_35 : i32 to vector<16xi32>
          %and3A_978 = arith.andi %bitcast3A_972, %and3A_977 : vector<16xi32>
          %bitcast3A_979 = vector.bitcast %and3A_978 : vector<16xi32> to vector<16xf32>
          %mul3A_980 = arith.mulf %bitcast3A_976, %broadcast_in_dim3A_926 : vector<16xf32>
          %swap3A_981 = arith.index_cast %add3A_930 : i32 to index
          %swap3A_982 = arith.constant 64 : index
          %swap3A_983 = tpu.vector_load %arg15[%swap3A_981, %swap3A_982] {strides = array<i32>} : memref<112x128xf32, #tpu.memory_space<vmem>>, vector<16xf32>,
          tpu.vector_store %arg15[%swap3A_981, %swap3A_982], %mul3A_980 {strides = array<i32>} : memref<112x128xf32, #tpu.memory_space<vmem>>, vector<16xf32>,
          %mul3A_984 = arith.mulf %bitcast3A_979, %broadcast_in_dim3A_926 : vector<16xf32>
          %swap3A_985 = arith.index_cast %add3A_930 : i32 to index
          %swap3A_986 = arith.constant 80 : index
          %swap3A_987 = tpu.vector_load %arg15[%swap3A_985, %swap3A_986] {strides = array<i32>} : memref<112x128xf32, #tpu.memory_space<vmem>>, vector<16xf32>,
          tpu.vector_store %arg15[%swap3A_985, %swap3A_986], %mul3A_984 {strides = array<i32>} : memref<112x128xf32, #tpu.memory_space<vmem>>, vector<16xf32>,
          %get3A_988 = arith.index_cast %add3A_930 : i32 to index
          %get3A_989 = arith.constant 96 : index
          %get3A_990 = tpu.vector_load %arg13[%get3A_988, %get3A_989] {strides = array<i32>} : memref<112x128xbf16, #tpu.memory_space<vmem>>, vector<32xbf16>,
          %bitcast3A_991 = vector.bitcast %get3A_990 : vector<32xbf16> to vector<16xi32>
          %shift_left3A_992 = arith.constant 16 : i32
          %shift_left3A_993 = vector.broadcast %shift_left3A_992 : i32 to vector<16xi32>
          %shift_left3A_994 = arith.shli %bitcast3A_991, %shift_left3A_993 : vector<16xi32>
          %bitcast3A_995 = vector.bitcast %shift_left3A_994 : vector<16xi32> to vector<16xf32>
          %and3A_996 = vector.broadcast %scan3A_35 : i32 to vector<16xi32>
          %and3A_997 = arith.andi %bitcast3A_991, %and3A_996 : vector<16xi32>
          %bitcast3A_998 = vector.bitcast %and3A_997 : vector<16xi32> to vector<16xf32>
          %mul3A_999 = arith.mulf %bitcast3A_995, %broadcast_in_dim3A_926 : vector<16xf32>
          %swap3A_1000 = arith.index_cast %add3A_930 : i32 to index
          %swap3A_1001 = arith.constant 96 : index
          %swap3A_1002 = tpu.vector_load %arg15[%swap3A_1000, %swap3A_1001] {strides = array<i32>} : memref<112x128xf32, #tpu.memory_space<vmem>>, vector<16xf32>,
          tpu.vector_store %arg15[%swap3A_1000, %swap3A_1001], %mul3A_999 {strides = array<i32>} : memref<112x128xf32, #tpu.memory_space<vmem>>, vector<16xf32>,
          %mul3A_1003 = arith.mulf %bitcast3A_998, %broadcast_in_dim3A_926 : vector<16xf32>
          %swap3A_1004 = arith.index_cast %add3A_930 : i32 to index
          %swap3A_1005 = arith.constant 112 : index
          %swap3A_1006 = tpu.vector_load %arg15[%swap3A_1004, %swap3A_1005] {strides = array<i32>} : memref<112x128xf32, #tpu.memory_space<vmem>>, vector<16xf32>,
          tpu.vector_store %arg15[%swap3A_1004, %swap3A_1005], %mul3A_1003 {strides = array<i32>} : memref<112x128xf32, #tpu.memory_space<vmem>>, vector<16xf32>,
          %slice3A_1007 = vector.extract_strided_slice %get3A_347 {offsets = [8], sizes = [1], strides = [1]} : vector<16xf32> to vector<1xf32>
          %squeeze3A_1008 = vector.extract %slice3A_1007[0] : f32 from vector<1xf32>
          %broadcast_in_dim3A_1009 = vector.broadcast %squeeze3A_1008 : f32 to vector<16xf32>
          %mul3A_1010 = arith.constant 16 : i32
          %mul3A_1011 = arith.muli %add3A_342, %mul3A_1010 : i32
          %add3A_1012 = arith.constant 8 : i32
          %add3A_1013 = arith.addi %mul3A_1011, %add3A_1012 : i32
          %get3A_1014 = arith.index_cast %add3A_1013 : i32 to index
          %get3A_1015 = arith.constant 0 : index
          %get3A_1016 = tpu.vector_load %arg13[%get3A_1014, %get3A_1015] {strides = array<i32>} : memref<112x128xbf16, #tpu.memory_space<vmem>>, vector<32xbf16>,
          %bitcast3A_1017 = vector.bitcast %get3A_1016 : vector<32xbf16> to vector<16xi32>
          %shift_left3A_1018 = arith.constant 16 : i32
          %shift_left3A_1019 = vector.broadcast %shift_left3A_1018 : i32 to vector<16xi32>
          %shift_left3A_1020 = arith.shli %bitcast3A_1017, %shift_left3A_1019 : vector<16xi32>
          %bitcast3A_1021 = vector.bitcast %shift_left3A_1020 : vector<16xi32> to vector<16xf32>
          %and3A_1022 = vector.broadcast %scan3A_35 : i32 to vector<16xi32>
          %and3A_1023 = arith.andi %bitcast3A_1017, %and3A_1022 : vector<16xi32>
          %bitcast3A_1024 = vector.bitcast %and3A_1023 : vector<16xi32> to vector<16xf32>
          %mul3A_1025 = arith.mulf %bitcast3A_1021, %broadcast_in_dim3A_1009 : vector<16xf32>
          %swap3A_1026 = arith.index_cast %add3A_1013 : i32 to index
          %swap3A_1027 = arith.constant 0 : index
          %swap3A_1028 = tpu.vector_load %arg15[%swap3A_1026, %swap3A_1027] {strides = array<i32>} : memref<112x128xf32, #tpu.memory_space<vmem>>, vector<16xf32>,
          tpu.vector_store %arg15[%swap3A_1026, %swap3A_1027], %mul3A_1025 {strides = array<i32>} : memref<112x128xf32, #tpu.memory_space<vmem>>, vector<16xf32>,
          %mul3A_1029 = arith.mulf %bitcast3A_1024, %broadcast_in_dim3A_1009 : vector<16xf32>
          %swap3A_1030 = arith.index_cast %add3A_1013 : i32 to index
          %swap3A_1031 = arith.constant 16 : index
          %swap3A_1032 = tpu.vector_load %arg15[%swap3A_1030, %swap3A_1031] {strides = array<i32>} : memref<112x128xf32, #tpu.memory_space<vmem>>, vector<16xf32>,
          tpu.vector_store %arg15[%swap3A_1030, %swap3A_1031], %mul3A_1029 {strides = array<i32>} : memref<112x128xf32, #tpu.memory_space<vmem>>, vector<16xf32>,
          %get3A_1033 = arith.index_cast %add3A_1013 : i32 to index
          %get3A_1034 = arith.constant 32 : index
          %get3A_1035 = tpu.vector_load %arg13[%get3A_1033, %get3A_1034] {strides = array<i32>} : memref<112x128xbf16, #tpu.memory_space<vmem>>, vector<32xbf16>,
          %bitcast3A_1036 = vector.bitcast %get3A_1035 : vector<32xbf16> to vector<16xi32>
          %shift_left3A_1037 = arith.constant 16 : i32
          %shift_left3A_1038 = vector.broadcast %shift_left3A_1037 : i32 to vector<16xi32>
          %shift_left3A_1039 = arith.shli %bitcast3A_1036, %shift_left3A_1038 : vector<16xi32>
          %bitcast3A_1040 = vector.bitcast %shift_left3A_1039 : vector<16xi32> to vector<16xf32>
          %and3A_1041 = vector.broadcast %scan3A_35 : i32 to vector<16xi32>
          %and3A_1042 = arith.andi %bitcast3A_1036, %and3A_1041 : vector<16xi32>
          %bitcast3A_1043 = vector.bitcast %and3A_1042 : vector<16xi32> to vector<16xf32>
          %mul3A_1044 = arith.mulf %bitcast3A_1040, %broadcast_in_dim3A_1009 : vector<16xf32>
          %swap3A_1045 = arith.index_cast %add3A_1013 : i32 to index
          %swap3A_1046 = arith.constant 32 : index
          %swap3A_1047 = tpu.vector_load %arg15[%swap3A_1045, %swap3A_1046] {strides = array<i32>} : memref<112x128xf32, #tpu.memory_space<vmem>>, vector<16xf32>,
          tpu.vector_store %arg15[%swap3A_1045, %swap3A_1046], %mul3A_1044 {strides = array<i32>} : memref<112x128xf32, #tpu.memory_space<vmem>>, vector<16xf32>,
          %mul3A_1048 = arith.mulf %bitcast3A_1043, %broadcast_in_dim3A_1009 : vector<16xf32>
          %swap3A_1049 = arith.index_cast %add3A_1013 : i32 to index
          %swap3A_1050 = arith.constant 48 : index
          %swap3A_1051 = tpu.vector_load %arg15[%swap3A_1049, %swap3A_1050] {strides = array<i32>} : memref<112x128xf32, #tpu.memory_space<vmem>>, vector<16xf32>,
          tpu.vector_store %arg15[%swap3A_1049, %swap3A_1050], %mul3A_1048 {strides = array<i32>} : memref<112x128xf32, #tpu.memory_space<vmem>>, vector<16xf32>,
          %get3A_1052 = arith.index_cast %add3A_1013 : i32 to index
          %get3A_1053 = arith.constant 64 : index
          %get3A_1054 = tpu.vector_load %arg13[%get3A_1052, %get3A_1053] {strides = array<i32>} : memref<112x128xbf16, #tpu.memory_space<vmem>>, vector<32xbf16>,
          %bitcast3A_1055 = vector.bitcast %get3A_1054 : vector<32xbf16> to vector<16xi32>
          %shift_left3A_1056 = arith.constant 16 : i32
          %shift_left3A_1057 = vector.broadcast %shift_left3A_1056 : i32 to vector<16xi32>
          %shift_left3A_1058 = arith.shli %bitcast3A_1055, %shift_left3A_1057 : vector<16xi32>
          %bitcast3A_1059 = vector.bitcast %shift_left3A_1058 : vector<16xi32> to vector<16xf32>
          %and3A_1060 = vector.broadcast %scan3A_35 : i32 to vector<16xi32>
          %and3A_1061 = arith.andi %bitcast3A_1055, %and3A_1060 : vector<16xi32>
          %bitcast3A_1062 = vector.bitcast %and3A_1061 : vector<16xi32> to vector<16xf32>
          %mul3A_1063 = arith.mulf %bitcast3A_1059, %broadcast_in_dim3A_1009 : vector<16xf32>
          %swap3A_1064 = arith.index_cast %add3A_1013 : i32 to index
          %swap3A_1065 = arith.constant 64 : index
          %swap3A_1066 = tpu.vector_load %arg15[%swap3A_1064, %swap3A_1065] {strides = array<i32>} : memref<112x128xf32, #tpu.memory_space<vmem>>, vector<16xf32>,
          tpu.vector_store %arg15[%swap3A_1064, %swap3A_1065], %mul3A_1063 {strides = array<i32>} : memref<112x128xf32, #tpu.memory_space<vmem>>, vector<16xf32>,
          %mul3A_1067 = arith.mulf %bitcast3A_1062, %broadcast_in_dim3A_1009 : vector<16xf32>
          %swap3A_1068 = arith.index_cast %add3A_1013 : i32 to index
          %swap3A_1069 = arith.constant 80 : index
          %swap3A_1070 = tpu.vector_load %arg15[%swap3A_1068, %swap3A_1069] {strides = array<i32>} : memref<112x128xf32, #tpu.memory_space<vmem>>, vector<16xf32>,
          tpu.vector_store %arg15[%swap3A_1068, %swap3A_1069], %mul3A_1067 {strides = array<i32>} : memref<112x128xf32, #tpu.memory_space<vmem>>, vector<16xf32>,
          %get3A_1071 = arith.index_cast %add3A_1013 : i32 to index
          %get3A_1072 = arith.constant 96 : index
          %get3A_1073 = tpu.vector_load %arg13[%get3A_1071, %get3A_1072] {strides = array<i32>} : memref<112x128xbf16, #tpu.memory_space<vmem>>, vector<32xbf16>,
          %bitcast3A_1074 = vector.bitcast %get3A_1073 : vector<32xbf16> to vector<16xi32>
          %shift_left3A_1075 = arith.constant 16 : i32
          %shift_left3A_1076 = vector.broadcast %shift_left3A_1075 : i32 to vector<16xi32>
          %shift_left3A_1077 = arith.shli %bitcast3A_1074, %shift_left3A_1076 : vector<16xi32>
          %bitcast3A_1078 = vector.bitcast %shift_left3A_1077 : vector<16xi32> to vector<16xf32>
          %and3A_1079 = vector.broadcast %scan3A_35 : i32 to vector<16xi32>
          %and3A_1080 = arith.andi %bitcast3A_1074, %and3A_1079 : vector<16xi32>
          %bitcast3A_1081 = vector.bitcast %and3A_1080 : vector<16xi32> to vector<16xf32>
          %mul3A_1082 = arith.mulf %bitcast3A_1078, %broadcast_in_dim3A_1009 : vector<16xf32>
          %swap3A_1083 = arith.index_cast %add3A_1013 : i32 to index
          %swap3A_1084 = arith.constant 96 : index
          %swap3A_1085 = tpu.vector_load %arg15[%swap3A_1083, %swap3A_1084] {strides = array<i32>} : memref<112x128xf32, #tpu.memory_space<vmem>>, vector<16xf32>,
          tpu.vector_store %arg15[%swap3A_1083, %swap3A_1084], %mul3A_1082 {strides = array<i32>} : memref<112x128xf32, #tpu.memory_space<vmem>>, vector<16xf32>,
          %mul3A_1086 = arith.mulf %bitcast3A_1081, %broadcast_in_dim3A_1009 : vector<16xf32>
          %swap3A_1087 = arith.index_cast %add3A_1013 : i32 to index
          %swap3A_1088 = arith.constant 112 : index
          %swap3A_1089 = tpu.vector_load %arg15[%swap3A_1087, %swap3A_1088] {strides = array<i32>} : memref<112x128xf32, #tpu.memory_space<vmem>>, vector<16xf32>,
          tpu.vector_store %arg15[%swap3A_1087, %swap3A_1088], %mul3A_1086 {strides = array<i32>} : memref<112x128xf32, #tpu.memory_space<vmem>>, vector<16xf32>,
          %slice3A_1090 = vector.extract_strided_slice %get3A_347 {offsets = [9], sizes = [1], strides = [1]} : vector<16xf32> to vector<1xf32>
          %squeeze3A_1091 = vector.extract %slice3A_1090[0] : f32 from vector<1xf32>
          %broadcast_in_dim3A_1092 = vector.broadcast %squeeze3A_1091 : f32 to vector<16xf32>
          %mul3A_1093 = arith.constant 16 : i32
          %mul3A_1094 = arith.muli %add3A_342, %mul3A_1093 : i32
          %add3A_1095 = arith.constant 9 : i32
          %add3A_1096 = arith.addi %mul3A_1094, %add3A_1095 : i32
          %get3A_1097 = arith.index_cast %add3A_1096 : i32 to index
          %get3A_1098 = arith.constant 0 : index
          %get3A_1099 = tpu.vector_load %arg13[%get3A_1097, %get3A_1098] {strides = array<i32>} : memref<112x128xbf16, #tpu.memory_space<vmem>>, vector<32xbf16>,
          %bitcast3A_1100 = vector.bitcast %get3A_1099 : vector<32xbf16> to vector<16xi32>
          %shift_left3A_1101 = arith.constant 16 : i32
          %shift_left3A_1102 = vector.broadcast %shift_left3A_1101 : i32 to vector<16xi32>
          %shift_left3A_1103 = arith.shli %bitcast3A_1100, %shift_left3A_1102 : vector<16xi32>
          %bitcast3A_1104 = vector.bitcast %shift_left3A_1103 : vector<16xi32> to vector<16xf32>
          %and3A_1105 = vector.broadcast %scan3A_35 : i32 to vector<16xi32>
          %and3A_1106 = arith.andi %bitcast3A_1100, %and3A_1105 : vector<16xi32>
          %bitcast3A_1107 = vector.bitcast %and3A_1106 : vector<16xi32> to vector<16xf32>
          %mul3A_1108 = arith.mulf %bitcast3A_1104, %broadcast_in_dim3A_1092 : vector<16xf32>
          %swap3A_1109 = arith.index_cast %add3A_1096 : i32 to index
          %swap3A_1110 = arith.constant 0 : index
          %swap3A_1111 = tpu.vector_load %arg15[%swap3A_1109, %swap3A_1110] {strides = array<i32>} : memref<112x128xf32, #tpu.memory_space<vmem>>, vector<16xf32>,
          tpu.vector_store %arg15[%swap3A_1109, %swap3A_1110], %mul3A_1108 {strides = array<i32>} : memref<112x128xf32, #tpu.memory_space<vmem>>, vector<16xf32>,
          %mul3A_1112 = arith.mulf %bitcast3A_1107, %broadcast_in_dim3A_1092 : vector<16xf32>
          %swap3A_1113 = arith.index_cast %add3A_1096 : i32 to index
          %swap3A_1114 = arith.constant 16 : index
          %swap3A_1115 = tpu.vector_load %arg15[%swap3A_1113, %swap3A_1114] {strides = array<i32>} : memref<112x128xf32, #tpu.memory_space<vmem>>, vector<16xf32>,
          tpu.vector_store %arg15[%swap3A_1113, %swap3A_1114], %mul3A_1112 {strides = array<i32>} : memref<112x128xf32, #tpu.memory_space<vmem>>, vector<16xf32>,
          %get3A_1116 = arith.index_cast %add3A_1096 : i32 to index
          %get3A_1117 = arith.constant 32 : index
          %get3A_1118 = tpu.vector_load %arg13[%get3A_1116, %get3A_1117] {strides = array<i32>} : memref<112x128xbf16, #tpu.memory_space<vmem>>, vector<32xbf16>,
          %bitcast3A_1119 = vector.bitcast %get3A_1118 : vector<32xbf16> to vector<16xi32>
          %shift_left3A_1120 = arith.constant 16 : i32
          %shift_left3A_1121 = vector.broadcast %shift_left3A_1120 : i32 to vector<16xi32>
          %shift_left3A_1122 = arith.shli %bitcast3A_1119, %shift_left3A_1121 : vector<16xi32>
          %bitcast3A_1123 = vector.bitcast %shift_left3A_1122 : vector<16xi32> to vector<16xf32>
          %and3A_1124 = vector.broadcast %scan3A_35 : i32 to vector<16xi32>
          %and3A_1125 = arith.andi %bitcast3A_1119, %and3A_1124 : vector<16xi32>
          %bitcast3A_1126 = vector.bitcast %and3A_1125 : vector<16xi32> to vector<16xf32>
          %mul3A_1127 = arith.mulf %bitcast3A_1123, %broadcast_in_dim3A_1092 : vector<16xf32>
          %swap3A_1128 = arith.index_cast %add3A_1096 : i32 to index
          %swap3A_1129 = arith.constant 32 : index
          %swap3A_1130 = tpu.vector_load %arg15[%swap3A_1128, %swap3A_1129] {strides = array<i32>} : memref<112x128xf32, #tpu.memory_space<vmem>>, vector<16xf32>,
          tpu.vector_store %arg15[%swap3A_1128, %swap3A_1129], %mul3A_1127 {strides = array<i32>} : memref<112x128xf32, #tpu.memory_space<vmem>>, vector<16xf32>,
          %mul3A_1131 = arith.mulf %bitcast3A_1126, %broadcast_in_dim3A_1092 : vector<16xf32>
          %swap3A_1132 = arith.index_cast %add3A_1096 : i32 to index
          %swap3A_1133 = arith.constant 48 : index
          %swap3A_1134 = tpu.vector_load %arg15[%swap3A_1132, %swap3A_1133] {strides = array<i32>} : memref<112x128xf32, #tpu.memory_space<vmem>>, vector<16xf32>,
          tpu.vector_store %arg15[%swap3A_1132, %swap3A_1133], %mul3A_1131 {strides = array<i32>} : memref<112x128xf32, #tpu.memory_space<vmem>>, vector<16xf32>,
          %get3A_1135 = arith.index_cast %add3A_1096 : i32 to index
          %get3A_1136 = arith.constant 64 : index
          %get3A_1137 = tpu.vector_load %arg13[%get3A_1135, %get3A_1136] {strides = array<i32>} : memref<112x128xbf16, #tpu.memory_space<vmem>>, vector<32xbf16>,
          %bitcast3A_1138 = vector.bitcast %get3A_1137 : vector<32xbf16> to vector<16xi32>
          %shift_left3A_1139 = arith.constant 16 : i32
          %shift_left3A_1140 = vector.broadcast %shift_left3A_1139 : i32 to vector<16xi32>
          %shift_left3A_1141 = arith.shli %bitcast3A_1138, %shift_left3A_1140 : vector<16xi32>
          %bitcast3A_1142 = vector.bitcast %shift_left3A_1141 : vector<16xi32> to vector<16xf32>
          %and3A_1143 = vector.broadcast %scan3A_35 : i32 to vector<16xi32>
          %and3A_1144 = arith.andi %bitcast3A_1138, %and3A_1143 : vector<16xi32>
          %bitcast3A_1145 = vector.bitcast %and3A_1144 : vector<16xi32> to vector<16xf32>
          %mul3A_1146 = arith.mulf %bitcast3A_1142, %broadcast_in_dim3A_1092 : vector<16xf32>
          %swap3A_1147 = arith.index_cast %add3A_1096 : i32 to index
          %swap3A_1148 = arith.constant 64 : index
          %swap3A_1149 = tpu.vector_load %arg15[%swap3A_1147, %swap3A_1148] {strides = array<i32>} : memref<112x128xf32, #tpu.memory_space<vmem>>, vector<16xf32>,
          tpu.vector_store %arg15[%swap3A_1147, %swap3A_1148], %mul3A_1146 {strides = array<i32>} : memref<112x128xf32, #tpu.memory_space<vmem>>, vector<16xf32>,
          %mul3A_1150 = arith.mulf %bitcast3A_1145, %broadcast_in_dim3A_1092 : vector<16xf32>
          %swap3A_1151 = arith.index_cast %add3A_1096 : i32 to index
          %swap3A_1152 = arith.constant 80 : index
          %swap3A_1153 = tpu.vector_load %arg15[%swap3A_1151, %swap3A_1152] {strides = array<i32>} : memref<112x128xf32, #tpu.memory_space<vmem>>, vector<16xf32>,
          tpu.vector_store %arg15[%swap3A_1151, %swap3A_1152], %mul3A_1150 {strides = array<i32>} : memref<112x128xf32, #tpu.memory_space<vmem>>, vector<16xf32>,
          %get3A_1154 = arith.index_cast %add3A_1096 : i32 to index
          %get3A_1155 = arith.constant 96 : index
          %get3A_1156 = tpu.vector_load %arg13[%get3A_1154, %get3A_1155] {strides = array<i32>} : memref<112x128xbf16, #tpu.memory_space<vmem>>, vector<32xbf16>,
          %bitcast3A_1157 = vector.bitcast %get3A_1156 : vector<32xbf16> to vector<16xi32>
          %shift_left3A_1158 = arith.constant 16 : i32
          %shift_left3A_1159 = vector.broadcast %shift_left3A_1158 : i32 to vector<16xi32>
          %shift_left3A_1160 = arith.shli %bitcast3A_1157, %shift_left3A_1159 : vector<16xi32>
          %bitcast3A_1161 = vector.bitcast %shift_left3A_1160 : vector<16xi32> to vector<16xf32>
          %and3A_1162 = vector.broadcast %scan3A_35 : i32 to vector<16xi32>
          %and3A_1163 = arith.andi %bitcast3A_1157, %and3A_1162 : vector<16xi32>
          %bitcast3A_1164 = vector.bitcast %and3A_1163 : vector<16xi32> to vector<16xf32>
          %mul3A_1165 = arith.mulf %bitcast3A_1161, %broadcast_in_dim3A_1092 : vector<16xf32>
          %swap3A_1166 = arith.index_cast %add3A_1096 : i32 to index
          %swap3A_1167 = arith.constant 96 : index
          %swap3A_1168 = tpu.vector_load %arg15[%swap3A_1166, %swap3A_1167] {strides = array<i32>} : memref<112x128xf32, #tpu.memory_space<vmem>>, vector<16xf32>,
          tpu.vector_store %arg15[%swap3A_1166, %swap3A_1167], %mul3A_1165 {strides = array<i32>} : memref<112x128xf32, #tpu.memory_space<vmem>>, vector<16xf32>,
          %mul3A_1169 = arith.mulf %bitcast3A_1164, %broadcast_in_dim3A_1092 : vector<16xf32>
          %swap3A_1170 = arith.index_cast %add3A_1096 : i32 to index
          %swap3A_1171 = arith.constant 112 : index
          %swap3A_1172 = tpu.vector_load %arg15[%swap3A_1170, %swap3A_1171] {strides = array<i32>} : memref<112x128xf32, #tpu.memory_space<vmem>>, vector<16xf32>,
          tpu.vector_store %arg15[%swap3A_1170, %swap3A_1171], %mul3A_1169 {strides = array<i32>} : memref<112x128xf32, #tpu.memory_space<vmem>>, vector<16xf32>,
          %slice3A_1173 = vector.extract_strided_slice %get3A_347 {offsets = [10], sizes = [1], strides = [1]} : vector<16xf32> to vector<1xf32>
          %squeeze3A_1174 = vector.extract %slice3A_1173[0] : f32 from vector<1xf32>
          %broadcast_in_dim3A_1175 = vector.broadcast %squeeze3A_1174 : f32 to vector<16xf32>
          %mul3A_1176 = arith.constant 16 : i32
          %mul3A_1177 = arith.muli %add3A_342, %mul3A_1176 : i32
          %add3A_1178 = arith.constant 10 : i32
          %add3A_1179 = arith.addi %mul3A_1177, %add3A_1178 : i32
          %get3A_1180 = arith.index_cast %add3A_1179 : i32 to index
          %get3A_1181 = arith.constant 0 : index
          %get3A_1182 = tpu.vector_load %arg13[%get3A_1180, %get3A_1181] {strides = array<i32>} : memref<112x128xbf16, #tpu.memory_space<vmem>>, vector<32xbf16>,
          %bitcast3A_1183 = vector.bitcast %get3A_1182 : vector<32xbf16> to vector<16xi32>
          %shift_left3A_1184 = arith.constant 16 : i32
          %shift_left3A_1185 = vector.broadcast %shift_left3A_1184 : i32 to vector<16xi32>
          %shift_left3A_1186 = arith.shli %bitcast3A_1183, %shift_left3A_1185 : vector<16xi32>
          %bitcast3A_1187 = vector.bitcast %shift_left3A_1186 : vector<16xi32> to vector<16xf32>
          %and3A_1188 = vector.broadcast %scan3A_35 : i32 to vector<16xi32>
          %and3A_1189 = arith.andi %bitcast3A_1183, %and3A_1188 : vector<16xi32>
          %bitcast3A_1190 = vector.bitcast %and3A_1189 : vector<16xi32> to vector<16xf32>
          %mul3A_1191 = arith.mulf %bitcast3A_1187, %broadcast_in_dim3A_1175 : vector<16xf32>
          %swap3A_1192 = arith.index_cast %add3A_1179 : i32 to index
          %swap3A_1193 = arith.constant 0 : index
          %swap3A_1194 = tpu.vector_load %arg15[%swap3A_1192, %swap3A_1193] {strides = array<i32>} : memref<112x128xf32, #tpu.memory_space<vmem>>, vector<16xf32>,
          tpu.vector_store %arg15[%swap3A_1192, %swap3A_1193], %mul3A_1191 {strides = array<i32>} : memref<112x128xf32, #tpu.memory_space<vmem>>, vector<16xf32>,
          %mul3A_1195 = arith.mulf %bitcast3A_1190, %broadcast_in_dim3A_1175 : vector<16xf32>
          %swap3A_1196 = arith.index_cast %add3A_1179 : i32 to index
          %swap3A_1197 = arith.constant 16 : index
          %swap3A_1198 = tpu.vector_load %arg15[%swap3A_1196, %swap3A_1197] {strides = array<i32>} : memref<112x128xf32, #tpu.memory_space<vmem>>, vector<16xf32>,
          tpu.vector_store %arg15[%swap3A_1196, %swap3A_1197], %mul3A_1195 {strides = array<i32>} : memref<112x128xf32, #tpu.memory_space<vmem>>, vector<16xf32>,
          %get3A_1199 = arith.index_cast %add3A_1179 : i32 to index
          %get3A_1200 = arith.constant 32 : index
          %get3A_1201 = tpu.vector_load %arg13[%get3A_1199, %get3A_1200] {strides = array<i32>} : memref<112x128xbf16, #tpu.memory_space<vmem>>, vector<32xbf16>,
          %bitcast3A_1202 = vector.bitcast %get3A_1201 : vector<32xbf16> to vector<16xi32>
          %shift_left3A_1203 = arith.constant 16 : i32
          %shift_left3A_1204 = vector.broadcast %shift_left3A_1203 : i32 to vector<16xi32>
          %shift_left3A_1205 = arith.shli %bitcast3A_1202, %shift_left3A_1204 : vector<16xi32>
          %bitcast3A_1206 = vector.bitcast %shift_left3A_1205 : vector<16xi32> to vector<16xf32>
          %and3A_1207 = vector.broadcast %scan3A_35 : i32 to vector<16xi32>
          %and3A_1208 = arith.andi %bitcast3A_1202, %and3A_1207 : vector<16xi32>
          %bitcast3A_1209 = vector.bitcast %and3A_1208 : vector<16xi32> to vector<16xf32>
          %mul3A_1210 = arith.mulf %bitcast3A_1206, %broadcast_in_dim3A_1175 : vector<16xf32>
          %swap3A_1211 = arith.index_cast %add3A_1179 : i32 to index
          %swap3A_1212 = arith.constant 32 : index
          %swap3A_1213 = tpu.vector_load %arg15[%swap3A_1211, %swap3A_1212] {strides = array<i32>} : memref<112x128xf32, #tpu.memory_space<vmem>>, vector<16xf32>,
          tpu.vector_store %arg15[%swap3A_1211, %swap3A_1212], %mul3A_1210 {strides = array<i32>} : memref<112x128xf32, #tpu.memory_space<vmem>>, vector<16xf32>,
          %mul3A_1214 = arith.mulf %bitcast3A_1209, %broadcast_in_dim3A_1175 : vector<16xf32>
          %swap3A_1215 = arith.index_cast %add3A_1179 : i32 to index
          %swap3A_1216 = arith.constant 48 : index
          %swap3A_1217 = tpu.vector_load %arg15[%swap3A_1215, %swap3A_1216] {strides = array<i32>} : memref<112x128xf32, #tpu.memory_space<vmem>>, vector<16xf32>,
          tpu.vector_store %arg15[%swap3A_1215, %swap3A_1216], %mul3A_1214 {strides = array<i32>} : memref<112x128xf32, #tpu.memory_space<vmem>>, vector<16xf32>,
          %get3A_1218 = arith.index_cast %add3A_1179 : i32 to index
          %get3A_1219 = arith.constant 64 : index
          %get3A_1220 = tpu.vector_load %arg13[%get3A_1218, %get3A_1219] {strides = array<i32>} : memref<112x128xbf16, #tpu.memory_space<vmem>>, vector<32xbf16>,
          %bitcast3A_1221 = vector.bitcast %get3A_1220 : vector<32xbf16> to vector<16xi32>
          %shift_left3A_1222 = arith.constant 16 : i32
          %shift_left3A_1223 = vector.broadcast %shift_left3A_1222 : i32 to vector<16xi32>
          %shift_left3A_1224 = arith.shli %bitcast3A_1221, %shift_left3A_1223 : vector<16xi32>
          %bitcast3A_1225 = vector.bitcast %shift_left3A_1224 : vector<16xi32> to vector<16xf32>
          %and3A_1226 = vector.broadcast %scan3A_35 : i32 to vector<16xi32>
          %and3A_1227 = arith.andi %bitcast3A_1221, %and3A_1226 : vector<16xi32>
          %bitcast3A_1228 = vector.bitcast %and3A_1227 : vector<16xi32> to vector<16xf32>
          %mul3A_1229 = arith.mulf %bitcast3A_1225, %broadcast_in_dim3A_1175 : vector<16xf32>
          %swap3A_1230 = arith.index_cast %add3A_1179 : i32 to index
          %swap3A_1231 = arith.constant 64 : index
          %swap3A_1232 = tpu.vector_load %arg15[%swap3A_1230, %swap3A_1231] {strides = array<i32>} : memref<112x128xf32, #tpu.memory_space<vmem>>, vector<16xf32>,
          tpu.vector_store %arg15[%swap3A_1230, %swap3A_1231], %mul3A_1229 {strides = array<i32>} : memref<112x128xf32, #tpu.memory_space<vmem>>, vector<16xf32>,
          %mul3A_1233 = arith.mulf %bitcast3A_1228, %broadcast_in_dim3A_1175 : vector<16xf32>
          %swap3A_1234 = arith.index_cast %add3A_1179 : i32 to index
          %swap3A_1235 = arith.constant 80 : index
          %swap3A_1236 = tpu.vector_load %arg15[%swap3A_1234, %swap3A_1235] {strides = array<i32>} : memref<112x128xf32, #tpu.memory_space<vmem>>, vector<16xf32>,
          tpu.vector_store %arg15[%swap3A_1234, %swap3A_1235], %mul3A_1233 {strides = array<i32>} : memref<112x128xf32, #tpu.memory_space<vmem>>, vector<16xf32>,
          %get3A_1237 = arith.index_cast %add3A_1179 : i32 to index
          %get3A_1238 = arith.constant 96 : index
          %get3A_1239 = tpu.vector_load %arg13[%get3A_1237, %get3A_1238] {strides = array<i32>} : memref<112x128xbf16, #tpu.memory_space<vmem>>, vector<32xbf16>,
          %bitcast3A_1240 = vector.bitcast %get3A_1239 : vector<32xbf16> to vector<16xi32>
          %shift_left3A_1241 = arith.constant 16 : i32
          %shift_left3A_1242 = vector.broadcast %shift_left3A_1241 : i32 to vector<16xi32>
          %shift_left3A_1243 = arith.shli %bitcast3A_1240, %shift_left3A_1242 : vector<16xi32>
          %bitcast3A_1244 = vector.bitcast %shift_left3A_1243 : vector<16xi32> to vector<16xf32>
          %and3A_1245 = vector.broadcast %scan3A_35 : i32 to vector<16xi32>
          %and3A_1246 = arith.andi %bitcast3A_1240, %and3A_1245 : vector<16xi32>
          %bitcast3A_1247 = vector.bitcast %and3A_1246 : vector<16xi32> to vector<16xf32>
          %mul3A_1248 = arith.mulf %bitcast3A_1244, %broadcast_in_dim3A_1175 : vector<16xf32>
          %swap3A_1249 = arith.index_cast %add3A_1179 : i32 to index
          %swap3A_1250 = arith.constant 96 : index
          %swap3A_1251 = tpu.vector_load %arg15[%swap3A_1249, %swap3A_1250] {strides = array<i32>} : memref<112x128xf32, #tpu.memory_space<vmem>>, vector<16xf32>,
          tpu.vector_store %arg15[%swap3A_1249, %swap3A_1250], %mul3A_1248 {strides = array<i32>} : memref<112x128xf32, #tpu.memory_space<vmem>>, vector<16xf32>,
          %mul3A_1252 = arith.mulf %bitcast3A_1247, %broadcast_in_dim3A_1175 : vector<16xf32>
          %swap3A_1253 = arith.index_cast %add3A_1179 : i32 to index
          %swap3A_1254 = arith.constant 112 : index
          %swap3A_1255 = tpu.vector_load %arg15[%swap3A_1253, %swap3A_1254] {strides = array<i32>} : memref<112x128xf32, #tpu.memory_space<vmem>>, vector<16xf32>,
          tpu.vector_store %arg15[%swap3A_1253, %swap3A_1254], %mul3A_1252 {strides = array<i32>} : memref<112x128xf32, #tpu.memory_space<vmem>>, vector<16xf32>,
          %slice3A_1256 = vector.extract_strided_slice %get3A_347 {offsets = [11], sizes = [1], strides = [1]} : vector<16xf32> to vector<1xf32>
          %squeeze3A_1257 = vector.extract %slice3A_1256[0] : f32 from vector<1xf32>
          %broadcast_in_dim3A_1258 = vector.broadcast %squeeze3A_1257 : f32 to vector<16xf32>
          %mul3A_1259 = arith.constant 16 : i32
          %mul3A_1260 = arith.muli %add3A_342, %mul3A_1259 : i32
          %add3A_1261 = arith.constant 11 : i32
          %add3A_1262 = arith.addi %mul3A_1260, %add3A_1261 : i32
          %get3A_1263 = arith.index_cast %add3A_1262 : i32 to index
          %get3A_1264 = arith.constant 0 : index
          %get3A_1265 = tpu.vector_load %arg13[%get3A_1263, %get3A_1264] {strides = array<i32>} : memref<112x128xbf16, #tpu.memory_space<vmem>>, vector<32xbf16>,
          %bitcast3A_1266 = vector.bitcast %get3A_1265 : vector<32xbf16> to vector<16xi32>
          %shift_left3A_1267 = arith.constant 16 : i32
          %shift_left3A_1268 = vector.broadcast %shift_left3A_1267 : i32 to vector<16xi32>
          %shift_left3A_1269 = arith.shli %bitcast3A_1266, %shift_left3A_1268 : vector<16xi32>
          %bitcast3A_1270 = vector.bitcast %shift_left3A_1269 : vector<16xi32> to vector<16xf32>
          %and3A_1271 = vector.broadcast %scan3A_35 : i32 to vector<16xi32>
          %and3A_1272 = arith.andi %bitcast3A_1266, %and3A_1271 : vector<16xi32>
          %bitcast3A_1273 = vector.bitcast %and3A_1272 : vector<16xi32> to vector<16xf32>
          %mul3A_1274 = arith.mulf %bitcast3A_1270, %broadcast_in_dim3A_1258 : vector<16xf32>
          %swap3A_1275 = arith.index_cast %add3A_1262 : i32 to index
          %swap3A_1276 = arith.constant 0 : index
          %swap3A_1277 = tpu.vector_load %arg15[%swap3A_1275, %swap3A_1276] {strides = array<i32>} : memref<112x128xf32, #tpu.memory_space<vmem>>, vector<16xf32>,
          tpu.vector_store %arg15[%swap3A_1275, %swap3A_1276], %mul3A_1274 {strides = array<i32>} : memref<112x128xf32, #tpu.memory_space<vmem>>, vector<16xf32>,
          %mul3A_1278 = arith.mulf %bitcast3A_1273, %broadcast_in_dim3A_1258 : vector<16xf32>
          %swap3A_1279 = arith.index_cast %add3A_1262 : i32 to index
          %swap3A_1280 = arith.constant 16 : index
          %swap3A_1281 = tpu.vector_load %arg15[%swap3A_1279, %swap3A_1280] {strides = array<i32>} : memref<112x128xf32, #tpu.memory_space<vmem>>, vector<16xf32>,
          tpu.vector_store %arg15[%swap3A_1279, %swap3A_1280], %mul3A_1278 {strides = array<i32>} : memref<112x128xf32, #tpu.memory_space<vmem>>, vector<16xf32>,
          %get3A_1282 = arith.index_cast %add3A_1262 : i32 to index
          %get3A_1283 = arith.constant 32 : index
          %get3A_1284 = tpu.vector_load %arg13[%get3A_1282, %get3A_1283] {strides = array<i32>} : memref<112x128xbf16, #tpu.memory_space<vmem>>, vector<32xbf16>,
          %bitcast3A_1285 = vector.bitcast %get3A_1284 : vector<32xbf16> to vector<16xi32>
          %shift_left3A_1286 = arith.constant 16 : i32
          %shift_left3A_1287 = vector.broadcast %shift_left3A_1286 : i32 to vector<16xi32>
          %shift_left3A_1288 = arith.shli %bitcast3A_1285, %shift_left3A_1287 : vector<16xi32>
          %bitcast3A_1289 = vector.bitcast %shift_left3A_1288 : vector<16xi32> to vector<16xf32>
          %and3A_1290 = vector.broadcast %scan3A_35 : i32 to vector<16xi32>
          %and3A_1291 = arith.andi %bitcast3A_1285, %and3A_1290 : vector<16xi32>
          %bitcast3A_1292 = vector.bitcast %and3A_1291 : vector<16xi32> to vector<16xf32>
          %mul3A_1293 = arith.mulf %bitcast3A_1289, %broadcast_in_dim3A_1258 : vector<16xf32>
          %swap3A_1294 = arith.index_cast %add3A_1262 : i32 to index
          %swap3A_1295 = arith.constant 32 : index
          %swap3A_1296 = tpu.vector_load %arg15[%swap3A_1294, %swap3A_1295] {strides = array<i32>} : memref<112x128xf32, #tpu.memory_space<vmem>>, vector<16xf32>,
          tpu.vector_store %arg15[%swap3A_1294, %swap3A_1295], %mul3A_1293 {strides = array<i32>} : memref<112x128xf32, #tpu.memory_space<vmem>>, vector<16xf32>,
          %mul3A_1297 = arith.mulf %bitcast3A_1292, %broadcast_in_dim3A_1258 : vector<16xf32>
          %swap3A_1298 = arith.index_cast %add3A_1262 : i32 to index
          %swap3A_1299 = arith.constant 48 : index
          %swap3A_1300 = tpu.vector_load %arg15[%swap3A_1298, %swap3A_1299] {strides = array<i32>} : memref<112x128xf32, #tpu.memory_space<vmem>>, vector<16xf32>,
          tpu.vector_store %arg15[%swap3A_1298, %swap3A_1299], %mul3A_1297 {strides = array<i32>} : memref<112x128xf32, #tpu.memory_space<vmem>>, vector<16xf32>,
          %get3A_1301 = arith.index_cast %add3A_1262 : i32 to index
          %get3A_1302 = arith.constant 64 : index
          %get3A_1303 = tpu.vector_load %arg13[%get3A_1301, %get3A_1302] {strides = array<i32>} : memref<112x128xbf16, #tpu.memory_space<vmem>>, vector<32xbf16>,
          %bitcast3A_1304 = vector.bitcast %get3A_1303 : vector<32xbf16> to vector<16xi32>
          %shift_left3A_1305 = arith.constant 16 : i32
          %shift_left3A_1306 = vector.broadcast %shift_left3A_1305 : i32 to vector<16xi32>
          %shift_left3A_1307 = arith.shli %bitcast3A_1304, %shift_left3A_1306 : vector<16xi32>
          %bitcast3A_1308 = vector.bitcast %shift_left3A_1307 : vector<16xi32> to vector<16xf32>
          %and3A_1309 = vector.broadcast %scan3A_35 : i32 to vector<16xi32>
          %and3A_1310 = arith.andi %bitcast3A_1304, %and3A_1309 : vector<16xi32>
          %bitcast3A_1311 = vector.bitcast %and3A_1310 : vector<16xi32> to vector<16xf32>
          %mul3A_1312 = arith.mulf %bitcast3A_1308, %broadcast_in_dim3A_1258 : vector<16xf32>
          %swap3A_1313 = arith.index_cast %add3A_1262 : i32 to index
          %swap3A_1314 = arith.constant 64 : index
          %swap3A_1315 = tpu.vector_load %arg15[%swap3A_1313, %swap3A_1314] {strides = array<i32>} : memref<112x128xf32, #tpu.memory_space<vmem>>, vector<16xf32>,
          tpu.vector_store %arg15[%swap3A_1313, %swap3A_1314], %mul3A_1312 {strides = array<i32>} : memref<112x128xf32, #tpu.memory_space<vmem>>, vector<16xf32>,
          %mul3A_1316 = arith.mulf %bitcast3A_1311, %broadcast_in_dim3A_1258 : vector<16xf32>
          %swap3A_1317 = arith.index_cast %add3A_1262 : i32 to index
          %swap3A_1318 = arith.constant 80 : index
          %swap3A_1319 = tpu.vector_load %arg15[%swap3A_1317, %swap3A_1318] {strides = array<i32>} : memref<112x128xf32, #tpu.memory_space<vmem>>, vector<16xf32>,
          tpu.vector_store %arg15[%swap3A_1317, %swap3A_1318], %mul3A_1316 {strides = array<i32>} : memref<112x128xf32, #tpu.memory_space<vmem>>, vector<16xf32>,
          %get3A_1320 = arith.index_cast %add3A_1262 : i32 to index
          %get3A_1321 = arith.constant 96 : index
          %get3A_1322 = tpu.vector_load %arg13[%get3A_1320, %get3A_1321] {strides = array<i32>} : memref<112x128xbf16, #tpu.memory_space<vmem>>, vector<32xbf16>,
          %bitcast3A_1323 = vector.bitcast %get3A_1322 : vector<32xbf16> to vector<16xi32>
          %shift_left3A_1324 = arith.constant 16 : i32
          %shift_left3A_1325 = vector.broadcast %shift_left3A_1324 : i32 to vector<16xi32>
          %shift_left3A_1326 = arith.shli %bitcast3A_1323, %shift_left3A_1325 : vector<16xi32>
          %bitcast3A_1327 = vector.bitcast %shift_left3A_1326 : vector<16xi32> to vector<16xf32>
          %and3A_1328 = vector.broadcast %scan3A_35 : i32 to vector<16xi32>
          %and3A_1329 = arith.andi %bitcast3A_1323, %and3A_1328 : vector<16xi32>
          %bitcast3A_1330 = vector.bitcast %and3A_1329 : vector<16xi32> to vector<16xf32>
          %mul3A_1331 = arith.mulf %bitcast3A_1327, %broadcast_in_dim3A_1258 : vector<16xf32>
          %swap3A_1332 = arith.index_cast %add3A_1262 : i32 to index
          %swap3A_1333 = arith.constant 96 : index
          %swap3A_1334 = tpu.vector_load %arg15[%swap3A_1332, %swap3A_1333] {strides = array<i32>} : memref<112x128xf32, #tpu.memory_space<vmem>>, vector<16xf32>,
          tpu.vector_store %arg15[%swap3A_1332, %swap3A_1333], %mul3A_1331 {strides = array<i32>} : memref<112x128xf32, #tpu.memory_space<vmem>>, vector<16xf32>,
          %mul3A_1335 = arith.mulf %bitcast3A_1330, %broadcast_in_dim3A_1258 : vector<16xf32>
          %swap3A_1336 = arith.index_cast %add3A_1262 : i32 to index
          %swap3A_1337 = arith.constant 112 : index
          %swap3A_1338 = tpu.vector_load %arg15[%swap3A_1336, %swap3A_1337] {strides = array<i32>} : memref<112x128xf32, #tpu.memory_space<vmem>>, vector<16xf32>,
          tpu.vector_store %arg15[%swap3A_1336, %swap3A_1337], %mul3A_1335 {strides = array<i32>} : memref<112x128xf32, #tpu.memory_space<vmem>>, vector<16xf32>,
          %slice3A_1339 = vector.extract_strided_slice %get3A_347 {offsets = [12], sizes = [1], strides = [1]} : vector<16xf32> to vector<1xf32>
          %squeeze3A_1340 = vector.extract %slice3A_1339[0] : f32 from vector<1xf32>
          %broadcast_in_dim3A_1341 = vector.broadcast %squeeze3A_1340 : f32 to vector<16xf32>
          %mul3A_1342 = arith.constant 16 : i32
          %mul3A_1343 = arith.muli %add3A_342, %mul3A_1342 : i32
          %add3A_1344 = arith.constant 12 : i32
          %add3A_1345 = arith.addi %mul3A_1343, %add3A_1344 : i32
          %get3A_1346 = arith.index_cast %add3A_1345 : i32 to index
          %get3A_1347 = arith.constant 0 : index
          %get3A_1348 = tpu.vector_load %arg13[%get3A_1346, %get3A_1347] {strides = array<i32>} : memref<112x128xbf16, #tpu.memory_space<vmem>>, vector<32xbf16>,
          %bitcast3A_1349 = vector.bitcast %get3A_1348 : vector<32xbf16> to vector<16xi32>
          %shift_left3A_1350 = arith.constant 16 : i32
          %shift_left3A_1351 = vector.broadcast %shift_left3A_1350 : i32 to vector<16xi32>
          %shift_left3A_1352 = arith.shli %bitcast3A_1349, %shift_left3A_1351 : vector<16xi32>
          %bitcast3A_1353 = vector.bitcast %shift_left3A_1352 : vector<16xi32> to vector<16xf32>
          %and3A_1354 = vector.broadcast %scan3A_35 : i32 to vector<16xi32>
          %and3A_1355 = arith.andi %bitcast3A_1349, %and3A_1354 : vector<16xi32>
          %bitcast3A_1356 = vector.bitcast %and3A_1355 : vector<16xi32> to vector<16xf32>
          %mul3A_1357 = arith.mulf %bitcast3A_1353, %broadcast_in_dim3A_1341 : vector<16xf32>
          %swap3A_1358 = arith.index_cast %add3A_1345 : i32 to index
          %swap3A_1359 = arith.constant 0 : index
          %swap3A_1360 = tpu.vector_load %arg15[%swap3A_1358, %swap3A_1359] {strides = array<i32>} : memref<112x128xf32, #tpu.memory_space<vmem>>, vector<16xf32>,
          tpu.vector_store %arg15[%swap3A_1358, %swap3A_1359], %mul3A_1357 {strides = array<i32>} : memref<112x128xf32, #tpu.memory_space<vmem>>, vector<16xf32>,
          %mul3A_1361 = arith.mulf %bitcast3A_1356, %broadcast_in_dim3A_1341 : vector<16xf32>
          %swap3A_1362 = arith.index_cast %add3A_1345 : i32 to index
          %swap3A_1363 = arith.constant 16 : index
          %swap3A_1364 = tpu.vector_load %arg15[%swap3A_1362, %swap3A_1363] {strides = array<i32>} : memref<112x128xf32, #tpu.memory_space<vmem>>, vector<16xf32>,
          tpu.vector_store %arg15[%swap3A_1362, %swap3A_1363], %mul3A_1361 {strides = array<i32>} : memref<112x128xf32, #tpu.memory_space<vmem>>, vector<16xf32>,
          %get3A_1365 = arith.index_cast %add3A_1345 : i32 to index
          %get3A_1366 = arith.constant 32 : index
          %get3A_1367 = tpu.vector_load %arg13[%get3A_1365, %get3A_1366] {strides = array<i32>} : memref<112x128xbf16, #tpu.memory_space<vmem>>, vector<32xbf16>,
          %bitcast3A_1368 = vector.bitcast %get3A_1367 : vector<32xbf16> to vector<16xi32>
          %shift_left3A_1369 = arith.constant 16 : i32
          %shift_left3A_1370 = vector.broadcast %shift_left3A_1369 : i32 to vector<16xi32>
          %shift_left3A_1371 = arith.shli %bitcast3A_1368, %shift_left3A_1370 : vector<16xi32>
          %bitcast3A_1372 = vector.bitcast %shift_left3A_1371 : vector<16xi32> to vector<16xf32>
          %and3A_1373 = vector.broadcast %scan3A_35 : i32 to vector<16xi32>
          %and3A_1374 = arith.andi %bitcast3A_1368, %and3A_1373 : vector<16xi32>
          %bitcast3A_1375 = vector.bitcast %and3A_1374 : vector<16xi32> to vector<16xf32>
          %mul3A_1376 = arith.mulf %bitcast3A_1372, %broadcast_in_dim3A_1341 : vector<16xf32>
          %swap3A_1377 = arith.index_cast %add3A_1345 : i32 to index
          %swap3A_1378 = arith.constant 32 : index
          %swap3A_1379 = tpu.vector_load %arg15[%swap3A_1377, %swap3A_1378] {strides = array<i32>} : memref<112x128xf32, #tpu.memory_space<vmem>>, vector<16xf32>,
          tpu.vector_store %arg15[%swap3A_1377, %swap3A_1378], %mul3A_1376 {strides = array<i32>} : memref<112x128xf32, #tpu.memory_space<vmem>>, vector<16xf32>,
          %mul3A_1380 = arith.mulf %bitcast3A_1375, %broadcast_in_dim3A_1341 : vector<16xf32>
          %swap3A_1381 = arith.index_cast %add3A_1345 : i32 to index
          %swap3A_1382 = arith.constant 48 : index
          %swap3A_1383 = tpu.vector_load %arg15[%swap3A_1381, %swap3A_1382] {strides = array<i32>} : memref<112x128xf32, #tpu.memory_space<vmem>>, vector<16xf32>,
          tpu.vector_store %arg15[%swap3A_1381, %swap3A_1382], %mul3A_1380 {strides = array<i32>} : memref<112x128xf32, #tpu.memory_space<vmem>>, vector<16xf32>,
          %get3A_1384 = arith.index_cast %add3A_1345 : i32 to index
          %get3A_1385 = arith.constant 64 : index
          %get3A_1386 = tpu.vector_load %arg13[%get3A_1384, %get3A_1385] {strides = array<i32>} : memref<112x128xbf16, #tpu.memory_space<vmem>>, vector<32xbf16>,
          %bitcast3A_1387 = vector.bitcast %get3A_1386 : vector<32xbf16> to vector<16xi32>
          %shift_left3A_1388 = arith.constant 16 : i32
          %shift_left3A_1389 = vector.broadcast %shift_left3A_1388 : i32 to vector<16xi32>
          %shift_left3A_1390 = arith.shli %bitcast3A_1387, %shift_left3A_1389 : vector<16xi32>
          %bitcast3A_1391 = vector.bitcast %shift_left3A_1390 : vector<16xi32> to vector<16xf32>
          %and3A_1392 = vector.broadcast %scan3A_35 : i32 to vector<16xi32>
          %and3A_1393 = arith.andi %bitcast3A_1387, %and3A_1392 : vector<16xi32>
          %bitcast3A_1394 = vector.bitcast %and3A_1393 : vector<16xi32> to vector<16xf32>
          %mul3A_1395 = arith.mulf %bitcast3A_1391, %broadcast_in_dim3A_1341 : vector<16xf32>
          %swap3A_1396 = arith.index_cast %add3A_1345 : i32 to index
          %swap3A_1397 = arith.constant 64 : index
          %swap3A_1398 = tpu.vector_load %arg15[%swap3A_1396, %swap3A_1397] {strides = array<i32>} : memref<112x128xf32, #tpu.memory_space<vmem>>, vector<16xf32>,
          tpu.vector_store %arg15[%swap3A_1396, %swap3A_1397], %mul3A_1395 {strides = array<i32>} : memref<112x128xf32, #tpu.memory_space<vmem>>, vector<16xf32>,
          %mul3A_1399 = arith.mulf %bitcast3A_1394, %broadcast_in_dim3A_1341 : vector<16xf32>
          %swap3A_1400 = arith.index_cast %add3A_1345 : i32 to index
          %swap3A_1401 = arith.constant 80 : index
          %swap3A_1402 = tpu.vector_load %arg15[%swap3A_1400, %swap3A_1401] {strides = array<i32>} : memref<112x128xf32, #tpu.memory_space<vmem>>, vector<16xf32>,
          tpu.vector_store %arg15[%swap3A_1400, %swap3A_1401], %mul3A_1399 {strides = array<i32>} : memref<112x128xf32, #tpu.memory_space<vmem>>, vector<16xf32>,
          %get3A_1403 = arith.index_cast %add3A_1345 : i32 to index
          %get3A_1404 = arith.constant 96 : index
          %get3A_1405 = tpu.vector_load %arg13[%get3A_1403, %get3A_1404] {strides = array<i32>} : memref<112x128xbf16, #tpu.memory_space<vmem>>, vector<32xbf16>,
          %bitcast3A_1406 = vector.bitcast %get3A_1405 : vector<32xbf16> to vector<16xi32>
          %shift_left3A_1407 = arith.constant 16 : i32
          %shift_left3A_1408 = vector.broadcast %shift_left3A_1407 : i32 to vector<16xi32>
          %shift_left3A_1409 = arith.shli %bitcast3A_1406, %shift_left3A_1408 : vector<16xi32>
          %bitcast3A_1410 = vector.bitcast %shift_left3A_1409 : vector<16xi32> to vector<16xf32>
          %and3A_1411 = vector.broadcast %scan3A_35 : i32 to vector<16xi32>
          %and3A_1412 = arith.andi %bitcast3A_1406, %and3A_1411 : vector<16xi32>
          %bitcast3A_1413 = vector.bitcast %and3A_1412 : vector<16xi32> to vector<16xf32>
          %mul3A_1414 = arith.mulf %bitcast3A_1410, %broadcast_in_dim3A_1341 : vector<16xf32>
          %swap3A_1415 = arith.index_cast %add3A_1345 : i32 to index
          %swap3A_1416 = arith.constant 96 : index
          %swap3A_1417 = tpu.vector_load %arg15[%swap3A_1415, %swap3A_1416] {strides = array<i32>} : memref<112x128xf32, #tpu.memory_space<vmem>>, vector<16xf32>,
          tpu.vector_store %arg15[%swap3A_1415, %swap3A_1416], %mul3A_1414 {strides = array<i32>} : memref<112x128xf32, #tpu.memory_space<vmem>>, vector<16xf32>,
          %mul3A_1418 = arith.mulf %bitcast3A_1413, %broadcast_in_dim3A_1341 : vector<16xf32>
          %swap3A_1419 = arith.index_cast %add3A_1345 : i32 to index
          %swap3A_1420 = arith.constant 112 : index
          %swap3A_1421 = tpu.vector_load %arg15[%swap3A_1419, %swap3A_1420] {strides = array<i32>} : memref<112x128xf32, #tpu.memory_space<vmem>>, vector<16xf32>,
          tpu.vector_store %arg15[%swap3A_1419, %swap3A_1420], %mul3A_1418 {strides = array<i32>} : memref<112x128xf32, #tpu.memory_space<vmem>>, vector<16xf32>,
          %slice3A_1422 = vector.extract_strided_slice %get3A_347 {offsets = [13], sizes = [1], strides = [1]} : vector<16xf32> to vector<1xf32>
          %squeeze3A_1423 = vector.extract %slice3A_1422[0] : f32 from vector<1xf32>
          %broadcast_in_dim3A_1424 = vector.broadcast %squeeze3A_1423 : f32 to vector<16xf32>
          %mul3A_1425 = arith.constant 16 : i32
          %mul3A_1426 = arith.muli %add3A_342, %mul3A_1425 : i32
          %add3A_1427 = arith.constant 13 : i32
          %add3A_1428 = arith.addi %mul3A_1426, %add3A_1427 : i32
          %get3A_1429 = arith.index_cast %add3A_1428 : i32 to index
          %get3A_1430 = arith.constant 0 : index
          %get3A_1431 = tpu.vector_load %arg13[%get3A_1429, %get3A_1430] {strides = array<i32>} : memref<112x128xbf16, #tpu.memory_space<vmem>>, vector<32xbf16>,
          %bitcast3A_1432 = vector.bitcast %get3A_1431 : vector<32xbf16> to vector<16xi32>
          %shift_left3A_1433 = arith.constant 16 : i32
          %shift_left3A_1434 = vector.broadcast %shift_left3A_1433 : i32 to vector<16xi32>
          %shift_left3A_1435 = arith.shli %bitcast3A_1432, %shift_left3A_1434 : vector<16xi32>
          %bitcast3A_1436 = vector.bitcast %shift_left3A_1435 : vector<16xi32> to vector<16xf32>
          %and3A_1437 = vector.broadcast %scan3A_35 : i32 to vector<16xi32>
          %and3A_1438 = arith.andi %bitcast3A_1432, %and3A_1437 : vector<16xi32>
          %bitcast3A_1439 = vector.bitcast %and3A_1438 : vector<16xi32> to vector<16xf32>
          %mul3A_1440 = arith.mulf %bitcast3A_1436, %broadcast_in_dim3A_1424 : vector<16xf32>
          %swap3A_1441 = arith.index_cast %add3A_1428 : i32 to index
          %swap3A_1442 = arith.constant 0 : index
          %swap3A_1443 = tpu.vector_load %arg15[%swap3A_1441, %swap3A_1442] {strides = array<i32>} : memref<112x128xf32, #tpu.memory_space<vmem>>, vector<16xf32>,
          tpu.vector_store %arg15[%swap3A_1441, %swap3A_1442], %mul3A_1440 {strides = array<i32>} : memref<112x128xf32, #tpu.memory_space<vmem>>, vector<16xf32>,
          %mul3A_1444 = arith.mulf %bitcast3A_1439, %broadcast_in_dim3A_1424 : vector<16xf32>
          %swap3A_1445 = arith.index_cast %add3A_1428 : i32 to index
          %swap3A_1446 = arith.constant 16 : index
          %swap3A_1447 = tpu.vector_load %arg15[%swap3A_1445, %swap3A_1446] {strides = array<i32>} : memref<112x128xf32, #tpu.memory_space<vmem>>, vector<16xf32>,
          tpu.vector_store %arg15[%swap3A_1445, %swap3A_1446], %mul3A_1444 {strides = array<i32>} : memref<112x128xf32, #tpu.memory_space<vmem>>, vector<16xf32>,
          %get3A_1448 = arith.index_cast %add3A_1428 : i32 to index
          %get3A_1449 = arith.constant 32 : index
          %get3A_1450 = tpu.vector_load %arg13[%get3A_1448, %get3A_1449] {strides = array<i32>} : memref<112x128xbf16, #tpu.memory_space<vmem>>, vector<32xbf16>,
          %bitcast3A_1451 = vector.bitcast %get3A_1450 : vector<32xbf16> to vector<16xi32>
          %shift_left3A_1452 = arith.constant 16 : i32
          %shift_left3A_1453 = vector.broadcast %shift_left3A_1452 : i32 to vector<16xi32>
          %shift_left3A_1454 = arith.shli %bitcast3A_1451, %shift_left3A_1453 : vector<16xi32>
          %bitcast3A_1455 = vector.bitcast %shift_left3A_1454 : vector<16xi32> to vector<16xf32>
          %and3A_1456 = vector.broadcast %scan3A_35 : i32 to vector<16xi32>
          %and3A_1457 = arith.andi %bitcast3A_1451, %and3A_1456 : vector<16xi32>
          %bitcast3A_1458 = vector.bitcast %and3A_1457 : vector<16xi32> to vector<16xf32>
          %mul3A_1459 = arith.mulf %bitcast3A_1455, %broadcast_in_dim3A_1424 : vector<16xf32>
          %swap3A_1460 = arith.index_cast %add3A_1428 : i32 to index
          %swap3A_1461 = arith.constant 32 : index
          %swap3A_1462 = tpu.vector_load %arg15[%swap3A_1460, %swap3A_1461] {strides = array<i32>} : memref<112x128xf32, #tpu.memory_space<vmem>>, vector<16xf32>,
          tpu.vector_store %arg15[%swap3A_1460, %swap3A_1461], %mul3A_1459 {strides = array<i32>} : memref<112x128xf32, #tpu.memory_space<vmem>>, vector<16xf32>,
          %mul3A_1463 = arith.mulf %bitcast3A_1458, %broadcast_in_dim3A_1424 : vector<16xf32>
          %swap3A_1464 = arith.index_cast %add3A_1428 : i32 to index
          %swap3A_1465 = arith.constant 48 : index
          %swap3A_1466 = tpu.vector_load %arg15[%swap3A_1464, %swap3A_1465] {strides = array<i32>} : memref<112x128xf32, #tpu.memory_space<vmem>>, vector<16xf32>,
          tpu.vector_store %arg15[%swap3A_1464, %swap3A_1465], %mul3A_1463 {strides = array<i32>} : memref<112x128xf32, #tpu.memory_space<vmem>>, vector<16xf32>,
          %get3A_1467 = arith.index_cast %add3A_1428 : i32 to index
          %get3A_1468 = arith.constant 64 : index
          %get3A_1469 = tpu.vector_load %arg13[%get3A_1467, %get3A_1468] {strides = array<i32>} : memref<112x128xbf16, #tpu.memory_space<vmem>>, vector<32xbf16>,
          %bitcast3A_1470 = vector.bitcast %get3A_1469 : vector<32xbf16> to vector<16xi32>
          %shift_left3A_1471 = arith.constant 16 : i32
          %shift_left3A_1472 = vector.broadcast %shift_left3A_1471 : i32 to vector<16xi32>
          %shift_left3A_1473 = arith.shli %bitcast3A_1470, %shift_left3A_1472 : vector<16xi32>
          %bitcast3A_1474 = vector.bitcast %shift_left3A_1473 : vector<16xi32> to vector<16xf32>
          %and3A_1475 = vector.broadcast %scan3A_35 : i32 to vector<16xi32>
          %and3A_1476 = arith.andi %bitcast3A_1470, %and3A_1475 : vector<16xi32>
          %bitcast3A_1477 = vector.bitcast %and3A_1476 : vector<16xi32> to vector<16xf32>
          %mul3A_1478 = arith.mulf %bitcast3A_1474, %broadcast_in_dim3A_1424 : vector<16xf32>
          %swap3A_1479 = arith.index_cast %add3A_1428 : i32 to index
          %swap3A_1480 = arith.constant 64 : index
          %swap3A_1481 = tpu.vector_load %arg15[%swap3A_1479, %swap3A_1480] {strides = array<i32>} : memref<112x128xf32, #tpu.memory_space<vmem>>, vector<16xf32>,
          tpu.vector_store %arg15[%swap3A_1479, %swap3A_1480], %mul3A_1478 {strides = array<i32>} : memref<112x128xf32, #tpu.memory_space<vmem>>, vector<16xf32>,
          %mul3A_1482 = arith.mulf %bitcast3A_1477, %broadcast_in_dim3A_1424 : vector<16xf32>
          %swap3A_1483 = arith.index_cast %add3A_1428 : i32 to index
          %swap3A_1484 = arith.constant 80 : index
          %swap3A_1485 = tpu.vector_load %arg15[%swap3A_1483, %swap3A_1484] {strides = array<i32>} : memref<112x128xf32, #tpu.memory_space<vmem>>, vector<16xf32>,
          tpu.vector_store %arg15[%swap3A_1483, %swap3A_1484], %mul3A_1482 {strides = array<i32>} : memref<112x128xf32, #tpu.memory_space<vmem>>, vector<16xf32>,
          %get3A_1486 = arith.index_cast %add3A_1428 : i32 to index
          %get3A_1487 = arith.constant 96 : index
          %get3A_1488 = tpu.vector_load %arg13[%get3A_1486, %get3A_1487] {strides = array<i32>} : memref<112x128xbf16, #tpu.memory_space<vmem>>, vector<32xbf16>,
          %bitcast3A_1489 = vector.bitcast %get3A_1488 : vector<32xbf16> to vector<16xi32>
          %shift_left3A_1490 = arith.constant 16 : i32
          %shift_left3A_1491 = vector.broadcast %shift_left3A_1490 : i32 to vector<16xi32>
          %shift_left3A_1492 = arith.shli %bitcast3A_1489, %shift_left3A_1491 : vector<16xi32>
          %bitcast3A_1493 = vector.bitcast %shift_left3A_1492 : vector<16xi32> to vector<16xf32>
          %and3A_1494 = vector.broadcast %scan3A_35 : i32 to vector<16xi32>
          %and3A_1495 = arith.andi %bitcast3A_1489, %and3A_1494 : vector<16xi32>
          %bitcast3A_1496 = vector.bitcast %and3A_1495 : vector<16xi32> to vector<16xf32>
          %mul3A_1497 = arith.mulf %bitcast3A_1493, %broadcast_in_dim3A_1424 : vector<16xf32>
          %swap3A_1498 = arith.index_cast %add3A_1428 : i32 to index
          %swap3A_1499 = arith.constant 96 : index
          %swap3A_1500 = tpu.vector_load %arg15[%swap3A_1498, %swap3A_1499] {strides = array<i32>} : memref<112x128xf32, #tpu.memory_space<vmem>>, vector<16xf32>,
          tpu.vector_store %arg15[%swap3A_1498, %swap3A_1499], %mul3A_1497 {strides = array<i32>} : memref<112x128xf32, #tpu.memory_space<vmem>>, vector<16xf32>,
          %mul3A_1501 = arith.mulf %bitcast3A_1496, %broadcast_in_dim3A_1424 : vector<16xf32>
          %swap3A_1502 = arith.index_cast %add3A_1428 : i32 to index
          %swap3A_1503 = arith.constant 112 : index
          %swap3A_1504 = tpu.vector_load %arg15[%swap3A_1502, %swap3A_1503] {strides = array<i32>} : memref<112x128xf32, #tpu.memory_space<vmem>>, vector<16xf32>,
          tpu.vector_store %arg15[%swap3A_1502, %swap3A_1503], %mul3A_1501 {strides = array<i32>} : memref<112x128xf32, #tpu.memory_space<vmem>>, vector<16xf32>,
          %slice3A_1505 = vector.extract_strided_slice %get3A_347 {offsets = [14], sizes = [1], strides = [1]} : vector<16xf32> to vector<1xf32>
          %squeeze3A_1506 = vector.extract %slice3A_1505[0] : f32 from vector<1xf32>
          %broadcast_in_dim3A_1507 = vector.broadcast %squeeze3A_1506 : f32 to vector<16xf32>
          %mul3A_1508 = arith.constant 16 : i32
          %mul3A_1509 = arith.muli %add3A_342, %mul3A_1508 : i32
          %add3A_1510 = arith.constant 14 : i32
          %add3A_1511 = arith.addi %mul3A_1509, %add3A_1510 : i32
          %get3A_1512 = arith.index_cast %add3A_1511 : i32 to index
          %get3A_1513 = arith.constant 0 : index
          %get3A_1514 = tpu.vector_load %arg13[%get3A_1512, %get3A_1513] {strides = array<i32>} : memref<112x128xbf16, #tpu.memory_space<vmem>>, vector<32xbf16>,
          %bitcast3A_1515 = vector.bitcast %get3A_1514 : vector<32xbf16> to vector<16xi32>
          %shift_left3A_1516 = arith.constant 16 : i32
          %shift_left3A_1517 = vector.broadcast %shift_left3A_1516 : i32 to vector<16xi32>
          %shift_left3A_1518 = arith.shli %bitcast3A_1515, %shift_left3A_1517 : vector<16xi32>
          %bitcast3A_1519 = vector.bitcast %shift_left3A_1518 : vector<16xi32> to vector<16xf32>
          %and3A_1520 = vector.broadcast %scan3A_35 : i32 to vector<16xi32>
          %and3A_1521 = arith.andi %bitcast3A_1515, %and3A_1520 : vector<16xi32>
          %bitcast3A_1522 = vector.bitcast %and3A_1521 : vector<16xi32> to vector<16xf32>
          %mul3A_1523 = arith.mulf %bitcast3A_1519, %broadcast_in_dim3A_1507 : vector<16xf32>
          %swap3A_1524 = arith.index_cast %add3A_1511 : i32 to index
          %swap3A_1525 = arith.constant 0 : index
          %swap3A_1526 = tpu.vector_load %arg15[%swap3A_1524, %swap3A_1525] {strides = array<i32>} : memref<112x128xf32, #tpu.memory_space<vmem>>, vector<16xf32>,
          tpu.vector_store %arg15[%swap3A_1524, %swap3A_1525], %mul3A_1523 {strides = array<i32>} : memref<112x128xf32, #tpu.memory_space<vmem>>, vector<16xf32>,
          %mul3A_1527 = arith.mulf %bitcast3A_1522, %broadcast_in_dim3A_1507 : vector<16xf32>
          %swap3A_1528 = arith.index_cast %add3A_1511 : i32 to index
          %swap3A_1529 = arith.constant 16 : index
          %swap3A_1530 = tpu.vector_load %arg15[%swap3A_1528, %swap3A_1529] {strides = array<i32>} : memref<112x128xf32, #tpu.memory_space<vmem>>, vector<16xf32>,
          tpu.vector_store %arg15[%swap3A_1528, %swap3A_1529], %mul3A_1527 {strides = array<i32>} : memref<112x128xf32, #tpu.memory_space<vmem>>, vector<16xf32>,
          %get3A_1531 = arith.index_cast %add3A_1511 : i32 to index
          %get3A_1532 = arith.constant 32 : index
          %get3A_1533 = tpu.vector_load %arg13[%get3A_1531, %get3A_1532] {strides = array<i32>} : memref<112x128xbf16, #tpu.memory_space<vmem>>, vector<32xbf16>,
          %bitcast3A_1534 = vector.bitcast %get3A_1533 : vector<32xbf16> to vector<16xi32>
          %shift_left3A_1535 = arith.constant 16 : i32
          %shift_left3A_1536 = vector.broadcast %shift_left3A_1535 : i32 to vector<16xi32>
          %shift_left3A_1537 = arith.shli %bitcast3A_1534, %shift_left3A_1536 : vector<16xi32>
          %bitcast3A_1538 = vector.bitcast %shift_left3A_1537 : vector<16xi32> to vector<16xf32>
          %and3A_1539 = vector.broadcast %scan3A_35 : i32 to vector<16xi32>
          %and3A_1540 = arith.andi %bitcast3A_1534, %and3A_1539 : vector<16xi32>
          %bitcast3A_1541 = vector.bitcast %and3A_1540 : vector<16xi32> to vector<16xf32>
          %mul3A_1542 = arith.mulf %bitcast3A_1538, %broadcast_in_dim3A_1507 : vector<16xf32>
          %swap3A_1543 = arith.index_cast %add3A_1511 : i32 to index
          %swap3A_1544 = arith.constant 32 : index
          %swap3A_1545 = tpu.vector_load %arg15[%swap3A_1543, %swap3A_1544] {strides = array<i32>} : memref<112x128xf32, #tpu.memory_space<vmem>>, vector<16xf32>,
          tpu.vector_store %arg15[%swap3A_1543, %swap3A_1544], %mul3A_1542 {strides = array<i32>} : memref<112x128xf32, #tpu.memory_space<vmem>>, vector<16xf32>,
          %mul3A_1546 = arith.mulf %bitcast3A_1541, %broadcast_in_dim3A_1507 : vector<16xf32>
          %swap3A_1547 = arith.index_cast %add3A_1511 : i32 to index
          %swap3A_1548 = arith.constant 48 : index
          %swap3A_1549 = tpu.vector_load %arg15[%swap3A_1547, %swap3A_1548] {strides = array<i32>} : memref<112x128xf32, #tpu.memory_space<vmem>>, vector<16xf32>,
          tpu.vector_store %arg15[%swap3A_1547, %swap3A_1548], %mul3A_1546 {strides = array<i32>} : memref<112x128xf32, #tpu.memory_space<vmem>>, vector<16xf32>,
          %get3A_1550 = arith.index_cast %add3A_1511 : i32 to index
          %get3A_1551 = arith.constant 64 : index
          %get3A_1552 = tpu.vector_load %arg13[%get3A_1550, %get3A_1551] {strides = array<i32>} : memref<112x128xbf16, #tpu.memory_space<vmem>>, vector<32xbf16>,
          %bitcast3A_1553 = vector.bitcast %get3A_1552 : vector<32xbf16> to vector<16xi32>
          %shift_left3A_1554 = arith.constant 16 : i32
          %shift_left3A_1555 = vector.broadcast %shift_left3A_1554 : i32 to vector<16xi32>
          %shift_left3A_1556 = arith.shli %bitcast3A_1553, %shift_left3A_1555 : vector<16xi32>
          %bitcast3A_1557 = vector.bitcast %shift_left3A_1556 : vector<16xi32> to vector<16xf32>
          %and3A_1558 = vector.broadcast %scan3A_35 : i32 to vector<16xi32>
          %and3A_1559 = arith.andi %bitcast3A_1553, %and3A_1558 : vector<16xi32>
          %bitcast3A_1560 = vector.bitcast %and3A_1559 : vector<16xi32> to vector<16xf32>
          %mul3A_1561 = arith.mulf %bitcast3A_1557, %broadcast_in_dim3A_1507 : vector<16xf32>
          %swap3A_1562 = arith.index_cast %add3A_1511 : i32 to index
          %swap3A_1563 = arith.constant 64 : index
          %swap3A_1564 = tpu.vector_load %arg15[%swap3A_1562, %swap3A_1563] {strides = array<i32>} : memref<112x128xf32, #tpu.memory_space<vmem>>, vector<16xf32>,
          tpu.vector_store %arg15[%swap3A_1562, %swap3A_1563], %mul3A_1561 {strides = array<i32>} : memref<112x128xf32, #tpu.memory_space<vmem>>, vector<16xf32>,
          %mul3A_1565 = arith.mulf %bitcast3A_1560, %broadcast_in_dim3A_1507 : vector<16xf32>
          %swap3A_1566 = arith.index_cast %add3A_1511 : i32 to index
          %swap3A_1567 = arith.constant 80 : index
          %swap3A_1568 = tpu.vector_load %arg15[%swap3A_1566, %swap3A_1567] {strides = array<i32>} : memref<112x128xf32, #tpu.memory_space<vmem>>, vector<16xf32>,
          tpu.vector_store %arg15[%swap3A_1566, %swap3A_1567], %mul3A_1565 {strides = array<i32>} : memref<112x128xf32, #tpu.memory_space<vmem>>, vector<16xf32>,
          %get3A_1569 = arith.index_cast %add3A_1511 : i32 to index
          %get3A_1570 = arith.constant 96 : index
          %get3A_1571 = tpu.vector_load %arg13[%get3A_1569, %get3A_1570] {strides = array<i32>} : memref<112x128xbf16, #tpu.memory_space<vmem>>, vector<32xbf16>,
          %bitcast3A_1572 = vector.bitcast %get3A_1571 : vector<32xbf16> to vector<16xi32>
          %shift_left3A_1573 = arith.constant 16 : i32
          %shift_left3A_1574 = vector.broadcast %shift_left3A_1573 : i32 to vector<16xi32>
          %shift_left3A_1575 = arith.shli %bitcast3A_1572, %shift_left3A_1574 : vector<16xi32>
          %bitcast3A_1576 = vector.bitcast %shift_left3A_1575 : vector<16xi32> to vector<16xf32>
          %and3A_1577 = vector.broadcast %scan3A_35 : i32 to vector<16xi32>
          %and3A_1578 = arith.andi %bitcast3A_1572, %and3A_1577 : vector<16xi32>
          %bitcast3A_1579 = vector.bitcast %and3A_1578 : vector<16xi32> to vector<16xf32>
          %mul3A_1580 = arith.mulf %bitcast3A_1576, %broadcast_in_dim3A_1507 : vector<16xf32>
          %swap3A_1581 = arith.index_cast %add3A_1511 : i32 to index
          %swap3A_1582 = arith.constant 96 : index
          %swap3A_1583 = tpu.vector_load %arg15[%swap3A_1581, %swap3A_1582] {strides = array<i32>} : memref<112x128xf32, #tpu.memory_space<vmem>>, vector<16xf32>,
          tpu.vector_store %arg15[%swap3A_1581, %swap3A_1582], %mul3A_1580 {strides = array<i32>} : memref<112x128xf32, #tpu.memory_space<vmem>>, vector<16xf32>,
          %mul3A_1584 = arith.mulf %bitcast3A_1579, %broadcast_in_dim3A_1507 : vector<16xf32>
          %swap3A_1585 = arith.index_cast %add3A_1511 : i32 to index
          %swap3A_1586 = arith.constant 112 : index
          %swap3A_1587 = tpu.vector_load %arg15[%swap3A_1585, %swap3A_1586] {strides = array<i32>} : memref<112x128xf32, #tpu.memory_space<vmem>>, vector<16xf32>,
          tpu.vector_store %arg15[%swap3A_1585, %swap3A_1586], %mul3A_1584 {strides = array<i32>} : memref<112x128xf32, #tpu.memory_space<vmem>>, vector<16xf32>,
          %slice3A_1588 = vector.extract_strided_slice %get3A_347 {offsets = [15], sizes = [1], strides = [1]} : vector<16xf32> to vector<1xf32>
          %squeeze3A_1589 = vector.extract %slice3A_1588[0] : f32 from vector<1xf32>
          %broadcast_in_dim3A_1590 = vector.broadcast %squeeze3A_1589 : f32 to vector<16xf32>
          %mul3A_1591 = arith.constant 16 : i32
          %mul3A_1592 = arith.muli %add3A_342, %mul3A_1591 : i32
          %add3A_1593 = arith.constant 15 : i32
          %add3A_1594 = arith.addi %mul3A_1592, %add3A_1593 : i32
          %get3A_1595 = arith.index_cast %add3A_1594 : i32 to index
          %get3A_1596 = arith.constant 0 : index
          %get3A_1597 = tpu.vector_load %arg13[%get3A_1595, %get3A_1596] {strides = array<i32>} : memref<112x128xbf16, #tpu.memory_space<vmem>>, vector<32xbf16>,
          %bitcast3A_1598 = vector.bitcast %get3A_1597 : vector<32xbf16> to vector<16xi32>
          %shift_left3A_1599 = arith.constant 16 : i32
          %shift_left3A_1600 = vector.broadcast %shift_left3A_1599 : i32 to vector<16xi32>
          %shift_left3A_1601 = arith.shli %bitcast3A_1598, %shift_left3A_1600 : vector<16xi32>
          %bitcast3A_1602 = vector.bitcast %shift_left3A_1601 : vector<16xi32> to vector<16xf32>
          %and3A_1603 = vector.broadcast %scan3A_35 : i32 to vector<16xi32>
          %and3A_1604 = arith.andi %bitcast3A_1598, %and3A_1603 : vector<16xi32>
          %bitcast3A_1605 = vector.bitcast %and3A_1604 : vector<16xi32> to vector<16xf32>
          %mul3A_1606 = arith.mulf %bitcast3A_1602, %broadcast_in_dim3A_1590 : vector<16xf32>
          %swap3A_1607 = arith.index_cast %add3A_1594 : i32 to index
          %swap3A_1608 = arith.constant 0 : index
          %swap3A_1609 = tpu.vector_load %arg15[%swap3A_1607, %swap3A_1608] {strides = array<i32>} : memref<112x128xf32, #tpu.memory_space<vmem>>, vector<16xf32>,
          tpu.vector_store %arg15[%swap3A_1607, %swap3A_1608], %mul3A_1606 {strides = array<i32>} : memref<112x128xf32, #tpu.memory_space<vmem>>, vector<16xf32>,
          %mul3A_1610 = arith.mulf %bitcast3A_1605, %broadcast_in_dim3A_1590 : vector<16xf32>
          %swap3A_1611 = arith.index_cast %add3A_1594 : i32 to index
          %swap3A_1612 = arith.constant 16 : index
          %swap3A_1613 = tpu.vector_load %arg15[%swap3A_1611, %swap3A_1612] {strides = array<i32>} : memref<112x128xf32, #tpu.memory_space<vmem>>, vector<16xf32>,
          tpu.vector_store %arg15[%swap3A_1611, %swap3A_1612], %mul3A_1610 {strides = array<i32>} : memref<112x128xf32, #tpu.memory_space<vmem>>, vector<16xf32>,
          %get3A_1614 = arith.index_cast %add3A_1594 : i32 to index
          %get3A_1615 = arith.constant 32 : index
          %get3A_1616 = tpu.vector_load %arg13[%get3A_1614, %get3A_1615] {strides = array<i32>} : memref<112x128xbf16, #tpu.memory_space<vmem>>, vector<32xbf16>,
          %bitcast3A_1617 = vector.bitcast %get3A_1616 : vector<32xbf16> to vector<16xi32>
          %shift_left3A_1618 = arith.constant 16 : i32
          %shift_left3A_1619 = vector.broadcast %shift_left3A_1618 : i32 to vector<16xi32>
          %shift_left3A_1620 = arith.shli %bitcast3A_1617, %shift_left3A_1619 : vector<16xi32>
          %bitcast3A_1621 = vector.bitcast %shift_left3A_1620 : vector<16xi32> to vector<16xf32>
          %and3A_1622 = vector.broadcast %scan3A_35 : i32 to vector<16xi32>
          %and3A_1623 = arith.andi %bitcast3A_1617, %and3A_1622 : vector<16xi32>
          %bitcast3A_1624 = vector.bitcast %and3A_1623 : vector<16xi32> to vector<16xf32>
          %mul3A_1625 = arith.mulf %bitcast3A_1621, %broadcast_in_dim3A_1590 : vector<16xf32>
          %swap3A_1626 = arith.index_cast %add3A_1594 : i32 to index
          %swap3A_1627 = arith.constant 32 : index
          %swap3A_1628 = tpu.vector_load %arg15[%swap3A_1626, %swap3A_1627] {strides = array<i32>} : memref<112x128xf32, #tpu.memory_space<vmem>>, vector<16xf32>,
          tpu.vector_store %arg15[%swap3A_1626, %swap3A_1627], %mul3A_1625 {strides = array<i32>} : memref<112x128xf32, #tpu.memory_space<vmem>>, vector<16xf32>,
          %mul3A_1629 = arith.mulf %bitcast3A_1624, %broadcast_in_dim3A_1590 : vector<16xf32>
          %swap3A_1630 = arith.index_cast %add3A_1594 : i32 to index
          %swap3A_1631 = arith.constant 48 : index
          %swap3A_1632 = tpu.vector_load %arg15[%swap3A_1630, %swap3A_1631] {strides = array<i32>} : memref<112x128xf32, #tpu.memory_space<vmem>>, vector<16xf32>,
          tpu.vector_store %arg15[%swap3A_1630, %swap3A_1631], %mul3A_1629 {strides = array<i32>} : memref<112x128xf32, #tpu.memory_space<vmem>>, vector<16xf32>,
          %get3A_1633 = arith.index_cast %add3A_1594 : i32 to index
          %get3A_1634 = arith.constant 64 : index
          %get3A_1635 = tpu.vector_load %arg13[%get3A_1633, %get3A_1634] {strides = array<i32>} : memref<112x128xbf16, #tpu.memory_space<vmem>>, vector<32xbf16>,
          %bitcast3A_1636 = vector.bitcast %get3A_1635 : vector<32xbf16> to vector<16xi32>
          %shift_left3A_1637 = arith.constant 16 : i32
          %shift_left3A_1638 = vector.broadcast %shift_left3A_1637 : i32 to vector<16xi32>
          %shift_left3A_1639 = arith.shli %bitcast3A_1636, %shift_left3A_1638 : vector<16xi32>
          %bitcast3A_1640 = vector.bitcast %shift_left3A_1639 : vector<16xi32> to vector<16xf32>
          %and3A_1641 = vector.broadcast %scan3A_35 : i32 to vector<16xi32>
          %and3A_1642 = arith.andi %bitcast3A_1636, %and3A_1641 : vector<16xi32>
          %bitcast3A_1643 = vector.bitcast %and3A_1642 : vector<16xi32> to vector<16xf32>
          %mul3A_1644 = arith.mulf %bitcast3A_1640, %broadcast_in_dim3A_1590 : vector<16xf32>
          %swap3A_1645 = arith.index_cast %add3A_1594 : i32 to index
          %swap3A_1646 = arith.constant 64 : index
          %swap3A_1647 = tpu.vector_load %arg15[%swap3A_1645, %swap3A_1646] {strides = array<i32>} : memref<112x128xf32, #tpu.memory_space<vmem>>, vector<16xf32>,
          tpu.vector_store %arg15[%swap3A_1645, %swap3A_1646], %mul3A_1644 {strides = array<i32>} : memref<112x128xf32, #tpu.memory_space<vmem>>, vector<16xf32>,
          %mul3A_1648 = arith.mulf %bitcast3A_1643, %broadcast_in_dim3A_1590 : vector<16xf32>
          %swap3A_1649 = arith.index_cast %add3A_1594 : i32 to index
          %swap3A_1650 = arith.constant 80 : index
          %swap3A_1651 = tpu.vector_load %arg15[%swap3A_1649, %swap3A_1650] {strides = array<i32>} : memref<112x128xf32, #tpu.memory_space<vmem>>, vector<16xf32>,
          tpu.vector_store %arg15[%swap3A_1649, %swap3A_1650], %mul3A_1648 {strides = array<i32>} : memref<112x128xf32, #tpu.memory_space<vmem>>, vector<16xf32>,
          %get3A_1652 = arith.index_cast %add3A_1594 : i32 to index
          %get3A_1653 = arith.constant 96 : index
          %get3A_1654 = tpu.vector_load %arg13[%get3A_1652, %get3A_1653] {strides = array<i32>} : memref<112x128xbf16, #tpu.memory_space<vmem>>, vector<32xbf16>,
          %bitcast3A_1655 = vector.bitcast %get3A_1654 : vector<32xbf16> to vector<16xi32>
          %shift_left3A_1656 = arith.constant 16 : i32
          %shift_left3A_1657 = vector.broadcast %shift_left3A_1656 : i32 to vector<16xi32>
          %shift_left3A_1658 = arith.shli %bitcast3A_1655, %shift_left3A_1657 : vector<16xi32>
          %bitcast3A_1659 = vector.bitcast %shift_left3A_1658 : vector<16xi32> to vector<16xf32>
          %and3A_1660 = vector.broadcast %scan3A_35 : i32 to vector<16xi32>
          %and3A_1661 = arith.andi %bitcast3A_1655, %and3A_1660 : vector<16xi32>
          %bitcast3A_1662 = vector.bitcast %and3A_1661 : vector<16xi32> to vector<16xf32>
          %mul3A_1663 = arith.mulf %bitcast3A_1659, %broadcast_in_dim3A_1590 : vector<16xf32>
          %swap3A_1664 = arith.index_cast %add3A_1594 : i32 to index
          %swap3A_1665 = arith.constant 96 : index
          %swap3A_1666 = tpu.vector_load %arg15[%swap3A_1664, %swap3A_1665] {strides = array<i32>} : memref<112x128xf32, #tpu.memory_space<vmem>>, vector<16xf32>,
          tpu.vector_store %arg15[%swap3A_1664, %swap3A_1665], %mul3A_1663 {strides = array<i32>} : memref<112x128xf32, #tpu.memory_space<vmem>>, vector<16xf32>,
          %mul3A_1667 = arith.mulf %bitcast3A_1662, %broadcast_in_dim3A_1590 : vector<16xf32>
          %swap3A_1668 = arith.index_cast %add3A_1594 : i32 to index
          %swap3A_1669 = arith.constant 112 : index
          %swap3A_1670 = tpu.vector_load %arg15[%swap3A_1668, %swap3A_1669] {strides = array<i32>} : memref<112x128xf32, #tpu.memory_space<vmem>>, vector<16xf32>,
          tpu.vector_store %arg15[%swap3A_1668, %swap3A_1669], %mul3A_1667 {strides = array<i32>} : memref<112x128xf32, #tpu.memory_space<vmem>>, vector<16xf32>,
        }
        %scan3A_310 = arith.constant 7 : i32
        %add3A_311 = arith.constant 2 : i32
        %add3A_312 = arith.addi %add3A_276, %add3A_311 : i32
        %lt3A_313 = arith.constant 8 : i32
        %lt3A_314 = arith.cmpi slt, %add3A_312, %lt3A_313 : i32
        %convert_element_type3A_315 = arith.extui %lt3A_314 : i1 to i32
        %cond3A_316 = arith.constant 0 : i32
        %cond3A_317 = arith.cmpi ne, %convert_element_type3A_315, %cond3A_316 : i32
        scf.if %cond3A_317 {
          %add3A_338 = arith.constant 2 : i32
          %add3A_339 = arith.addi %add3A_276, %add3A_338 : i32
          %eq3A_340 = arith.constant 0 : i32
          %eq3A_341 = arith.cmpi eq, %arg0, %eq3A_340 : i32
          %convert_element_type3A_342 = arith.extui %eq3A_341 : i1 to i32
          %cond3A_343 = arith.constant 0 : i32
          %cond3A_344 = arith.constant 0 : i32
          %cond3A_345 = arith.cmpi ne, %convert_element_type3A_342, %cond3A_344 : i32
          scf.if %cond3A_345 {
            %dma_start3A_364 = arith.constant 0 : i32
            %dma_start3A_365 = arith.constant 0 : i32
            %dma_start3A_366 = tpu.memref_slice %arg13[%dma_start3A_364, %dma_start3A_365] : memref<112x128xbf16, #tpu.memory_space<vmem>> -> memref<56x128xbf16, #tpu.memory_space<vmem>>
            %dma_start3A_367 = arith.constant 0 : i32
            %dma_start3A_368 = tpu.memref_slice %arg9[%select_n3A_114, %add3A_339, %cond3A_343, %dma_start3A_367] : memref<2x8x2x56xi32, #tpu.memory_space<vmem>> -> memref<1x1x1x56xi32, #tpu.memory_space<vmem>>
            %dma_start3A_369 = tpu.memref_squeeze %dma_start3A_368 : memref<1x1x1x56xi32, #tpu.memory_space<vmem>> -> memref<56xi32, #tpu.memory_space<vmem>>
            %dma_start3A_370 = arith.constant 0 : i32
            %dma_start3A_371 = arith.constant 0 : i32
            %dma_start3A_372 = tpu.memref_slice %arg2[%dma_start3A_370, %dma_start3A_371] : memref<10240x128xbf16, #tpu.memory_space<hbm>> -> memref<10240x128xbf16, #tpu.memory_space<hbm>>
            tpu.enqueue_indirect_dma source(%dma_start3A_372 : memref<10240x128xbf16, #tpu.memory_space<hbm>>) target(%dma_start3A_366 : memref<56x128xbf16, #tpu.memory_space<vmem>>) offsets(%dma_start3A_369 : memref<56xi32, #tpu.memory_space<vmem>>) semaphore(%arg18 : memref<!tpu.dma_semaphore, #tpu.memory_space<semaphore_mem>>)
          } else {
          }
          %ne3A_346 = arith.constant 0 : i32
          %ne3A_347 = arith.cmpi ne, %arg0, %ne3A_346 : i32
          %convert_element_type3A_348 = arith.extui %ne3A_347 : i1 to i32
          %cond3A_349 = arith.constant 0 : i32
          %cond3A_350 = arith.constant 0 : i32
          %cond3A_351 = arith.cmpi ne, %convert_element_type3A_348, %cond3A_350 : i32
          scf.if %cond3A_351 {
            %dma_start3A_364 = arith.constant 0 : i32
            %dma_start3A_365 = arith.constant 0 : i32
            %dma_start3A_366 = tpu.memref_slice %arg13[%dma_start3A_364, %dma_start3A_365] : memref<112x128xbf16, #tpu.memory_space<vmem>> -> memref<56x128xbf16, #tpu.memory_space<vmem>>
            %dma_start3A_367 = arith.constant 0 : i32
            %dma_start3A_368 = tpu.memref_slice %arg9[%select_n3A_114, %add3A_339, %cond3A_349, %dma_start3A_367] : memref<2x8x2x56xi32, #tpu.memory_space<vmem>> -> memref<1x1x1x56xi32, #tpu.memory_space<vmem>>
            %dma_start3A_369 = tpu.memref_squeeze %dma_start3A_368 : memref<1x1x1x56xi32, #tpu.memory_space<vmem>> -> memref<56xi32, #tpu.memory_space<vmem>>
            %dma_start3A_370 = arith.constant 0 : i32
            %dma_start3A_371 = arith.constant 0 : i32
            %dma_start3A_372 = tpu.memref_slice %arg3[%dma_start3A_370, %dma_start3A_371] : memref<10240x128xbf16, #tpu.memory_space<hbm>> -> memref<10240x128xbf16, #tpu.memory_space<hbm>>
            tpu.enqueue_indirect_dma source(%dma_start3A_372 : memref<10240x128xbf16, #tpu.memory_space<hbm>>) target(%dma_start3A_366 : memref<56x128xbf16, #tpu.memory_space<vmem>>) offsets(%dma_start3A_369 : memref<56xi32, #tpu.memory_space<vmem>>) semaphore(%arg18 : memref<!tpu.dma_semaphore, #tpu.memory_space<semaphore_mem>>)
          } else {
          }
          %eq3A_352 = arith.constant 0 : i32
          %eq3A_353 = arith.cmpi eq, %arg0, %eq3A_352 : i32
          %convert_element_type3A_354 = arith.extui %eq3A_353 : i1 to i32
          %cond3A_355 = arith.constant 1 : i32
          %cond3A_356 = arith.constant 0 : i32
          %cond3A_357 = arith.cmpi ne, %convert_element_type3A_354, %cond3A_356 : i32
          scf.if %cond3A_357 {
            %dma_start3A_364 = arith.constant 56 : i32
            %dma_start3A_365 = arith.constant 0 : i32
            %dma_start3A_366 = tpu.memref_slice %arg13[%dma_start3A_364, %dma_start3A_365] : memref<112x128xbf16, #tpu.memory_space<vmem>> -> memref<56x128xbf16, #tpu.memory_space<vmem>>
            %dma_start3A_367 = arith.constant 0 : i32
            %dma_start3A_368 = tpu.memref_slice %arg9[%select_n3A_114, %add3A_339, %cond3A_355, %dma_start3A_367] : memref<2x8x2x56xi32, #tpu.memory_space<vmem>> -> memref<1x1x1x56xi32, #tpu.memory_space<vmem>>
            %dma_start3A_369 = tpu.memref_squeeze %dma_start3A_368 : memref<1x1x1x56xi32, #tpu.memory_space<vmem>> -> memref<56xi32, #tpu.memory_space<vmem>>
            %dma_start3A_370 = arith.constant 0 : i32
            %dma_start3A_371 = arith.constant 0 : i32
            %dma_start3A_372 = tpu.memref_slice %arg2[%dma_start3A_370, %dma_start3A_371] : memref<10240x128xbf16, #tpu.memory_space<hbm>> -> memref<10240x128xbf16, #tpu.memory_space<hbm>>
            tpu.enqueue_indirect_dma source(%dma_start3A_372 : memref<10240x128xbf16, #tpu.memory_space<hbm>>) target(%dma_start3A_366 : memref<56x128xbf16, #tpu.memory_space<vmem>>) offsets(%dma_start3A_369 : memref<56xi32, #tpu.memory_space<vmem>>) semaphore(%arg18 : memref<!tpu.dma_semaphore, #tpu.memory_space<semaphore_mem>>)
          } else {
          }
          %ne3A_358 = arith.constant 0 : i32
          %ne3A_359 = arith.cmpi ne, %arg0, %ne3A_358 : i32
          %convert_element_type3A_360 = arith.extui %ne3A_359 : i1 to i32
          %cond3A_361 = arith.constant 1 : i32
          %cond3A_362 = arith.constant 0 : i32
          %cond3A_363 = arith.cmpi ne, %convert_element_type3A_360, %cond3A_362 : i32
          scf.if %cond3A_363 {
            %dma_start3A_364 = arith.constant 56 : i32
            %dma_start3A_365 = arith.constant 0 : i32
            %dma_start3A_366 = tpu.memref_slice %arg13[%dma_start3A_364, %dma_start3A_365] : memref<112x128xbf16, #tpu.memory_space<vmem>> -> memref<56x128xbf16, #tpu.memory_space<vmem>>
            %dma_start3A_367 = arith.constant 0 : i32
            %dma_start3A_368 = tpu.memref_slice %arg9[%select_n3A_114, %add3A_339, %cond3A_361, %dma_start3A_367] : memref<2x8x2x56xi32, #tpu.memory_space<vmem>> -> memref<1x1x1x56xi32, #tpu.memory_space<vmem>>
            %dma_start3A_369 = tpu.memref_squeeze %dma_start3A_368 : memref<1x1x1x56xi32, #tpu.memory_space<vmem>> -> memref<56xi32, #tpu.memory_space<vmem>>
            %dma_start3A_370 = arith.constant 0 : i32
            %dma_start3A_371 = arith.constant 0 : i32
            %dma_start3A_372 = tpu.memref_slice %arg3[%dma_start3A_370, %dma_start3A_371] : memref<10240x128xbf16, #tpu.memory_space<hbm>> -> memref<10240x128xbf16, #tpu.memory_space<hbm>>
            tpu.enqueue_indirect_dma source(%dma_start3A_372 : memref<10240x128xbf16, #tpu.memory_space<hbm>>) target(%dma_start3A_366 : memref<56x128xbf16, #tpu.memory_space<vmem>>) offsets(%dma_start3A_369 : memref<56xi32, #tpu.memory_space<vmem>>) semaphore(%arg18 : memref<!tpu.dma_semaphore, #tpu.memory_space<semaphore_mem>>)
          } else {
          }
        } else {
        }
        %dma_start3A_318 = arith.constant 0 : i32
        %dma_start3A_319 = arith.constant 0 : i32
        %dma_start3A_320 = arith.constant 0 : i32
        %dma_start3A_321 = tpu.memref_slice %arg15[%dma_start3A_319, %dma_start3A_320] : memref<112x128xf32, #tpu.memory_space<vmem>> -> memref<56x128xf32, #tpu.memory_space<vmem>>
        %dma_start3A_322 = arith.constant 0 : i32
        %dma_start3A_323 = tpu.memref_slice %arg10[%select_n3A_114, %add3A_276, %dma_start3A_318, %dma_start3A_322] : memref<2x8x2x56xi32, #tpu.memory_space<vmem>> -> memref<1x1x1x56xi32, #tpu.memory_space<vmem>>
        %dma_start3A_324 = tpu.memref_squeeze %dma_start3A_323 : memref<1x1x1x56xi32, #tpu.memory_space<vmem>> -> memref<56xi32, #tpu.memory_space<vmem>>
        %dma_start3A_325 = arith.constant 0 : i32
        %dma_start3A_326 = arith.constant 0 : i32
        %dma_start3A_327 = tpu.memref_slice %arg16[%dma_start3A_325, %dma_start3A_326] : memref<10112x128xf32, #tpu.memory_space<vmem_shared>> -> memref<10112x128xf32, #tpu.memory_space<vmem_shared>>
        tpu.enqueue_indirect_dma source(%dma_start3A_321 : memref<56x128xf32, #tpu.memory_space<vmem>>) target(%dma_start3A_327 : memref<10112x128xf32, #tpu.memory_space<vmem_shared>>) offsets(%dma_start3A_324 : memref<56xi32, #tpu.memory_space<vmem>>) semaphore(%arg20 : memref<!tpu.dma_semaphore, #tpu.memory_space<semaphore_mem>>) {add = true}
        %dma_start3A_328 = arith.constant 1 : i32
        %dma_start3A_329 = arith.constant 56 : i32
        %dma_start3A_330 = arith.constant 0 : i32
        %dma_start3A_331 = tpu.memref_slice %arg15[%dma_start3A_329, %dma_start3A_330] : memref<112x128xf32, #tpu.memory_space<vmem>> -> memref<56x128xf32, #tpu.memory_space<vmem>>
        %dma_start3A_332 = arith.constant 0 : i32
        %dma_start3A_333 = tpu.memref_slice %arg10[%select_n3A_114, %add3A_276, %dma_start3A_328, %dma_start3A_332] : memref<2x8x2x56xi32, #tpu.memory_space<vmem>> -> memref<1x1x1x56xi32, #tpu.memory_space<vmem>>
        %dma_start3A_334 = tpu.memref_squeeze %dma_start3A_333 : memref<1x1x1x56xi32, #tpu.memory_space<vmem>> -> memref<56xi32, #tpu.memory_space<vmem>>
        %dma_start3A_335 = arith.constant 0 : i32
        %dma_start3A_336 = arith.constant 0 : i32
        %dma_start3A_337 = tpu.memref_slice %arg16[%dma_start3A_335, %dma_start3A_336] : memref<10112x128xf32, #tpu.memory_space<vmem_shared>> -> memref<10112x128xf32, #tpu.memory_space<vmem_shared>>
        tpu.enqueue_indirect_dma source(%dma_start3A_331 : memref<56x128xf32, #tpu.memory_space<vmem>>) target(%dma_start3A_337 : memref<10112x128xf32, #tpu.memory_space<vmem_shared>>) offsets(%dma_start3A_334 : memref<56xi32, #tpu.memory_space<vmem>>) semaphore(%arg20 : memref<!tpu.dma_semaphore, #tpu.memory_space<semaphore_mem>>) {add = true}
      }
      %scan3A_203 = arith.constant 4 : i32
    }
    %scan3A_40 = arith.constant 23 : i32
    %dma_wait3A = arith.constant 0 : i32
    %dma_wait3A_41 = arith.constant 0 : i32
    %dma_wait3A_42 = arith.constant 0 : i32
    %dma_wait3A_43 = arith.constant 0 : i32
    %dma_wait3A_44 = arith.constant 0 : i32
    %dma_wait3A_45 = tpu.memref_slice %arg14[%dma_wait3A_43, %dma_wait3A_44] : memref<112x128xf32, #tpu.memory_space<vmem>> -> memref<56x128xf32, #tpu.memory_space<vmem>>
    %dma_wait3A_46 = arith.constant 0 : i32
    %dma_wait3A_47 = tpu.memref_slice %arg10[%dma_wait3A, %dma_wait3A_41, %dma_wait3A_42, %dma_wait3A_46] : memref<2x8x2x56xi32, #tpu.memory_space<vmem>> -> memref<1x1x1x56xi32, #tpu.memory_space<vmem>>
    %dma_wait3A_48 = tpu.memref_squeeze %dma_wait3A_47 : memref<1x1x1x56xi32, #tpu.memory_space<vmem>> -> memref<56xi32, #tpu.memory_space<vmem>>
    %dma_wait3A_49 = arith.constant 0 : i32
    %dma_wait3A_50 = arith.constant 0 : i32
    %dma_wait3A_51 = tpu.memref_slice %arg16[%dma_wait3A_49, %dma_wait3A_50] : memref<10112x128xf32, #tpu.memory_space<vmem_shared>> -> memref<10112x128xf32, #tpu.memory_space<vmem_shared>>
    tpu.wait_indirect_dma semaphore(%arg19 : memref<!tpu.dma_semaphore, #tpu.memory_space<semaphore_mem>>) src(%dma_wait3A_45 : memref<56x128xf32, #tpu.memory_space<vmem>>) dst(%dma_wait3A_51 : memref<10112x128xf32, #tpu.memory_space<vmem_shared>>)
    %dma_wait3A_52 = arith.constant 0 : i32
    %dma_wait3A_53 = arith.constant 0 : i32
    %dma_wait3A_54 = arith.constant 0 : i32
    %dma_wait3A_55 = arith.constant 56 : i32
    %dma_wait3A_56 = arith.constant 0 : i32
    %dma_wait3A_57 = tpu.memref_slice %arg14[%dma_wait3A_55, %dma_wait3A_56] : memref<112x128xf32, #tpu.memory_space<vmem>> -> memref<56x128xf32, #tpu.memory_space<vmem>>
    %dma_wait3A_58 = arith.constant 0 : i32
    %dma_wait3A_59 = tpu.memref_slice %arg10[%dma_wait3A_52, %dma_wait3A_53, %dma_wait3A_54, %dma_wait3A_58] : memref<2x8x2x56xi32, #tpu.memory_space<vmem>> -> memref<1x1x1x56xi32, #tpu.memory_space<vmem>>
    %dma_wait3A_60 = tpu.memref_squeeze %dma_wait3A_59 : memref<1x1x1x56xi32, #tpu.memory_space<vmem>> -> memref<56xi32, #tpu.memory_space<vmem>>
    %dma_wait3A_61 = arith.constant 0 : i32
    %dma_wait3A_62 = arith.constant 0 : i32
    %dma_wait3A_63 = tpu.memref_slice %arg16[%dma_wait3A_61, %dma_wait3A_62] : memref<10112x128xf32, #tpu.memory_space<vmem_shared>> -> memref<10112x128xf32, #tpu.memory_space<vmem_shared>>
    tpu.wait_indirect_dma semaphore(%arg19 : memref<!tpu.dma_semaphore, #tpu.memory_space<semaphore_mem>>) src(%dma_wait3A_57 : memref<56x128xf32, #tpu.memory_space<vmem>>) dst(%dma_wait3A_63 : memref<10112x128xf32, #tpu.memory_space<vmem_shared>>)
    %dma_wait3A_64 = arith.constant 0 : i32
    %dma_wait3A_65 = arith.constant 0 : i32
    %dma_wait3A_66 = arith.constant 0 : i32
    %dma_wait3A_67 = arith.constant 0 : i32
    %dma_wait3A_68 = arith.constant 0 : i32
    %dma_wait3A_69 = tpu.memref_slice %arg15[%dma_wait3A_67, %dma_wait3A_68] : memref<112x128xf32, #tpu.memory_space<vmem>> -> memref<56x128xf32, #tpu.memory_space<vmem>>
    %dma_wait3A_70 = arith.constant 0 : i32
    %dma_wait3A_71 = tpu.memref_slice %arg10[%dma_wait3A_64, %dma_wait3A_65, %dma_wait3A_66, %dma_wait3A_70] : memref<2x8x2x56xi32, #tpu.memory_space<vmem>> -> memref<1x1x1x56xi32, #tpu.memory_space<vmem>>
    %dma_wait3A_72 = tpu.memref_squeeze %dma_wait3A_71 : memref<1x1x1x56xi32, #tpu.memory_space<vmem>> -> memref<56xi32, #tpu.memory_space<vmem>>
    %dma_wait3A_73 = arith.constant 0 : i32
    %dma_wait3A_74 = arith.constant 0 : i32
    %dma_wait3A_75 = tpu.memref_slice %arg16[%dma_wait3A_73, %dma_wait3A_74] : memref<10112x128xf32, #tpu.memory_space<vmem_shared>> -> memref<10112x128xf32, #tpu.memory_space<vmem_shared>>
    tpu.wait_indirect_dma semaphore(%arg20 : memref<!tpu.dma_semaphore, #tpu.memory_space<semaphore_mem>>) src(%dma_wait3A_69 : memref<56x128xf32, #tpu.memory_space<vmem>>) dst(%dma_wait3A_75 : memref<10112x128xf32, #tpu.memory_space<vmem_shared>>)
    %dma_wait3A_76 = arith.constant 0 : i32
    %dma_wait3A_77 = arith.constant 0 : i32
    %dma_wait3A_78 = arith.constant 0 : i32
    %dma_wait3A_79 = arith.constant 56 : i32
    %dma_wait3A_80 = arith.constant 0 : i32
    %dma_wait3A_81 = tpu.memref_slice %arg15[%dma_wait3A_79, %dma_wait3A_80] : memref<112x128xf32, #tpu.memory_space<vmem>> -> memref<56x128xf32, #tpu.memory_space<vmem>>
    %dma_wait3A_82 = arith.constant 0 : i32
    %dma_wait3A_83 = tpu.memref_slice %arg10[%dma_wait3A_76, %dma_wait3A_77, %dma_wait3A_78, %dma_wait3A_82] : memref<2x8x2x56xi32, #tpu.memory_space<vmem>> -> memref<1x1x1x56xi32, #tpu.memory_space<vmem>>
    %dma_wait3A_84 = tpu.memref_squeeze %dma_wait3A_83 : memref<1x1x1x56xi32, #tpu.memory_space<vmem>> -> memref<56xi32, #tpu.memory_space<vmem>>
    %dma_wait3A_85 = arith.constant 0 : i32
    %dma_wait3A_86 = arith.constant 0 : i32
    %dma_wait3A_87 = tpu.memref_slice %arg16[%dma_wait3A_85, %dma_wait3A_86] : memref<10112x128xf32, #tpu.memory_space<vmem_shared>> -> memref<10112x128xf32, #tpu.memory_space<vmem_shared>>
    tpu.wait_indirect_dma semaphore(%arg20 : memref<!tpu.dma_semaphore, #tpu.memory_space<semaphore_mem>>) src(%dma_wait3A_81 : memref<56x128xf32, #tpu.memory_space<vmem>>) dst(%dma_wait3A_87 : memref<10112x128xf32, #tpu.memory_space<vmem_shared>>)
    %barrier3A_88 = arith.constant 0 : index
    tpu.barrier barrier_id(%barrier3A_88)
    %eq3A_89 = arith.constant 0 : i32
    %eq3A_90 = arith.cmpi eq, %arg0, %eq3A_89 : i32
    %convert_element_type3A_91 = arith.extui %eq3A_90 : i1 to i32
    %cond3A_92 = arith.constant 0 : i32
    %cond3A_93 = arith.cmpi ne, %convert_element_type3A_91, %cond3A_92 : i32
    scf.if %cond3A_93 {
      %mul3A_99 = arith.constant 632 : i32
      %mul3A_100 = arith.muli %arg1, %mul3A_99 : i32
      %mul3A_101 = arith.constant 632 : i32
      %mul3A_102 = arith.muli %arg1, %mul3A_101 : i32
      "tpu.region"() ({
        %run_scoped3A = tpu.sem_alloc : memref<!tpu.dma_semaphore, #tpu.memory_space<semaphore_mem>>
        %dma_start3A_103 = arith.constant 0 : i32
        %dma_start3A_104 = tpu.memref_slice %arg7[%mul3A_102, %dma_start3A_103] : memref<10240x128xf32, #tpu.memory_space<hbm>> -> memref<632x128xf32, #tpu.memory_space<hbm>>
        %dma_start3A_105 = arith.constant 0 : i32
        %dma_start3A_106 = tpu.memref_slice %arg16[%mul3A_100, %dma_start3A_105] : memref<10112x128xf32, #tpu.memory_space<vmem_shared>> -> memref<632x128xf32, #tpu.memory_space<vmem_shared>>
        tpu.enqueue_dma source(%dma_start3A_106 : memref<632x128xf32, #tpu.memory_space<vmem_shared>>) target(%dma_start3A_104 : memref<632x128xf32, #tpu.memory_space<hbm>>) target_semaphore(%run_scoped3A : memref<!tpu.dma_semaphore, #tpu.memory_space<semaphore_mem>>)
        %dma_wait3A_107 = arith.constant 0 : i32
        %dma_wait3A_108 = tpu.memref_slice %arg7[%mul3A_102, %dma_wait3A_107] : memref<10240x128xf32, #tpu.memory_space<hbm>> -> memref<632x128xf32, #tpu.memory_space<hbm>>
        %dma_wait3A_109 = arith.constant 0 : i32
        %dma_wait3A_110 = tpu.memref_slice %arg16[%mul3A_100, %dma_wait3A_109] : memref<10112x128xf32, #tpu.memory_space<vmem_shared>> -> memref<632x128xf32, #tpu.memory_space<vmem_shared>>
        tpu.wait_dma2 semaphore(%run_scoped3A : memref<!tpu.dma_semaphore, #tpu.memory_space<semaphore_mem>>) src(%dma_wait3A_110 : memref<632x128xf32, #tpu.memory_space<vmem_shared>>) dst(%dma_wait3A_108 : memref<632x128xf32, #tpu.memory_space<hbm>>)
        tpu.yield
      }) : () -> ()
    } else {
    }
    %ne3A_94 = arith.constant 0 : i32
    %ne3A_95 = arith.cmpi ne, %arg0, %ne3A_94 : i32
    %convert_element_type3A_96 = arith.extui %ne3A_95 : i1 to i32
    %cond3A_97 = arith.constant 0 : i32
    %cond3A_98 = arith.cmpi ne, %convert_element_type3A_96, %cond3A_97 : i32
    scf.if %cond3A_98 {
      %mul3A_99 = arith.constant 632 : i32
      %mul3A_100 = arith.muli %arg1, %mul3A_99 : i32
      %mul3A_101 = arith.constant 632 : i32
      %mul3A_102 = arith.muli %arg1, %mul3A_101 : i32
      "tpu.region"() ({
        %run_scoped3A = tpu.sem_alloc : memref<!tpu.dma_semaphore, #tpu.memory_space<semaphore_mem>>
        %dma_start3A_103 = arith.constant 0 : i32
        %dma_start3A_104 = tpu.memref_slice %arg8[%mul3A_102, %dma_start3A_103] : memref<10240x128xf32, #tpu.memory_space<hbm>> -> memref<632x128xf32, #tpu.memory_space<hbm>>
        %dma_start3A_105 = arith.constant 0 : i32
        %dma_start3A_106 = tpu.memref_slice %arg16[%mul3A_100, %dma_start3A_105] : memref<10112x128xf32, #tpu.memory_space<vmem_shared>> -> memref<632x128xf32, #tpu.memory_space<vmem_shared>>
        tpu.enqueue_dma source(%dma_start3A_106 : memref<632x128xf32, #tpu.memory_space<vmem_shared>>) target(%dma_start3A_104 : memref<632x128xf32, #tpu.memory_space<hbm>>) target_semaphore(%run_scoped3A : memref<!tpu.dma_semaphore, #tpu.memory_space<semaphore_mem>>)
        %dma_wait3A_107 = arith.constant 0 : i32
        %dma_wait3A_108 = tpu.memref_slice %arg8[%mul3A_102, %dma_wait3A_107] : memref<10240x128xf32, #tpu.memory_space<hbm>> -> memref<632x128xf32, #tpu.memory_space<hbm>>
        %dma_wait3A_109 = arith.constant 0 : i32
        %dma_wait3A_110 = tpu.memref_slice %arg16[%mul3A_100, %dma_wait3A_109] : memref<10112x128xf32, #tpu.memory_space<vmem_shared>> -> memref<632x128xf32, #tpu.memory_space<vmem_shared>>
        tpu.wait_dma2 semaphore(%run_scoped3A : memref<!tpu.dma_semaphore, #tpu.memory_space<semaphore_mem>>) src(%dma_wait3A_110 : memref<632x128xf32, #tpu.memory_space<vmem_shared>>) dst(%dma_wait3A_108 : memref<632x128xf32, #tpu.memory_space<hbm>>)
        tpu.yield
      }) : () -> ()
    } else {
    }
    return
  }
}

#map = affine_map<(d0, d1) -> (0, 0, 0)>
module attributes {stable_mosaic.version = 14 : i64} {
  func.func @_deg_kernel(%arg0: i32, %arg1: i32, %arg2: memref<16x184x112xi32, #tpu.memory_space<hbm>>, %arg3: memref<16x184x112xi32, #tpu.memory_space<hbm>>, %arg4: memref<16x184x112xf32, #tpu.memory_space<hbm>>, %arg5: memref<32x2x10240xf32, #tpu.memory_space<hbm>>, %arg6: memref<184x112xi32, #tpu.memory_space<vmem>>, %arg7: memref<184x112xi32, #tpu.memory_space<vmem>>, %arg8: memref<184x112xf32, #tpu.memory_space<vmem>>, %arg9: memref<10240xf32, #tpu.memory_space<vmem>>, %arg10: memref<10240xf32, #tpu.memory_space<vmem>>) attributes {dimension_semantics = [#tpu.dimension_semantics<core_parallel>, #tpu.dimension_semantics<subcore_parallel>], iteration_bounds = array<i64: 2, 16>, scalar_prefetch = 0 : i64, scratch_operands = 5 : i64, tpu.core_type = #tpu.core_type<sc_vector_subcore>, window_params = [{transform_indices = #map}, {transform_indices = #map}, {transform_indices = #map}, {transform_indices = #map}]} {
    "tpu.region"() ({
      %run_scoped3A_12 = tpu.sem_alloc : memref<!tpu.dma_semaphore, #tpu.memory_space<semaphore_mem>>
      %dma_start3A = arith.constant 0 : i32
      %dma_start3A_13 = arith.constant 0 : i32
      %dma_start3A_14 = tpu.memref_slice %arg2[%arg1, %dma_start3A, %dma_start3A_13] : memref<16x184x112xi32, #tpu.memory_space<hbm>> -> memref<1x184x112xi32, #tpu.memory_space<hbm>>
      %dma_start3A_15 = tpu.memref_squeeze %dma_start3A_14 : memref<1x184x112xi32, #tpu.memory_space<hbm>> -> memref<184x112xi32, #tpu.memory_space<hbm>>
      %dma_start3A_16 = arith.constant 0 : i32
      %dma_start3A_17 = arith.constant 0 : i32
      %dma_start3A_18 = tpu.memref_slice %arg2[%arg1, %dma_start3A_16, %dma_start3A_17] : memref<16x184x112xi32, #tpu.memory_space<hbm>> -> memref<1x184x112xi32, #tpu.memory_space<hbm>>
      %dma_start3A_19 = tpu.memref_squeeze %dma_start3A_18 : memref<1x184x112xi32, #tpu.memory_space<hbm>> -> memref<184x112xi32, #tpu.memory_space<hbm>>
      tpu.enqueue_dma source(%dma_start3A_19 : memref<184x112xi32, #tpu.memory_space<hbm>>) target(%arg6 : memref<184x112xi32, #tpu.memory_space<vmem>>) target_semaphore(%run_scoped3A_12 : memref<!tpu.dma_semaphore, #tpu.memory_space<semaphore_mem>>)
      %dma_wait3A = arith.constant 0 : i32
      %dma_wait3A_20 = arith.constant 0 : i32
      %dma_wait3A_21 = tpu.memref_slice %arg2[%arg1, %dma_wait3A, %dma_wait3A_20] : memref<16x184x112xi32, #tpu.memory_space<hbm>> -> memref<1x184x112xi32, #tpu.memory_space<hbm>>
      %dma_wait3A_22 = tpu.memref_squeeze %dma_wait3A_21 : memref<1x184x112xi32, #tpu.memory_space<hbm>> -> memref<184x112xi32, #tpu.memory_space<hbm>>
      %dma_wait3A_23 = arith.constant 0 : i32
      %dma_wait3A_24 = arith.constant 0 : i32
      %dma_wait3A_25 = tpu.memref_slice %arg2[%arg1, %dma_wait3A_23, %dma_wait3A_24] : memref<16x184x112xi32, #tpu.memory_space<hbm>> -> memref<1x184x112xi32, #tpu.memory_space<hbm>>
      %dma_wait3A_26 = tpu.memref_squeeze %dma_wait3A_25 : memref<1x184x112xi32, #tpu.memory_space<hbm>> -> memref<184x112xi32, #tpu.memory_space<hbm>>
      tpu.wait_dma2 semaphore(%run_scoped3A_12 : memref<!tpu.dma_semaphore, #tpu.memory_space<semaphore_mem>>) src(%dma_wait3A_26 : memref<184x112xi32, #tpu.memory_space<hbm>>) dst(%arg6 : memref<184x112xi32, #tpu.memory_space<vmem>>)
      tpu.yield
    }) : () -> ()
    "tpu.region"() ({
      %run_scoped3A_12 = tpu.sem_alloc : memref<!tpu.dma_semaphore, #tpu.memory_space<semaphore_mem>>
      %dma_start3A = arith.constant 0 : i32
      %dma_start3A_13 = arith.constant 0 : i32
      %dma_start3A_14 = tpu.memref_slice %arg3[%arg1, %dma_start3A, %dma_start3A_13] : memref<16x184x112xi32, #tpu.memory_space<hbm>> -> memref<1x184x112xi32, #tpu.memory_space<hbm>>
      %dma_start3A_15 = tpu.memref_squeeze %dma_start3A_14 : memref<1x184x112xi32, #tpu.memory_space<hbm>> -> memref<184x112xi32, #tpu.memory_space<hbm>>
      %dma_start3A_16 = arith.constant 0 : i32
      %dma_start3A_17 = arith.constant 0 : i32
      %dma_start3A_18 = tpu.memref_slice %arg3[%arg1, %dma_start3A_16, %dma_start3A_17] : memref<16x184x112xi32, #tpu.memory_space<hbm>> -> memref<1x184x112xi32, #tpu.memory_space<hbm>>
      %dma_start3A_19 = tpu.memref_squeeze %dma_start3A_18 : memref<1x184x112xi32, #tpu.memory_space<hbm>> -> memref<184x112xi32, #tpu.memory_space<hbm>>
      tpu.enqueue_dma source(%dma_start3A_19 : memref<184x112xi32, #tpu.memory_space<hbm>>) target(%arg7 : memref<184x112xi32, #tpu.memory_space<vmem>>) target_semaphore(%run_scoped3A_12 : memref<!tpu.dma_semaphore, #tpu.memory_space<semaphore_mem>>)
      %dma_wait3A = arith.constant 0 : i32
      %dma_wait3A_20 = arith.constant 0 : i32
      %dma_wait3A_21 = tpu.memref_slice %arg3[%arg1, %dma_wait3A, %dma_wait3A_20] : memref<16x184x112xi32, #tpu.memory_space<hbm>> -> memref<1x184x112xi32, #tpu.memory_space<hbm>>
      %dma_wait3A_22 = tpu.memref_squeeze %dma_wait3A_21 : memref<1x184x112xi32, #tpu.memory_space<hbm>> -> memref<184x112xi32, #tpu.memory_space<hbm>>
      %dma_wait3A_23 = arith.constant 0 : i32
      %dma_wait3A_24 = arith.constant 0 : i32
      %dma_wait3A_25 = tpu.memref_slice %arg3[%arg1, %dma_wait3A_23, %dma_wait3A_24] : memref<16x184x112xi32, #tpu.memory_space<hbm>> -> memref<1x184x112xi32, #tpu.memory_space<hbm>>
      %dma_wait3A_26 = tpu.memref_squeeze %dma_wait3A_25 : memref<1x184x112xi32, #tpu.memory_space<hbm>> -> memref<184x112xi32, #tpu.memory_space<hbm>>
      tpu.wait_dma2 semaphore(%run_scoped3A_12 : memref<!tpu.dma_semaphore, #tpu.memory_space<semaphore_mem>>) src(%dma_wait3A_26 : memref<184x112xi32, #tpu.memory_space<hbm>>) dst(%arg7 : memref<184x112xi32, #tpu.memory_space<vmem>>)
      tpu.yield
    }) : () -> ()
    "tpu.region"() ({
      %run_scoped3A_12 = tpu.sem_alloc : memref<!tpu.dma_semaphore, #tpu.memory_space<semaphore_mem>>
      %dma_start3A = arith.constant 0 : i32
      %dma_start3A_13 = arith.constant 0 : i32
      %dma_start3A_14 = tpu.memref_slice %arg4[%arg1, %dma_start3A, %dma_start3A_13] : memref<16x184x112xf32, #tpu.memory_space<hbm>> -> memref<1x184x112xf32, #tpu.memory_space<hbm>>
      %dma_start3A_15 = tpu.memref_squeeze %dma_start3A_14 : memref<1x184x112xf32, #tpu.memory_space<hbm>> -> memref<184x112xf32, #tpu.memory_space<hbm>>
      %dma_start3A_16 = arith.constant 0 : i32
      %dma_start3A_17 = arith.constant 0 : i32
      %dma_start3A_18 = tpu.memref_slice %arg4[%arg1, %dma_start3A_16, %dma_start3A_17] : memref<16x184x112xf32, #tpu.memory_space<hbm>> -> memref<1x184x112xf32, #tpu.memory_space<hbm>>
      %dma_start3A_19 = tpu.memref_squeeze %dma_start3A_18 : memref<1x184x112xf32, #tpu.memory_space<hbm>> -> memref<184x112xf32, #tpu.memory_space<hbm>>
      tpu.enqueue_dma source(%dma_start3A_19 : memref<184x112xf32, #tpu.memory_space<hbm>>) target(%arg8 : memref<184x112xf32, #tpu.memory_space<vmem>>) target_semaphore(%run_scoped3A_12 : memref<!tpu.dma_semaphore, #tpu.memory_space<semaphore_mem>>)
      %dma_wait3A = arith.constant 0 : i32
      %dma_wait3A_20 = arith.constant 0 : i32
      %dma_wait3A_21 = tpu.memref_slice %arg4[%arg1, %dma_wait3A, %dma_wait3A_20] : memref<16x184x112xf32, #tpu.memory_space<hbm>> -> memref<1x184x112xf32, #tpu.memory_space<hbm>>
      %dma_wait3A_22 = tpu.memref_squeeze %dma_wait3A_21 : memref<1x184x112xf32, #tpu.memory_space<hbm>> -> memref<184x112xf32, #tpu.memory_space<hbm>>
      %dma_wait3A_23 = arith.constant 0 : i32
      %dma_wait3A_24 = arith.constant 0 : i32
      %dma_wait3A_25 = tpu.memref_slice %arg4[%arg1, %dma_wait3A_23, %dma_wait3A_24] : memref<16x184x112xf32, #tpu.memory_space<hbm>> -> memref<1x184x112xf32, #tpu.memory_space<hbm>>
      %dma_wait3A_26 = tpu.memref_squeeze %dma_wait3A_25 : memref<1x184x112xf32, #tpu.memory_space<hbm>> -> memref<184x112xf32, #tpu.memory_space<hbm>>
      tpu.wait_dma2 semaphore(%run_scoped3A_12 : memref<!tpu.dma_semaphore, #tpu.memory_space<semaphore_mem>>) src(%dma_wait3A_26 : memref<184x112xf32, #tpu.memory_space<hbm>>) dst(%arg8 : memref<184x112xf32, #tpu.memory_space<vmem>>)
      tpu.yield
    }) : () -> ()
    %broadcast_in_dim3A = arith.constant 0.000000e+00 : f32
    %broadcast_in_dim3A_0 = vector.broadcast %broadcast_in_dim3A : f32 to vector<16xf32>
    %scan3A = arith.constant 0 : i32
    %scan3A_1 = arith.constant 640 : i32
    %scan3A_2 = arith.addi %scan3A, %scan3A_1 : i32
    %scan3A_3 = arith.constant 1 : i32
    scf.for %scan3A_12 = %scan3A to %scan3A_2 step %scan3A_3  : i32 {
      %mul3A_13 = arith.constant 1 : i32
      %mul3A_14 = arith.muli %scan3A_12, %mul3A_13 : i32
      %add3A_15 = arith.constant 0 : i32
      %add3A_16 = arith.addi %add3A_15, %mul3A_14 : i32
      %mul3A_17 = arith.constant 16 : i32
      %mul3A_18 = arith.muli %add3A_16, %mul3A_17 : i32
      %swap3A = arith.index_cast %mul3A_18 : i32 to index
      %swap3A_19 = tpu.vector_load %arg9[%swap3A] {strides = array<i32>} : memref<10240xf32, #tpu.memory_space<vmem>>, vector<16xf32>,
      tpu.vector_store %arg9[%swap3A], %broadcast_in_dim3A_0 {strides = array<i32>} : memref<10240xf32, #tpu.memory_space<vmem>>, vector<16xf32>,
      %mul3A_20 = arith.constant 16 : i32
      %mul3A_21 = arith.muli %add3A_16, %mul3A_20 : i32
      %swap3A_22 = arith.index_cast %mul3A_21 : i32 to index
      %swap3A_23 = tpu.vector_load %arg10[%swap3A_22] {strides = array<i32>} : memref<10240xf32, #tpu.memory_space<vmem>>, vector<16xf32>,
      tpu.vector_store %arg10[%swap3A_22], %broadcast_in_dim3A_0 {strides = array<i32>} : memref<10240xf32, #tpu.memory_space<vmem>>, vector<16xf32>,
    }
    %scan3A_4 = arith.constant 640 : i32
    %scan3A_5 = arith.constant 0 : i32
    %scan3A_6 = arith.constant 92 : i32
    %scan3A_7 = arith.addi %scan3A_5, %scan3A_6 : i32
    %scan3A_8 = arith.constant 1 : i32
    scf.for %scan3A_12 = %scan3A_5 to %scan3A_7 step %scan3A_8  : i32 {
      %mul3A_13 = arith.constant 1 : i32
      %mul3A_14 = arith.muli %scan3A_12, %mul3A_13 : i32
      %add3A_15 = arith.constant 0 : i32
      %add3A_16 = arith.addi %add3A_15, %mul3A_14 : i32
      %mul3A_17 = arith.constant 92 : i32
      %mul3A_18 = arith.muli %arg0, %mul3A_17 : i32
      %add3A_19 = arith.addi %mul3A_18, %add3A_16 : i32
      %scan3A_20 = arith.constant 0 : i32
      %scan3A_21 = arith.constant 7 : i32
      %scan3A_22 = arith.addi %scan3A_20, %scan3A_21 : i32
      %scan3A_23 = arith.constant 1 : i32
      scf.for %scan3A_25 = %scan3A_20 to %scan3A_22 step %scan3A_23  : i32 {
        %mul3A_26 = arith.constant 1 : i32
        %mul3A_27 = arith.muli %scan3A_25, %mul3A_26 : i32
        %add3A_28 = arith.constant 0 : i32
        %add3A_29 = arith.addi %add3A_28, %mul3A_27 : i32
        %mul3A_30 = arith.constant 16 : i32
        %mul3A_31 = arith.muli %add3A_29, %mul3A_30 : i32
        %get3A = arith.index_cast %add3A_19 : i32 to index
        %get3A_32 = arith.index_cast %mul3A_31 : i32 to index
        %get3A_33 = tpu.vector_load %arg6[%get3A, %get3A_32] {strides = array<i32>} : memref<184x112xi32, #tpu.memory_space<vmem>>, vector<16xi32>,
        %mul3A_34 = arith.constant 16 : i32
        %mul3A_35 = arith.muli %add3A_29, %mul3A_34 : i32
        %get3A_36 = arith.index_cast %add3A_19 : i32 to index
        %get3A_37 = arith.index_cast %mul3A_35 : i32 to index
        %get3A_38 = tpu.vector_load %arg7[%get3A_36, %get3A_37] {strides = array<i32>} : memref<184x112xi32, #tpu.memory_space<vmem>>, vector<16xi32>,
        %mul3A_39 = arith.constant 16 : i32
        %mul3A_40 = arith.muli %add3A_29, %mul3A_39 : i32
        %get3A_41 = arith.index_cast %add3A_19 : i32 to index
        %get3A_42 = arith.index_cast %mul3A_40 : i32 to index
        %get3A_43 = tpu.vector_load %arg8[%get3A_41, %get3A_42] {strides = array<i32>} : memref<184x112xf32, #tpu.memory_space<vmem>>, vector<16xf32>,
        tpu.vector_store_idx %arg9[%get3A_33], %get3A_43 {add = true} : memref<10240xf32, #tpu.memory_space<vmem>>[vector<16xi32>], vector<16xf32>,
        tpu.vector_store_idx %arg10[%get3A_38], %get3A_43 {add = true} : memref<10240xf32, #tpu.memory_space<vmem>>[vector<16xi32>], vector<16xf32>,
      }
      %scan3A_24 = arith.constant 7 : i32
    }
    %scan3A_9 = arith.constant 92 : i32
    %mul3A = arith.constant 16 : i32
    %mul3A_10 = arith.muli %arg0, %mul3A : i32
    %add3A = arith.addi %mul3A_10, %arg1 : i32
    %run_scoped3A = arith.constant 0 : i32
    "tpu.region"() ({
      %run_scoped3A_12 = tpu.sem_alloc : memref<!tpu.dma_semaphore, #tpu.memory_space<semaphore_mem>>
      %dma_start3A = arith.constant 0 : i32
      %dma_start3A_13 = tpu.memref_slice %arg5[%add3A, %run_scoped3A, %dma_start3A] : memref<32x2x10240xf32, #tpu.memory_space<hbm>> -> memref<1x1x10240xf32, #tpu.memory_space<hbm>>
      %dma_start3A_14 = tpu.memref_squeeze %dma_start3A_13 : memref<1x1x10240xf32, #tpu.memory_space<hbm>> -> memref<10240xf32, #tpu.memory_space<hbm>>
      %dma_start3A_15 = arith.constant 0 : i32
      %dma_start3A_16 = tpu.memref_slice %arg5[%add3A, %run_scoped3A, %dma_start3A_15] : memref<32x2x10240xf32, #tpu.memory_space<hbm>> -> memref<1x1x10240xf32, #tpu.memory_space<hbm>>
      %dma_start3A_17 = tpu.memref_squeeze %dma_start3A_16 : memref<1x1x10240xf32, #tpu.memory_space<hbm>> -> memref<10240xf32, #tpu.memory_space<hbm>>
      tpu.enqueue_dma source(%arg9 : memref<10240xf32, #tpu.memory_space<vmem>>) target(%dma_start3A_17 : memref<10240xf32, #tpu.memory_space<hbm>>) target_semaphore(%run_scoped3A_12 : memref<!tpu.dma_semaphore, #tpu.memory_space<semaphore_mem>>)
      %dma_wait3A = arith.constant 0 : i32
      %dma_wait3A_18 = tpu.memref_slice %arg5[%add3A, %run_scoped3A, %dma_wait3A] : memref<32x2x10240xf32, #tpu.memory_space<hbm>> -> memref<1x1x10240xf32, #tpu.memory_space<hbm>>
      %dma_wait3A_19 = tpu.memref_squeeze %dma_wait3A_18 : memref<1x1x10240xf32, #tpu.memory_space<hbm>> -> memref<10240xf32, #tpu.memory_space<hbm>>
      %dma_wait3A_20 = arith.constant 0 : i32
      %dma_wait3A_21 = tpu.memref_slice %arg5[%add3A, %run_scoped3A, %dma_wait3A_20] : memref<32x2x10240xf32, #tpu.memory_space<hbm>> -> memref<1x1x10240xf32, #tpu.memory_space<hbm>>
      %dma_wait3A_22 = tpu.memref_squeeze %dma_wait3A_21 : memref<1x1x10240xf32, #tpu.memory_space<hbm>> -> memref<10240xf32, #tpu.memory_space<hbm>>
      tpu.wait_dma2 semaphore(%run_scoped3A_12 : memref<!tpu.dma_semaphore, #tpu.memory_space<semaphore_mem>>) src(%arg9 : memref<10240xf32, #tpu.memory_space<vmem>>) dst(%dma_wait3A_22 : memref<10240xf32, #tpu.memory_space<hbm>>)
      tpu.yield
    }) : () -> ()
    %run_scoped3A_11 = arith.constant 1 : i32
    "tpu.region"() ({
      %run_scoped3A_12 = tpu.sem_alloc : memref<!tpu.dma_semaphore, #tpu.memory_space<semaphore_mem>>
      %dma_start3A = arith.constant 0 : i32
      %dma_start3A_13 = tpu.memref_slice %arg5[%add3A, %run_scoped3A_11, %dma_start3A] : memref<32x2x10240xf32, #tpu.memory_space<hbm>> -> memref<1x1x10240xf32, #tpu.memory_space<hbm>>
      %dma_start3A_14 = tpu.memref_squeeze %dma_start3A_13 : memref<1x1x10240xf32, #tpu.memory_space<hbm>> -> memref<10240xf32, #tpu.memory_space<hbm>>
      %dma_start3A_15 = arith.constant 0 : i32
      %dma_start3A_16 = tpu.memref_slice %arg5[%add3A, %run_scoped3A_11, %dma_start3A_15] : memref<32x2x10240xf32, #tpu.memory_space<hbm>> -> memref<1x1x10240xf32, #tpu.memory_space<hbm>>
      %dma_start3A_17 = tpu.memref_squeeze %dma_start3A_16 : memref<1x1x10240xf32, #tpu.memory_space<hbm>> -> memref<10240xf32, #tpu.memory_space<hbm>>
      tpu.enqueue_dma source(%arg10 : memref<10240xf32, #tpu.memory_space<vmem>>) target(%dma_start3A_17 : memref<10240xf32, #tpu.memory_space<hbm>>) target_semaphore(%run_scoped3A_12 : memref<!tpu.dma_semaphore, #tpu.memory_space<semaphore_mem>>)
      %dma_wait3A = arith.constant 0 : i32
      %dma_wait3A_18 = tpu.memref_slice %arg5[%add3A, %run_scoped3A_11, %dma_wait3A] : memref<32x2x10240xf32, #tpu.memory_space<hbm>> -> memref<1x1x10240xf32, #tpu.memory_space<hbm>>
      %dma_wait3A_19 = tpu.memref_squeeze %dma_wait3A_18 : memref<1x1x10240xf32, #tpu.memory_space<hbm>> -> memref<10240xf32, #tpu.memory_space<hbm>>
      %dma_wait3A_20 = arith.constant 0 : i32
      %dma_wait3A_21 = tpu.memref_slice %arg5[%add3A, %run_scoped3A_11, %dma_wait3A_20] : memref<32x2x10240xf32, #tpu.memory_space<hbm>> -> memref<1x1x10240xf32, #tpu.memory_space<hbm>>
      %dma_wait3A_22 = tpu.memref_squeeze %dma_wait3A_21 : memref<1x1x10240xf32, #tpu.memory_space<hbm>> -> memref<10240xf32, #tpu.memory_space<hbm>>
      tpu.wait_dma2 semaphore(%run_scoped3A_12 : memref<!tpu.dma_semaphore, #tpu.memory_space<semaphore_mem>>) src(%arg10 : memref<10240xf32, #tpu.memory_space<vmem>>) dst(%dma_wait3A_22 : memref<10240xf32, #tpu.memory_space<hbm>>)
      tpu.yield
    }) : () -> ()
    return
  }
}

module attributes {stable_mosaic.version = 14 : i64} {
  func.func @_degsum_body(%arg0: i32, %arg1: memref<32x2x1280xf32, #tpu.memory_space<vmem>>, %arg2: memref<2x1280xf32, #tpu.memory_space<vmem>>) attributes {dimension_semantics = [#tpu.dimension_semantics<arbitrary>], iteration_bounds = array<i64: 8>, scalar_prefetch = 0 : i64, scratch_operands = 0 : i64, tpu.core_type = #tpu.core_type<tc>, window_params = [{transform_indices = @transform_0, window_bounds = array<i64: 32, 2, 1280>}, {transform_indices = @transform_1, window_bounds = array<i64: 2, 1280>}]} {
    %get3A = arith.constant 0 : index
    %get3A_0 = arith.constant 0 : index
    %get3A_1 = arith.constant 0 : index
    %get3A_2 = vector.load %arg1[%get3A, %get3A_0, %get3A_1] : memref<32x2x1280xf32, #tpu.memory_space<vmem>>, vector<32x2x1280xf32>
    %reduce_sum3A = arith.constant dense<0.000000e+00> : vector<2x1280xf32>
    %reduce_sum3A_3 = vector.multi_reduction <add>, %get3A_2, %reduce_sum3A [0] : vector<32x2x1280xf32> to vector<2x1280xf32>
    %gt3A = arith.constant 0.000000e+00 : f32
    %gt3A_4 = vector.broadcast %gt3A : f32 to vector<2x1280xf32>
    %gt3A_5 = arith.cmpf ogt, %reduce_sum3A_3, %gt3A_4 : vector<2x1280xf32>
    %jit3A = arith.constant 1.000000e+00 : f32
    %broadcast_in_dim3A = vector.broadcast %jit3A : f32 to vector<2x1280xf32>
    %select_n3A = arith.select %gt3A_5, %reduce_sum3A_3, %broadcast_in_dim3A : vector<2x1280xi1>, vector<2x1280xf32>
    %gt3A_6 = arith.constant 0.000000e+00 : f32
    %gt3A_7 = vector.broadcast %gt3A_6 : f32 to vector<2x1280xf32>
    %gt3A_8 = arith.cmpf ogt, %reduce_sum3A_3, %gt3A_7 : vector<2x1280xf32>
    %rsqrt3A = math.rsqrt %select_n3A : vector<2x1280xf32>
    %jit3A_9 = arith.constant 0.000000e+00 : f32
    %broadcast_in_dim3A_10 = vector.broadcast %jit3A_9 : f32 to vector<2x1280xf32>
    %select_n3A_11 = arith.select %gt3A_8, %rsqrt3A, %broadcast_in_dim3A_10 : vector<2x1280xi1>, vector<2x1280xf32>
    %swap3A = arith.constant 0 : index
    %swap3A_12 = arith.constant 0 : index
    %swap3A_13 = vector.load %arg2[%swap3A, %swap3A_12] : memref<2x1280xf32, #tpu.memory_space<vmem>>, vector<2x1280xf32>
    tpu.vector_store %arg2[%swap3A, %swap3A_12], %select_n3A_11 {strides = array<i32>} : memref<2x1280xf32, #tpu.memory_space<vmem>>, vector<2x1280xf32>,
    return
  }
  func.func @transform_0(%arg0: i32) -> (i32, i32, i32) {
    %c0_i32 = arith.constant 0 : i32
    %c0_i32_0 = arith.constant 0 : i32
    %c0_i32_1 = arith.constant 0 : i32
    return %c0_i32, %c0_i32_0, %arg0 : i32, i32, i32
  }
  func.func @transform_1(%arg0: i32) -> (i32, i32) {
    %c0_i32 = arith.constant 0 : i32
    %c0_i32_0 = arith.constant 0 : i32
    return %c0_i32, %arg0 : i32, i32
  }
}

module attributes {stable_mosaic.version = 14 : i64} {
  func.func @_uv_body(%arg0: i32, %arg1: memref<1024x128xf32, #tpu.memory_space<vmem>>, %arg2: memref<128x128xf32, #tpu.memory_space<vmem>>, %arg3: memref<128x128xf32, #tpu.memory_space<vmem>>, %arg4: memref<1024x2xf32, #tpu.memory_space<vmem>>, %arg5: memref<1024x128xbf16, #tpu.memory_space<vmem>>, %arg6: memref<1024x128xbf16, #tpu.memory_space<vmem>>) attributes {dimension_semantics = [#tpu.dimension_semantics<arbitrary>], iteration_bounds = array<i64: 10>, scalar_prefetch = 0 : i64, scratch_operands = 0 : i64, tpu.core_type = #tpu.core_type<tc>, window_params = [{transform_indices = @transform_0, window_bounds = array<i64: 1024, 128>}, {pipeline_mode = #tpu.pipeline_mode<synchronous>, transform_indices = @transform_1, window_bounds = array<i64: 128, 128>}, {pipeline_mode = #tpu.pipeline_mode<synchronous>, transform_indices = @transform_2, window_bounds = array<i64: 128, 128>}, {transform_indices = @transform_3, window_bounds = array<i64: 1024, 2>}, {transform_indices = @transform_4, window_bounds = array<i64: 1024, 128>}, {transform_indices = @transform_5, window_bounds = array<i64: 1024, 128>}]} {
    %get3A = arith.constant 0 : index
    %get3A_0 = arith.constant 0 : index
    %get3A_1 = vector.load %arg1[%get3A, %get3A_0] : memref<1024x128xf32, #tpu.memory_space<vmem>>, vector<1024x128xf32>
    %get3A_2 = arith.constant 0 : index
    %get3A_3 = arith.constant 0 : index
    %get3A_4 = vector.load %arg4[%get3A_2, %get3A_3] : memref<1024x2xf32, #tpu.memory_space<vmem>>, vector<1024x2xf32>
    %get3A_5 = arith.constant 0 : index
    %get3A_6 = arith.constant 0 : index
    %get3A_7 = vector.load %arg2[%get3A_5, %get3A_6] : memref<128x128xf32, #tpu.memory_space<vmem>>, vector<128x128xf32>
    %dot_general3A = arith.constant dense<0.000000e+00> : vector<1024x128xf32>
    %dot_general3A_8 = tpu.matmul %get3A_1, %get3A_7, %dot_general3A {dimension_numbers = #tpu.dot_dimension_numbers<[1], [0], [0], [1], [0, 0, 1, 1], [], []>, precision = #tpu.contract_precision<fp32>, transpose_lhs_hint = false} : vector<1024x128xf32>, vector<128x128xf32>, vector<1024x128xf32> -> vector<1024x128xf32>
    %slice3A = vector.extract_strided_slice %get3A_4 {offsets = [0, 1], sizes = [1024, 1], strides = [1, 1]} : vector<1024x2xf32> to vector<1024x1xf32>
    %mul3A = vector.broadcast %slice3A : vector<1024x1xf32> to vector<1024x128xf32>
    %mul3A_9 = arith.mulf %dot_general3A_8, %mul3A : vector<1024x128xf32>
    %convert_element_type3A = arith.truncf %mul3A_9 : vector<1024x128xf32> to vector<1024x128xbf16>
    %swap3A = arith.constant 0 : index
    %swap3A_10 = arith.constant 0 : index
    %swap3A_11 = vector.load %arg5[%swap3A, %swap3A_10] : memref<1024x128xbf16, #tpu.memory_space<vmem>>, vector<1024x128xbf16>
    tpu.vector_store %arg5[%swap3A, %swap3A_10], %convert_element_type3A {strides = array<i32>} : memref<1024x128xbf16, #tpu.memory_space<vmem>>, vector<1024x128xbf16>,
    %get3A_12 = arith.constant 0 : index
    %get3A_13 = arith.constant 0 : index
    %get3A_14 = vector.load %arg3[%get3A_12, %get3A_13] : memref<128x128xf32, #tpu.memory_space<vmem>>, vector<128x128xf32>
    %dot_general3A_15 = arith.constant dense<0.000000e+00> : vector<1024x128xf32>
    %dot_general3A_16 = tpu.matmul %get3A_1, %get3A_14, %dot_general3A_15 {dimension_numbers = #tpu.dot_dimension_numbers<[1], [0], [0], [1], [0, 0, 1, 1], [], []>, precision = #tpu.contract_precision<fp32>, transpose_lhs_hint = false} : vector<1024x128xf32>, vector<128x128xf32>, vector<1024x128xf32> -> vector<1024x128xf32>
    %slice3A_17 = vector.extract_strided_slice %get3A_4 {offsets = [0, 0], sizes = [1024, 1], strides = [1, 1]} : vector<1024x2xf32> to vector<1024x1xf32>
    %mul3A_18 = vector.broadcast %slice3A_17 : vector<1024x1xf32> to vector<1024x128xf32>
    %mul3A_19 = arith.mulf %dot_general3A_16, %mul3A_18 : vector<1024x128xf32>
    %convert_element_type3A_20 = arith.truncf %mul3A_19 : vector<1024x128xf32> to vector<1024x128xbf16>
    %swap3A_21 = arith.constant 0 : index
    %swap3A_22 = arith.constant 0 : index
    %swap3A_23 = vector.load %arg6[%swap3A_21, %swap3A_22] : memref<1024x128xbf16, #tpu.memory_space<vmem>>, vector<1024x128xbf16>
    tpu.vector_store %arg6[%swap3A_21, %swap3A_22], %convert_element_type3A_20 {strides = array<i32>} : memref<1024x128xbf16, #tpu.memory_space<vmem>>, vector<1024x128xbf16>,
    return
  }
  func.func @transform_0(%arg0: i32) -> (i32, i32) {
    %c0_i32 = arith.constant 0 : i32
    %c0_i32_0 = arith.constant 0 : i32
    return %arg0, %c0_i32 : i32, i32
  }
  func.func @transform_1(%arg0: i32) -> (i32, i32) {
    %c0_i32 = arith.constant 0 : i32
    %c0_i32_0 = arith.constant 0 : i32
    %c0_i32_1 = arith.constant 0 : i32
    return %c0_i32, %c0_i32_0 : i32, i32
  }
  func.func @transform_2(%arg0: i32) -> (i32, i32) {
    %c0_i32 = arith.constant 0 : i32
    %c0_i32_0 = arith.constant 0 : i32
    %c0_i32_1 = arith.constant 0 : i32
    return %c0_i32, %c0_i32_0 : i32, i32
  }
  func.func @transform_3(%arg0: i32) -> (i32, i32) {
    %c0_i32 = arith.constant 0 : i32
    %c0_i32_0 = arith.constant 0 : i32
    return %arg0, %c0_i32 : i32, i32
  }
  func.func @transform_4(%arg0: i32) -> (i32, i32) {
    %c0_i32 = arith.constant 0 : i32
    %c0_i32_0 = arith.constant 0 : i32
    return %arg0, %c0_i32 : i32, i32
  }
  func.func @transform_5(%arg0: i32) -> (i32, i32) {
    %c0_i32 = arith.constant 0 : i32
    %c0_i32_0 = arith.constant 0 : i32
    return %arg0, %c0_i32 : i32, i32
  }
}

module attributes {stable_mosaic.version = 14 : i64} {
  func.func @_mid_body(%arg0: i32, %arg1: memref<1024x128xf32, #tpu.memory_space<vmem>>, %arg2: memref<1024x128xf32, #tpu.memory_space<vmem>>, %arg3: memref<1024x2xf32, #tpu.memory_space<vmem>>, %arg4: memref<1x128xf32, #tpu.memory_space<vmem>>, %arg5: memref<1x128xf32, #tpu.memory_space<vmem>>, %arg6: memref<1024x128xf32, #tpu.memory_space<vmem>>, %arg7: memref<128x128xf32, #tpu.memory_space<vmem>>, %arg8: memref<128x128xf32, #tpu.memory_space<vmem>>, %arg9: memref<1024x128xf32, #tpu.memory_space<vmem>>, %arg10: memref<1024x128xbf16, #tpu.memory_space<vmem>>, %arg11: memref<1024x128xbf16, #tpu.memory_space<vmem>>) attributes {dimension_semantics = [#tpu.dimension_semantics<arbitrary>], iteration_bounds = array<i64: 10>, scalar_prefetch = 0 : i64, scratch_operands = 0 : i64, tpu.core_type = #tpu.core_type<tc>, window_params = [{transform_indices = @transform_0, window_bounds = array<i64: 1024, 128>}, {transform_indices = @transform_1, window_bounds = array<i64: 1024, 128>}, {transform_indices = @transform_2, window_bounds = array<i64: 1024, 2>}, {pipeline_mode = #tpu.pipeline_mode<synchronous>, transform_indices = @transform_3, window_bounds = array<i64: 1, 128>}, {pipeline_mode = #tpu.pipeline_mode<synchronous>, transform_indices = @transform_4, window_bounds = array<i64: 1, 128>}, {transform_indices = @transform_5, window_bounds = array<i64: 1024, 128>}, {pipeline_mode = #tpu.pipeline_mode<synchronous>, transform_indices = @transform_6, window_bounds = array<i64: 128, 128>}, {pipeline_mode = #tpu.pipeline_mode<synchronous>, transform_indices = @transform_7, window_bounds = array<i64: 128, 128>}, {transform_indices = @transform_8, window_bounds = array<i64: 1024, 128>}, {transform_indices = @transform_9, window_bounds = array<i64: 1024, 128>}, {transform_indices = @transform_10, window_bounds = array<i64: 1024, 128>}]} {
    %get3A = arith.constant 0 : index
    %get3A_0 = arith.constant 0 : index
    %get3A_1 = vector.load %arg3[%get3A, %get3A_0] : memref<1024x2xf32, #tpu.memory_space<vmem>>, vector<1024x2xf32>
    %slice3A = vector.extract_strided_slice %get3A_1 {offsets = [0, 0], sizes = [1024, 1], strides = [1, 1]} : vector<1024x2xf32> to vector<1024x1xf32>
    %get3A_2 = arith.constant 0 : index
    %get3A_3 = arith.constant 0 : index
    %get3A_4 = vector.load %arg1[%get3A_2, %get3A_3] : memref<1024x128xf32, #tpu.memory_space<vmem>>, vector<1024x128xf32>
    %mul3A = vector.broadcast %slice3A : vector<1024x1xf32> to vector<1024x128xf32>
    %mul3A_5 = arith.mulf %mul3A, %get3A_4 : vector<1024x128xf32>
    %get3A_6 = arith.constant 0 : index
    %get3A_7 = arith.constant 0 : index
    %get3A_8 = vector.load %arg4[%get3A_6, %get3A_7] : memref<1x128xf32, #tpu.memory_space<vmem>>, vector<1x128xf32>
    %add3A = vector.broadcast %get3A_8 : vector<1x128xf32> to vector<1024x128xf32>
    %add3A_9 = arith.addf %mul3A_5, %add3A : vector<1024x128xf32>
    %slice3A_10 = vector.extract_strided_slice %get3A_1 {offsets = [0, 1], sizes = [1024, 1], strides = [1, 1]} : vector<1024x2xf32> to vector<1024x1xf32>
    %get3A_11 = arith.constant 0 : index
    %get3A_12 = arith.constant 0 : index
    %get3A_13 = vector.load %arg2[%get3A_11, %get3A_12] : memref<1024x128xf32, #tpu.memory_space<vmem>>, vector<1024x128xf32>
    %mul3A_14 = vector.broadcast %slice3A_10 : vector<1024x1xf32> to vector<1024x128xf32>
    %mul3A_15 = arith.mulf %mul3A_14, %get3A_13 : vector<1024x128xf32>
    %get3A_16 = arith.constant 0 : index
    %get3A_17 = arith.constant 0 : index
    %get3A_18 = vector.load %arg5[%get3A_16, %get3A_17] : memref<1x128xf32, #tpu.memory_space<vmem>>, vector<1x128xf32>
    %add3A_19 = vector.broadcast %get3A_18 : vector<1x128xf32> to vector<1024x128xf32>
    %add3A_20 = arith.addf %mul3A_15, %add3A_19 : vector<1024x128xf32>
    %mul3A_21 = arith.constant 5.000000e-01 : f32
    %mul3A_22 = vector.broadcast %mul3A_21 : f32 to vector<1024x128xf32>
    %mul3A_23 = arith.mulf %mul3A_22, %add3A_9 : vector<1024x128xf32>
    %mul3A_24 = arith.constant 5.000000e-01 : f32
    %mul3A_25 = vector.broadcast %mul3A_24 : f32 to vector<1024x128xf32>
    %mul3A_26 = arith.mulf %mul3A_25, %add3A_20 : vector<1024x128xf32>
    %add3A_27 = arith.addf %mul3A_23, %mul3A_26 : vector<1024x128xf32>
    %max3A = arith.constant 0.000000e+00 : f32
    %max3A_28 = vector.broadcast %max3A : f32 to vector<1024x128xf32>
    %max3A_29 = arith.maximumf %add3A_27, %max3A_28 : vector<1024x128xf32>
    %get3A_30 = arith.constant 0 : index
    %get3A_31 = arith.constant 0 : index
    %get3A_32 = vector.load %arg3[%get3A_30, %get3A_31] : memref<1024x2xf32, #tpu.memory_space<vmem>>, vector<1024x2xf32>
    %get3A_33 = arith.constant 0 : index
    %get3A_34 = arith.constant 0 : index
    %get3A_35 = vector.load %arg6[%get3A_33, %get3A_34] : memref<1024x128xf32, #tpu.memory_space<vmem>>, vector<1024x128xf32>
    %max3A_36 = arith.maximumf %get3A_35, %max3A_29 : vector<1024x128xf32>
    %swap3A = arith.constant 0 : index
    %swap3A_37 = arith.constant 0 : index
    %swap3A_38 = vector.load %arg9[%swap3A, %swap3A_37] : memref<1024x128xf32, #tpu.memory_space<vmem>>, vector<1024x128xf32>
    tpu.vector_store %arg9[%swap3A, %swap3A_37], %max3A_36 {strides = array<i32>} : memref<1024x128xf32, #tpu.memory_space<vmem>>, vector<1024x128xf32>,
    %get3A_39 = arith.constant 0 : index
    %get3A_40 = arith.constant 0 : index
    %get3A_41 = vector.load %arg7[%get3A_39, %get3A_40] : memref<128x128xf32, #tpu.memory_space<vmem>>, vector<128x128xf32>
    %dot_general3A = arith.constant dense<0.000000e+00> : vector<1024x128xf32>
    %dot_general3A_42 = tpu.matmul %max3A_29, %get3A_41, %dot_general3A {dimension_numbers = #tpu.dot_dimension_numbers<[1], [0], [0], [1], [0, 0, 1, 1], [], []>, precision = #tpu.contract_precision<fp32>, transpose_lhs_hint = false} : vector<1024x128xf32>, vector<128x128xf32>, vector<1024x128xf32> -> vector<1024x128xf32>
    %slice3A_43 = vector.extract_strided_slice %get3A_32 {offsets = [0, 1], sizes = [1024, 1], strides = [1, 1]} : vector<1024x2xf32> to vector<1024x1xf32>
    %mul3A_44 = vector.broadcast %slice3A_43 : vector<1024x1xf32> to vector<1024x128xf32>
    %mul3A_45 = arith.mulf %dot_general3A_42, %mul3A_44 : vector<1024x128xf32>
    %convert_element_type3A = arith.truncf %mul3A_45 : vector<1024x128xf32> to vector<1024x128xbf16>
    %swap3A_46 = arith.constant 0 : index
    %swap3A_47 = arith.constant 0 : index
    %swap3A_48 = vector.load %arg10[%swap3A_46, %swap3A_47] : memref<1024x128xbf16, #tpu.memory_space<vmem>>, vector<1024x128xbf16>
    tpu.vector_store %arg10[%swap3A_46, %swap3A_47], %convert_element_type3A {strides = array<i32>} : memref<1024x128xbf16, #tpu.memory_space<vmem>>, vector<1024x128xbf16>,
    %get3A_49 = arith.constant 0 : index
    %get3A_50 = arith.constant 0 : index
    %get3A_51 = vector.load %arg8[%get3A_49, %get3A_50] : memref<128x128xf32, #tpu.memory_space<vmem>>, vector<128x128xf32>
    %dot_general3A_52 = arith.constant dense<0.000000e+00> : vector<1024x128xf32>
    %dot_general3A_53 = tpu.matmul %max3A_29, %get3A_51, %dot_general3A_52 {dimension_numbers = #tpu.dot_dimension_numbers<[1], [0], [0], [1], [0, 0, 1, 1], [], []>, precision = #tpu.contract_precision<fp32>, transpose_lhs_hint = false} : vector<1024x128xf32>, vector<128x128xf32>, vector<1024x128xf32> -> vector<1024x128xf32>
    %slice3A_54 = vector.extract_strided_slice %get3A_32 {offsets = [0, 0], sizes = [1024, 1], strides = [1, 1]} : vector<1024x2xf32> to vector<1024x1xf32>
    %mul3A_55 = vector.broadcast %slice3A_54 : vector<1024x1xf32> to vector<1024x128xf32>
    %mul3A_56 = arith.mulf %dot_general3A_53, %mul3A_55 : vector<1024x128xf32>
    %convert_element_type3A_57 = arith.truncf %mul3A_56 : vector<1024x128xf32> to vector<1024x128xbf16>
    %swap3A_58 = arith.constant 0 : index
    %swap3A_59 = arith.constant 0 : index
    %swap3A_60 = vector.load %arg11[%swap3A_58, %swap3A_59] : memref<1024x128xbf16, #tpu.memory_space<vmem>>, vector<1024x128xbf16>
    tpu.vector_store %arg11[%swap3A_58, %swap3A_59], %convert_element_type3A_57 {strides = array<i32>} : memref<1024x128xbf16, #tpu.memory_space<vmem>>, vector<1024x128xbf16>,
    return
  }
  func.func @transform_0(%arg0: i32) -> (i32, i32) {
    %c0_i32 = arith.constant 0 : i32
    %c0_i32_0 = arith.constant 0 : i32
    return %arg0, %c0_i32 : i32, i32
  }
  func.func @transform_1(%arg0: i32) -> (i32, i32) {
    %c0_i32 = arith.constant 0 : i32
    %c0_i32_0 = arith.constant 0 : i32
    return %arg0, %c0_i32 : i32, i32
  }
  func.func @transform_2(%arg0: i32) -> (i32, i32) {
    %c0_i32 = arith.constant 0 : i32
    %c0_i32_0 = arith.constant 0 : i32
    return %arg0, %c0_i32 : i32, i32
  }
  func.func @transform_3(%arg0: i32) -> (i32, i32) {
    %c0_i32 = arith.constant 0 : i32
    %c0_i32_0 = arith.constant 0 : i32
    %c0_i32_1 = arith.constant 0 : i32
    return %c0_i32, %c0_i32_0 : i32, i32
  }
  func.func @transform_4(%arg0: i32) -> (i32, i32) {
    %c0_i32 = arith.constant 0 : i32
    %c0_i32_0 = arith.constant 0 : i32
    %c0_i32_1 = arith.constant 0 : i32
    return %c0_i32, %c0_i32_0 : i32, i32
  }
  func.func @transform_5(%arg0: i32) -> (i32, i32) {
    %c0_i32 = arith.constant 0 : i32
    %c0_i32_0 = arith.constant 0 : i32
    return %arg0, %c0_i32 : i32, i32
  }
  func.func @transform_6(%arg0: i32) -> (i32, i32) {
    %c0_i32 = arith.constant 0 : i32
    %c0_i32_0 = arith.constant 0 : i32
    %c0_i32_1 = arith.constant 0 : i32
    return %c0_i32, %c0_i32_0 : i32, i32
  }
  func.func @transform_7(%arg0: i32) -> (i32, i32) {
    %c0_i32 = arith.constant 0 : i32
    %c0_i32_0 = arith.constant 0 : i32
    %c0_i32_1 = arith.constant 0 : i32
    return %c0_i32, %c0_i32_0 : i32, i32
  }
  func.func @transform_8(%arg0: i32) -> (i32, i32) {
    %c0_i32 = arith.constant 0 : i32
    %c0_i32_0 = arith.constant 0 : i32
    return %arg0, %c0_i32 : i32, i32
  }
  func.func @transform_9(%arg0: i32) -> (i32, i32) {
    %c0_i32 = arith.constant 0 : i32
    %c0_i32_0 = arith.constant 0 : i32
    return %arg0, %c0_i32 : i32, i32
  }
  func.func @transform_10(%arg0: i32) -> (i32, i32) {
    %c0_i32 = arith.constant 0 : i32
    %c0_i32_0 = arith.constant 0 : i32
    return %arg0, %c0_i32 : i32, i32
  }
}

module attributes {stable_mosaic.version = 14 : i64} {
  func.func @_fin_body(%arg0: i32, %arg1: memref<1024x128xf32, #tpu.memory_space<vmem>>, %arg2: memref<128x128xf32, #tpu.memory_space<vmem>>, %arg3: memref<1x128xf32, #tpu.memory_space<vmem>>, %arg4: memref<1024x128xf32, #tpu.memory_space<vmem>>) attributes {dimension_semantics = [#tpu.dimension_semantics<arbitrary>], iteration_bounds = array<i64: 10>, scalar_prefetch = 0 : i64, scratch_operands = 0 : i64, tpu.core_type = #tpu.core_type<tc>, window_params = [{transform_indices = @transform_0, window_bounds = array<i64: 1024, 128>}, {pipeline_mode = #tpu.pipeline_mode<synchronous>, transform_indices = @transform_1, window_bounds = array<i64: 128, 128>}, {pipeline_mode = #tpu.pipeline_mode<synchronous>, transform_indices = @transform_2, window_bounds = array<i64: 1, 128>}, {transform_indices = @transform_3, window_bounds = array<i64: 1024, 128>}]} {
    %get3A = arith.constant 0 : index
    %get3A_0 = arith.constant 0 : index
    %get3A_1 = vector.load %arg1[%get3A, %get3A_0] : memref<1024x128xf32, #tpu.memory_space<vmem>>, vector<1024x128xf32>
    %get3A_2 = arith.constant 0 : index
    %get3A_3 = arith.constant 0 : index
    %get3A_4 = vector.load %arg2[%get3A_2, %get3A_3] : memref<128x128xf32, #tpu.memory_space<vmem>>, vector<128x128xf32>
    %dot_general3A = arith.constant dense<0.000000e+00> : vector<1024x128xf32>
    %dot_general3A_5 = tpu.matmul %get3A_1, %get3A_4, %dot_general3A {dimension_numbers = #tpu.dot_dimension_numbers<[1], [0], [0], [1], [0, 0, 1, 1], [], []>, precision = #tpu.contract_precision<fp32>, transpose_lhs_hint = false} : vector<1024x128xf32>, vector<128x128xf32>, vector<1024x128xf32> -> vector<1024x128xf32>
    %get3A_6 = arith.constant 0 : index
    %get3A_7 = arith.constant 0 : index
    %get3A_8 = vector.load %arg3[%get3A_6, %get3A_7] : memref<1x128xf32, #tpu.memory_space<vmem>>, vector<1x128xf32>
    %add3A = vector.broadcast %get3A_8 : vector<1x128xf32> to vector<1024x128xf32>
    %add3A_9 = arith.addf %dot_general3A_5, %add3A : vector<1024x128xf32>
    %swap3A = arith.constant 0 : index
    %swap3A_10 = arith.constant 0 : index
    %swap3A_11 = vector.load %arg4[%swap3A, %swap3A_10] : memref<1024x128xf32, #tpu.memory_space<vmem>>, vector<1024x128xf32>
    tpu.vector_store %arg4[%swap3A, %swap3A_10], %add3A_9 {strides = array<i32>} : memref<1024x128xf32, #tpu.memory_space<vmem>>, vector<1024x128xf32>,
    return
  }
  func.func @transform_0(%arg0: i32) -> (i32, i32) {
    %c0_i32 = arith.constant 0 : i32
    %c0_i32_0 = arith.constant 0 : i32
    return %arg0, %c0_i32 : i32, i32
  }
  func.func @transform_1(%arg0: i32) -> (i32, i32) {
    %c0_i32 = arith.constant 0 : i32
    %c0_i32_0 = arith.constant 0 : i32
    %c0_i32_1 = arith.constant 0 : i32
    return %c0_i32, %c0_i32_0 : i32, i32
  }
  func.func @transform_2(%arg0: i32) -> (i32, i32) {
    %c0_i32 = arith.constant 0 : i32
    %c0_i32_0 = arith.constant 0 : i32
    %c0_i32_1 = arith.constant 0 : i32
    return %c0_i32, %c0_i32_0 : i32, i32
  }
  func.func @transform_3(%arg0: i32) -> (i32, i32) {
    %c0_i32 = arith.constant 0 : i32
    %c0_i32_0 = arith.constant 0 : i32
    return %arg0, %c0_i32 : i32, i32
  }
}

</mosaic_0001>

<sc_bundles>
// kernel: closed_call.17.cloned.1.call-start
scs
__scs_entry_jumppad:
0x0: {  	(pc) =	sbr.rel $0x88, $3  }
0x1: {  	(tag) =	ssettag $0x0;
	lr =	simm.s32 $0x1  }
0x2: {  	[smem:$0x3F98] =	sst lr;
	_ =	strace $0xD0000000  }
0x3: {  	_ = 	snop  }
0x4: {  	_ = 	snop  }
0x5: {  	_ = 	snop  }
0x6: {  	_ = 	snop  }
0x7: {  	_ = 	snop  }
__scs_overlays_trampoline_lowered:
0x8: {  	[smem:$0x3FA7] =	sst s0  }
0x9: {  	[smem:$0x3FA8] =	sst s1  }
0xa: {  	[smem:$0x3FA9] =	sst s2  }
0xb: {  	[smem:$0x3FAA] =	sst s3  }
0xc: {  	[smem:$0x3FAB] =	sst s4  }
0xd: {  	[smem:$0x3FAC] =	sst s5  }
0xe: {  	[smem:$0x3FAD] =	sst s6  }
0xf: {  	[smem:$0x3FAE] =	sst s7  }
0x10: {  	[smem:$0x3FAF] =	sst s8  }
0x11: {  	[smem:$0x3FB0] =	sst s9;
	s0 =	simm.s32 @!p0 $0x0  }
0x12: {  	s1 =	sld [smem:$0x3F96];
	s0 =	simm.s32 @p0 $0x1  }
0x13: {  	[smem:$0x3FB1] =	sst s0;
	s0 =	simm.s32 @!p1 $0x0  }
0x14: {  	s2 =	sld [smem:$0x3F95];
	s0 =	simm.s32 @p1 $0x1  }
0x15: {  	[smem:$0x3FB2] =	sst s0;
	s0 =	simm.s32 @!p2 $0x0  }
0x16: {  	s3 =	sld [smem:$0x3FDB];
	s0 =	simm.s32 @p2 $0x1  }
0x17: {  	s4 =	simm.s32 $0x1BF5;
	[smem:$0x3FB4] =	sst s0  }
0x18: {  	s0 =	sld [smem:$0x3F97];
	_ =	swait.ge [sflag:s4], $0x0  }
0x19: {  	s7 =	sld [smem:$0x3F98]  }
0x1a: {  	s8 =	sadd.s32 $0xFFFFE003, lr  }
0x1b: {  	s9 =	sadd.s32 $0xFFFFFEF7, lr;
	s5 =	simm.s32 $0xFFFFFFFF;
	p2 =	slt.u32 s8, $0xFFFFF086  }
0x1c: {  	p1 =	slt.u32 s9, $0xF7A;
	s5 =	simm.s32 @!p2 $0x0  }
0x1d: {  	s5 =	simm.s32 @p1 $0x1;
	p0 =	seq.s32 s7, s2  }
0x1e: {  	s7 =	smul.u32 @!p0 $0xF7A, s2;
	p2 =	seq.s32 @!p0 s5, $0x0  }
0x1f: {  	s9 =	smul.u32 $0xF7A, s1;
	s8 =	simm.s32 @!p0 $0x1BF5;
	p2 =	por !p2, p0  }
0x20: {  	[sflag:s8] =	ssyncset.s32 @!p0 $0xFFFFF086;
	s6 =	sadd.s32 @!p0 s3, s7;
	s7 =	simm.s32 @!p0 $0x108  }
0x21: {  	s3 =	sadd.s32 s3, s9;
	s6 =	sadd.s32 @!p0 $0x88, s6;
	s7 =	simm.s32 @p2 $0x1082  }
0x22: {  	[simem:s7], [sflag:s8] =	dma.local @!p0 [hbm:s6], $0xF7A  }
0x23: {  	s9 =	sor.u32 $0xD0000000, s2;
	s6 =	simm.s32 $0x108;
	_ =	swait.ge @!p0 [sflag:s8], $0x0  }
0x24: {  	s3 =	sadd.s32 $0x88, s3;
	s6 =	simm.s32 @!p1 $0x1082;
	[sflag:s4] =	ssyncset.s32 $0xFFFFF086  }
0x25: {  	[simem:s6], [sflag:s4] =	dma.local [hbm:s3], $0xF7A  }
0x26: {  	[smem:$0x3F98] =	sst s1;
	(tag) =	ssettag s2;
	_ =	strace s9  }
0x27: {  	s1 =	sld [smem:$0x3FA8]  }
0x28: {  	s2 =	sld [smem:$0x3FA9]  }
0x29: {  	s4 =	sld [smem:$0x3FAB]  }
0x2a: {  	p0 =	seq.s32 s5, $0x0;
	s5 =	sld [smem:$0x3FAC]  }
0x2b: {  	s6 =	sld [smem:$0x3FAD]  }
0x2c: {  	s7 =	sld [smem:$0x3FAE]  }
0x2d: {  	s3 =	simm.s32 $0x108;
	s8 =	sld [smem:$0x3FAF]  }
0x2e: {  	s3 =	simm.s32 @!p0 $0x1082;
	s9 =	sld [smem:$0x3FB0]  }
0x2f: {  	lr =	sadd.s32 s0, s3;
	s0 =	sld [smem:$0x3FA7]  }
0x30: {  	s3 =	sld [smem:$0x3FAA]  }
0x31: {  	[smem:$0x3FB3] =	sst s10  }
0x32: {  	s10 =	sld [smem:$0x3FB1];
	_ =	sdelay $0x3  }
0x33: {  	p0 =	seq.s32 s10, $0x1;
	s10 =	sld [smem:$0x3FB3];
	_ =	sdelay $0x3  }
0x34: {  	[smem:$0x3FB3] =	sst s10  }
0x35: {  	s10 =	sld [smem:$0x3FB2];
	_ =	sdelay $0x3  }
0x36: {  	p1 =	seq.s32 s10, $0x1;
	s10 =	sld [smem:$0x3FB3];
	_ =	sdelay $0x3  }
0x37: {  	[smem:$0x3FB3] =	sst s10  }
0x38: {  	s10 =	sld [smem:$0x3FB4]  }
0x39: {  	_ = 	snop;
	(pc) =	sbr.ind lr, $3  }
0x3a: {  	_ = 	snop  }
0x3b: {  	_ = 	snop  }
0x3c: {  	p2 =	seq.s32 s10, $0x1;
	s10 =	sld [smem:$0x3FB3]  }
0x3d: {  	_ =	shalt  }
0x3e: {  	_ =	shalt  }
0x3f: {  	_ =	shalt  }
0x40: {  	_ =	shalt  }
0x41: {  	_ =	shalt  }
0x42: {  	_ =	shalt  }
0x43: {  	_ =	shalt  }
0x44: {  	_ =	shalt  }
0x45: {  	_ =	shalt  }
0x46: {  	_ =	shalt  }
0x47: {  	_ =	shalt  }
0x48: {  	_ =	shalt  }
0x49: {  	_ =	shalt  }
0x4a: {  	_ =	shalt  }
0x4b: {  	_ =	shalt  }
0x4c: {  	_ =	shalt  }
0x4d: {  	_ =	shalt  }
0x4e: {  	_ =	shalt  }
0x4f: {  	_ =	shalt  }
0x50: {  	_ =	shalt  }
0x51: {  	_ =	shalt  }
0x52: {  	_ =	shalt  }
0x53: {  	_ =	shalt  }
0x54: {  	_ =	shalt  }
0x55: {  	_ =	shalt  }
0x56: {  	_ =	shalt  }
0x57: {  	_ =	shalt  }
0x58: {  	_ =	shalt  }
0x59: {  	_ =	shalt  }
0x5a: {  	_ =	shalt  }
0x5b: {  	_ =	shalt  }
0x5c: {  	_ =	shalt  }
0x5d: {  	_ =	shalt  }
0x5e: {  	_ =	shalt  }
0x5f: {  	_ =	shalt  }
0x60: {  	_ =	shalt  }
0x61: {  	_ =	shalt  }
0x62: {  	_ =	shalt  }
0x63: {  	_ =	shalt  }
0x64: {  	_ =	shalt  }
0x65: {  	_ =	shalt  }
0x66: {  	_ =	shalt  }
0x67: {  	_ =	shalt  }
0x68: {  	_ =	shalt  }
0x69: {  	_ =	shalt  }
0x6a: {  	_ =	shalt  }
0x6b: {  	_ =	shalt  }
0x6c: {  	_ =	shalt  }
0x6d: {  	_ =	shalt  }
0x6e: {  	_ =	shalt  }
0x6f: {  	_ =	shalt  }
0x70: {  	_ =	shalt  }
0x71: {  	_ =	shalt  }
0x72: {  	_ =	shalt  }
0x73: {  	_ =	shalt  }
0x74: {  	_ =	shalt  }
0x75: {  	_ =	shalt  }
0x76: {  	_ =	shalt  }
0x77: {  	_ =	shalt  }
0x78: {  	_ =	shalt  }
0x79: {  	_ =	shalt  }
0x7a: {  	_ =	shalt  }
0x7b: {  	_ =	shalt  }
0x7c: {  	_ =	shalt  }
0x7d: {  	_ =	shalt  }
0x7e: {  	_ =	shalt  }
0x7f: {  	_ =	shalt  }
0x80: {  	_ =	shalt  }
0x81: {  	_ =	shalt  }
0x82: {  	_ =	shalt  }
0x83: {  	_ =	shalt  }
0x84: {  	_ =	shalt  }
0x85: {  	_ =	shalt  }
0x86: {  	_ =	shalt  }
0x87: {  	_ =	shalt  }
.Lfunc_end0:
.L_simem_size_0:
called_computation_lowered:
.L_overlay_start_0:
0x88: {  	s2 =	sld [smem:$0x3FD9]  }
0x89: {  	s3 =	sld [smem:$0x3FFE];
	_ =	sdelay $0x1  }
0x8a: {  	s1 =	srdreg.scid  }
0x8b: {  	s0 =	sand.u32 $0x1, s1  }
0x8c: {  	s16 =	sshll.u32 s0, $0xA;
	s2 =	sadd.s32 s3, s2  }
0x8d: {  	s2 =	sadd.s32 s2, s16  }
0x8e: {  	[smem:$0x3FBF] =	sst s2  }
0x8f: {  	_ = 	snop  }
0x90: {  	(tm) =	ssettm $0x1  }
0x91: {  	s17 =	sld [smem:$0x3FFB];
	_ =	sdelay $0x3  }
0x92: {  	_ =	strace s17  }
0x93: {  	s2 =	sld [smem:$0x3FFC];
	_ =	sdelay $0x3  }
0x94: {  	_ =	strace s2  }
0x95: {  	s2 =	sld [smem:$0x3FFD];
	_ =	sdelay $0x3  }
0x96: {  	_ =	strace s2  }
0x97: {  	_ =	strace $0x8FFFFFFF  }
0x98: {  	s18 =	sld [smem:$0x3FDB];
	_ =	sdelay $0x1  }
0x99: {  	s19 =	simm.s32 $_scs_section_size  }
0x9a: {  	s4 =	simm.s32 $_size__tile_overlayer_lowered;
	s5 =	simm.s32 $_tile_overlayer_lowered  }
0x9b: {  	s22 =	simm.s32 $0x1BFF;
	s21 =	sshll.u32 s5, $0x1;
	s2 =	sadd.s32 s19, s18  }
0x9c: {  	s6 =	simm.s32 $0x0;
	s20 =	sshll.u32 s4, $0x1;
	s4 =	sadd.s32 s21, s2  }
0x9d: {  	[timem:s6], [sflag:s22] =	dma.local [hbm:s4], s20  }
0x9e: {  	_ =	swait.ge [sflag:s22], s20  }
0x9f: {  	s3 =	ssub.s32 $0x0, s20;
	[sflag:s22] =	ssyncset.done $0x0  }
0xa0: {  	[sflag:s22] =	ssyncadd.s32 s3;
	_ =	sdelay $0x1  }
0xa1: {  	s23 =	simm.s32 $0x1B8B  }
0xa2: {  	_ =	swait.ge [sflag:s23], $0x1  }
0xa3: {  	[sflag:s23] =	ssyncset.done $0x0  }
0xa4: {  	s25 =	simm.s32 $0x1B8E;
	s24 =	sld [smem:$0x3FFE];
	[sflag:s23] =	ssyncadd.s32 $0xFFFFFFFF  }
0xa5: {  	s26 =	simm.s32 $execute0_lowered;
	[smem:$0x3FD2] =	sst s25  }
0xa6: {  	s4 =	sshll.u32 s26, $0x1;
	_ =	strace $0x80000049;
	[dreg:$0x1] =	wrdreg $0xFFFFFFFF  }
0xa7: {  	s28 =	simm.s32 $_size_execute0_lowered;
	s2 =	sadd.s32 s2, s4;
	[dreg:$0x0] =	wrdreg $0x0  }
0xa8: {  	s4 =	sshll.u32 s28, $0x1;
	[dreg:$0x2] =	wrdreg s2  }
0xa9: {  	[dreg:$0x3] =	wrdreg s4  }
0xaa: {  	[dreg:$0x4] =	wrdreg $0xC0  }
0xab: {  	_ =	task [dreg:s6], $0x5FFFF  }
0xac: {  	[dreg:$0x1] =	wrdreg $0xFFFFFFFF  }
0xad: {  	[dreg:$0x0] =	wrdreg $0x60  }
0xae: {  	[dreg:$0x2] =	wrdreg s24  }
0xaf: {  	[dreg:$0x3] =	wrdreg $0xBD000  }
0xb0: {  	[dreg:$0x4] =	wrdreg $0x9  }
0xb1: {  	_ =	task.clear_ibuf [dreg:s6], $0x5FFFF;
	_ =	strace $0x90000049  }
0xb2: {  	s29 =	simm.s32 $0x9;
	_ =	strace $0x8000004B  }
0xb3: {  	_ =	swait.ge [sflag:s29], $0x1  }
0xb4: {  	[sflag:s29] =	ssyncadd.s32 $0xFFFFFFFF  }
0xb5: {  	_ =	strace $0x9000004B  }
0xb6: {  	_ =	sfence  }
0xb7: {  	s30 =	sld [smem:$0x0];
	_ =	sdelay $0x2  }
0xb8: {  	s31 =	sshll.u32 s1, $0xD;
	s1 =	sshrl.u32 s1, $0x2  }
0xb9: {  	s3 =	sand.u32 $0x4000, s31;
	s1 =	sadd.s32 s1, s30  }
0xba: {  	s0 =	sor.u32 s3, s0;
	s1 =	sshll.u32 s1, $0x11  }
0xbb: {  	s0 =	sor.u32 s1, s0  }
0xbc: {  	s0 =	sadd.s32 $0x8F2B, s0  }
0xbd: {  	[sflag:s0] =	ssyncadd.remote.s32 $0x1  }
0xbe: {  	_ =	sfence.sel $0xFFFF  }
0xbf: {  	[dreg:$0x0] =	wrdreg $0xFFFFFFFF;
	(pc) =	sbr.abs _section_cstart, $3  }
0xc0: {  	[dreg:$0x1] =	wrdreg $0xFFFFFFFF  }
0xc1: {  	_ =	task.clear_ibuf [dreg:s6], $0x2FFFF;
	_ =	strace $0x9FFFFFFF  }
0xc2: {  	(tm) =	ssettm $0x7FFFFFFF  }
0xc3: {  	_ =	shalt  }
tec
execute0_lowered:
.L_overlay_start_1:
0x0: {  	(tag) =	ssettag $0x1  }
0x1: {  	s0 =	rddreg [dreg:$0x0]  }
0x2: {  	s1 =	rddreg [dreg:$0x1]  }
0x3: {  	s2 =	simm.s32 $0x0;
	s17 =	stileid.u32;
	s8 =	srdreg.scid  }
0x4: {  	s30 =	simm.s32 $0x3100;
	s31 =	simm.s32 $0x3F00;
	[smem:$0x7FF] =	sst s2  }
0x5: {  	s3 =	sadd.s32 $0x6D400, s0;
	s4 =	sadd.s32 $0x59400, s0;
	s9 =	smul.u32 $0x4F000, s17  }
0x6: {  	s7 =	sadd.s32 $0x22800, s0;
	s5 =	sadd.s32 $0x2CA00, s0;
	s19 =	smul.u32 $0xA10, s17  }
0x7: {  	s6 =	sadd.s32 $0x18600, s0;
	s11 =	sand.u32 $0x1, s8;
	s8 =	smul.u32 $0x5080, s17  }
0x8: {  	s10 =	sadd.s32 $0x81400, s0;
	s0 =	sadd.s32 $0xA9400, s0;
	s21 =	smul.u32 $0x13C00, s17  }
0x9: {  	s17 =	simm.s32 $0x6;
	_ =	strace $0x8000004A;
	s12 =	ssub.s32 $0x2, s11  }
0xa: {  	p0 =	seq.s32 s11, $0x0;
	s15 =	smov.u32 s7;
	s18 =	sshrl.u32 s9, $0x2  }
0xb: {  	s13 =	sshrl.u32 s12, $0x1;
	s11 =	sadd.s32 s7, s19;
	s14 =	sshrl.u32 s8, $0x3  }
0xc: {  	s2 =	sadd.s32 s5, s19;
	s23 =	sshrl.u32 s21, $0x3;
	s15 =	smov.u32 @p0 s5  }
0xd: {  	s5 =	smov.u32 @p0 s7;
	s4 =	smov.u32 @p0 s3;
	s0 =	smov.u32 @p0 s10  }
0xe: {  	s3 =	simm.s32 $0x6900;
	s9 =	simm.s32 $0x2;
	s22 =	sadd.s32 s6, s14  }
0xf: {  	s7 =	simm.s32 $0x0;
	s16 =	sadd.s32 s18, s1;
	[dreg:$0x6] =	wrdreg s22  }
0x10: {  	s12 =	ssub.s32 s12, s13;
	s0 =	sadd.s32 s0, s23;
	[dreg:$0x3] =	wrdreg s16  }
0x11: {  	s13 =	sadd.s32 s21, s1;
	s20 =	sadd.s32 $0x11800, s16;
	[dreg:$0xd] =	wrdreg s0  }
0x12: {  	s14 =	simm.s32 $0x7;
	s12 =	smax.u32 s12, $0x1;
	[dreg:$0x4] =	wrdreg s20  }
0x13: {  	s24 =	sadd.s32 $0x3800, s16;
	s25 =	sadd.s32 $0x7000, s16;
	[dreg:$0x7] =	wrdreg s12  }
0x14: {  	s26 =	sadd.s32 $0xA800, s16;
	s28 =	sadd.s32 $0xE000, s16;
	[dreg:$0x8] =	wrdreg s24  }
0x15: {  	s29 =	sshrl.u32 s13, $0x3;
	s0 =	simm.s32 $0x1;
	[dreg:$0xa] =	wrdreg s25  }
.Ltmp0:
0x16: {  	s13 =	simm.s32 $0x3;
	[dreg:$0xb] =	wrdreg s26;
	(pc) =	sbr.rel .LBB2_1-.Ltmp0, $4  }
0x17: {  	s12 =	smov.u32 s11;
	[dreg:$0xc] =	wrdreg s28;
	s20 =	simm.s32 $0x4D00  }
0x18: {  	s24 =	simm.s32 $0x5;
	[dreg:$0xe] =	wrdreg s29;
	s12 =	smov.u32 @p0 s2  }
0x19: {  	s26 =	simm.s32 $0x38;
	s2 =	smov.u32 @p0 s11;
	[dreg:$0x9] =	wrdreg s12  }
0x1a: {  	v0 =	vimm.f32 $0.0e+00;
	s11 =	simm.s32 $0x8500;
	[dreg:$0x5] =	wrdreg s2;
	s12 =	simm.s32 $0xA100  }
.LBB2_18:
0x1b: {  	_ =	swait.ge [sflag:s13], $0x1C00  }
0x1c: {  	[sflag:s13] =	ssyncset.done $0x0  }
0x1d: {  	[sflag:s13] =	ssyncadd.s32 $0xFFFFE400  }
0x1e: {  	_ =	swait.ge [sflag:s13], $0x1C00  }
0x1f: {  	[sflag:s13] =	ssyncset.done $0x0  }
0x20: {  	s2 =	simm.s32 $0x4;
	[sflag:s13] =	ssyncadd.s32 $0xFFFFE400  }
0x21: {  	_ =	swait.ge [sflag:s2], $0x1C00  }
0x22: {  	[sflag:s2] =	ssyncset.done $0x0  }
0x23: {  	[sflag:s2] =	ssyncadd.s32 $0xFFFFE400  }
0x24: {  	_ =	swait.ge [sflag:s2], $0x1C00  }
0x25: {  	[sflag:s2] =	ssyncset.done $0x0  }
0x26: {  	[sflag:s2] =	ssyncadd.s32 $0xFFFFE400  }
0x27: {  	s25 =	stileid.u32;
	[bflag:$0x0] =	sbarrier.arrive $0xFFFF  }
0x28: {  	s2 =	sshll.u32 s25, $0x6;
	s7 =	rddreg [dreg:$0xd]  }
0x29: {  	s14 =	simm.s32 $0x7;
	s2 =	sor.u32 $0x1C07, s2;
	s10 =	rddreg [dreg:$0xe]  }
0x2a: {  	[hbm:s7], [sflag:s2] =	dma.local [spmem:s10], $0x2780  }
0x2b: {  	_ =	swait.ge [sflag:s14], $0x2780  }
0x2c: {  	s28 =	rddreg [dreg:$0xf]  }
0x2d: {  	s29 =	rddreg [dreg:$0x7];
	s7 =	sadd.s32 $0x1, s28  }
0x2e: {  	p0 =	sne.s32 s7, s29  }
.Ltmp1:
0x2f: {  	_ = 	snop;
	(pc) =	sbr.rel @!p0 .LBB2_19-.Ltmp1, $3  }
0x30: {  	_ =	sdelay $0x1  }
0x31: {  	[sflag:s14] =	ssyncset.done $0x0  }
0x32: {  	[sflag:s14] =	ssyncadd.s32 $0xFFFFD880  }
.LBB2_1:
0x33: {  	[dreg:$0xf] =	wrdreg s7;
	s7 =	simm.s32 $0x0;
	s10 =	simm.s32 $0x200  }
.LBB2_2:
0x34: {  	p0 =	sne.s32 s10, $0xDE00;
	[tilespmem:s7+$0x4D70] =	vst v0  }
0x35: {  	[tilespmem:s7+$0x4D00] =	vst v0  }
0x36: {  	[tilespmem:s7+$0x4D10] =	vst v0  }
.Ltmp2:
0x37: {  	[tilespmem:s7+$0x4D20] =	vst v0;
	(pc) =	sbr.rel @p0 .LBB2_2-.Ltmp2, $4  }
0x38: {  	[tilespmem:s7+$0x4D30] =	vst v0  }
0x39: {  	[tilespmem:s7+$0x4D40] =	vst v0  }
0x3a: {  	[tilespmem:s7+$0x4D50] =	vst v0  }
0x3b: {  	[tilespmem:s7+$0x4D60] =	vst v0;
	s7 =	sshra.s32 s10, $0x2;
	s10 =	sadd.s32 $0x200, s10  }
0x3c: {  	[tilespmem:s7+$0x4D70] =	vst v0  }
0x3d: {  	[tilespmem:s7+$0x4D00] =	vst v0  }
0x3e: {  	[tilespmem:s7+$0x4D10] =	vst v0  }
0x3f: {  	[tilespmem:s7+$0x4D20] =	vst v0  }
0x40: {  	[tilespmem:s7+$0x4D30] =	vst v0  }
0x41: {  	[tilespmem:s7+$0x4D40] =	vst v0  }
0x42: {  	[tilespmem:s7+$0x4D50] =	vst v0  }
0x43: {  	[tilespmem:s7+$0x4D60] =	vst v0;
	s2 =	rddreg [dreg:$0x3]  }
0x44: {  	[spmem:s2] =	stream.linear.scatter [tilespmem:s20], [sflag:$0x7], $0x3800, $0x38;
	[tilespmem:$0x1F900] =	vst v63  }
0x45: {  	_ =	swait.ge [sflag:s14], $0x3800  }
0x46: {  	[sflag:s14] =	ssyncset.done $0x0  }
0x47: {  	s10 =	rddreg [dreg:$0x8];
	[sflag:s14] =	ssyncadd.s32 $0xFFFFC800  }
0x48: {  	[spmem:s10] =	stream.linear.scatter [tilespmem:s20], [sflag:$0x7], $0x3800, $0x38;
	[tilespmem:$0x1F900] =	vst v63  }
0x49: {  	_ =	swait.ge [sflag:s14], $0x3800  }
0x4a: {  	[sflag:s14] =	ssyncset.done $0x0  }
0x4b: {  	s16 =	rddreg [dreg:$0xa];
	[sflag:s14] =	ssyncadd.s32 $0xFFFFC800  }
0x4c: {  	[spmem:s16] =	stream.linear.scatter [tilespmem:s20], [sflag:$0x7], $0x3800, $0x38;
	[tilespmem:$0x1F900] =	vst v63  }
0x4d: {  	_ =	swait.ge [sflag:s14], $0x3800  }
0x4e: {  	[sflag:s14] =	ssyncset.done $0x0  }
0x4f: {  	s18 =	rddreg [dreg:$0xb];
	[sflag:s14] =	ssyncadd.s32 $0xFFFFC800  }
0x50: {  	[spmem:s18] =	stream.linear.scatter [tilespmem:s20], [sflag:$0x7], $0x3800, $0x38;
	[tilespmem:$0x1F900] =	vst v63  }
0x51: {  	_ =	swait.ge [sflag:s14], $0x3800  }
0x52: {  	[sflag:s14] =	ssyncset.done $0x0  }
0x53: {  	s19 =	rddreg [dreg:$0xc];
	[sflag:s14] =	ssyncadd.s32 $0xFFFFC800  }
0x54: {  	[spmem:s19] =	stream.linear.scatter [tilespmem:s20], [sflag:$0x7], $0x3800, $0x38;
	[tilespmem:$0x1F900] =	vst v63  }
0x55: {  	_ =	swait.ge [sflag:s14], $0x3800  }
0x56: {  	[sflag:s14] =	ssyncset.done $0x0  }
0x57: {  	s21 =	rddreg [dreg:$0x4];
	[sflag:s14] =	ssyncadd.s32 $0xFFFFC800  }
0x58: {  	[spmem:s21] =	stream.linear.scatter [tilespmem:s20], [sflag:$0x7], $0x2400, $0x38;
	[tilespmem:$0x1F900] =	vst v63  }
0x59: {  	_ =	swait.ge [sflag:s14], $0x2400  }
0x5a: {  	[sflag:s14] =	ssyncset.done $0x0  }
0x5b: {  	[sflag:s14] =	ssyncadd.s32 $0xFFFFDC00  }
0x5c: {  	[bflag:$0x0] =	sbarrier.arrive $0xFFFF  }
0x5d: {  	s19 =	simm.s32 $0x0;
	s22 =	rddreg [dreg:$0x9]  }
0x5e: {  	[tilespmem:s19], [sflag:$0x5] =	stream.linear.gather [hbm4b:s22+s19], $0x380, $0x38;
	[tilespmem:$0x1F900] =	vst v63  }
.Ltmp3:
0x5f: {  	_ = 	snop;
	(pc) =	sbr.rel .LBB2_5-.Ltmp3, $4  }
0x60: {  	s25 =	simm.s32 $0x700;
	s23 =	rddreg [dreg:$0x5]  }
0x61: {  	[tilespmem:s25], [sflag:$0x5] =	stream.linear.gather [hbm4b:s23+s19], $0x380, $0x38;
	[tilespmem:$0x1F900] =	vst v63  }
0x62: {  	s29 =	simm.s32 $0xE00;
	s28 =	rddreg [dreg:$0x6]  }
0x63: {  	[tilespmem:s29], [sflag:$0x5] =	stream.linear.gather [hbm4b:s28+s19], $0x380, $0x38;
	[tilespmem:$0x1F900] =	vst v63  }
.LBB2_4:
0x64: {  	p0 =	sgt.u32 s19, $0x16  }
.Ltmp4:
0x65: {  	_ = 	snop;
	(pc) =	sbr.rel @p0 .LBB2_18-.Ltmp4, $4  }
0x66: {  	_ = 	snop  }
0x67: {  	[spmem:s1] =	stream.indirect.scatter.add.f32 [tilespmem:s11], [sflag:$0x4], $0x80, s21, s26, $0xb8;
	[tilespmem:$0x1F900] =	vst v63  }
0x68: {  	s7 =	sadd.s32 $0x38, s21  }
0x69: {  	[spmem:s1] =	stream.indirect.scatter.add.f32 [tilespmem:s12], [sflag:$0x4], $0x80, s7, s26, $0xb8;
	[tilespmem:$0x1F900] =	vst v63  }
.LBB2_5:
0x6a: {  	s7 =	sand.u32 $0x1, s19  }
0x6b: {  	p0 =	seq.s32 s7, $0x1  }
.Ltmp5:
0x6c: {  	_ = 	snop;
	(pc) =	sbr.rel @!p0 .LBB2_6-.Ltmp5, $1  }
0x6d: {  	_ =	sdelay $0x3  }
0x6e: {  	_ =	swait.ge [sflag:s17], $0x380  }
0x6f: {  	[sflag:s17] =	ssyncset.done $0x0  }
0x70: {  	[sflag:s17] =	ssyncadd.s32 $0xFFFFFC80  }
0x71: {  	s19 =	sadd.s32 $0x1, s19;
	_ =	swait.ge [sflag:s17], $0x380  }
0x72: {  	s10 =	smul.u32 $0x380, s19;
	[sflag:s17] =	ssyncset.done $0x0  }
0x73: {  	[sflag:s17] =	ssyncadd.s32 $0xFFFFFC80  }
0x74: {  	s10 =	sadd.s32 s8, s10;
	_ =	swait.ge [sflag:s17], $0x380  }
0x75: {  	s10 =	sshrl.u32 s10, $0x3;
	[sflag:s17] =	ssyncset.done $0x0  }
0x76: {  	s2 =	simm.s32 $0x0;
	s14 =	sadd.s32 s15, s10;
	[sflag:s17] =	ssyncadd.s32 $0xFFFFFC80  }
0x77: {  	[tilespmem:s2], [sflag:$0x5] =	stream.linear.gather [hbm4b:s14+s2], $0x380, $0x38;
	[tilespmem:$0x1F900] =	vst v63  }
.Ltmp6:
0x78: {  	_ = 	snop;
	(pc) =	sbr.rel .LBB2_10-.Ltmp6, $4  }
0x79: {  	s16 =	simm.s32 $0x700;
	s28 =	sadd.s32 s5, s10  }
0x7a: {  	[tilespmem:s16], [sflag:$0x5] =	stream.linear.gather [hbm4b:s28+s2], $0x380, $0x38;
	[tilespmem:$0x1F900] =	vst v63  }
0x7b: {  	s29 =	simm.s32 $0xE00;
	s10 =	sadd.s32 s6, s10  }
0x7c: {  	[tilespmem:s29], [sflag:$0x5] =	stream.linear.gather [hbm4b:s10+s2], $0x380, $0x38;
	[tilespmem:$0x1F900] =	vst v63  }
.LBB2_6:
0x7d: {  	_ =	swait.ge [sflag:s24], $0x380  }
0x7e: {  	[sflag:s24] =	ssyncset.done $0x0  }
0x7f: {  	p0 =	seq.s32 s19, $0x16;
	[sflag:s24] =	ssyncadd.s32 $0xFFFFFC80  }
0x80: {  	s10 =	sor.u32 @!p0 $0x1, s19;
	_ =	swait.ge [sflag:s24], $0x380  }
0x81: {  	s14 =	smul.u32 @!p0 $0x380, s10;
	[sflag:s24] =	ssyncset.done $0x0  }
0x82: {  	s18 =	simm.s32 @!p0 $0x0;
	[sflag:s24] =	ssyncadd.s32 $0xFFFFFC80  }
0x83: {  	s21 =	simm.s32 @!p0 $0x380;
	s14 =	sadd.s32 @!p0 s8, s14;
	_ =	swait.ge [sflag:s24], $0x380  }
0x84: {  	p1 =	seq.s32 @!p0 s19, $0x0;
	s14 =	sshrl.u32 @!p0 s14, $0x3;
	[sflag:s24] =	ssyncset.done $0x0  }
0x85: {  	p1 =	por p0, !p1;
	s16 =	sadd.s32 @!p0 s15, s14;
	[sflag:s24] =	ssyncadd.s32 $0xFFFFFC80  }
0x86: {  	[tilespmem:s21], [sflag:$0x6] =	stream.linear.gather @!p0 [hbm4b:s16+s18], $0x380, $0x38;
	[tilespmem:$0x1F900] =	vst v63  }
.Ltmp7:
0x87: {  	_ = 	snop;
	(pc) =	sbr.rel @!p1 .LBB2_7-.Ltmp7, $4  }
0x88: {  	s16 =	sadd.s32 @!p0 s5, s14;
	s21 =	simm.s32 @!p0 $0xA80  }
0x89: {  	[tilespmem:s21], [sflag:$0x6] =	stream.linear.gather @!p0 [hbm4b:s16+s18], $0x380, $0x38;
	[tilespmem:$0x1F900] =	vst v63  }
0x8a: {  	s14 =	sadd.s32 @!p0 s6, s14;
	s16 =	simm.s32 @!p0 $0x1180  }
0x8b: {  	[tilespmem:s16], [sflag:$0x6] =	stream.linear.gather @!p0 [hbm4b:s14+s18], $0x380, $0x38;
	[tilespmem:$0x1F900] =	vst v63  }
0x8c: {  	s10 =	simm.s32 @p0 $0x17  }
0x8d: {  	s19 =	smov.u32 s10  }
.LBB2_10:
0x8e: {  	_ =	swait.ge [sflag:s13], $0x1C00  }
0x8f: {  	[sflag:s13] =	ssyncset.done $0x0  }
0x90: {  	[sflag:s13] =	ssyncadd.s32 $0xFFFFE400  }
0x91: {  	_ =	swait.ge [sflag:s13], $0x1C00  }
0x92: {  	[sflag:s13] =	ssyncset.done $0x0  }
0x93: {  	p0 =	por $0x0, $0x0;
	[sflag:s13] =	ssyncadd.s32 $0xFFFFE400  }
.LBB2_11:
0x94: {  	s10 =	smul.u32 $0xE00, s7;
	_ =	sdelay $0x1  }
0x95: {  	s2 =	simm.s32 $0x1500;
	s25 =	sshrl.u32 s10, $0x2  }
0x96: {  	[tilespmem:s2], [sflag:$0x1] =	stream.indirect.gather [hbm4b:s4+s26], $0x40, s25, s26, $0xb8;
	[tilespmem:$0x1F900] =	vst v63  }
0x97: {  	s23 =	simm.s32 $0x2300;
	s10 =	sor.u32 $0x38, s25  }
0x98: {  	[tilespmem:s23], [sflag:$0x1] =	stream.indirect.gather [hbm4b:s4+s26], $0x40, s10, s26, $0xb8;
	[tilespmem:$0x1F900] =	vst v63  }
0x99: {  	s10 =	simm.s32 @!p0 $0x4  }
0x9a: {  	_ =	swait.ge @!p0 [sflag:s10], $0x1C00  }
0x9b: {  	[sflag:s10] =	ssyncset.done @!p0 $0x0  }
0x9c: {  	[sflag:s10] =	ssyncadd.s32 @!p0 $0xFFFFE400  }
0x9d: {  	s14 =	smul.u32 $0x380, s7;
	_ =	swait.ge @!p0 [sflag:s10], $0x1C00  }
0x9e: {  	s18 =	simm.s32 $0x0;
	[sflag:s10] =	ssyncset.done @!p0 $0x0  }
0x9f: {  	s7 =	sadd.s32 $0x700, s14;
	s28 =	sadd.s32 $0x70, s25;
	[sflag:s10] =	ssyncadd.s32 @!p0 $0xFFFFE400  }
0xa0: {  	[tilespmem:s30], [sflag:$0x2] =	stream.indirect.gather [hbm4b:s4+s26], $0x40, s28, s26, $0xb8;
	[tilespmem:$0x1F900] =	vst v63  }
0xa1: {  	s29 =	sadd.s32 $0xA8, s25;
	s16 =	sadd.s32 $0xE70, s25;
	s10 =	sadd.s32 $0xE00, s25  }
0xa2: {  	[tilespmem:s31], [sflag:$0x2] =	stream.indirect.gather [hbm4b:s4+s26], $0x40, s29, s26, $0xb8;
	[tilespmem:$0x1F900] =	vst v63  }
.LBB2_12:
0xa3: {  	_ =	swait.ge [sflag:s0], $0xE00  }
0xa4: {  	[sflag:s0] =	ssyncset.done $0x0  }
0xa5: {  	[sflag:s0] =	ssyncadd.s32 $0xFFFFF200  }
0xa6: {  	_ =	swait.ge [sflag:s0], $0xE00  }
0xa7: {  	p0 =	seq.s32 s18, $0x0;
	[sflag:s0] =	ssyncset.done $0x0  }
0xa8: {  	s21 =	simm.s32 @!p0 $0x3;
	[sflag:s0] =	ssyncadd.s32 $0xFFFFF200  }
0xa9: {  	_ =	swait.ge @!p0 [sflag:s21], $0x1C00  }
0xaa: {  	[sflag:s21] =	ssyncset.done @!p0 $0x0  }
0xab: {  	v1 =	vmov s10;
	[sflag:s21] =	ssyncadd.s32 @!p0 $0xFFFFE400  }
0xac: {  	_ =	swait.ge @!p0 [sflag:s21], $0x1C00  }
0xad: {  	s22 =	simm.s32 $0x5100;
	s23 =	simm.s32 $0x1700;
	[sflag:s21] =	ssyncset.done @!p0 $0x0  }
0xae: {  	s28 =	simm.s32 $0x0;
	[sflag:s21] =	ssyncadd.s32 @!p0 $0xFFFFE400;
	s21 =	smul.u32 $0x380, s18  }
.LBB2_13:
0xaf: {  	s29 =	sshra.s32 s28, $0x2  }
0xb0: {  	v2 =	vld.idx.msk [tilespmem:v1+s29+$0x0 ss:$0x1], $0xffff  }
0xb1: {  	v3 =	vld [tilespmem:s23+$0xFFFFFE00];
	_ =	sdelay $0x3  }
0xb2: {  	v4 =	vbroadcast v2, $0x0  }
0xb3: {  	v5 =	vshll.u32 v3, $0x10  }
0xb4: {  	v3 =	vand.u32 $0xFFFF0000, v3;
	v5 =	vmul.f32 v5, v4  }
0xb5: {  	v3 =	vmul.f32 v3, v4  }
0xb6: {  	[tilespmem:s22+$0xFFFFFC00] =	vst v5  }
0xb7: {  	[tilespmem:s22+$0xFFFFFC10] =	vst v3  }
0xb8: {  	v3 =	vld [tilespmem:s23+$0xFFFFFE10];
	_ =	sdelay $0x4  }
0xb9: {  	v43 =	vshll.u32 v3, $0x10  }
0xba: {  	v3 =	vand.u32 $0xFFFF0000, v3;
	v5 =	vmul.f32 v43, v4  }
0xbb: {  	v3 =	vmul.f32 v3, v4  }
0xbc: {  	[tilespmem:s22+$0xFFFFFC20] =	vst v5  }
0xbd: {  	[tilespmem:s22+$0xFFFFFC30] =	vst v3  }
0xbe: {  	v3 =	vld [tilespmem:s23+$0xFFFFFE20];
	_ =	sdelay $0x4  }
0xbf: {  	v44 =	vshll.u32 v3, $0x10  }
0xc0: {  	v3 =	vand.u32 $0xFFFF0000, v3;
	v5 =	vmul.f32 v44, v4  }
0xc1: {  	v3 =	vmul.f32 v3, v4  }
0xc2: {  	[tilespmem:s22+$0xFFFFFC40] =	vst v5  }
0xc3: {  	[tilespmem:s22+$0xFFFFFC50] =	vst v3  }
0xc4: {  	v3 =	vld [tilespmem:s23+$0xFFFFFE30];
	_ =	sdelay $0x4  }
0xc5: {  	v45 =	vshll.u32 v3, $0x10  }
0xc6: {  	v3 =	vand.u32 $0xFFFF0000, v3;
	v5 =	vmul.f32 v45, v4  }
0xc7: {  	v3 =	vmul.f32 v3, v4  }
0xc8: {  	[tilespmem:s22+$0xFFFFFC60] =	vst v5  }
0xc9: {  	[tilespmem:s22+$0xFFFFFC70] =	vst v3  }
0xca: {  	v3 =	vld [tilespmem:s23+$0xFFFFFE40];
	_ =	sdelay $0x3  }
0xcb: {  	v46 =	vbroadcast v2, $0x1  }
0xcc: {  	v47 =	vshll.u32 v3, $0x10  }
0xcd: {  	v3 =	vand.u32 $0xFFFF0000, v3;
	v5 =	vmul.f32 v47, v46  }
0xce: {  	v3 =	vmul.f32 v3, v46  }
0xcf: {  	[tilespmem:s22+$0xFFFFFC80] =	vst v5  }
0xd0: {  	[tilespmem:s22+$0xFFFFFC90] =	vst v3  }
0xd1: {  	v3 =	vld [tilespmem:s23+$0xFFFFFE50];
	_ =	sdelay $0x4  }
0xd2: {  	v48 =	vshll.u32 v3, $0x10  }
0xd3: {  	v3 =	vand.u32 $0xFFFF0000, v3;
	v5 =	vmul.f32 v48, v46  }
0xd4: {  	v3 =	vmul.f32 v3, v46  }
0xd5: {  	[tilespmem:s22+$0xFFFFFCA0] =	vst v5  }
0xd6: {  	[tilespmem:s22+$0xFFFFFCB0] =	vst v3  }
0xd7: {  	v3 =	vld [tilespmem:s23+$0xFFFFFE60];
	_ =	sdelay $0x4  }
0xd8: {  	v49 =	vshll.u32 v3, $0x10  }
0xd9: {  	v3 =	vand.u32 $0xFFFF0000, v3;
	v5 =	vmul.f32 v49, v46  }
0xda: {  	v3 =	vmul.f32 v3, v46  }
0xdb: {  	[tilespmem:s22+$0xFFFFFCC0] =	vst v5  }
0xdc: {  	[tilespmem:s22+$0xFFFFFCD0] =	vst v3  }
0xdd: {  	v3 =	vld [tilespmem:s23+$0xFFFFFE70];
	_ =	sdelay $0x4  }
0xde: {  	v50 =	vshll.u32 v3, $0x10  }
0xdf: {  	v3 =	vand.u32 $0xFFFF0000, v3;
	v5 =	vmul.f32 v50, v46  }
0xe0: {  	v3 =	vmul.f32 v3, v46  }
0xe1: {  	[tilespmem:s22+$0xFFFFFCE0] =	vst v5  }
0xe2: {  	[tilespmem:s22+$0xFFFFFCF0] =	vst v3  }
0xe3: {  	v3 =	vld [tilespmem:s23+$0xFFFFFE80];
	_ =	sdelay $0x3  }
0xe4: {  	v51 =	vbroadcast v2, $0x2  }
0xe5: {  	v52 =	vshll.u32 v3, $0x10  }
0xe6: {  	v3 =	vand.u32 $0xFFFF0000, v3;
	v5 =	vmul.f32 v52, v51  }
0xe7: {  	v3 =	vmul.f32 v3, v51  }
0xe8: {  	[tilespmem:s22+$0xFFFFFD00] =	vst v5  }
0xe9: {  	[tilespmem:s22+$0xFFFFFD10] =	vst v3  }
0xea: {  	v3 =	vld [tilespmem:s23+$0xFFFFFE90];
	_ =	sdelay $0x4  }
0xeb: {  	v53 =	vshll.u32 v3, $0x10  }
0xec: {  	v3 =	vand.u32 $0xFFFF0000, v3;
	v5 =	vmul.f32 v53, v51  }
0xed: {  	v3 =	vmul.f32 v3, v51  }
0xee: {  	[tilespmem:s22+$0xFFFFFD20] =	vst v5  }
0xef: {  	[tilespmem:s22+$0xFFFFFD30] =	vst v3  }
0xf0: {  	v3 =	vld [tilespmem:s23+$0xFFFFFEA0];
	_ =	sdelay $0x4  }
0xf1: {  	v54 =	vshll.u32 v3, $0x10  }
0xf2: {  	v3 =	vand.u32 $0xFFFF0000, v3;
	v5 =	vmul.f32 v54, v51  }
0xf3: {  	v3 =	vmul.f32 v3, v51  }
0xf4: {  	[tilespmem:s22+$0xFFFFFD40] =	vst v5  }
0xf5: {  	[tilespmem:s22+$0xFFFFFD50] =	vst v3  }
0xf6: {  	v3 =	vld [tilespmem:s23+$0xFFFFFEB0];
	_ =	sdelay $0x4  }
0xf7: {  	v55 =	vshll.u32 v3, $0x10  }
0xf8: {  	v3 =	vand.u32 $0xFFFF0000, v3;
	v5 =	vmul.f32 v55, v51  }
0xf9: {  	v3 =	vmul.f32 v3, v51  }
0xfa: {  	[tilespmem:s22+$0xFFFFFD60] =	vst v5  }
0xfb: {  	[tilespmem:s22+$0xFFFFFD70] =	vst v3  }
0xfc: {  	v3 =	vld [tilespmem:s23+$0xFFFFFEC0];
	_ =	sdelay $0x3  }
0xfd: {  	v56 =	vbroadcast v2, $0x3  }
0xfe: {  	v57 =	vshll.u32 v3, $0x10  }
0xff: {  	v3 =	vand.u32 $0xFFFF0000, v3;
	v5 =	vmul.f32 v57, v56  }
0x100: {  	v3 =	vmul.f32 v3, v56  }
0x101: {  	[tilespmem:s22+$0xFFFFFD80] =	vst v5  }
0x102: {  	[tilespmem:s22+$0xFFFFFD90] =	vst v3  }
0x103: {  	v3 =	vld [tilespmem:s23+$0xFFFFFED0];
	_ =	sdelay $0x4  }
0x104: {  	v58 =	vshll.u32 v3, $0x10  }
0x105: {  	v3 =	vand.u32 $0xFFFF0000, v3;
	v5 =	vmul.f32 v58, v56  }
0x106: {  	v3 =	vmul.f32 v3, v56  }
0x107: {  	[tilespmem:s22+$0xFFFFFDA0] =	vst v5  }
0x108: {  	[tilespmem:s22+$0xFFFFFDB0] =	vst v3  }
0x109: {  	v3 =	vld [tilespmem:s23+$0xFFFFFEE0];
	_ =	sdelay $0x4  }
0x10a: {  	v59 =	vshll.u32 v3, $0x10  }
0x10b: {  	v3 =	vand.u32 $0xFFFF0000, v3;
	v5 =	vmul.f32 v59, v56  }
0x10c: {  	v3 =	vmul.f32 v3, v56  }
0x10d: {  	[tilespmem:s22+$0xFFFFFDC0] =	vst v5  }
0x10e: {  	[tilespmem:s22+$0xFFFFFDD0] =	vst v3  }
0x10f: {  	v3 =	vld [tilespmem:s23+$0xFFFFFEF0];
	_ =	sdelay $0x4  }
0x110: {  	v60 =	vshll.u32 v3, $0x10  }
0x111: {  	v3 =	vand.u32 $0xFFFF0000, v3;
	v5 =	vmul.f32 v60, v56  }
0x112: {  	v3 =	vmul.f32 v3, v56  }
0x113: {  	[tilespmem:s22+$0xFFFFFDE0] =	vst v5  }
0x114: {  	[tilespmem:s22+$0xFFFFFDF0] =	vst v3  }
0x115: {  	v3 =	vld [tilespmem:s23+$0xFFFFFF00];
	_ =	sdelay $0x3  }
0x116: {  	v61 =	vbroadcast v2, $0x4  }
0x117: {  	v62 =	vshll.u32 v3, $0x10  }
0x118: {  	v3 =	vand.u32 $0xFFFF0000, v3;
	v5 =	vmul.f32 v62, v61  }
0x119: {  	v3 =	vmul.f32 v3, v61  }
0x11a: {  	[tilespmem:s22+$0xFFFFFE00] =	vst v5  }
0x11b: {  	[tilespmem:s22+$0xFFFFFE10] =	vst v3  }
0x11c: {  	v3 =	vld [tilespmem:s23+$0xFFFFFF10];
	_ =	sdelay $0x4  }
0x11d: {  	v63 =	vshll.u32 v3, $0x10  }
0x11e: {  	v3 =	vand.u32 $0xFFFF0000, v3;
	v5 =	vmul.f32 v63, v61  }
0x11f: {  	v3 =	vmul.f32 v3, v61  }
0x120: {  	[tilespmem:s22+$0xFFFFFE20] =	vst v5  }
0x121: {  	[tilespmem:s22+$0xFFFFFE30] =	vst v3  }
0x122: {  	v3 =	vld [tilespmem:s23+$0xFFFFFF20];
	_ =	sdelay $0x4  }
0x123: {  	v8 =	vshll.u32 v3, $0x10  }
0x124: {  	v3 =	vand.u32 $0xFFFF0000, v3;
	v5 =	vmul.f32 v8, v61  }
0x125: {  	v3 =	vmul.f32 v3, v61  }
0x126: {  	[tilespmem:s22+$0xFFFFFE40] =	vst v5  }
0x127: {  	[tilespmem:s22+$0xFFFFFE50] =	vst v3  }
0x128: {  	v3 =	vld [tilespmem:s23+$0xFFFFFF30];
	_ =	sdelay $0x4  }
0x129: {  	v9 =	vshll.u32 v3, $0x10  }
0x12a: {  	v3 =	vand.u32 $0xFFFF0000, v3;
	v5 =	vmul.f32 v9, v61  }
0x12b: {  	v3 =	vmul.f32 v3, v61  }
0x12c: {  	[tilespmem:s22+$0xFFFFFE60] =	vst v5  }
0x12d: {  	[tilespmem:s22+$0xFFFFFE70] =	vst v3  }
0x12e: {  	v3 =	vld [tilespmem:s23+$0xFFFFFF40];
	_ =	sdelay $0x3  }
0x12f: {  	v10 =	vbroadcast v2, $0x5  }
0x130: {  	v11 =	vshll.u32 v3, $0x10  }
0x131: {  	v3 =	vand.u32 $0xFFFF0000, v3;
	v5 =	vmul.f32 v11, v10  }
0x132: {  	v3 =	vmul.f32 v3, v10  }
0x133: {  	[tilespmem:s22+$0xFFFFFE80] =	vst v5  }
0x134: {  	[tilespmem:s22+$0xFFFFFE90] =	vst v3  }
0x135: {  	v3 =	vld [tilespmem:s23+$0xFFFFFF50];
	_ =	sdelay $0x4  }
0x136: {  	v12 =	vshll.u32 v3, $0x10  }
0x137: {  	v3 =	vand.u32 $0xFFFF0000, v3;
	v5 =	vmul.f32 v12, v10  }
0x138: {  	v3 =	vmul.f32 v3, v10  }
0x139: {  	[tilespmem:s22+$0xFFFFFEA0] =	vst v5  }
0x13a: {  	[tilespmem:s22+$0xFFFFFEB0] =	vst v3  }
0x13b: {  	v3 =	vld [tilespmem:s23+$0xFFFFFF60];
	_ =	sdelay $0x4  }
0x13c: {  	v13 =	vshll.u32 v3, $0x10  }
0x13d: {  	v3 =	vand.u32 $0xFFFF0000, v3;
	v5 =	vmul.f32 v13, v10  }
0x13e: {  	v3 =	vmul.f32 v3, v10  }
0x13f: {  	[tilespmem:s22+$0xFFFFFEC0] =	vst v5  }
0x140: {  	[tilespmem:s22+$0xFFFFFED0] =	vst v3  }
0x141: {  	v3 =	vld [tilespmem:s23+$0xFFFFFF70];
	_ =	sdelay $0x4  }
0x142: {  	v14 =	vshll.u32 v3, $0x10  }
0x143: {  	v3 =	vand.u32 $0xFFFF0000, v3;
	v5 =	vmul.f32 v14, v10  }
0x144: {  	v3 =	vmul.f32 v3, v10  }
0x145: {  	[tilespmem:s22+$0xFFFFFEE0] =	vst v5  }
0x146: {  	[tilespmem:s22+$0xFFFFFEF0] =	vst v3  }
0x147: {  	v3 =	vld [tilespmem:s23+$0xFFFFFF80];
	_ =	sdelay $0x3  }
0x148: {  	v15 =	vbroadcast v2, $0x6  }
0x149: {  	v16 =	vshll.u32 v3, $0x10  }
0x14a: {  	v3 =	vand.u32 $0xFFFF0000, v3;
	v5 =	vmul.f32 v16, v15  }
0x14b: {  	v3 =	vmul.f32 v3, v15  }
0x14c: {  	[tilespmem:s22+$0xFFFFFF00] =	vst v5  }
0x14d: {  	[tilespmem:s22+$0xFFFFFF10] =	vst v3  }
0x14e: {  	v3 =	vld [tilespmem:s23+$0xFFFFFF90];
	_ =	sdelay $0x4  }
0x14f: {  	v17 =	vshll.u32 v3, $0x10  }
0x150: {  	v3 =	vand.u32 $0xFFFF0000, v3;
	v5 =	vmul.f32 v17, v15  }
0x151: {  	v3 =	vmul.f32 v3, v15  }
0x152: {  	[tilespmem:s22+$0xFFFFFF20] =	vst v5  }
0x153: {  	[tilespmem:s22+$0xFFFFFF30] =	vst v3  }
0x154: {  	v3 =	vld [tilespmem:s23+$0xFFFFFFA0];
	_ =	sdelay $0x4  }
0x155: {  	v18 =	vshll.u32 v3, $0x10  }
0x156: {  	v3 =	vand.u32 $0xFFFF0000, v3;
	v5 =	vmul.f32 v18, v15  }
0x157: {  	v3 =	vmul.f32 v3, v15  }
0x158: {  	[tilespmem:s22+$0xFFFFFF40] =	vst v5  }
0x159: {  	[tilespmem:s22+$0xFFFFFF50] =	vst v3  }
0x15a: {  	v3 =	vld [tilespmem:s23+$0xFFFFFFB0];
	_ =	sdelay $0x4  }
0x15b: {  	v19 =	vshll.u32 v3, $0x10  }
0x15c: {  	v3 =	vand.u32 $0xFFFF0000, v3;
	v5 =	vmul.f32 v19, v15  }
0x15d: {  	v3 =	vmul.f32 v3, v15  }
0x15e: {  	[tilespmem:s22+$0xFFFFFF60] =	vst v5  }
0x15f: {  	[tilespmem:s22+$0xFFFFFF70] =	vst v3  }
0x160: {  	v3 =	vld [tilespmem:s23+$0xFFFFFFC0];
	_ =	sdelay $0x3  }
0x161: {  	v20 =	vbroadcast v2, $0x7  }
0x162: {  	v21 =	vshll.u32 v3, $0x10  }
0x163: {  	v3 =	vand.u32 $0xFFFF0000, v3;
	v5 =	vmul.f32 v21, v20  }
0x164: {  	v3 =	vmul.f32 v3, v20  }
0x165: {  	[tilespmem:s22+$0xFFFFFF80] =	vst v5  }
0x166: {  	[tilespmem:s22+$0xFFFFFF90] =	vst v3  }
0x167: {  	v3 =	vld [tilespmem:s23+$0xFFFFFFD0];
	_ =	sdelay $0x4  }
0x168: {  	v22 =	vshll.u32 v3, $0x10  }
0x169: {  	v3 =	vand.u32 $0xFFFF0000, v3;
	v5 =	vmul.f32 v22, v20  }
0x16a: {  	v3 =	vmul.f32 v3, v20  }
0x16b: {  	[tilespmem:s22+$0xFFFFFFA0] =	vst v5  }
0x16c: {  	[tilespmem:s22+$0xFFFFFFB0] =	vst v3  }
0x16d: {  	v3 =	vld [tilespmem:s23+$0xFFFFFFE0];
	_ =	sdelay $0x4  }
0x16e: {  	v23 =	vshll.u32 v3, $0x10  }
0x16f: {  	v3 =	vand.u32 $0xFFFF0000, v3;
	v5 =	vmul.f32 v23, v20  }
0x170: {  	v3 =	vmul.f32 v3, v20  }
0x171: {  	[tilespmem:s22+$0xFFFFFFC0] =	vst v5  }
0x172: {  	[tilespmem:s22+$0xFFFFFFD0] =	vst v3  }
0x173: {  	v3 =	vld [tilespmem:s23+$0xFFFFFFF0];
	_ =	sdelay $0x4  }
0x174: {  	v24 =	vshll.u32 v3, $0x10  }
0x175: {  	v3 =	vand.u32 $0xFFFF0000, v3;
	v5 =	vmul.f32 v24, v20  }
0x176: {  	v3 =	vmul.f32 v3, v20  }
0x177: {  	[tilespmem:s22+$0xFFFFFFE0] =	vst v5  }
0x178: {  	[tilespmem:s22+$0xFFFFFFF0] =	vst v3  }
0x179: {  	v3 =	vld [tilespmem:s23+$0x0];
	_ =	sdelay $0x3  }
0x17a: {  	v25 =	vbroadcast v2, $0x8  }
0x17b: {  	v26 =	vshll.u32 v3, $0x10  }
0x17c: {  	v3 =	vand.u32 $0xFFFF0000, v3;
	v5 =	vmul.f32 v26, v25  }
0x17d: {  	v3 =	vmul.f32 v3, v25  }
0x17e: {  	[tilespmem:s22+$0x0] =	vst v5  }
0x17f: {  	[tilespmem:s22+$0x10] =	vst v3  }
0x180: {  	v3 =	vld [tilespmem:s23+$0x10];
	_ =	sdelay $0x4  }
0x181: {  	v27 =	vshll.u32 v3, $0x10  }
0x182: {  	v3 =	vand.u32 $0xFFFF0000, v3;
	v5 =	vmul.f32 v27, v25  }
0x183: {  	v3 =	vmul.f32 v3, v25  }
0x184: {  	[tilespmem:s22+$0x20] =	vst v5  }
0x185: {  	[tilespmem:s22+$0x30] =	vst v3  }
0x186: {  	v3 =	vld [tilespmem:s23+$0x20];
	_ =	sdelay $0x4  }
0x187: {  	v28 =	vshll.u32 v3, $0x10  }
0x188: {  	v3 =	vand.u32 $0xFFFF0000, v3;
	v5 =	vmul.f32 v28, v25  }
0x189: {  	v3 =	vmul.f32 v3, v25  }
0x18a: {  	[tilespmem:s22+$0x40] =	vst v5  }
0x18b: {  	[tilespmem:s22+$0x50] =	vst v3  }
0x18c: {  	v3 =	vld [tilespmem:s23+$0x30];
	_ =	sdelay $0x4  }
0x18d: {  	v29 =	vshll.u32 v3, $0x10  }
0x18e: {  	v3 =	vand.u32 $0xFFFF0000, v3;
	v5 =	vmul.f32 v29, v25  }
0x18f: {  	v3 =	vmul.f32 v3, v25  }
0x190: {  	[tilespmem:s22+$0x60] =	vst v5  }
0x191: {  	[tilespmem:s22+$0x70] =	vst v3  }
0x192: {  	v3 =	vld [tilespmem:s23+$0x40];
	_ =	sdelay $0x3  }
0x193: {  	v30 =	vbroadcast v2, $0x9  }
0x194: {  	v31 =	vshll.u32 v3, $0x10  }
0x195: {  	v3 =	vand.u32 $0xFFFF0000, v3;
	v5 =	vmul.f32 v31, v30  }
0x196: {  	v3 =	vmul.f32 v3, v30  }
0x197: {  	[tilespmem:s22+$0x80] =	vst v5  }
0x198: {  	[tilespmem:s22+$0x90] =	vst v3  }
0x199: {  	v3 =	vld [tilespmem:s23+$0x50];
	_ =	sdelay $0x4  }
0x19a: {  	v32 =	vshll.u32 v3, $0x10  }
0x19b: {  	v3 =	vand.u32 $0xFFFF0000, v3;
	v5 =	vmul.f32 v32, v30  }
0x19c: {  	v3 =	vmul.f32 v3, v30  }
0x19d: {  	[tilespmem:s22+$0xA0] =	vst v5  }
0x19e: {  	[tilespmem:s22+$0xB0] =	vst v3  }
0x19f: {  	v3 =	vld [tilespmem:s23+$0x60];
	_ =	sdelay $0x4  }
0x1a0: {  	v33 =	vshll.u32 v3, $0x10  }
0x1a1: {  	v3 =	vand.u32 $0xFFFF0000, v3;
	v5 =	vmul.f32 v33, v30  }
0x1a2: {  	v3 =	vmul.f32 v3, v30  }
0x1a3: {  	[tilespmem:s22+$0xC0] =	vst v5  }
0x1a4: {  	[tilespmem:s22+$0xD0] =	vst v3  }
0x1a5: {  	v3 =	vld [tilespmem:s23+$0x70];
	_ =	sdelay $0x4  }
0x1a6: {  	v34 =	vshll.u32 v3, $0x10  }
0x1a7: {  	v3 =	vand.u32 $0xFFFF0000, v3;
	v5 =	vmul.f32 v34, v30  }
0x1a8: {  	v3 =	vmul.f32 v3, v30  }
0x1a9: {  	[tilespmem:s22+$0xE0] =	vst v5  }
0x1aa: {  	[tilespmem:s22+$0xF0] =	vst v3  }
0x1ab: {  	v3 =	vld [tilespmem:s23+$0x80];
	_ =	sdelay $0x3  }
0x1ac: {  	v35 =	vbroadcast v2, $0xA  }
0x1ad: {  	v36 =	vshll.u32 v3, $0x10  }
0x1ae: {  	v3 =	vand.u32 $0xFFFF0000, v3;
	v5 =	vmul.f32 v36, v35  }
0x1af: {  	v3 =	vmul.f32 v3, v35  }
0x1b0: {  	[tilespmem:s22+$0x100] =	vst v5  }
0x1b1: {  	[tilespmem:s22+$0x110] =	vst v3  }
0x1b2: {  	v3 =	vld [tilespmem:s23+$0x90];
	_ =	sdelay $0x4  }
0x1b3: {  	v37 =	vshll.u32 v3, $0x10  }
0x1b4: {  	v3 =	vand.u32 $0xFFFF0000, v3;
	v5 =	vmul.f32 v37, v35  }
0x1b5: {  	v3 =	vmul.f32 v3, v35  }
0x1b6: {  	[tilespmem:s22+$0x120] =	vst v5  }
0x1b7: {  	[tilespmem:s22+$0x130] =	vst v3  }
0x1b8: {  	v3 =	vld [tilespmem:s23+$0xA0];
	_ =	sdelay $0x4  }
0x1b9: {  	v38 =	vshll.u32 v3, $0x10  }
0x1ba: {  	v3 =	vand.u32 $0xFFFF0000, v3;
	v5 =	vmul.f32 v38, v35  }
0x1bb: {  	v3 =	vmul.f32 v3, v35  }
0x1bc: {  	[tilespmem:s22+$0x140] =	vst v5  }
0x1bd: {  	[tilespmem:s22+$0x150] =	vst v3  }
0x1be: {  	v3 =	vld [tilespmem:s23+$0xB0];
	_ =	sdelay $0x4  }
0x1bf: {  	v39 =	vshll.u32 v3, $0x10  }
0x1c0: {  	v3 =	vand.u32 $0xFFFF0000, v3;
	v5 =	vmul.f32 v39, v35  }
0x1c1: {  	v3 =	vmul.f32 v3, v35  }
0x1c2: {  	[tilespmem:s22+$0x160] =	vst v5  }
0x1c3: {  	[tilespmem:s22+$0x170] =	vst v3  }
0x1c4: {  	v3 =	vld [tilespmem:s23+$0xC0];
	_ =	sdelay $0x3  }
0x1c5: {  	v40 =	vbroadcast v2, $0xB  }
0x1c6: {  	v41 =	vshll.u32 v3, $0x10  }
0x1c7: {  	v3 =	vand.u32 $0xFFFF0000, v3;
	v5 =	vmul.f32 v41, v40  }
0x1c8: {  	v3 =	vmul.f32 v3, v40  }
0x1c9: {  	[tilespmem:s22+$0x180] =	vst v5  }
0x1ca: {  	[tilespmem:s22+$0x190] =	vst v3  }
0x1cb: {  	v3 =	vld [tilespmem:s23+$0xD0];
	_ =	sdelay $0x4  }
0x1cc: {  	v42 =	vshll.u32 v3, $0x10  }
0x1cd: {  	v3 =	vand.u32 $0xFFFF0000, v3;
	v5 =	vmul.f32 v42, v40  }
0x1ce: {  	v3 =	vmul.f32 v3, v40  }
0x1cf: {  	[tilespmem:s22+$0x1A0] =	vst v5  }
0x1d0: {  	[tilespmem:s22+$0x1B0] =	vst v3  }
0x1d1: {  	v3 =	vld [tilespmem:s23+$0xE0];
	_ =	sdelay $0x4  }
0x1d2: {  	v43 =	vshll.u32 v3, $0x10  }
0x1d3: {  	v3 =	vand.u32 $0xFFFF0000, v3;
	v5 =	vmul.f32 v43, v40  }
0x1d4: {  	v3 =	vmul.f32 v3, v40  }
0x1d5: {  	[tilespmem:s22+$0x1C0] =	vst v5  }
0x1d6: {  	[tilespmem:s22+$0x1D0] =	vst v3  }
0x1d7: {  	v3 =	vld [tilespmem:s23+$0xF0];
	_ =	sdelay $0x4  }
0x1d8: {  	v44 =	vshll.u32 v3, $0x10  }
0x1d9: {  	v3 =	vand.u32 $0xFFFF0000, v3;
	v5 =	vmul.f32 v44, v40  }
0x1da: {  	v3 =	vmul.f32 v3, v40  }
0x1db: {  	[tilespmem:s22+$0x1E0] =	vst v5  }
0x1dc: {  	[tilespmem:s22+$0x1F0] =	vst v3  }
0x1dd: {  	v3 =	vld [tilespmem:s23+$0x100];
	_ =	sdelay $0x3  }
0x1de: {  	v45 =	vbroadcast v2, $0xC  }
0x1df: {  	v46 =	vshll.u32 v3, $0x10  }
0x1e0: {  	v3 =	vand.u32 $0xFFFF0000, v3;
	v5 =	vmul.f32 v46, v45  }
0x1e1: {  	v3 =	vmul.f32 v3, v45  }
0x1e2: {  	[tilespmem:s22+$0x200] =	vst v5  }
0x1e3: {  	[tilespmem:s22+$0x210] =	vst v3  }
0x1e4: {  	v3 =	vld [tilespmem:s23+$0x110];
	_ =	sdelay $0x4  }
0x1e5: {  	v47 =	vshll.u32 v3, $0x10  }
0x1e6: {  	v3 =	vand.u32 $0xFFFF0000, v3;
	v5 =	vmul.f32 v47, v45  }
0x1e7: {  	v3 =	vmul.f32 v3, v45  }
0x1e8: {  	[tilespmem:s22+$0x220] =	vst v5  }
0x1e9: {  	[tilespmem:s22+$0x230] =	vst v3  }
0x1ea: {  	v3 =	vld [tilespmem:s23+$0x120];
	_ =	sdelay $0x4  }
0x1eb: {  	v48 =	vshll.u32 v3, $0x10  }
0x1ec: {  	v3 =	vand.u32 $0xFFFF0000, v3;
	v5 =	vmul.f32 v48, v45  }
0x1ed: {  	v3 =	vmul.f32 v3, v45  }
0x1ee: {  	[tilespmem:s22+$0x240] =	vst v5  }
0x1ef: {  	[tilespmem:s22+$0x250] =	vst v3  }
0x1f0: {  	v3 =	vld [tilespmem:s23+$0x130];
	_ =	sdelay $0x4  }
0x1f1: {  	v49 =	vshll.u32 v3, $0x10  }
0x1f2: {  	v3 =	vand.u32 $0xFFFF0000, v3;
	v5 =	vmul.f32 v49, v45  }
0x1f3: {  	v3 =	vmul.f32 v3, v45  }
0x1f4: {  	[tilespmem:s22+$0x260] =	vst v5  }
0x1f5: {  	[tilespmem:s22+$0x270] =	vst v3  }
0x1f6: {  	v3 =	vld [tilespmem:s23+$0x140];
	_ =	sdelay $0x3  }
0x1f7: {  	v50 =	vbroadcast v2, $0xD  }
0x1f8: {  	v51 =	vshll.u32 v3, $0x10  }
0x1f9: {  	v3 =	vand.u32 $0xFFFF0000, v3;
	v5 =	vmul.f32 v51, v50  }
0x1fa: {  	v3 =	vmul.f32 v3, v50  }
0x1fb: {  	[tilespmem:s22+$0x280] =	vst v5  }
0x1fc: {  	[tilespmem:s22+$0x290] =	vst v3  }
0x1fd: {  	v3 =	vld [tilespmem:s23+$0x150];
	_ =	sdelay $0x4  }
0x1fe: {  	v52 =	vshll.u32 v3, $0x10  }
0x1ff: {  	v3 =	vand.u32 $0xFFFF0000, v3;
	v5 =	vmul.f32 v52, v50  }
0x200: {  	v3 =	vmul.f32 v3, v50  }
0x201: {  	[tilespmem:s22+$0x2A0] =	vst v5  }
0x202: {  	[tilespmem:s22+$0x2B0] =	vst v3  }
0x203: {  	v3 =	vld [tilespmem:s23+$0x160];
	_ =	sdelay $0x4  }
0x204: {  	v53 =	vshll.u32 v3, $0x10  }
0x205: {  	v3 =	vand.u32 $0xFFFF0000, v3;
	v5 =	vmul.f32 v53, v50  }
0x206: {  	v3 =	vmul.f32 v3, v50  }
0x207: {  	[tilespmem:s22+$0x2C0] =	vst v5  }
0x208: {  	[tilespmem:s22+$0x2D0] =	vst v3  }
0x209: {  	v3 =	vld [tilespmem:s23+$0x170];
	_ =	sdelay $0x4  }
0x20a: {  	v54 =	vshll.u32 v3, $0x10  }
0x20b: {  	v3 =	vand.u32 $0xFFFF0000, v3;
	v5 =	vmul.f32 v54, v50  }
0x20c: {  	v3 =	vmul.f32 v3, v50  }
0x20d: {  	[tilespmem:s22+$0x2E0] =	vst v5  }
0x20e: {  	[tilespmem:s22+$0x2F0] =	vst v3  }
0x20f: {  	v3 =	vld [tilespmem:s23+$0x180];
	_ =	sdelay $0x3  }
0x210: {  	v55 =	vbroadcast v2, $0xE  }
0x211: {  	v56 =	vshll.u32 v3, $0x10  }
0x212: {  	v3 =	vand.u32 $0xFFFF0000, v3;
	v5 =	vmul.f32 v56, v55  }
0x213: {  	v3 =	vmul.f32 v3, v55  }
0x214: {  	[tilespmem:s22+$0x300] =	vst v5  }
0x215: {  	[tilespmem:s22+$0x310] =	vst v3  }
0x216: {  	v3 =	vld [tilespmem:s23+$0x190];
	_ =	sdelay $0x4  }
0x217: {  	v57 =	vshll.u32 v3, $0x10  }
0x218: {  	v3 =	vand.u32 $0xFFFF0000, v3;
	v5 =	vmul.f32 v57, v55  }
0x219: {  	v3 =	vmul.f32 v3, v55  }
0x21a: {  	[tilespmem:s22+$0x320] =	vst v5  }
0x21b: {  	[tilespmem:s22+$0x330] =	vst v3  }
0x21c: {  	v3 =	vld [tilespmem:s23+$0x1A0];
	_ =	sdelay $0x4  }
0x21d: {  	v58 =	vshll.u32 v3, $0x10  }
0x21e: {  	v3 =	vand.u32 $0xFFFF0000, v3;
	v5 =	vmul.f32 v58, v55  }
0x21f: {  	v3 =	vmul.f32 v3, v55  }
0x220: {  	[tilespmem:s22+$0x340] =	vst v5  }
0x221: {  	[tilespmem:s22+$0x350] =	vst v3  }
0x222: {  	v3 =	vld [tilespmem:s23+$0x1B0];
	_ =	sdelay $0x4  }
0x223: {  	v59 =	vshll.u32 v3, $0x10  }
0x224: {  	v3 =	vand.u32 $0xFFFF0000, v3;
	v5 =	vmul.f32 v59, v55  }
0x225: {  	v3 =	vmul.f32 v3, v55  }
0x226: {  	[tilespmem:s22+$0x360] =	vst v5  }
0x227: {  	[tilespmem:s22+$0x370] =	vst v3  }
0x228: {  	v3 =	vld [tilespmem:s23+$0x1C0];
	_ =	sdelay $0x3  }
0x229: {  	v2 =	vbroadcast v2, $0xF  }
0x22a: {  	v60 =	vshll.u32 v3, $0x10  }
0x22b: {  	v3 =	vand.u32 $0xFFFF0000, v3;
	v4 =	vmul.f32 v60, v2  }
0x22c: {  	v3 =	vmul.f32 v3, v2  }
0x22d: {  	[tilespmem:s22+$0x380] =	vst v4  }
0x22e: {  	[tilespmem:s22+$0x390] =	vst v3  }
0x22f: {  	v3 =	vld [tilespmem:s23+$0x1D0];
	_ =	sdelay $0x4  }
0x230: {  	v61 =	vshll.u32 v3, $0x10  }
0x231: {  	v3 =	vand.u32 $0xFFFF0000, v3;
	v4 =	vmul.f32 v61, v2  }
0x232: {  	v3 =	vmul.f32 v3, v2  }
0x233: {  	[tilespmem:s22+$0x3A0] =	vst v4  }
0x234: {  	[tilespmem:s22+$0x3B0] =	vst v3  }
0x235: {  	v3 =	vld [tilespmem:s23+$0x1E0];
	_ =	sdelay $0x4  }
0x236: {  	v62 =	vshll.u32 v3, $0x10  }
0x237: {  	v3 =	vand.u32 $0xFFFF0000, v3;
	v4 =	vmul.f32 v62, v2  }
0x238: {  	v3 =	vmul.f32 v3, v2  }
0x239: {  	[tilespmem:s22+$0x3C0] =	vst v4  }
0x23a: {  	[tilespmem:s22+$0x3D0] =	vst v3  }
0x23b: {  	v3 =	vld [tilespmem:s23+$0x1F0];
	_ =	sdelay $0x3  }
0x23c: {  	p1 =	sne.s32 s28, $0x180  }
.Ltmp8:
0x23d: {  	v63 =	vshll.u32 v3, $0x10;
	(pc) =	sbr.rel @p1 .LBB2_13-.Ltmp8, $4  }
0x23e: {  	v3 =	vand.u32 $0xFFFF0000, v3;
	v4 =	vmul.f32 v63, v2  }
0x23f: {  	v2 =	vmul.f32 v3, v2  }
0x240: {  	[tilespmem:s22+$0x3E0] =	vst v4  }
0x241: {  	s28 =	sadd.s32 $0x40, s28;
	s23 =	sadd.s32 $0x400, s23;
	[tilespmem:s22+$0x3F0] =	vst v2;
	s22 =	sadd.s32 $0x800, s22  }
0x242: {  	p1 =	seq.s32 s18, $0x3  }
0x243: {  	s22 =	sshra.s32 @!p1 s21, $0x2  }
0x244: {  	s22 =	sadd.s32 @!p1 s22, s25  }
0x245: {  	s28 =	simm.s32 @!p1 $0x38;
	s29 =	simm.s32 @!p1 $0x1500;
	s23 =	sadd.s32 @!p1 $0xE0, s22  }
0x246: {  	[tilespmem:s29], [sflag:$0x1] =	stream.indirect.gather @!p1 [hbm4b:s4+s28], $0x40, s23, s28, $0xb8;
	[tilespmem:$0x1F900] =	vst v63  }
0x247: {  	s22 =	sadd.s32 @!p1 $0x118, s22;
	s23 =	simm.s32 @!p1 $0x2300  }
0x248: {  	[tilespmem:s23], [sflag:$0x1] =	stream.indirect.gather @!p1 [hbm4b:s4+s28], $0x40, s22, s28, $0xb8;
	[tilespmem:$0x1F900] =	vst v63  }
0x249: {  	s22 =	sshra.s32 s21, $0x2  }
0x24a: {  	s2 =	sadd.s32 s22, s7  }
0x24b: {  	[spmem:s1] =	stream.indirect.scatter.add.f32 [tilespmem:s20], [sflag:$0x3], $0x80, s2, s26, $0xb8;
	[tilespmem:$0x1F900] =	vst v63  }
0x24c: {  	s23 =	sadd.s32 $0x38, s2  }
0x24d: {  	[spmem:s1] =	stream.indirect.scatter.add.f32 [tilespmem:s3], [sflag:$0x3], $0x80, s23, s26, $0xb8;
	[tilespmem:$0x1F900] =	vst v63  }
0x24e: {  	_ =	swait.ge [sflag:s9], $0xE00  }
0x24f: {  	[sflag:s9] =	ssyncset.done $0x0  }
0x250: {  	[sflag:s9] =	ssyncadd.s32 $0xFFFFF200  }
0x251: {  	_ =	swait.ge [sflag:s9], $0xE00  }
0x252: {  	[sflag:s9] =	ssyncset.done $0x0  }
0x253: {  	s23 =	simm.s32 @!p0 $0x4;
	[sflag:s9] =	ssyncadd.s32 $0xFFFFF200  }
0x254: {  	_ =	swait.ge @!p0 [sflag:s23], $0x1C00  }
0x255: {  	[sflag:s23] =	ssyncset.done @!p0 $0x0  }
0x256: {  	v1 =	vmov s16;
	[sflag:s23] =	ssyncadd.s32 @!p0 $0xFFFFE400  }
0x257: {  	_ =	swait.ge @!p0 [sflag:s23], $0x1C00  }
0x258: {  	s29 =	simm.s32 $0x3300;
	s21 =	sadd.s32 $0x1C0, s21;
	[sflag:s23] =	ssyncset.done @!p0 $0x0  }
0x259: {  	s28 =	simm.s32 $0x8900;
	[sflag:s23] =	ssyncadd.s32 @!p0 $0xFFFFE400;
	s23 =	simm.s32 $0x0  }
.LBB2_15:
0x25a: {  	s2 =	sshra.s32 s23, $0x2  }
0x25b: {  	v2 =	vld.idx.msk [tilespmem:v1+s2+$0x0 ss:$0x1], $0xffff  }
0x25c: {  	v3 =	vld [tilespmem:s29+$0xFFFFFE00];
	_ =	sdelay $0x3  }
0x25d: {  	v4 =	vbroadcast v2, $0x0  }
0x25e: {  	v5 =	vshll.u32 v3, $0x10  }
0x25f: {  	v3 =	vand.u32 $0xFFFF0000, v3;
	v5 =	vmul.f32 v5, v4  }
0x260: {  	v3 =	vmul.f32 v3, v4  }
0x261: {  	[tilespmem:s28+$0xFFFFFC00] =	vst v5  }
0x262: {  	[tilespmem:s28+$0xFFFFFC10] =	vst v3  }
0x263: {  	v3 =	vld [tilespmem:s29+$0xFFFFFE10];
	_ =	sdelay $0x4  }
0x264: {  	v43 =	vshll.u32 v3, $0x10  }
0x265: {  	v3 =	vand.u32 $0xFFFF0000, v3;
	v5 =	vmul.f32 v43, v4  }
0x266: {  	v3 =	vmul.f32 v3, v4  }
0x267: {  	[tilespmem:s28+$0xFFFFFC20] =	vst v5  }
0x268: {  	[tilespmem:s28+$0xFFFFFC30] =	vst v3  }
0x269: {  	v3 =	vld [tilespmem:s29+$0xFFFFFE20];
	_ =	sdelay $0x4  }
0x26a: {  	v44 =	vshll.u32 v3, $0x10  }
0x26b: {  	v3 =	vand.u32 $0xFFFF0000, v3;
	v5 =	vmul.f32 v44, v4  }
0x26c: {  	v3 =	vmul.f32 v3, v4  }
0x26d: {  	[tilespmem:s28+$0xFFFFFC40] =	vst v5  }
0x26e: {  	[tilespmem:s28+$0xFFFFFC50] =	vst v3  }
0x26f: {  	v3 =	vld [tilespmem:s29+$0xFFFFFE30];
	_ =	sdelay $0x4  }
0x270: {  	v45 =	vshll.u32 v3, $0x10  }
0x271: {  	v3 =	vand.u32 $0xFFFF0000, v3;
	v5 =	vmul.f32 v45, v4  }
0x272: {  	v3 =	vmul.f32 v3, v4  }
0x273: {  	[tilespmem:s28+$0xFFFFFC60] =	vst v5  }
0x274: {  	[tilespmem:s28+$0xFFFFFC70] =	vst v3  }
0x275: {  	v3 =	vld [tilespmem:s29+$0xFFFFFE40];
	_ =	sdelay $0x3  }
0x276: {  	v46 =	vbroadcast v2, $0x1  }
0x277: {  	v47 =	vshll.u32 v3, $0x10  }
0x278: {  	v3 =	vand.u32 $0xFFFF0000, v3;
	v5 =	vmul.f32 v47, v46  }
0x279: {  	v3 =	vmul.f32 v3, v46  }
0x27a: {  	[tilespmem:s28+$0xFFFFFC80] =	vst v5  }
0x27b: {  	[tilespmem:s28+$0xFFFFFC90] =	vst v3  }
0x27c: {  	v3 =	vld [tilespmem:s29+$0xFFFFFE50];
	_ =	sdelay $0x4  }
0x27d: {  	v48 =	vshll.u32 v3, $0x10  }
0x27e: {  	v3 =	vand.u32 $0xFFFF0000, v3;
	v5 =	vmul.f32 v48, v46  }
0x27f: {  	v3 =	vmul.f32 v3, v46  }
0x280: {  	[tilespmem:s28+$0xFFFFFCA0] =	vst v5  }
0x281: {  	[tilespmem:s28+$0xFFFFFCB0] =	vst v3  }
0x282: {  	v3 =	vld [tilespmem:s29+$0xFFFFFE60];
	_ =	sdelay $0x4  }
0x283: {  	v49 =	vshll.u32 v3, $0x10  }
0x284: {  	v3 =	vand.u32 $0xFFFF0000, v3;
	v5 =	vmul.f32 v49, v46  }
0x285: {  	v3 =	vmul.f32 v3, v46  }
0x286: {  	[tilespmem:s28+$0xFFFFFCC0] =	vst v5  }
0x287: {  	[tilespmem:s28+$0xFFFFFCD0] =	vst v3  }
0x288: {  	v3 =	vld [tilespmem:s29+$0xFFFFFE70];
	_ =	sdelay $0x4  }
0x289: {  	v50 =	vshll.u32 v3, $0x10  }
0x28a: {  	v3 =	vand.u32 $0xFFFF0000, v3;
	v5 =	vmul.f32 v50, v46  }
0x28b: {  	v3 =	vmul.f32 v3, v46  }
0x28c: {  	[tilespmem:s28+$0xFFFFFCE0] =	vst v5  }
0x28d: {  	[tilespmem:s28+$0xFFFFFCF0] =	vst v3  }
0x28e: {  	v3 =	vld [tilespmem:s29+$0xFFFFFE80];
	_ =	sdelay $0x3  }
0x28f: {  	v51 =	vbroadcast v2, $0x2  }
0x290: {  	v52 =	vshll.u32 v3, $0x10  }
0x291: {  	v3 =	vand.u32 $0xFFFF0000, v3;
	v5 =	vmul.f32 v52, v51  }
0x292: {  	v3 =	vmul.f32 v3, v51  }
0x293: {  	[tilespmem:s28+$0xFFFFFD00] =	vst v5  }
0x294: {  	[tilespmem:s28+$0xFFFFFD10] =	vst v3  }
0x295: {  	v3 =	vld [tilespmem:s29+$0xFFFFFE90];
	_ =	sdelay $0x4  }
0x296: {  	v53 =	vshll.u32 v3, $0x10  }
0x297: {  	v3 =	vand.u32 $0xFFFF0000, v3;
	v5 =	vmul.f32 v53, v51  }
0x298: {  	v3 =	vmul.f32 v3, v51  }
0x299: {  	[tilespmem:s28+$0xFFFFFD20] =	vst v5  }
0x29a: {  	[tilespmem:s28+$0xFFFFFD30] =	vst v3  }
0x29b: {  	v3 =	vld [tilespmem:s29+$0xFFFFFEA0];
	_ =	sdelay $0x4  }
0x29c: {  	v54 =	vshll.u32 v3, $0x10  }
0x29d: {  	v3 =	vand.u32 $0xFFFF0000, v3;
	v5 =	vmul.f32 v54, v51  }
0x29e: {  	v3 =	vmul.f32 v3, v51  }
0x29f: {  	[tilespmem:s28+$0xFFFFFD40] =	vst v5  }
0x2a0: {  	[tilespmem:s28+$0xFFFFFD50] =	vst v3  }
0x2a1: {  	v3 =	vld [tilespmem:s29+$0xFFFFFEB0];
	_ =	sdelay $0x4  }
0x2a2: {  	v55 =	vshll.u32 v3, $0x10  }
0x2a3: {  	v3 =	vand.u32 $0xFFFF0000, v3;
	v5 =	vmul.f32 v55, v51  }
0x2a4: {  	v3 =	vmul.f32 v3, v51  }
0x2a5: {  	[tilespmem:s28+$0xFFFFFD60] =	vst v5  }
0x2a6: {  	[tilespmem:s28+$0xFFFFFD70] =	vst v3  }
0x2a7: {  	v3 =	vld [tilespmem:s29+$0xFFFFFEC0];
	_ =	sdelay $0x3  }
0x2a8: {  	v56 =	vbroadcast v2, $0x3  }
0x2a9: {  	v57 =	vshll.u32 v3, $0x10  }
0x2aa: {  	v3 =	vand.u32 $0xFFFF0000, v3;
	v5 =	vmul.f32 v57, v56  }
0x2ab: {  	v3 =	vmul.f32 v3, v56  }
0x2ac: {  	[tilespmem:s28+$0xFFFFFD80] =	vst v5  }
0x2ad: {  	[tilespmem:s28+$0xFFFFFD90] =	vst v3  }
0x2ae: {  	v3 =	vld [tilespmem:s29+$0xFFFFFED0];
	_ =	sdelay $0x4  }
0x2af: {  	v58 =	vshll.u32 v3, $0x10  }
0x2b0: {  	v3 =	vand.u32 $0xFFFF0000, v3;
	v5 =	vmul.f32 v58, v56  }
0x2b1: {  	v3 =	vmul.f32 v3, v56  }
0x2b2: {  	[tilespmem:s28+$0xFFFFFDA0] =	vst v5  }
0x2b3: {  	[tilespmem:s28+$0xFFFFFDB0] =	vst v3  }
0x2b4: {  	v3 =	vld [tilespmem:s29+$0xFFFFFEE0];
	_ =	sdelay $0x4  }
0x2b5: {  	v59 =	vshll.u32 v3, $0x10  }
0x2b6: {  	v3 =	vand.u32 $0xFFFF0000, v3;
	v5 =	vmul.f32 v59, v56  }
0x2b7: {  	v3 =	vmul.f32 v3, v56  }
0x2b8: {  	[tilespmem:s28+$0xFFFFFDC0] =	vst v5  }
0x2b9: {  	[tilespmem:s28+$0xFFFFFDD0] =	vst v3  }
0x2ba: {  	v3 =	vld [tilespmem:s29+$0xFFFFFEF0];
	_ =	sdelay $0x4  }
0x2bb: {  	v60 =	vshll.u32 v3, $0x10  }
0x2bc: {  	v3 =	vand.u32 $0xFFFF0000, v3;
	v5 =	vmul.f32 v60, v56  }
0x2bd: {  	v3 =	vmul.f32 v3, v56  }
0x2be: {  	[tilespmem:s28+$0xFFFFFDE0] =	vst v5  }
0x2bf: {  	[tilespmem:s28+$0xFFFFFDF0] =	vst v3  }
0x2c0: {  	v3 =	vld [tilespmem:s29+$0xFFFFFF00];
	_ =	sdelay $0x3  }
0x2c1: {  	v61 =	vbroadcast v2, $0x4  }
0x2c2: {  	v62 =	vshll.u32 v3, $0x10  }
0x2c3: {  	v3 =	vand.u32 $0xFFFF0000, v3;
	v5 =	vmul.f32 v62, v61  }
0x2c4: {  	v3 =	vmul.f32 v3, v61  }
0x2c5: {  	[tilespmem:s28+$0xFFFFFE00] =	vst v5  }
0x2c6: {  	[tilespmem:s28+$0xFFFFFE10] =	vst v3  }
0x2c7: {  	v3 =	vld [tilespmem:s29+$0xFFFFFF10];
	_ =	sdelay $0x4  }
0x2c8: {  	v63 =	vshll.u32 v3, $0x10  }
0x2c9: {  	v3 =	vand.u32 $0xFFFF0000, v3;
	v5 =	vmul.f32 v63, v61  }
0x2ca: {  	v3 =	vmul.f32 v3, v61  }
0x2cb: {  	[tilespmem:s28+$0xFFFFFE20] =	vst v5  }
0x2cc: {  	[tilespmem:s28+$0xFFFFFE30] =	vst v3  }
0x2cd: {  	v3 =	vld [tilespmem:s29+$0xFFFFFF20];
	_ =	sdelay $0x4  }
0x2ce: {  	v8 =	vshll.u32 v3, $0x10  }
0x2cf: {  	v3 =	vand.u32 $0xFFFF0000, v3;
	v5 =	vmul.f32 v8, v61  }
0x2d0: {  	v3 =	vmul.f32 v3, v61  }
0x2d1: {  	[tilespmem:s28+$0xFFFFFE40] =	vst v5  }
0x2d2: {  	[tilespmem:s28+$0xFFFFFE50] =	vst v3  }
0x2d3: {  	v3 =	vld [tilespmem:s29+$0xFFFFFF30];
	_ =	sdelay $0x4  }
0x2d4: {  	v9 =	vshll.u32 v3, $0x10  }
0x2d5: {  	v3 =	vand.u32 $0xFFFF0000, v3;
	v5 =	vmul.f32 v9, v61  }
0x2d6: {  	v3 =	vmul.f32 v3, v61  }
0x2d7: {  	[tilespmem:s28+$0xFFFFFE60] =	vst v5  }
0x2d8: {  	[tilespmem:s28+$0xFFFFFE70] =	vst v3  }
0x2d9: {  	v3 =	vld [tilespmem:s29+$0xFFFFFF40];
	_ =	sdelay $0x3  }
0x2da: {  	v10 =	vbroadcast v2, $0x5  }
0x2db: {  	v11 =	vshll.u32 v3, $0x10  }
0x2dc: {  	v3 =	vand.u32 $0xFFFF0000, v3;
	v5 =	vmul.f32 v11, v10  }
0x2dd: {  	v3 =	vmul.f32 v3, v10  }
0x2de: {  	[tilespmem:s28+$0xFFFFFE80] =	vst v5  }
0x2df: {  	[tilespmem:s28+$0xFFFFFE90] =	vst v3  }
0x2e0: {  	v3 =	vld [tilespmem:s29+$0xFFFFFF50];
	_ =	sdelay $0x4  }
0x2e1: {  	v12 =	vshll.u32 v3, $0x10  }
0x2e2: {  	v3 =	vand.u32 $0xFFFF0000, v3;
	v5 =	vmul.f32 v12, v10  }
0x2e3: {  	v3 =	vmul.f32 v3, v10  }
0x2e4: {  	[tilespmem:s28+$0xFFFFFEA0] =	vst v5  }
0x2e5: {  	[tilespmem:s28+$0xFFFFFEB0] =	vst v3  }
0x2e6: {  	v3 =	vld [tilespmem:s29+$0xFFFFFF60];
	_ =	sdelay $0x4  }
0x2e7: {  	v13 =	vshll.u32 v3, $0x10  }
0x2e8: {  	v3 =	vand.u32 $0xFFFF0000, v3;
	v5 =	vmul.f32 v13, v10  }
0x2e9: {  	v3 =	vmul.f32 v3, v10  }
0x2ea: {  	[tilespmem:s28+$0xFFFFFEC0] =	vst v5  }
0x2eb: {  	[tilespmem:s28+$0xFFFFFED0] =	vst v3  }
0x2ec: {  	v3 =	vld [tilespmem:s29+$0xFFFFFF70];
	_ =	sdelay $0x4  }
0x2ed: {  	v14 =	vshll.u32 v3, $0x10  }
0x2ee: {  	v3 =	vand.u32 $0xFFFF0000, v3;
	v5 =	vmul.f32 v14, v10  }
0x2ef: {  	v3 =	vmul.f32 v3, v10  }
0x2f0: {  	[tilespmem:s28+$0xFFFFFEE0] =	vst v5  }
0x2f1: {  	[tilespmem:s28+$0xFFFFFEF0] =	vst v3  }
0x2f2: {  	v3 =	vld [tilespmem:s29+$0xFFFFFF80];
	_ =	sdelay $0x3  }
0x2f3: {  	v15 =	vbroadcast v2, $0x6  }
0x2f4: {  	v16 =	vshll.u32 v3, $0x10  }
0x2f5: {  	v3 =	vand.u32 $0xFFFF0000, v3;
	v5 =	vmul.f32 v16, v15  }
0x2f6: {  	v3 =	vmul.f32 v3, v15  }
0x2f7: {  	[tilespmem:s28+$0xFFFFFF00] =	vst v5  }
0x2f8: {  	[tilespmem:s28+$0xFFFFFF10] =	vst v3  }
0x2f9: {  	v3 =	vld [tilespmem:s29+$0xFFFFFF90];
	_ =	sdelay $0x4  }
0x2fa: {  	v17 =	vshll.u32 v3, $0x10  }
0x2fb: {  	v3 =	vand.u32 $0xFFFF0000, v3;
	v5 =	vmul.f32 v17, v15  }
0x2fc: {  	v3 =	vmul.f32 v3, v15  }
0x2fd: {  	[tilespmem:s28+$0xFFFFFF20] =	vst v5  }
0x2fe: {  	[tilespmem:s28+$0xFFFFFF30] =	vst v3  }
0x2ff: {  	v3 =	vld [tilespmem:s29+$0xFFFFFFA0];
	_ =	sdelay $0x4  }
0x300: {  	v18 =	vshll.u32 v3, $0x10  }
0x301: {  	v3 =	vand.u32 $0xFFFF0000, v3;
	v5 =	vmul.f32 v18, v15  }
0x302: {  	v3 =	vmul.f32 v3, v15  }
0x303: {  	[tilespmem:s28+$0xFFFFFF40] =	vst v5  }
0x304: {  	[tilespmem:s28+$0xFFFFFF50] =	vst v3  }
0x305: {  	v3 =	vld [tilespmem:s29+$0xFFFFFFB0];
	_ =	sdelay $0x4  }
0x306: {  	v19 =	vshll.u32 v3, $0x10  }
0x307: {  	v3 =	vand.u32 $0xFFFF0000, v3;
	v5 =	vmul.f32 v19, v15  }
0x308: {  	v3 =	vmul.f32 v3, v15  }
0x309: {  	[tilespmem:s28+$0xFFFFFF60] =	vst v5  }
0x30a: {  	[tilespmem:s28+$0xFFFFFF70] =	vst v3  }
0x30b: {  	v3 =	vld [tilespmem:s29+$0xFFFFFFC0];
	_ =	sdelay $0x3  }
0x30c: {  	v20 =	vbroadcast v2, $0x7  }
0x30d: {  	v21 =	vshll.u32 v3, $0x10  }
0x30e: {  	v3 =	vand.u32 $0xFFFF0000, v3;
	v5 =	vmul.f32 v21, v20  }
0x30f: {  	v3 =	vmul.f32 v3, v20  }
0x310: {  	[tilespmem:s28+$0xFFFFFF80] =	vst v5  }
0x311: {  	[tilespmem:s28+$0xFFFFFF90] =	vst v3  }
0x312: {  	v3 =	vld [tilespmem:s29+$0xFFFFFFD0];
	_ =	sdelay $0x4  }
0x313: {  	v22 =	vshll.u32 v3, $0x10  }
0x314: {  	v3 =	vand.u32 $0xFFFF0000, v3;
	v5 =	vmul.f32 v22, v20  }
0x315: {  	v3 =	vmul.f32 v3, v20  }
0x316: {  	[tilespmem:s28+$0xFFFFFFA0] =	vst v5  }
0x317: {  	[tilespmem:s28+$0xFFFFFFB0] =	vst v3  }
0x318: {  	v3 =	vld [tilespmem:s29+$0xFFFFFFE0];
	_ =	sdelay $0x4  }
0x319: {  	v23 =	vshll.u32 v3, $0x10  }
0x31a: {  	v3 =	vand.u32 $0xFFFF0000, v3;
	v5 =	vmul.f32 v23, v20  }
0x31b: {  	v3 =	vmul.f32 v3, v20  }
0x31c: {  	[tilespmem:s28+$0xFFFFFFC0] =	vst v5  }
0x31d: {  	[tilespmem:s28+$0xFFFFFFD0] =	vst v3  }
0x31e: {  	v3 =	vld [tilespmem:s29+$0xFFFFFFF0];
	_ =	sdelay $0x4  }
0x31f: {  	v24 =	vshll.u32 v3, $0x10  }
0x320: {  	v3 =	vand.u32 $0xFFFF0000, v3;
	v5 =	vmul.f32 v24, v20  }
0x321: {  	v3 =	vmul.f32 v3, v20  }
0x322: {  	[tilespmem:s28+$0xFFFFFFE0] =	vst v5  }
0x323: {  	[tilespmem:s28+$0xFFFFFFF0] =	vst v3  }
0x324: {  	v3 =	vld [tilespmem:s29+$0x0];
	_ =	sdelay $0x3  }
0x325: {  	v25 =	vbroadcast v2, $0x8  }
0x326: {  	v26 =	vshll.u32 v3, $0x10  }
0x327: {  	v3 =	vand.u32 $0xFFFF0000, v3;
	v5 =	vmul.f32 v26, v25  }
0x328: {  	v3 =	vmul.f32 v3, v25  }
0x329: {  	[tilespmem:s28+$0x0] =	vst v5  }
0x32a: {  	[tilespmem:s28+$0x10] =	vst v3  }
0x32b: {  	v3 =	vld [tilespmem:s29+$0x10];
	_ =	sdelay $0x4  }
0x32c: {  	v27 =	vshll.u32 v3, $0x10  }
0x32d: {  	v3 =	vand.u32 $0xFFFF0000, v3;
	v5 =	vmul.f32 v27, v25  }
0x32e: {  	v3 =	vmul.f32 v3, v25  }
0x32f: {  	[tilespmem:s28+$0x20] =	vst v5  }
0x330: {  	[tilespmem:s28+$0x30] =	vst v3  }
0x331: {  	v3 =	vld [tilespmem:s29+$0x20];
	_ =	sdelay $0x4  }
0x332: {  	v28 =	vshll.u32 v3, $0x10  }
0x333: {  	v3 =	vand.u32 $0xFFFF0000, v3;
	v5 =	vmul.f32 v28, v25  }
0x334: {  	v3 =	vmul.f32 v3, v25  }
0x335: {  	[tilespmem:s28+$0x40] =	vst v5  }
0x336: {  	[tilespmem:s28+$0x50] =	vst v3  }
0x337: {  	v3 =	vld [tilespmem:s29+$0x30];
	_ =	sdelay $0x4  }
0x338: {  	v29 =	vshll.u32 v3, $0x10  }
0x339: {  	v3 =	vand.u32 $0xFFFF0000, v3;
	v5 =	vmul.f32 v29, v25  }
0x33a: {  	v3 =	vmul.f32 v3, v25  }
0x33b: {  	[tilespmem:s28+$0x60] =	vst v5  }
0x33c: {  	[tilespmem:s28+$0x70] =	vst v3  }
0x33d: {  	v3 =	vld [tilespmem:s29+$0x40];
	_ =	sdelay $0x3  }
0x33e: {  	v30 =	vbroadcast v2, $0x9  }
0x33f: {  	v31 =	vshll.u32 v3, $0x10  }
0x340: {  	v3 =	vand.u32 $0xFFFF0000, v3;
	v5 =	vmul.f32 v31, v30  }
0x341: {  	v3 =	vmul.f32 v3, v30  }
0x342: {  	[tilespmem:s28+$0x80] =	vst v5  }
0x343: {  	[tilespmem:s28+$0x90] =	vst v3  }
0x344: {  	v3 =	vld [tilespmem:s29+$0x50];
	_ =	sdelay $0x4  }
0x345: {  	v32 =	vshll.u32 v3, $0x10  }
0x346: {  	v3 =	vand.u32 $0xFFFF0000, v3;
	v5 =	vmul.f32 v32, v30  }
0x347: {  	v3 =	vmul.f32 v3, v30  }
0x348: {  	[tilespmem:s28+$0xA0] =	vst v5  }
0x349: {  	[tilespmem:s28+$0xB0] =	vst v3  }
0x34a: {  	v3 =	vld [tilespmem:s29+$0x60];
	_ =	sdelay $0x4  }
0x34b: {  	v33 =	vshll.u32 v3, $0x10  }
0x34c: {  	v3 =	vand.u32 $0xFFFF0000, v3;
	v5 =	vmul.f32 v33, v30  }
0x34d: {  	v3 =	vmul.f32 v3, v30  }
0x34e: {  	[tilespmem:s28+$0xC0] =	vst v5  }
0x34f: {  	[tilespmem:s28+$0xD0] =	vst v3  }
0x350: {  	v3 =	vld [tilespmem:s29+$0x70];
	_ =	sdelay $0x4  }
0x351: {  	v34 =	vshll.u32 v3, $0x10  }
0x352: {  	v3 =	vand.u32 $0xFFFF0000, v3;
	v5 =	vmul.f32 v34, v30  }
0x353: {  	v3 =	vmul.f32 v3, v30  }
0x354: {  	[tilespmem:s28+$0xE0] =	vst v5  }
0x355: {  	[tilespmem:s28+$0xF0] =	vst v3  }
0x356: {  	v3 =	vld [tilespmem:s29+$0x80];
	_ =	sdelay $0x3  }
0x357: {  	v35 =	vbroadcast v2, $0xA  }
0x358: {  	v36 =	vshll.u32 v3, $0x10  }
0x359: {  	v3 =	vand.u32 $0xFFFF0000, v3;
	v5 =	vmul.f32 v36, v35  }
0x35a: {  	v3 =	vmul.f32 v3, v35  }
0x35b: {  	[tilespmem:s28+$0x100] =	vst v5  }
0x35c: {  	[tilespmem:s28+$0x110] =	vst v3  }
0x35d: {  	v3 =	vld [tilespmem:s29+$0x90];
	_ =	sdelay $0x4  }
0x35e: {  	v37 =	vshll.u32 v3, $0x10  }
0x35f: {  	v3 =	vand.u32 $0xFFFF0000, v3;
	v5 =	vmul.f32 v37, v35  }
0x360: {  	v3 =	vmul.f32 v3, v35  }
0x361: {  	[tilespmem:s28+$0x120] =	vst v5  }
0x362: {  	[tilespmem:s28+$0x130] =	vst v3  }
0x363: {  	v3 =	vld [tilespmem:s29+$0xA0];
	_ =	sdelay $0x4  }
0x364: {  	v38 =	vshll.u32 v3, $0x10  }
0x365: {  	v3 =	vand.u32 $0xFFFF0000, v3;
	v5 =	vmul.f32 v38, v35  }
0x366: {  	v3 =	vmul.f32 v3, v35  }
0x367: {  	[tilespmem:s28+$0x140] =	vst v5  }
0x368: {  	[tilespmem:s28+$0x150] =	vst v3  }
0x369: {  	v3 =	vld [tilespmem:s29+$0xB0];
	_ =	sdelay $0x4  }
0x36a: {  	v39 =	vshll.u32 v3, $0x10  }
0x36b: {  	v3 =	vand.u32 $0xFFFF0000, v3;
	v5 =	vmul.f32 v39, v35  }
0x36c: {  	v3 =	vmul.f32 v3, v35  }
0x36d: {  	[tilespmem:s28+$0x160] =	vst v5  }
0x36e: {  	[tilespmem:s28+$0x170] =	vst v3  }
0x36f: {  	v3 =	vld [tilespmem:s29+$0xC0];
	_ =	sdelay $0x3  }
0x370: {  	v40 =	vbroadcast v2, $0xB  }
0x371: {  	v41 =	vshll.u32 v3, $0x10  }
0x372: {  	v3 =	vand.u32 $0xFFFF0000, v3;
	v5 =	vmul.f32 v41, v40  }
0x373: {  	v3 =	vmul.f32 v3, v40  }
0x374: {  	[tilespmem:s28+$0x180] =	vst v5  }
0x375: {  	[tilespmem:s28+$0x190] =	vst v3  }
0x376: {  	v3 =	vld [tilespmem:s29+$0xD0];
	_ =	sdelay $0x4  }
0x377: {  	v42 =	vshll.u32 v3, $0x10  }
0x378: {  	v3 =	vand.u32 $0xFFFF0000, v3;
	v5 =	vmul.f32 v42, v40  }
0x379: {  	v3 =	vmul.f32 v3, v40  }
0x37a: {  	[tilespmem:s28+$0x1A0] =	vst v5  }
0x37b: {  	[tilespmem:s28+$0x1B0] =	vst v3  }
0x37c: {  	v3 =	vld [tilespmem:s29+$0xE0];
	_ =	sdelay $0x4  }
0x37d: {  	v43 =	vshll.u32 v3, $0x10  }
0x37e: {  	v3 =	vand.u32 $0xFFFF0000, v3;
	v5 =	vmul.f32 v43, v40  }
0x37f: {  	v3 =	vmul.f32 v3, v40  }
0x380: {  	[tilespmem:s28+$0x1C0] =	vst v5  }
0x381: {  	[tilespmem:s28+$0x1D0] =	vst v3  }
0x382: {  	v3 =	vld [tilespmem:s29+$0xF0];
	_ =	sdelay $0x4  }
0x383: {  	v44 =	vshll.u32 v3, $0x10  }
0x384: {  	v3 =	vand.u32 $0xFFFF0000, v3;
	v5 =	vmul.f32 v44, v40  }
0x385: {  	v3 =	vmul.f32 v3, v40  }
0x386: {  	[tilespmem:s28+$0x1E0] =	vst v5  }
0x387: {  	[tilespmem:s28+$0x1F0] =	vst v3  }
0x388: {  	v3 =	vld [tilespmem:s29+$0x100];
	_ =	sdelay $0x3  }
0x389: {  	v45 =	vbroadcast v2, $0xC  }
0x38a: {  	v46 =	vshll.u32 v3, $0x10  }
0x38b: {  	v3 =	vand.u32 $0xFFFF0000, v3;
	v5 =	vmul.f32 v46, v45  }
0x38c: {  	v3 =	vmul.f32 v3, v45  }
0x38d: {  	[tilespmem:s28+$0x200] =	vst v5  }
0x38e: {  	[tilespmem:s28+$0x210] =	vst v3  }
0x38f: {  	v3 =	vld [tilespmem:s29+$0x110];
	_ =	sdelay $0x4  }
0x390: {  	v47 =	vshll.u32 v3, $0x10  }
0x391: {  	v3 =	vand.u32 $0xFFFF0000, v3;
	v5 =	vmul.f32 v47, v45  }
0x392: {  	v3 =	vmul.f32 v3, v45  }
0x393: {  	[tilespmem:s28+$0x220] =	vst v5  }
0x394: {  	[tilespmem:s28+$0x230] =	vst v3  }
0x395: {  	v3 =	vld [tilespmem:s29+$0x120];
	_ =	sdelay $0x4  }
0x396: {  	v48 =	vshll.u32 v3, $0x10  }
0x397: {  	v3 =	vand.u32 $0xFFFF0000, v3;
	v5 =	vmul.f32 v48, v45  }
0x398: {  	v3 =	vmul.f32 v3, v45  }
0x399: {  	[tilespmem:s28+$0x240] =	vst v5  }
0x39a: {  	[tilespmem:s28+$0x250] =	vst v3  }
0x39b: {  	v3 =	vld [tilespmem:s29+$0x130];
	_ =	sdelay $0x4  }
0x39c: {  	v49 =	vshll.u32 v3, $0x10  }
0x39d: {  	v3 =	vand.u32 $0xFFFF0000, v3;
	v5 =	vmul.f32 v49, v45  }
0x39e: {  	v3 =	vmul.f32 v3, v45  }
0x39f: {  	[tilespmem:s28+$0x260] =	vst v5  }
0x3a0: {  	[tilespmem:s28+$0x270] =	vst v3  }
0x3a1: {  	v3 =	vld [tilespmem:s29+$0x140];
	_ =	sdelay $0x3  }
0x3a2: {  	v50 =	vbroadcast v2, $0xD  }
0x3a3: {  	v51 =	vshll.u32 v3, $0x10  }
0x3a4: {  	v3 =	vand.u32 $0xFFFF0000, v3;
	v5 =	vmul.f32 v51, v50  }
0x3a5: {  	v3 =	vmul.f32 v3, v50  }
0x3a6: {  	[tilespmem:s28+$0x280] =	vst v5  }
0x3a7: {  	[tilespmem:s28+$0x290] =	vst v3  }
0x3a8: {  	v3 =	vld [tilespmem:s29+$0x150];
	_ =	sdelay $0x4  }
0x3a9: {  	v52 =	vshll.u32 v3, $0x10  }
0x3aa: {  	v3 =	vand.u32 $0xFFFF0000, v3;
	v5 =	vmul.f32 v52, v50  }
0x3ab: {  	v3 =	vmul.f32 v3, v50  }
0x3ac: {  	[tilespmem:s28+$0x2A0] =	vst v5  }
0x3ad: {  	[tilespmem:s28+$0x2B0] =	vst v3  }
0x3ae: {  	v3 =	vld [tilespmem:s29+$0x160];
	_ =	sdelay $0x4  }
0x3af: {  	v53 =	vshll.u32 v3, $0x10  }
0x3b0: {  	v3 =	vand.u32 $0xFFFF0000, v3;
	v5 =	vmul.f32 v53, v50  }
0x3b1: {  	v3 =	vmul.f32 v3, v50  }
0x3b2: {  	[tilespmem:s28+$0x2C0] =	vst v5  }
0x3b3: {  	[tilespmem:s28+$0x2D0] =	vst v3  }
0x3b4: {  	v3 =	vld [tilespmem:s29+$0x170];
	_ =	sdelay $0x4  }
0x3b5: {  	v54 =	vshll.u32 v3, $0x10  }
0x3b6: {  	v3 =	vand.u32 $0xFFFF0000, v3;
	v5 =	vmul.f32 v54, v50  }
0x3b7: {  	v3 =	vmul.f32 v3, v50  }
0x3b8: {  	[tilespmem:s28+$0x2E0] =	vst v5  }
0x3b9: {  	[tilespmem:s28+$0x2F0] =	vst v3  }
0x3ba: {  	v3 =	vld [tilespmem:s29+$0x180];
	_ =	sdelay $0x3  }
0x3bb: {  	v55 =	vbroadcast v2, $0xE  }
0x3bc: {  	v56 =	vshll.u32 v3, $0x10  }
0x3bd: {  	v3 =	vand.u32 $0xFFFF0000, v3;
	v5 =	vmul.f32 v56, v55  }
0x3be: {  	v3 =	vmul.f32 v3, v55  }
0x3bf: {  	[tilespmem:s28+$0x300] =	vst v5  }
0x3c0: {  	[tilespmem:s28+$0x310] =	vst v3  }
0x3c1: {  	v3 =	vld [tilespmem:s29+$0x190];
	_ =	sdelay $0x4  }
0x3c2: {  	v57 =	vshll.u32 v3, $0x10  }
0x3c3: {  	v3 =	vand.u32 $0xFFFF0000, v3;
	v5 =	vmul.f32 v57, v55  }
0x3c4: {  	v3 =	vmul.f32 v3, v55  }
0x3c5: {  	[tilespmem:s28+$0x320] =	vst v5  }
0x3c6: {  	[tilespmem:s28+$0x330] =	vst v3  }
0x3c7: {  	v3 =	vld [tilespmem:s29+$0x1A0];
	_ =	sdelay $0x4  }
0x3c8: {  	v58 =	vshll.u32 v3, $0x10  }
0x3c9: {  	v3 =	vand.u32 $0xFFFF0000, v3;
	v5 =	vmul.f32 v58, v55  }
0x3ca: {  	v3 =	vmul.f32 v3, v55  }
0x3cb: {  	[tilespmem:s28+$0x340] =	vst v5  }
0x3cc: {  	[tilespmem:s28+$0x350] =	vst v3  }
0x3cd: {  	v3 =	vld [tilespmem:s29+$0x1B0];
	_ =	sdelay $0x4  }
0x3ce: {  	v59 =	vshll.u32 v3, $0x10  }
0x3cf: {  	v3 =	vand.u32 $0xFFFF0000, v3;
	v5 =	vmul.f32 v59, v55  }
0x3d0: {  	v3 =	vmul.f32 v3, v55  }
0x3d1: {  	[tilespmem:s28+$0x360] =	vst v5  }
0x3d2: {  	[tilespmem:s28+$0x370] =	vst v3  }
0x3d3: {  	v3 =	vld [tilespmem:s29+$0x1C0];
	_ =	sdelay $0x3  }
0x3d4: {  	v2 =	vbroadcast v2, $0xF  }
0x3d5: {  	v60 =	vshll.u32 v3, $0x10  }
0x3d6: {  	v3 =	vand.u32 $0xFFFF0000, v3;
	v4 =	vmul.f32 v60, v2  }
0x3d7: {  	v3 =	vmul.f32 v3, v2  }
0x3d8: {  	[tilespmem:s28+$0x380] =	vst v4  }
0x3d9: {  	[tilespmem:s28+$0x390] =	vst v3  }
0x3da: {  	v3 =	vld [tilespmem:s29+$0x1D0];
	_ =	sdelay $0x4  }
0x3db: {  	v61 =	vshll.u32 v3, $0x10  }
0x3dc: {  	v3 =	vand.u32 $0xFFFF0000, v3;
	v4 =	vmul.f32 v61, v2  }
0x3dd: {  	v3 =	vmul.f32 v3, v2  }
0x3de: {  	[tilespmem:s28+$0x3A0] =	vst v4  }
0x3df: {  	[tilespmem:s28+$0x3B0] =	vst v3  }
0x3e0: {  	v3 =	vld [tilespmem:s29+$0x1E0];
	_ =	sdelay $0x4  }
0x3e1: {  	v62 =	vshll.u32 v3, $0x10  }
0x3e2: {  	v3 =	vand.u32 $0xFFFF0000, v3;
	v4 =	vmul.f32 v62, v2  }
0x3e3: {  	v3 =	vmul.f32 v3, v2  }
0x3e4: {  	[tilespmem:s28+$0x3C0] =	vst v4  }
0x3e5: {  	[tilespmem:s28+$0x3D0] =	vst v3  }
0x3e6: {  	v3 =	vld [tilespmem:s29+$0x1F0];
	_ =	sdelay $0x3  }
0x3e7: {  	p0 =	sne.s32 s23, $0x180  }
.Ltmp9:
0x3e8: {  	v63 =	vshll.u32 v3, $0x10;
	(pc) =	sbr.rel @p0 .LBB2_15-.Ltmp9, $4  }
0x3e9: {  	v3 =	vand.u32 $0xFFFF0000, v3;
	v4 =	vmul.f32 v63, v2  }
0x3ea: {  	v2 =	vmul.f32 v3, v2  }
0x3eb: {  	[tilespmem:s28+$0x3E0] =	vst v4  }
0x3ec: {  	s23 =	sadd.s32 $0x40, s23;
	s29 =	sadd.s32 $0x400, s29;
	[tilespmem:s28+$0x3F0] =	vst v2;
	s28 =	sadd.s32 $0x800, s28  }
.Ltmp10:
0x3ed: {  	(pc) =	sbr.rel @p1 .LBB2_4-.Ltmp10, $3  }
0x3ee: {  	_ =	sdelay $0x1  }
0x3ef: {  	s2 =	sshra.s32 s21, $0x2  }
0x3f0: {  	s21 =	sadd.s32 s2, s7  }
0x3f1: {  	s2 =	sadd.s32 s22, s14  }
0x3f2: {  	s22 =	sadd.s32 $0x150, s2  }
0x3f3: {  	[tilespmem:s30], [sflag:$0x2] =	stream.indirect.gather [hbm4b:s4+s26], $0x40, s22, s26, $0xb8;
	[tilespmem:$0x1F900] =	vst v63  }
0x3f4: {  	s2 =	sadd.s32 $0x188, s2  }
0x3f5: {  	[tilespmem:s31], [sflag:$0x2] =	stream.indirect.gather [hbm4b:s4+s26], $0x40, s2, s26, $0xb8;
	[tilespmem:$0x1F900] =	vst v63  }
.Ltmp11:
0x3f6: {  	_ = 	snop;
	(pc) =	sbr.rel .LBB2_12-.Ltmp11, $4  }
0x3f7: {  	s29 =	sadd.s32 $0x38, s21  }
0x3f8: {  	[spmem:s1] =	stream.indirect.scatter.add.f32 [tilespmem:s11], [sflag:$0x4], $0x80, s21, s26, $0xb8;
	[tilespmem:$0x1F900] =	vst v63  }
0x3f9: {  	s18 =	sadd.s32 $0x1, s18;
	s10 =	sadd.s32 $0xE0, s10;
	s16 =	sadd.s32 $0xE0, s16  }
0x3fa: {  	[spmem:s1] =	stream.indirect.scatter.add.f32 [tilespmem:s12], [sflag:$0x4], $0x80, s29, s26, $0xb8;
	[tilespmem:$0x1F900] =	vst v63  }
.LBB2_7:
.Ltmp12:
0x3fb: {  	(pc) =	sbr.rel .LBB2_11-.Ltmp12, $2  }
0x3fc: {  	_ =	sdelay $0x2  }
0x3fd: {  	s19 =	simm.s32 @!p0 $0x1;
	p0 =	por @!p0 $0x1, $0x1  }
.LBB2_19:
0x3fe: {  	_ =	sfence.sel $0x180000  }
0x3ff: {  	[bflag:$0x0] =	sbarrier.arrive $0xFFFF  }
0x400: {  	_ =	strace $0x9000004A  }
0x401: {  	s0 =	stileid.u32;
	[bflag:$0x2] =	sbarrier.arrive $0xFFFF  }
0x402: {  	p0 =	sne.s32 s0, $0x0;
	s0 =	rddreg [dreg:$0x2]  }
0x403: {  	s0 =	sadd.s32 @!p0 $0x100000, s0  }
0x404: {  	[sflag:s0] =	ssyncadd.tile.s32 @!p0 $0x1;
	_ =	shalt  }
.Lfunc_end2:
_tile_overlayer_lowered:
.L_overlay_start_2:
0x405: {  	(tag) =	ssettag $0x2  }
0x406: {  	s0 =	rddreg [dreg:$0x0];
	s2 =	stileid.u32  }
0x407: {  	s1 =	rddreg [dreg:$0x1];
	p0 =	sne.s32 s2, $0x0  }
0x408: {  	s3 =	rddreg [dreg:$0x2];
	[bflag:$0x3] =	sbarrier.arrive $0xFFFF;
	s2 =	simm.s32 @!p0 $0x1C07  }
0x409: {  	[timem:s3], [sflag:s2] =	dma.local @!p0 [hbm:s0], s1  }
0x40a: {  	s0 =	simm.s32 @!p0 $0x7  }
0x40b: {  	_ =	swait.ge @!p0 [sflag:s0], s1  }
0x40c: {  	s1 =	ssub.s32 @!p0 $0x0, s1;
	[sflag:s0] =	ssyncset.done @!p0 $0x0  }
0x40d: {  	[sflag:s0] =	ssyncadd.s32 @!p0 s1  }
0x40e: {  	[bflag:$0x3] =	sbarrier.arrive $0xFFFF  }
0x40f: {  	_ =	shalt  }

// kernel: kernel.6.cloned.1.call-start
scs
__scs_entry_jumppad:
0x0: {  	(pc) =	sbr.rel $0x88, $3  }
0x1: {  	(tag) =	ssettag $0x0;
	lr =	simm.s32 $0x1  }
0x2: {  	[smem:$0x3F98] =	sst lr;
	_ =	strace $0xD0000000  }
0x3: {  	_ = 	snop  }
0x4: {  	_ = 	snop  }
0x5: {  	_ = 	snop  }
0x6: {  	_ = 	snop  }
0x7: {  	_ = 	snop  }
__scs_overlays_trampoline_lowered:
0x8: {  	[smem:$0x3FA7] =	sst s0  }
0x9: {  	[smem:$0x3FA8] =	sst s1  }
0xa: {  	[smem:$0x3FA9] =	sst s2  }
0xb: {  	[smem:$0x3FAA] =	sst s3  }
0xc: {  	[smem:$0x3FAB] =	sst s4  }
0xd: {  	[smem:$0x3FAC] =	sst s5  }
0xe: {  	[smem:$0x3FAD] =	sst s6  }
0xf: {  	[smem:$0x3FAE] =	sst s7  }
0x10: {  	[smem:$0x3FAF] =	sst s8  }
0x11: {  	[smem:$0x3FB0] =	sst s9;
	s0 =	simm.s32 @!p0 $0x0  }
0x12: {  	s1 =	sld [smem:$0x3F96];
	s0 =	simm.s32 @p0 $0x1  }
0x13: {  	[smem:$0x3FB1] =	sst s0;
	s0 =	simm.s32 @!p1 $0x0  }
0x14: {  	s2 =	sld [smem:$0x3F95];
	s0 =	simm.s32 @p1 $0x1  }
0x15: {  	[smem:$0x3FB2] =	sst s0;
	s0 =	simm.s32 @!p2 $0x0  }
0x16: {  	s3 =	sld [smem:$0x3FDB];
	s0 =	simm.s32 @p2 $0x1  }
0x17: {  	s4 =	simm.s32 $0x1BF5;
	[smem:$0x3FB4] =	sst s0  }
0x18: {  	s0 =	sld [smem:$0x3F97];
	_ =	swait.ge [sflag:s4], $0x0  }
0x19: {  	s7 =	sld [smem:$0x3F98]  }
0x1a: {  	s8 =	sadd.s32 $0xFFFFE003, lr  }
0x1b: {  	s9 =	sadd.s32 $0xFFFFFEF7, lr;
	s5 =	simm.s32 $0xFFFFFFFF;
	p2 =	slt.u32 s8, $0xFFFFF086  }
0x1c: {  	p1 =	slt.u32 s9, $0xF7A;
	s5 =	simm.s32 @!p2 $0x0  }
0x1d: {  	s5 =	simm.s32 @p1 $0x1;
	p0 =	seq.s32 s7, s2  }
0x1e: {  	s7 =	smul.u32 @!p0 $0xF7A, s2;
	p2 =	seq.s32 @!p0 s5, $0x0  }
0x1f: {  	s9 =	smul.u32 $0xF7A, s1;
	s8 =	simm.s32 @!p0 $0x1BF5;
	p2 =	por !p2, p0  }
0x20: {  	[sflag:s8] =	ssyncset.s32 @!p0 $0xFFFFF086;
	s6 =	sadd.s32 @!p0 s3, s7;
	s7 =	simm.s32 @!p0 $0x108  }
0x21: {  	s3 =	sadd.s32 s3, s9;
	s6 =	sadd.s32 @!p0 $0x88, s6;
	s7 =	simm.s32 @p2 $0x1082  }
0x22: {  	[simem:s7], [sflag:s8] =	dma.local @!p0 [hbm:s6], $0xF7A  }
0x23: {  	s9 =	sor.u32 $0xD0000000, s2;
	s6 =	simm.s32 $0x108;
	_ =	swait.ge @!p0 [sflag:s8], $0x0  }
0x24: {  	s3 =	sadd.s32 $0x88, s3;
	s6 =	simm.s32 @!p1 $0x1082;
	[sflag:s4] =	ssyncset.s32 $0xFFFFF086  }
0x25: {  	[simem:s6], [sflag:s4] =	dma.local [hbm:s3], $0xF7A  }
0x26: {  	[smem:$0x3F98] =	sst s1;
	(tag) =	ssettag s2;
	_ =	strace s9  }
0x27: {  	s1 =	sld [smem:$0x3FA8]  }
0x28: {  	s2 =	sld [smem:$0x3FA9]  }
0x29: {  	s4 =	sld [smem:$0x3FAB]  }
0x2a: {  	p0 =	seq.s32 s5, $0x0;
	s5 =	sld [smem:$0x3FAC]  }
0x2b: {  	s6 =	sld [smem:$0x3FAD]  }
0x2c: {  	s7 =	sld [smem:$0x3FAE]  }
0x2d: {  	s3 =	simm.s32 $0x108;
	s8 =	sld [smem:$0x3FAF]  }
0x2e: {  	s3 =	simm.s32 @!p0 $0x1082;
	s9 =	sld [smem:$0x3FB0]  }
0x2f: {  	lr =	sadd.s32 s0, s3;
	s0 =	sld [smem:$0x3FA7]  }
0x30: {  	s3 =	sld [smem:$0x3FAA]  }
0x31: {  	[smem:$0x3FB3] =	sst s10  }
0x32: {  	s10 =	sld [smem:$0x3FB1];
	_ =	sdelay $0x3  }
0x33: {  	p0 =	seq.s32 s10, $0x1;
	s10 =	sld [smem:$0x3FB3];
	_ =	sdelay $0x3  }
0x34: {  	[smem:$0x3FB3] =	sst s10  }
0x35: {  	s10 =	sld [smem:$0x3FB2];
	_ =	sdelay $0x3  }
0x36: {  	p1 =	seq.s32 s10, $0x1;
	s10 =	sld [smem:$0x3FB3];
	_ =	sdelay $0x3  }
0x37: {  	[smem:$0x3FB3] =	sst s10  }
0x38: {  	s10 =	sld [smem:$0x3FB4]  }
0x39: {  	_ = 	snop;
	(pc) =	sbr.ind lr, $3  }
0x3a: {  	_ = 	snop  }
0x3b: {  	_ = 	snop  }
0x3c: {  	p2 =	seq.s32 s10, $0x1;
	s10 =	sld [smem:$0x3FB3]  }
0x3d: {  	_ =	shalt  }
0x3e: {  	_ =	shalt  }
0x3f: {  	_ =	shalt  }
0x40: {  	_ =	shalt  }
0x41: {  	_ =	shalt  }
0x42: {  	_ =	shalt  }
0x43: {  	_ =	shalt  }
0x44: {  	_ =	shalt  }
0x45: {  	_ =	shalt  }
0x46: {  	_ =	shalt  }
0x47: {  	_ =	shalt  }
0x48: {  	_ =	shalt  }
0x49: {  	_ =	shalt  }
0x4a: {  	_ =	shalt  }
0x4b: {  	_ =	shalt  }
0x4c: {  	_ =	shalt  }
0x4d: {  	_ =	shalt  }
0x4e: {  	_ =	shalt  }
0x4f: {  	_ =	shalt  }
0x50: {  	_ =	shalt  }
0x51: {  	_ =	shalt  }
0x52: {  	_ =	shalt  }
0x53: {  	_ =	shalt  }
0x54: {  	_ =	shalt  }
0x55: {  	_ =	shalt  }
0x56: {  	_ =	shalt  }
0x57: {  	_ =	shalt  }
0x58: {  	_ =	shalt  }
0x59: {  	_ =	shalt  }
0x5a: {  	_ =	shalt  }
0x5b: {  	_ =	shalt  }
0x5c: {  	_ =	shalt  }
0x5d: {  	_ =	shalt  }
0x5e: {  	_ =	shalt  }
0x5f: {  	_ =	shalt  }
0x60: {  	_ =	shalt  }
0x61: {  	_ =	shalt  }
0x62: {  	_ =	shalt  }
0x63: {  	_ =	shalt  }
0x64: {  	_ =	shalt  }
0x65: {  	_ =	shalt  }
0x66: {  	_ =	shalt  }
0x67: {  	_ =	shalt  }
0x68: {  	_ =	shalt  }
0x69: {  	_ =	shalt  }
0x6a: {  	_ =	shalt  }
0x6b: {  	_ =	shalt  }
0x6c: {  	_ =	shalt  }
0x6d: {  	_ =	shalt  }
0x6e: {  	_ =	shalt  }
0x6f: {  	_ =	shalt  }
0x70: {  	_ =	shalt  }
0x71: {  	_ =	shalt  }
0x72: {  	_ =	shalt  }
0x73: {  	_ =	shalt  }
0x74: {  	_ =	shalt  }
0x75: {  	_ =	shalt  }
0x76: {  	_ =	shalt  }
0x77: {  	_ =	shalt  }
0x78: {  	_ =	shalt  }
0x79: {  	_ =	shalt  }
0x7a: {  	_ =	shalt  }
0x7b: {  	_ =	shalt  }
0x7c: {  	_ =	shalt  }
0x7d: {  	_ =	shalt  }
0x7e: {  	_ =	shalt  }
0x7f: {  	_ =	shalt  }
0x80: {  	_ =	shalt  }
0x81: {  	_ =	shalt  }
0x82: {  	_ =	shalt  }
0x83: {  	_ =	shalt  }
0x84: {  	_ =	shalt  }
0x85: {  	_ =	shalt  }
0x86: {  	_ =	shalt  }
0x87: {  	_ =	shalt  }
.Lfunc_end0:
.L_simem_size_0:
called_computation.1_lowered:
.L_overlay_start_0:
0x88: {  	s2 =	sld [smem:$0x3FD9]  }
0x89: {  	s3 =	sld [smem:$0x3FFE];
	_ =	sdelay $0x1  }
0x8a: {  	s1 =	srdreg.scid  }
0x8b: {  	s0 =	sand.u32 $0x1, s1  }
0x8c: {  	s16 =	sshll.u32 s0, $0xA;
	s2 =	sadd.s32 s3, s2  }
0x8d: {  	s2 =	sadd.s32 s2, s16  }
0x8e: {  	[smem:$0x3FBF] =	sst s2  }
0x8f: {  	_ = 	snop  }
0x90: {  	(tm) =	ssettm $0x1  }
0x91: {  	s17 =	sld [smem:$0x3FFB];
	_ =	sdelay $0x3  }
0x92: {  	_ =	strace s17  }
0x93: {  	s2 =	sld [smem:$0x3FFC];
	_ =	sdelay $0x3  }
0x94: {  	_ =	strace s2  }
0x95: {  	s2 =	sld [smem:$0x3FFD];
	_ =	sdelay $0x3  }
0x96: {  	_ =	strace s2  }
0x97: {  	_ =	strace $0x8FFFFFFF  }
0x98: {  	s18 =	sld [smem:$0x3FDB];
	_ =	sdelay $0x1  }
0x99: {  	s19 =	simm.s32 $_scs_section_size  }
0x9a: {  	s4 =	simm.s32 $_size__tile_overlayer_lowered;
	s5 =	simm.s32 $_tile_overlayer_lowered  }
0x9b: {  	s22 =	simm.s32 $0x1BFF;
	s21 =	sshll.u32 s5, $0x1;
	s2 =	sadd.s32 s19, s18  }
0x9c: {  	s6 =	simm.s32 $0x0;
	s20 =	sshll.u32 s4, $0x1;
	s4 =	sadd.s32 s21, s2  }
0x9d: {  	[timem:s6], [sflag:s22] =	dma.local [hbm:s4], s20  }
0x9e: {  	_ =	swait.ge [sflag:s22], s20  }
0x9f: {  	s3 =	ssub.s32 $0x0, s20;
	[sflag:s22] =	ssyncset.done $0x0  }
0xa0: {  	[sflag:s22] =	ssyncadd.s32 s3;
	_ =	sdelay $0x1  }
0xa1: {  	s23 =	simm.s32 $0x1B8B  }
0xa2: {  	_ =	swait.ge [sflag:s23], $0x1  }
0xa3: {  	[sflag:s23] =	ssyncset.done $0x0  }
0xa4: {  	s25 =	simm.s32 $0x1B8E;
	s24 =	sld [smem:$0x3FFE];
	[sflag:s23] =	ssyncadd.s32 $0xFFFFFFFF  }
0xa5: {  	s26 =	simm.s32 $execute0_lowered;
	[smem:$0x3FD2] =	sst s25  }
0xa6: {  	s4 =	sshll.u32 s26, $0x1;
	_ =	strace $0x80000046;
	[dreg:$0x1] =	wrdreg $0xFFFFFFFF  }
0xa7: {  	s28 =	simm.s32 $_size_execute0_lowered;
	s2 =	sadd.s32 s2, s4;
	[dreg:$0x0] =	wrdreg $0x0  }
0xa8: {  	s4 =	sshll.u32 s28, $0x1;
	[dreg:$0x2] =	wrdreg s2  }
0xa9: {  	[dreg:$0x3] =	wrdreg s4  }
0xaa: {  	[dreg:$0x4] =	wrdreg $0xC0  }
0xab: {  	_ =	task [dreg:s6], $0x5FFFF  }
0xac: {  	[dreg:$0x1] =	wrdreg $0xFFFFFFFF  }
0xad: {  	[dreg:$0x0] =	wrdreg $0x60  }
0xae: {  	[dreg:$0x2] =	wrdreg s24  }
0xaf: {  	[dreg:$0x3] =	wrdreg $0x9  }
0xb0: {  	_ =	task.clear_ibuf [dreg:s6], $0x4FFFF;
	_ =	strace $0x90000046  }
0xb1: {  	s29 =	simm.s32 $0x9;
	_ =	strace $0x80000048  }
0xb2: {  	_ =	swait.ge [sflag:s29], $0x1  }
0xb3: {  	[sflag:s29] =	ssyncadd.s32 $0xFFFFFFFF  }
0xb4: {  	_ =	strace $0x90000048  }
0xb5: {  	_ =	sfence  }
0xb6: {  	s30 =	sld [smem:$0x0];
	_ =	sdelay $0x2  }
0xb7: {  	s31 =	sshll.u32 s1, $0xD;
	s1 =	sshrl.u32 s1, $0x2  }
0xb8: {  	s3 =	sand.u32 $0x4000, s31;
	s1 =	sadd.s32 s1, s30  }
0xb9: {  	s0 =	sor.u32 s3, s0;
	s1 =	sshll.u32 s1, $0x11  }
0xba: {  	s0 =	sor.u32 s1, s0  }
0xbb: {  	s0 =	sadd.s32 $0x8F2B, s0  }
0xbc: {  	[sflag:s0] =	ssyncadd.remote.s32 $0x1  }
0xbd: {  	_ =	sfence.sel $0xFFFF  }
0xbe: {  	[dreg:$0x0] =	wrdreg $0xFFFFFFFF;
	(pc) =	sbr.abs _section_cstart, $3  }
0xbf: {  	[dreg:$0x1] =	wrdreg $0xFFFFFFFF  }
0xc0: {  	_ =	task.clear_ibuf [dreg:s6], $0x2FFFF;
	_ =	strace $0x9FFFFFFF  }
0xc1: {  	(tm) =	ssettm $0x7FFFFFFF  }
tec
execute0_lowered:
.L_overlay_start_1:
0x0: {  	(tag) =	ssettag $0x1  }
0x1: {  	s0 =	srdreg.scid  }
0x2: {  	s3 =	rddreg [dreg:$0x0];
	s1 =	stileid.u32;
	s2 =	simm.s32 $0x0  }
0x3: {  	s11 =	simm.s32 $0xA100;
	s4 =	sand.u32 $0x1, s0;
	s0 =	rddreg [dreg:$0x1]  }
0x4: {  	s12 =	simm.s32 $0xF180;
	s13 =	simm.s32 $0x11980;
	[smem:$0x7FF] =	sst s2  }
0x5: {  	s6 =	smul.u32 $0xA10, s1;
	s5 =	sshll.u32 s4, $0x4;
	_ =	strace $0x80000047  }
0x6: {  	s7 =	ssub.s32 $0x2, s4;
	s10 =	smul.u32 $0xA100, s4;
	s5 =	sor.u32 s1, s5  }
0x7: {  	s6 =	sadd.s32 s6, s3;
	s8 =	sshrl.u32 s7, $0x1;
	s5 =	smul.u32 $0x5000, s5  }
0x8: {  	s8 =	ssub.s32 s7, s8;
	s4 =	sadd.s32 $0x4600, s6;
	s14 =	sshrl.u32 s10, $0x2  }
0x9: {  	s10 =	simm.s32 $0x5080;
	s8 =	smax.u32 s8, $0x1;
	s16 =	sadd.s32 $0x5080, s14;
	v1 =	vmov s14  }
0xa: {  	s15 =	sadd.s32 $0xA160, s14;
	s14 =	simm.s32 $0x0;
	s5 =	sshrl.u32 s5, $0x3;
	v2 =	vmov s16  }
0xb: {  	s9 =	sadd.s32 s5, s3;
	s3 =	sadd.s32 $0xE800, s6;
	s5 =	sadd.s32 $0x18A00, s6  }
0xc: {  	v0 =	vimm.f32 $0.0e+00;
	v3 =	vmov s15;
	s6 =	sadd.s32 $0x22C00, s9;
	s7 =	sadd.s32 $0x23100, s9;
	s9 =	simm.s32 $0x1  }
.LBB2_1:
0xd: {  	[tilespmem:s2], [sflag:$0x1] =	stream.linear.gather [hbm4b:s3+s2], $0x5080, $0x38;
	[tilespmem:$0x14180] =	vst v63  }
0xe: {  	_ =	swait.ge [sflag:s9], $0x5080  }
0xf: {  	[sflag:s9] =	ssyncset.done $0x0  }
0x10: {  	[sflag:s9] =	ssyncadd.s32 $0xFFFFAF80  }
0x11: {  	[tilespmem:s10], [sflag:$0x1] =	stream.linear.gather [hbm4b:s4+s2], $0x5080, $0x38;
	[tilespmem:$0x14180] =	vst v63  }
0x12: {  	_ =	swait.ge [sflag:s9], $0x5080  }
0x13: {  	[sflag:s9] =	ssyncset.done $0x0  }
0x14: {  	[sflag:s9] =	ssyncadd.s32 $0xFFFFAF80  }
0x15: {  	[tilespmem:s11], [sflag:$0x1] =	stream.linear.gather [hbm4b:s5+s2], $0x5080, $0x38;
	[tilespmem:$0x14180] =	vst v63  }
0x16: {  	_ =	swait.ge [sflag:s9], $0x5080  }
0x17: {  	[sflag:s9] =	ssyncset.done $0x0  }
0x18: {  	s15 =	simm.s32 $0x0;
	[sflag:s9] =	ssyncadd.s32 $0xFFFFAF80  }
.LBB2_2:
0x19: {  	p0 =	sne.s32 s15, $0x9FC0  }
.Ltmp0:
0x1a: {  	_ = 	snop;
	(pc) =	sbr.rel @p0 .LBB2_2-.Ltmp0, $4  }
0x1b: {  	_ = 	snop  }
0x1c: {  	s16 =	sshra.s32 s15, $0x2  }
0x1d: {  	[tilespmem:s16+$0xF180] =	vst v0  }
0x1e: {  	s15 =	sadd.s32 $0x40, s15;
	[tilespmem:s16+$0x11980] =	vst v0  }
0x1f: {  	s15 =	simm.s32 $0x0  }
.LBB2_4:
0x20: {  	s16 =	sshra.s32 s15, $0x2  }
0x21: {  	v4 =	vld.idx.msk [tilespmem:v1+s16+$0x0 ss:$0x1], $0xffff  }
0x22: {  	v5 =	vld.idx.msk [tilespmem:v2+s16+$0x0 ss:$0x1], $0xffff;
	_ =	sdelay $0x1  }
0x23: {  	v6 =	vld.idx.msk [tilespmem:v3+s16+$0xFFFFFFA0 ss:$0x1], $0xffff;
	_ =	sdelay $0x4  }
0x24: {  	[tilespmem:v4+s12+$0x0] =	vst.idx.add.f32.msk $0xffff, v6  }
0x25: {  	[tilespmem:v5+s13+$0x0] =	vst.idx.add.f32.msk $0xffff, v6  }
0x26: {  	v4 =	vld.idx.msk [tilespmem:v1+s16+$0x10 ss:$0x1], $0xffff  }
0x27: {  	v5 =	vld.idx.msk [tilespmem:v2+s16+$0x10 ss:$0x1], $0xffff;
	_ =	sdelay $0x1  }
0x28: {  	v6 =	vld.idx.msk [tilespmem:v3+s16+$0xFFFFFFB0 ss:$0x1], $0xffff;
	_ =	sdelay $0x4  }
0x29: {  	[tilespmem:v4+s12+$0x0] =	vst.idx.add.f32.msk $0xffff, v6  }
0x2a: {  	[tilespmem:v5+s13+$0x0] =	vst.idx.add.f32.msk $0xffff, v6  }
0x2b: {  	v4 =	vld.idx.msk [tilespmem:v1+s16+$0x20 ss:$0x1], $0xffff  }
0x2c: {  	v5 =	vld.idx.msk [tilespmem:v2+s16+$0x20 ss:$0x1], $0xffff;
	_ =	sdelay $0x1  }
0x2d: {  	v6 =	vld.idx.msk [tilespmem:v3+s16+$0xFFFFFFC0 ss:$0x1], $0xffff;
	_ =	sdelay $0x4  }
0x2e: {  	[tilespmem:v4+s12+$0x0] =	vst.idx.add.f32.msk $0xffff, v6  }
0x2f: {  	[tilespmem:v5+s13+$0x0] =	vst.idx.add.f32.msk $0xffff, v6  }
0x30: {  	v4 =	vld.idx.msk [tilespmem:v1+s16+$0x30 ss:$0x1], $0xffff  }
0x31: {  	v5 =	vld.idx.msk [tilespmem:v2+s16+$0x30 ss:$0x1], $0xffff;
	_ =	sdelay $0x1  }
0x32: {  	v6 =	vld.idx.msk [tilespmem:v3+s16+$0xFFFFFFD0 ss:$0x1], $0xffff;
	_ =	sdelay $0x4  }
0x33: {  	[tilespmem:v4+s12+$0x0] =	vst.idx.add.f32.msk $0xffff, v6  }
0x34: {  	[tilespmem:v5+s13+$0x0] =	vst.idx.add.f32.msk $0xffff, v6  }
0x35: {  	v4 =	vld.idx.msk [tilespmem:v1+s16+$0x40 ss:$0x1], $0xffff  }
0x36: {  	v5 =	vld.idx.msk [tilespmem:v2+s16+$0x40 ss:$0x1], $0xffff;
	_ =	sdelay $0x1  }
0x37: {  	v6 =	vld.idx.msk [tilespmem:v3+s16+$0xFFFFFFE0 ss:$0x1], $0xffff;
	_ =	sdelay $0x4  }
0x38: {  	[tilespmem:v4+s12+$0x0] =	vst.idx.add.f32.msk $0xffff, v6  }
0x39: {  	[tilespmem:v5+s13+$0x0] =	vst.idx.add.f32.msk $0xffff, v6  }
0x3a: {  	v4 =	vld.idx.msk [tilespmem:v1+s16+$0x50 ss:$0x1], $0xffff  }
0x3b: {  	v5 =	vld.idx.msk [tilespmem:v2+s16+$0x50 ss:$0x1], $0xffff;
	_ =	sdelay $0x1  }
0x3c: {  	v6 =	vld.idx.msk [tilespmem:v3+s16+$0xFFFFFFF0 ss:$0x1], $0xffff;
	_ =	sdelay $0x4  }
0x3d: {  	[tilespmem:v4+s12+$0x0] =	vst.idx.add.f32.msk $0xffff, v6  }
0x3e: {  	[tilespmem:v5+s13+$0x0] =	vst.idx.add.f32.msk $0xffff, v6  }
0x3f: {  	v4 =	vld.idx.msk [tilespmem:v1+s16+$0x60 ss:$0x1], $0xffff  }
0x40: {  	v5 =	vld.idx.msk [tilespmem:v2+s16+$0x60 ss:$0x1], $0xffff;
	_ =	sdelay $0x1  }
0x41: {  	v6 =	vld.idx.msk [tilespmem:v3+s16+$0x0 ss:$0x1], $0xffff  }
0x42: {  	p0 =	sne.s32 s15, $0x9F40  }
.Ltmp1:
0x43: {  	_ = 	snop;
	(pc) =	sbr.rel @p0 .LBB2_4-.Ltmp1, $3  }
0x44: {  	_ =	sdelay $0x1  }
0x45: {  	[tilespmem:v4+s12+$0x0] =	vst.idx.add.f32.msk $0xffff, v6  }
0x46: {  	s15 =	sadd.s32 $0x1C0, s15;
	[tilespmem:v5+s13+$0x0] =	vst.idx.add.f32.msk $0xffff, v6  }
0x47: {  	[hbm4b:s6+s2] =	stream.linear.scatter [tilespmem:s12], [sflag:$0x1], $0x2800, $0x38;
	[tilespmem:$0x14180] =	vst v63  }
0x48: {  	s14 =	sadd.s32 $0x1, s14;
	_ =	swait.ge [sflag:s9], $0x2800  }
0x49: {  	p0 =	sne.s32 s14, s8;
	[sflag:s9] =	ssyncset.done $0x0  }
.Ltmp2:
0x4a: {  	[sflag:s9] =	ssyncadd.s32 $0xFFFFD800;
	(pc) =	sbr.rel @p0 .LBB2_1-.Ltmp2, $4  }
0x4b: {  	[hbm4b:s7+s2] =	stream.linear.scatter [tilespmem:s13], [sflag:$0x1], $0x2800, $0x38;
	[tilespmem:$0x14180] =	vst v63  }
0x4c: {  	_ =	swait.ge [sflag:s9], $0x2800  }
0x4d: {  	[sflag:s9] =	ssyncset.done $0x0  }
0x4e: {  	[sflag:s9] =	ssyncadd.s32 $0xFFFFD800  }
0x4f: {  	_ =	sfence.sel $0x180000  }
0x50: {  	[bflag:$0x0] =	sbarrier.arrive $0xFFFF  }
0x51: {  	p0 =	sne.s32 s1, $0x0;
	_ =	strace $0x90000047  }
0x52: {  	s0 =	sadd.s32 @!p0 $0x100000, s0;
	[bflag:$0x2] =	sbarrier.arrive $0xFFFF  }
0x53: {  	[sflag:s0] =	ssyncadd.tile.s32 @!p0 $0x1;
	_ =	shalt  }
.Lfunc_end2:
_tile_overlayer_lowered:
.L_overlay_start_2:
0x54: {  	(tag) =	ssettag $0x2  }
0x55: {  	s0 =	rddreg [dreg:$0x0];
	s2 =	stileid.u32  }
0x56: {  	s1 =	rddreg [dreg:$0x1];
	p0 =	sne.s32 s2, $0x0  }
0x57: {  	s3 =	rddreg [dreg:$0x2];
	[bflag:$0x3] =	sbarrier.arrive $0xFFFF;
	s2 =	simm.s32 @!p0 $0x1C01  }
0x58: {  	[timem:s3], [sflag:s2] =	dma.local @!p0 [hbm:s0], s1  }
0x59: {  	s0 =	simm.s32 @!p0 $0x1  }
0x5a: {  	_ =	swait.ge @!p0 [sflag:s0], s1  }
0x5b: {  	s1 =	ssub.s32 @!p0 $0x0, s1;
	[sflag:s0] =	ssyncset.done @!p0 $0x0  }
0x5c: {  	[sflag:s0] =	ssyncadd.s32 @!p0 s1  }
0x5d: {  	[bflag:$0x3] =	sbarrier.arrive $0xFFFF  }
0x5e: {  	_ =	shalt  }

</sc_bundles>
